<compile_context>
chip_gen: v7x
topology: tpu7x:2x2x1
jax: 0.10.2.dev20260603
libtpu: 0.0.44.dev20260713+nightly
codegen_flags: <defaults>
</compile_context>

<pallas_src>
import functools

import jax
import jax.numpy as jnp
from jax import lax
from jax.experimental import pallas as pl
from jax.experimental.pallas import tpu as pltpu
from jax.experimental.pallas import tpu_sc as plsc

S = 7.0
NCH = 30
NB = 4096
NW = 32
BPW = NB // NW
NROW = 7
GROUPS = 7 * (BPW // 16)
RING = 2


def _sqrt16(x):
    i = lax.bitcast_convert_type(x, jnp.int32)
    y = lax.bitcast_convert_type(jnp.int32(0x5F3759DF) - (i >> 1), jnp.float32)
    for _ in range(2):
        y = y * (1.5 - 0.5 * x * y * y)
    return x * y


def _xyxy(x, y, w, h):
    cx = x / S
    cy = y / S
    return cx - 0.5 * w, cy - 0.5 * h, cx + 0.5 * w, cy + 0.5 * h


def _group_update(pb, tb, k, acc_no, acc_hv):
    s2 = k // 8
    sl = pl.ds((k % 8) * 16, 16)

    def p(c):
        return pb[s2, c, sl]

    def t(c):
        return tb[s2, c, sl]

    conf = t(4)
    objm = conf > 0.0
    p4, p9 = p(4), p(9)
    acc_no = acc_no + jnp.where(objm, 0.0, p4 * p4 + p9 * p9)

    def heavy_fn(acch):
        t0, t1, t2, t3 = t(0), t(1), t(2), t(3)
        tx1, ty1, tx2, ty2 = _xyxy(t0, t1, t2, t3)
        area2 = (tx2 - tx1) * (ty2 - ty1)

        def iou_parts(x, y, w, h):
            x1, y1, x2, y2 = _xyxy(x, y, w, h)
            iw = jnp.maximum(jnp.minimum(x2, tx2) - jnp.maximum(x1, tx1), 0.0)
            ih = jnp.maximum(jnp.minimum(y2, ty2) - jnp.maximum(y1, ty1), 0.0)
            inter = iw * ih
            area1 = (x2 - x1) * (y2 - y1)
            return inter, area1 + area2 - inter

        p0, p1, p2, p3 = p(0), p(1), p(2), p(3)
        p5, p6, p7, p8 = p(5), p(6), p(7), p(8)
        i0, d0 = iou_parts(p0, p1, p2, p3)
        i1, d1 = iou_parts(p5, p6, p7, p8)
        sel = i1 * d0 > i0 * d1
        maxiou = jnp.where(sel, i1, i0) / jnp.where(sel, d1, d0)

        def pick(a, b):
            return jnp.where(sel, b, a)

        px, py = pick(p0, p5), pick(p1, p6)
        pw, ph = pick(p2, p7), pick(p3, p8)
        pc = pick(p4, p9)
        qx, qy = pick(t0, t(5)), pick(t1, t(6))
        qw, qh = pick(t2, t(7)), pick(t3, t(8))

        dx, dy = px - qx, py - qy
        lxy = dx * dx + dy * dy
        lwh = (pw + qw - 2.0 * _sqrt16(pw * qw)
               + ph + qh - 2.0 * _sqrt16(ph * qh))
        do = pc - maxiou
        lobj = do * do
        lcls = jnp.zeros((16,), jnp.float32)
        for c in range(10, 30):
            d = p(c) - t(c)
            lcls = lcls + d * d
        heavy = 5.0 * (lxy + lwh) + lobj + lcls
        return acch + jnp.where(objm, heavy, 0.0)

    acc_hv = heavy_fn(acc_hv)
    return acc_no, acc_hv


def _body(p_hbm, t_hbm, out_hbm,
          pb0, pb1, tb0, tb1, obuf,
          sp0, sp1, st0, st1):
    wid = lax.axis_index("s") * 2 + lax.axis_index("c")
    b0 = wid * BPW
    pbufs = (pb0, pb1)
    tbufs = (tb0, tb1)
    psems = (sp0, sp1)
    tsems = (st0, st1)

    def copies(g, slot):
        cp = pltpu.make_async_copy(
            p_hbm.at[g, :, :, pl.ds(b0, BPW)], pbufs[slot], psems[slot])
        ct = pltpu.make_async_copy(
            t_hbm.at[g, :, :, pl.ds(b0, BPW)], tbufs[slot], tsems[slot])
        return cp, ct

    def start(g, slot):
        cp, ct = copies(g, slot)
        cp.start()
        ct.start()

    def finish(g, slot):
        cp, ct = copies(g, slot)
        cp.wait()
        ct.wait()

    def do_slab(g, slot, acc_no, acc_hv):
        finish(g, slot)

        @plsc.parallel_loop(0, GROUPS, unroll=1, carry=(acc_no, acc_hv))
        def accs(k, carry):
            return _group_update(pbufs[slot], tbufs[slot], k, *carry)

        return accs

    start(0, 0)
    start(1, 1)

    def pair(i, carry):
        acc_no, acc_hv = carry
        g = 2 * i
        acc_no, acc_hv = do_slab(g, 0, acc_no, acc_hv)
        start(g + 2, 0)
        acc_no, acc_hv = do_slab(g + 1, 1, acc_no, acc_hv)

        @pl.when(g + 3 < NROW)
        def _():
            start(g + 3, 1)

        return acc_no, acc_hv

    zero = jnp.zeros((16,), jnp.float32)
    acc_no, acc_hv = lax.fori_loop(0, (NROW - 1) // 2, pair, (zero, zero))
    acc_no, acc_hv = do_slab(NROW - 1, 0, acc_no, acc_hv)

    obuf[...] = (acc_hv + 0.5 * acc_no) * (1.0 / float(NB))
    pltpu.sync_copy(obuf, out_hbm.at[pl.ds(wid * 16, 16)])


@jax.jit
def _sc_loss(p4d, t4d):
    mesh = plsc.VectorSubcoreMesh(core_axis_name="c", subcore_axis_name="s")
    run = functools.partial(
        pl.kernel,
        mesh=mesh,
        compiler_params=pltpu.CompilerParams(use_tc_tiling_on_sc=True),
        out_type=jax.ShapeDtypeStruct((NW * 16,), jnp.float32),
        scratch_types=(
            [pltpu.VMEM((7, NCH, BPW), jnp.float32) for _ in range(4)]
            + [pltpu.VMEM((16,), jnp.float32)]
            + [pltpu.SemaphoreType.DMA for _ in range(4)]
        ),
    )(_body)
    return run(p4d, t4d)


def kernel(pred_tensor, target_tensor):
    p4d = lax.transpose(pred_tensor, (1, 2, 3, 0))
    t4d = lax.transpose(target_tensor, (1, 2, 3, 0))
    parts = _sc_loss(p4d, t4d)
    return jnp.sum(parts)

# --- scband reference (transcript-rebuilt; emitter-appended) ---
"""Pipeline reference for scband-yolo-loss-43593918054773 (READ-ONLY COPY).

The authoritative reference and input builder live on the scoring server;
editing this copy changes nothing except your own understanding.
"""

import jax, jax.numpy as jnp
import numpy as np

S, B, C = 7, 2, 20
NCH = 5 * B + C
L_COORD, L_NOOBJ = 5.0, 0.5


def setup_inputs(seed: int = 0):
    key = jax.random.key(seed)
    k1, k2, k3 = jax.random.split(key, 3)
    batch = 4096
    pred = jax.random.uniform(k1, (batch, S, S, NCH), minval=0.01, maxval=1.0, dtype=jnp.float32)
    tvals = jax.random.uniform(k2, (batch, S, S, NCH), minval=0.01, maxval=1.0, dtype=jnp.float32)
    obj = (jax.random.uniform(k3, (batch, S, S)) < 0.06).astype(jnp.float32)
    target = tvals * obj[..., None]
    target = target.at[..., 4].set(obj)
    target = target.at[..., 9].set(obj)
    return {"pred_tensor": pred, "target_tensor": target}


def _to_xyxy(b):
    xy = b[..., :2] / float(S)
    wh = b[..., 2:4]
    return jnp.concatenate([xy - 0.5 * wh, xy + 0.5 * wh], axis=-1)


def _yolo_loss(pred_flat, tgt_flat, coord_mask, noobj_mask, batch_size):
    bbox_pred = pred_flat[:, :5 * B].reshape(-1, B, 5)
    class_pred = pred_flat[:, 5 * B:]
    bbox_tgt = tgt_flat[:, :5 * B].reshape(-1, B, 5)
    class_tgt = tgt_flat[:, 5 * B:]

    conf_cols = jnp.array([4 + b * 5 for b in range(B)])
    loss_noobj = jnp.sum(
        noobj_mask[:, None] * (pred_flat[:, conf_cols] - tgt_flat[:, conf_cols]) ** 2
    )

    pred_xyxy = _to_xyxy(bbox_pred)          # [N, B, 4]
    tgt_xyxy = _to_xyxy(bbox_tgt[:, 0])       # [N, 4] (torch uses first row of each group)
    lt = jnp.maximum(pred_xyxy[..., :2], tgt_xyxy[:, None, :2])
    rb = jnp.minimum(pred_xyxy[..., 2:], tgt_xyxy[:, None, 2:])
    wh = jnp.maximum(rb - lt, 0.0)
    inter = wh[..., 0] * wh[..., 1]
    area1 = (pred_xyxy[..., 2] - pred_xyxy[..., 0]) * (pred_xyxy[..., 3] - pred_xyxy[..., 1])
    area2 = (tgt_xyxy[..., 2] - tgt_xyxy[..., 0]) * (tgt_xyxy[..., 3] - tgt_xyxy[..., 1])
    iou = inter / (area1 + area2[:, None] - inter)   # [N, B]

    max_iou = jax.lax.stop_gradient(jnp.max(iou, axis=1))  # torch detaches via .data
    max_idx = jnp.argmax(iou, axis=1)
    sel = max_idx[:, None, None]
    pred_resp = jnp.take_along_axis(bbox_pred, sel, axis=1)[:, 0]
    tgt_resp = jnp.take_along_axis(bbox_tgt, sel, axis=1)[:, 0]

    loss_xy = jnp.sum(coord_mask[:, None] * (pred_resp[:, :2] - tgt_resp[:, :2]) ** 2)
    loss_wh = jnp.sum(
        coord_mask[:, None] * (jnp.sqrt(pred_resp[:, 2:4]) - jnp.sqrt(tgt_resp[:, 2:4])) ** 2
    )
    loss_obj = jnp.sum(coord_mask * (pred_resp[:, 4] - max_iou) ** 2)
    loss_class = jnp.sum(coord_mask[:, None] * (class_pred - class_tgt) ** 2)

    loss = L_COORD * (loss_xy + loss_wh) + loss_obj + L_NOOBJ * loss_noobj + loss_class
    return loss / float(batch_size)


def reference(pred_tensor, target_tensor):
    batch_size = pred_tensor.shape[0]
    conf = target_tensor[..., 4].reshape(-1)
    coord_mask = (conf > 0).astype(pred_tensor.dtype)
    noobj_mask = (conf == 0).astype(pred_tensor.dtype)
    pred_flat = pred_tensor.reshape(-1, NCH)
    tgt_flat = target_tensor.reshape(-1, NCH)
    return _yolo_loss(pred_flat, tgt_flat, coord_mask, noobj_mask, batch_size)

if __name__ == "__main__":
    import jax
    _d = setup_inputs()
    print(jax.jit(kernel)(*tuple(_d.values())))

</pallas_src>

<mosaic_0001>
#map = affine_map<(d0, d1) -> (0, 0, 0, 0)>
#map1 = affine_map<(d0, d1) -> (0)>
module attributes {stable_mosaic.version = 14 : i64} {
  func.func @_body(%arg0: i32, %arg1: i32, %arg2: memref<7x7x30x4096xf32, #tpu.memory_space<hbm>>, %arg3: memref<7x7x30x4096xf32, #tpu.memory_space<hbm>>, %arg4: memref<512xf32, #tpu.memory_space<hbm>>, %arg5: memref<7x30x128xf32, #tpu.memory_space<vmem>>, %arg6: memref<7x30x128xf32, #tpu.memory_space<vmem>>, %arg7: memref<7x30x128xf32, #tpu.memory_space<vmem>>, %arg8: memref<7x30x128xf32, #tpu.memory_space<vmem>>, %arg9: memref<16xf32, #tpu.memory_space<vmem>>, %arg10: memref<!tpu.dma_semaphore, #tpu.memory_space<semaphore_mem>>, %arg11: memref<!tpu.dma_semaphore, #tpu.memory_space<semaphore_mem>>, %arg12: memref<!tpu.dma_semaphore, #tpu.memory_space<semaphore_mem>>, %arg13: memref<!tpu.dma_semaphore, #tpu.memory_space<semaphore_mem>>) attributes {dimension_semantics = [#tpu.dimension_semantics<core_parallel>, #tpu.dimension_semantics<subcore_parallel>], iteration_bounds = array<i64: 2, 16>, scalar_prefetch = 0 : i64, scratch_operands = 9 : i64, tpu.core_type = #tpu.core_type<sc_vector_subcore>, window_params = [{transform_indices = #map}, {transform_indices = #map}, {transform_indices = #map1}]} {
    %mul3A = arith.constant 2 : i32
    %mul3A_0 = arith.muli %arg1, %mul3A : i32
    %add3A = arith.addi %mul3A_0, %arg0 : i32
    %mul3A_1 = arith.constant 128 : i32
    %mul3A_2 = arith.muli %add3A, %mul3A_1 : i32
    %dma_start3A = arith.constant 0 : i32
    %dma_start3A_3 = arith.constant 0 : i32
    %dma_start3A_4 = arith.constant 0 : i32
    %dma_start3A_5 = tpu.memref_slice %arg2[%dma_start3A, %dma_start3A_3, %dma_start3A_4, %mul3A_2] : memref<7x7x30x4096xf32, #tpu.memory_space<hbm>> -> memref<1x7x30x128xf32, #tpu.memory_space<hbm>>
    %dma_start3A_6 = tpu.memref_squeeze %dma_start3A_5 : memref<1x7x30x128xf32, #tpu.memory_space<hbm>> -> memref<7x30x128xf32, #tpu.memory_space<hbm>>
    %dma_start3A_7 = arith.constant 0 : i32
    %dma_start3A_8 = arith.constant 0 : i32
    %dma_start3A_9 = tpu.memref_slice %arg2[%dma_start3A, %dma_start3A_7, %dma_start3A_8, %mul3A_2] : memref<7x7x30x4096xf32, #tpu.memory_space<hbm>> -> memref<1x7x30x128xf32, #tpu.memory_space<hbm>>
    %dma_start3A_10 = tpu.memref_squeeze %dma_start3A_9 : memref<1x7x30x128xf32, #tpu.memory_space<hbm>> -> memref<7x30x128xf32, #tpu.memory_space<hbm>>
    tpu.enqueue_dma source(%dma_start3A_10 : memref<7x30x128xf32, #tpu.memory_space<hbm>>) target(%arg5 : memref<7x30x128xf32, #tpu.memory_space<vmem>>) target_semaphore(%arg10 : memref<!tpu.dma_semaphore, #tpu.memory_space<semaphore_mem>>)
    %dma_start3A_11 = arith.constant 0 : i32
    %dma_start3A_12 = arith.constant 0 : i32
    %dma_start3A_13 = arith.constant 0 : i32
    %dma_start3A_14 = tpu.memref_slice %arg3[%dma_start3A_11, %dma_start3A_12, %dma_start3A_13, %mul3A_2] : memref<7x7x30x4096xf32, #tpu.memory_space<hbm>> -> memref<1x7x30x128xf32, #tpu.memory_space<hbm>>
    %dma_start3A_15 = tpu.memref_squeeze %dma_start3A_14 : memref<1x7x30x128xf32, #tpu.memory_space<hbm>> -> memref<7x30x128xf32, #tpu.memory_space<hbm>>
    %dma_start3A_16 = arith.constant 0 : i32
    %dma_start3A_17 = arith.constant 0 : i32
    %dma_start3A_18 = tpu.memref_slice %arg3[%dma_start3A_11, %dma_start3A_16, %dma_start3A_17, %mul3A_2] : memref<7x7x30x4096xf32, #tpu.memory_space<hbm>> -> memref<1x7x30x128xf32, #tpu.memory_space<hbm>>
    %dma_start3A_19 = tpu.memref_squeeze %dma_start3A_18 : memref<1x7x30x128xf32, #tpu.memory_space<hbm>> -> memref<7x30x128xf32, #tpu.memory_space<hbm>>
    tpu.enqueue_dma source(%dma_start3A_19 : memref<7x30x128xf32, #tpu.memory_space<hbm>>) target(%arg7 : memref<7x30x128xf32, #tpu.memory_space<vmem>>) target_semaphore(%arg12 : memref<!tpu.dma_semaphore, #tpu.memory_space<semaphore_mem>>)
    %dma_start3A_20 = arith.constant 1 : i32
    %dma_start3A_21 = arith.constant 0 : i32
    %dma_start3A_22 = arith.constant 0 : i32
    %dma_start3A_23 = tpu.memref_slice %arg2[%dma_start3A_20, %dma_start3A_21, %dma_start3A_22, %mul3A_2] : memref<7x7x30x4096xf32, #tpu.memory_space<hbm>> -> memref<1x7x30x128xf32, #tpu.memory_space<hbm>>
    %dma_start3A_24 = tpu.memref_squeeze %dma_start3A_23 : memref<1x7x30x128xf32, #tpu.memory_space<hbm>> -> memref<7x30x128xf32, #tpu.memory_space<hbm>>
    %dma_start3A_25 = arith.constant 0 : i32
    %dma_start3A_26 = arith.constant 0 : i32
    %dma_start3A_27 = tpu.memref_slice %arg2[%dma_start3A_20, %dma_start3A_25, %dma_start3A_26, %mul3A_2] : memref<7x7x30x4096xf32, #tpu.memory_space<hbm>> -> memref<1x7x30x128xf32, #tpu.memory_space<hbm>>
    %dma_start3A_28 = tpu.memref_squeeze %dma_start3A_27 : memref<1x7x30x128xf32, #tpu.memory_space<hbm>> -> memref<7x30x128xf32, #tpu.memory_space<hbm>>
    tpu.enqueue_dma source(%dma_start3A_28 : memref<7x30x128xf32, #tpu.memory_space<hbm>>) target(%arg6 : memref<7x30x128xf32, #tpu.memory_space<vmem>>) target_semaphore(%arg11 : memref<!tpu.dma_semaphore, #tpu.memory_space<semaphore_mem>>)
    %dma_start3A_29 = arith.constant 1 : i32
    %dma_start3A_30 = arith.constant 0 : i32
    %dma_start3A_31 = arith.constant 0 : i32
    %dma_start3A_32 = tpu.memref_slice %arg3[%dma_start3A_29, %dma_start3A_30, %dma_start3A_31, %mul3A_2] : memref<7x7x30x4096xf32, #tpu.memory_space<hbm>> -> memref<1x7x30x128xf32, #tpu.memory_space<hbm>>
    %dma_start3A_33 = tpu.memref_squeeze %dma_start3A_32 : memref<1x7x30x128xf32, #tpu.memory_space<hbm>> -> memref<7x30x128xf32, #tpu.memory_space<hbm>>
    %dma_start3A_34 = arith.constant 0 : i32
    %dma_start3A_35 = arith.constant 0 : i32
    %dma_start3A_36 = tpu.memref_slice %arg3[%dma_start3A_29, %dma_start3A_34, %dma_start3A_35, %mul3A_2] : memref<7x7x30x4096xf32, #tpu.memory_space<hbm>> -> memref<1x7x30x128xf32, #tpu.memory_space<hbm>>
    %dma_start3A_37 = tpu.memref_squeeze %dma_start3A_36 : memref<1x7x30x128xf32, #tpu.memory_space<hbm>> -> memref<7x30x128xf32, #tpu.memory_space<hbm>>
    tpu.enqueue_dma source(%dma_start3A_37 : memref<7x30x128xf32, #tpu.memory_space<hbm>>) target(%arg8 : memref<7x30x128xf32, #tpu.memory_space<vmem>>) target_semaphore(%arg13 : memref<!tpu.dma_semaphore, #tpu.memory_space<semaphore_mem>>)
    %broadcast_in_dim3A = arith.constant 0.000000e+00 : f32
    %broadcast_in_dim3A_38 = vector.broadcast %broadcast_in_dim3A : f32 to vector<16xf32>
    %scan3A = arith.constant 0 : i32
    %scan3A_39 = arith.constant 3 : i32
    %scan3A_40 = arith.addi %scan3A, %scan3A_39 : i32
    %scan3A_41 = arith.constant 1 : i32
    %scan3A_42:2 = scf.for %scan3A_76 = %scan3A to %scan3A_40 step %scan3A_41 iter_args(%scan3A_77 = %broadcast_in_dim3A_38, %scan3A_78 = %broadcast_in_dim3A_38) -> (vector<16xf32>, vector<16xf32>)  : i32 {
      %mul3A_79 = arith.constant 2 : i32
      %mul3A_80 = arith.muli %mul3A_79, %scan3A_76 : i32
      %dma_wait3A_81 = arith.constant 0 : i32
      %dma_wait3A_82 = arith.constant 0 : i32
      %dma_wait3A_83 = tpu.memref_slice %arg2[%mul3A_80, %dma_wait3A_81, %dma_wait3A_82, %mul3A_2] : memref<7x7x30x4096xf32, #tpu.memory_space<hbm>> -> memref<1x7x30x128xf32, #tpu.memory_space<hbm>>
      %dma_wait3A_84 = tpu.memref_squeeze %dma_wait3A_83 : memref<1x7x30x128xf32, #tpu.memory_space<hbm>> -> memref<7x30x128xf32, #tpu.memory_space<hbm>>
      %dma_wait3A_85 = arith.constant 0 : i32
      %dma_wait3A_86 = arith.constant 0 : i32
      %dma_wait3A_87 = tpu.memref_slice %arg2[%mul3A_80, %dma_wait3A_85, %dma_wait3A_86, %mul3A_2] : memref<7x7x30x4096xf32, #tpu.memory_space<hbm>> -> memref<1x7x30x128xf32, #tpu.memory_space<hbm>>
      %dma_wait3A_88 = tpu.memref_squeeze %dma_wait3A_87 : memref<1x7x30x128xf32, #tpu.memory_space<hbm>> -> memref<7x30x128xf32, #tpu.memory_space<hbm>>
      tpu.wait_dma2 semaphore(%arg10 : memref<!tpu.dma_semaphore, #tpu.memory_space<semaphore_mem>>) src(%dma_wait3A_88 : memref<7x30x128xf32, #tpu.memory_space<hbm>>) dst(%arg5 : memref<7x30x128xf32, #tpu.memory_space<vmem>>)
      %dma_wait3A_89 = arith.constant 0 : i32
      %dma_wait3A_90 = arith.constant 0 : i32
      %dma_wait3A_91 = tpu.memref_slice %arg3[%mul3A_80, %dma_wait3A_89, %dma_wait3A_90, %mul3A_2] : memref<7x7x30x4096xf32, #tpu.memory_space<hbm>> -> memref<1x7x30x128xf32, #tpu.memory_space<hbm>>
      %dma_wait3A_92 = tpu.memref_squeeze %dma_wait3A_91 : memref<1x7x30x128xf32, #tpu.memory_space<hbm>> -> memref<7x30x128xf32, #tpu.memory_space<hbm>>
      %dma_wait3A_93 = arith.constant 0 : i32
      %dma_wait3A_94 = arith.constant 0 : i32
      %dma_wait3A_95 = tpu.memref_slice %arg3[%mul3A_80, %dma_wait3A_93, %dma_wait3A_94, %mul3A_2] : memref<7x7x30x4096xf32, #tpu.memory_space<hbm>> -> memref<1x7x30x128xf32, #tpu.memory_space<hbm>>
      %dma_wait3A_96 = tpu.memref_squeeze %dma_wait3A_95 : memref<1x7x30x128xf32, #tpu.memory_space<hbm>> -> memref<7x30x128xf32, #tpu.memory_space<hbm>>
      tpu.wait_dma2 semaphore(%arg12 : memref<!tpu.dma_semaphore, #tpu.memory_space<semaphore_mem>>) src(%dma_wait3A_96 : memref<7x30x128xf32, #tpu.memory_space<hbm>>) dst(%arg7 : memref<7x30x128xf32, #tpu.memory_space<vmem>>)
      %parallel_loop3A_97 = arith.constant 0 : i32
      %parallel_loop3A_98 = arith.constant 56 : i32
      %parallel_loop3A_99 = arith.constant 1 : i32
      %parallel_loop3A_100:2 = scf.for %parallel_loop3A_145 = %parallel_loop3A_97 to %parallel_loop3A_98 step %parallel_loop3A_99 iter_args(%parallel_loop3A_146 = %scan3A_77, %parallel_loop3A_147 = %scan3A_78) -> (vector<16xf32>, vector<16xf32>)  : i32 {
        %parallel_loop3A_148 = arith.constant 8 : i32
        %parallel_loop3A_149 = arith.divsi %parallel_loop3A_145, %parallel_loop3A_148 : i32
        %parallel_loop3A_150 = arith.constant 0 : i32
        %parallel_loop3A_151 = arith.cmpi sgt, %parallel_loop3A_145, %parallel_loop3A_150 : i32
        %parallel_loop3A_152 = arith.extui %parallel_loop3A_151 : i1 to i32
        %parallel_loop3A_153 = arith.constant 0 : i32
        %parallel_loop3A_154 = arith.cmpi slt, %parallel_loop3A_145, %parallel_loop3A_153 : i32
        %parallel_loop3A_155 = arith.extui %parallel_loop3A_154 : i1 to i32
        %parallel_loop3A_156 = arith.subi %parallel_loop3A_152, %parallel_loop3A_155 : i32
        %parallel_loop3A_157 = arith.constant 0 : i32
        %parallel_loop3A_158 = arith.cmpi sgt, %parallel_loop3A_148, %parallel_loop3A_157 : i32
        %parallel_loop3A_159 = arith.extui %parallel_loop3A_158 : i1 to i32
        %parallel_loop3A_160 = arith.constant 0 : i32
        %parallel_loop3A_161 = arith.cmpi slt, %parallel_loop3A_148, %parallel_loop3A_160 : i32
        %parallel_loop3A_162 = arith.extui %parallel_loop3A_161 : i1 to i32
        %parallel_loop3A_163 = arith.subi %parallel_loop3A_159, %parallel_loop3A_162 : i32
        %parallel_loop3A_164 = arith.cmpi ne, %parallel_loop3A_156, %parallel_loop3A_163 : i32
        %parallel_loop3A_165 = arith.remsi %parallel_loop3A_145, %parallel_loop3A_148 : i32
        %parallel_loop3A_166 = arith.constant 0 : i32
        %parallel_loop3A_167 = arith.cmpi ne, %parallel_loop3A_165, %parallel_loop3A_166 : i32
        %parallel_loop3A_168 = arith.andi %parallel_loop3A_164, %parallel_loop3A_167 : i1
        %parallel_loop3A_169 = arith.constant 1 : i32
        %parallel_loop3A_170 = arith.subi %parallel_loop3A_149, %parallel_loop3A_169 : i32
        %parallel_loop3A_171 = arith.select %parallel_loop3A_168, %parallel_loop3A_170, %parallel_loop3A_149 : i32
        %parallel_loop3A_172 = arith.constant 8 : i32
        %parallel_loop3A_173 = arith.constant 0 : i32
        %parallel_loop3A_174 = arith.cmpi eq, %parallel_loop3A_172, %parallel_loop3A_173 : i32
        %parallel_loop3A_175 = arith.constant 1 : i32
        %parallel_loop3A_176 = arith.select %parallel_loop3A_174, %parallel_loop3A_175, %parallel_loop3A_172 : i32
        %parallel_loop3A_177 = arith.remsi %parallel_loop3A_145, %parallel_loop3A_176 : i32
        %parallel_loop3A_178 = arith.constant 0 : i32
        %parallel_loop3A_179 = arith.cmpi ne, %parallel_loop3A_177, %parallel_loop3A_178 : i32
        %parallel_loop3A_180 = arith.constant 0 : i32
        %parallel_loop3A_181 = arith.cmpi slt, %parallel_loop3A_177, %parallel_loop3A_180 : i32
        %parallel_loop3A_182 = arith.constant 0 : i32
        %parallel_loop3A_183 = arith.cmpi slt, %parallel_loop3A_176, %parallel_loop3A_182 : i32
        %parallel_loop3A_184 = arith.xori %parallel_loop3A_181, %parallel_loop3A_183 : i1
        %parallel_loop3A_185 = arith.andi %parallel_loop3A_184, %parallel_loop3A_179 : i1
        %parallel_loop3A_186 = arith.addi %parallel_loop3A_177, %parallel_loop3A_176 : i32
        %parallel_loop3A_187 = arith.select %parallel_loop3A_185, %parallel_loop3A_186, %parallel_loop3A_177 : i32
        %parallel_loop3A_188 = arith.constant 16 : i32
        %parallel_loop3A_189 = arith.muli %parallel_loop3A_187, %parallel_loop3A_188 : i32
        %parallel_loop3A_190 = arith.constant 4 : i32
        %parallel_loop3A_191 = arith.index_cast %parallel_loop3A_171 : i32 to index
        %parallel_loop3A_192 = arith.index_cast %parallel_loop3A_190 : i32 to index
        %parallel_loop3A_193 = arith.index_cast %parallel_loop3A_189 : i32 to index
        %parallel_loop3A_194 = tpu.vector_load %arg7[%parallel_loop3A_191, %parallel_loop3A_192, %parallel_loop3A_193] {strides = array<i32>} : memref<7x30x128xf32, #tpu.memory_space<vmem>>, vector<1x1x16xf32>,
        %parallel_loop3A_195 = vector.shape_cast %parallel_loop3A_194 : vector<1x1x16xf32> to vector<16xf32>
        %parallel_loop3A_196 = arith.constant 0.000000e+00 : f32
        %parallel_loop3A_197 = vector.broadcast %parallel_loop3A_196 : f32 to vector<16xf32>
        %parallel_loop3A_198 = arith.cmpf ogt, %parallel_loop3A_195, %parallel_loop3A_197 : vector<16xf32>
        %parallel_loop3A_199 = arith.constant 4 : i32
        %parallel_loop3A_200 = arith.index_cast %parallel_loop3A_171 : i32 to index
        %parallel_loop3A_201 = arith.index_cast %parallel_loop3A_199 : i32 to index
        %parallel_loop3A_202 = arith.index_cast %parallel_loop3A_189 : i32 to index
        %parallel_loop3A_203 = tpu.vector_load %arg5[%parallel_loop3A_200, %parallel_loop3A_201, %parallel_loop3A_202] {strides = array<i32>} : memref<7x30x128xf32, #tpu.memory_space<vmem>>, vector<1x1x16xf32>,
        %parallel_loop3A_204 = vector.shape_cast %parallel_loop3A_203 : vector<1x1x16xf32> to vector<16xf32>
        %parallel_loop3A_205 = arith.constant 9 : i32
        %parallel_loop3A_206 = arith.index_cast %parallel_loop3A_171 : i32 to index
        %parallel_loop3A_207 = arith.index_cast %parallel_loop3A_205 : i32 to index
        %parallel_loop3A_208 = arith.index_cast %parallel_loop3A_189 : i32 to index
        %parallel_loop3A_209 = tpu.vector_load %arg5[%parallel_loop3A_206, %parallel_loop3A_207, %parallel_loop3A_208] {strides = array<i32>} : memref<7x30x128xf32, #tpu.memory_space<vmem>>, vector<1x1x16xf32>,
        %parallel_loop3A_210 = vector.shape_cast %parallel_loop3A_209 : vector<1x1x16xf32> to vector<16xf32>
        %parallel_loop3A_211 = arith.mulf %parallel_loop3A_204, %parallel_loop3A_204 : vector<16xf32>
        %parallel_loop3A_212 = arith.mulf %parallel_loop3A_210, %parallel_loop3A_210 : vector<16xf32>
        %parallel_loop3A_213 = arith.addf %parallel_loop3A_211, %parallel_loop3A_212 : vector<16xf32>
        %parallel_loop3A_214 = arith.constant 0.000000e+00 : f32
        %parallel_loop3A_215 = vector.broadcast %parallel_loop3A_214 : f32 to vector<16xf32>
        %parallel_loop3A_216 = arith.select %parallel_loop3A_198, %parallel_loop3A_215, %parallel_loop3A_213 : vector<16xi1>, vector<16xf32>
        %parallel_loop3A_217 = arith.addf %parallel_loop3A_146, %parallel_loop3A_216 : vector<16xf32>
        %parallel_loop3A_218 = arith.constant 0 : i32
        %parallel_loop3A_219 = arith.index_cast %parallel_loop3A_171 : i32 to index
        %parallel_loop3A_220 = arith.index_cast %parallel_loop3A_218 : i32 to index
        %parallel_loop3A_221 = arith.index_cast %parallel_loop3A_189 : i32 to index
        %parallel_loop3A_222 = tpu.vector_load %arg7[%parallel_loop3A_219, %parallel_loop3A_220, %parallel_loop3A_221] {strides = array<i32>} : memref<7x30x128xf32, #tpu.memory_space<vmem>>, vector<1x1x16xf32>,
        %parallel_loop3A_223 = vector.shape_cast %parallel_loop3A_222 : vector<1x1x16xf32> to vector<16xf32>
        %parallel_loop3A_224 = arith.constant 1 : i32
        %parallel_loop3A_225 = arith.index_cast %parallel_loop3A_171 : i32 to index
        %parallel_loop3A_226 = arith.index_cast %parallel_loop3A_224 : i32 to index
        %parallel_loop3A_227 = arith.index_cast %parallel_loop3A_189 : i32 to index
        %parallel_loop3A_228 = tpu.vector_load %arg7[%parallel_loop3A_225, %parallel_loop3A_226, %parallel_loop3A_227] {strides = array<i32>} : memref<7x30x128xf32, #tpu.memory_space<vmem>>, vector<1x1x16xf32>,
        %parallel_loop3A_229 = vector.shape_cast %parallel_loop3A_228 : vector<1x1x16xf32> to vector<16xf32>
        %parallel_loop3A_230 = arith.constant 2 : i32
        %parallel_loop3A_231 = arith.index_cast %parallel_loop3A_171 : i32 to index
        %parallel_loop3A_232 = arith.index_cast %parallel_loop3A_230 : i32 to index
        %parallel_loop3A_233 = arith.index_cast %parallel_loop3A_189 : i32 to index
        %parallel_loop3A_234 = tpu.vector_load %arg7[%parallel_loop3A_231, %parallel_loop3A_232, %parallel_loop3A_233] {strides = array<i32>} : memref<7x30x128xf32, #tpu.memory_space<vmem>>, vector<1x1x16xf32>,
        %parallel_loop3A_235 = vector.shape_cast %parallel_loop3A_234 : vector<1x1x16xf32> to vector<16xf32>
        %parallel_loop3A_236 = arith.constant 3 : i32
        %parallel_loop3A_237 = arith.index_cast %parallel_loop3A_171 : i32 to index
        %parallel_loop3A_238 = arith.index_cast %parallel_loop3A_236 : i32 to index
        %parallel_loop3A_239 = arith.index_cast %parallel_loop3A_189 : i32 to index
        %parallel_loop3A_240 = tpu.vector_load %arg7[%parallel_loop3A_237, %parallel_loop3A_238, %parallel_loop3A_239] {strides = array<i32>} : memref<7x30x128xf32, #tpu.memory_space<vmem>>, vector<1x1x16xf32>,
        %parallel_loop3A_241 = vector.shape_cast %parallel_loop3A_240 : vector<1x1x16xf32> to vector<16xf32>
        %parallel_loop3A_242 = arith.constant 7.000000e+00 : f32
        %parallel_loop3A_243 = vector.broadcast %parallel_loop3A_242 : f32 to vector<16xf32>
        %parallel_loop3A_244 = arith.divf %parallel_loop3A_223, %parallel_loop3A_243 : vector<16xf32>
        %parallel_loop3A_245 = arith.constant 7.000000e+00 : f32
        %parallel_loop3A_246 = vector.broadcast %parallel_loop3A_245 : f32 to vector<16xf32>
        %parallel_loop3A_247 = arith.divf %parallel_loop3A_229, %parallel_loop3A_246 : vector<16xf32>
        %parallel_loop3A_248 = arith.constant 5.000000e-01 : f32
        %parallel_loop3A_249 = vector.broadcast %parallel_loop3A_248 : f32 to vector<16xf32>
        %parallel_loop3A_250 = arith.mulf %parallel_loop3A_249, %parallel_loop3A_235 : vector<16xf32>
        %parallel_loop3A_251 = arith.subf %parallel_loop3A_244, %parallel_loop3A_250 : vector<16xf32>
        %parallel_loop3A_252 = arith.constant 5.000000e-01 : f32
        %parallel_loop3A_253 = vector.broadcast %parallel_loop3A_252 : f32 to vector<16xf32>
        %parallel_loop3A_254 = arith.mulf %parallel_loop3A_253, %parallel_loop3A_241 : vector<16xf32>
        %parallel_loop3A_255 = arith.subf %parallel_loop3A_247, %parallel_loop3A_254 : vector<16xf32>
        %parallel_loop3A_256 = arith.constant 5.000000e-01 : f32
        %parallel_loop3A_257 = vector.broadcast %parallel_loop3A_256 : f32 to vector<16xf32>
        %parallel_loop3A_258 = arith.mulf %parallel_loop3A_257, %parallel_loop3A_235 : vector<16xf32>
        %parallel_loop3A_259 = arith.addf %parallel_loop3A_244, %parallel_loop3A_258 : vector<16xf32>
        %parallel_loop3A_260 = arith.constant 5.000000e-01 : f32
        %parallel_loop3A_261 = vector.broadcast %parallel_loop3A_260 : f32 to vector<16xf32>
        %parallel_loop3A_262 = arith.mulf %parallel_loop3A_261, %parallel_loop3A_241 : vector<16xf32>
        %parallel_loop3A_263 = arith.addf %parallel_loop3A_247, %parallel_loop3A_262 : vector<16xf32>
        %parallel_loop3A_264 = arith.subf %parallel_loop3A_259, %parallel_loop3A_251 : vector<16xf32>
        %parallel_loop3A_265 = arith.subf %parallel_loop3A_263, %parallel_loop3A_255 : vector<16xf32>
        %parallel_loop3A_266 = arith.mulf %parallel_loop3A_264, %parallel_loop3A_265 : vector<16xf32>
        %parallel_loop3A_267 = arith.constant 0 : i32
        %parallel_loop3A_268 = arith.index_cast %parallel_loop3A_171 : i32 to index
        %parallel_loop3A_269 = arith.index_cast %parallel_loop3A_267 : i32 to index
        %parallel_loop3A_270 = arith.index_cast %parallel_loop3A_189 : i32 to index
        %parallel_loop3A_271 = tpu.vector_load %arg5[%parallel_loop3A_268, %parallel_loop3A_269, %parallel_loop3A_270] {strides = array<i32>} : memref<7x30x128xf32, #tpu.memory_space<vmem>>, vector<1x1x16xf32>,
        %parallel_loop3A_272 = vector.shape_cast %parallel_loop3A_271 : vector<1x1x16xf32> to vector<16xf32>
        %parallel_loop3A_273 = arith.constant 1 : i32
        %parallel_loop3A_274 = arith.index_cast %parallel_loop3A_171 : i32 to index
        %parallel_loop3A_275 = arith.index_cast %parallel_loop3A_273 : i32 to index
        %parallel_loop3A_276 = arith.index_cast %parallel_loop3A_189 : i32 to index
        %parallel_loop3A_277 = tpu.vector_load %arg5[%parallel_loop3A_274, %parallel_loop3A_275, %parallel_loop3A_276] {strides = array<i32>} : memref<7x30x128xf32, #tpu.memory_space<vmem>>, vector<1x1x16xf32>,
        %parallel_loop3A_278 = vector.shape_cast %parallel_loop3A_277 : vector<1x1x16xf32> to vector<16xf32>
        %parallel_loop3A_279 = arith.constant 2 : i32
        %parallel_loop3A_280 = arith.index_cast %parallel_loop3A_171 : i32 to index
        %parallel_loop3A_281 = arith.index_cast %parallel_loop3A_279 : i32 to index
        %parallel_loop3A_282 = arith.index_cast %parallel_loop3A_189 : i32 to index
        %parallel_loop3A_283 = tpu.vector_load %arg5[%parallel_loop3A_280, %parallel_loop3A_281, %parallel_loop3A_282] {strides = array<i32>} : memref<7x30x128xf32, #tpu.memory_space<vmem>>, vector<1x1x16xf32>,
        %parallel_loop3A_284 = vector.shape_cast %parallel_loop3A_283 : vector<1x1x16xf32> to vector<16xf32>
        %parallel_loop3A_285 = arith.constant 3 : i32
        %parallel_loop3A_286 = arith.index_cast %parallel_loop3A_171 : i32 to index
        %parallel_loop3A_287 = arith.index_cast %parallel_loop3A_285 : i32 to index
        %parallel_loop3A_288 = arith.index_cast %parallel_loop3A_189 : i32 to index
        %parallel_loop3A_289 = tpu.vector_load %arg5[%parallel_loop3A_286, %parallel_loop3A_287, %parallel_loop3A_288] {strides = array<i32>} : memref<7x30x128xf32, #tpu.memory_space<vmem>>, vector<1x1x16xf32>,
        %parallel_loop3A_290 = vector.shape_cast %parallel_loop3A_289 : vector<1x1x16xf32> to vector<16xf32>
        %parallel_loop3A_291 = arith.constant 5 : i32
        %parallel_loop3A_292 = arith.index_cast %parallel_loop3A_171 : i32 to index
        %parallel_loop3A_293 = arith.index_cast %parallel_loop3A_291 : i32 to index
        %parallel_loop3A_294 = arith.index_cast %parallel_loop3A_189 : i32 to index
        %parallel_loop3A_295 = tpu.vector_load %arg5[%parallel_loop3A_292, %parallel_loop3A_293, %parallel_loop3A_294] {strides = array<i32>} : memref<7x30x128xf32, #tpu.memory_space<vmem>>, vector<1x1x16xf32>,
        %parallel_loop3A_296 = vector.shape_cast %parallel_loop3A_295 : vector<1x1x16xf32> to vector<16xf32>
        %parallel_loop3A_297 = arith.constant 6 : i32
        %parallel_loop3A_298 = arith.index_cast %parallel_loop3A_171 : i32 to index
        %parallel_loop3A_299 = arith.index_cast %parallel_loop3A_297 : i32 to index
        %parallel_loop3A_300 = arith.index_cast %parallel_loop3A_189 : i32 to index
        %parallel_loop3A_301 = tpu.vector_load %arg5[%parallel_loop3A_298, %parallel_loop3A_299, %parallel_loop3A_300] {strides = array<i32>} : memref<7x30x128xf32, #tpu.memory_space<vmem>>, vector<1x1x16xf32>,
        %parallel_loop3A_302 = vector.shape_cast %parallel_loop3A_301 : vector<1x1x16xf32> to vector<16xf32>
        %parallel_loop3A_303 = arith.constant 7 : i32
        %parallel_loop3A_304 = arith.index_cast %parallel_loop3A_171 : i32 to index
        %parallel_loop3A_305 = arith.index_cast %parallel_loop3A_303 : i32 to index
        %parallel_loop3A_306 = arith.index_cast %parallel_loop3A_189 : i32 to index
        %parallel_loop3A_307 = tpu.vector_load %arg5[%parallel_loop3A_304, %parallel_loop3A_305, %parallel_loop3A_306] {strides = array<i32>} : memref<7x30x128xf32, #tpu.memory_space<vmem>>, vector<1x1x16xf32>,
        %parallel_loop3A_308 = vector.shape_cast %parallel_loop3A_307 : vector<1x1x16xf32> to vector<16xf32>
        %parallel_loop3A_309 = arith.constant 8 : i32
        %parallel_loop3A_310 = arith.index_cast %parallel_loop3A_171 : i32 to index
        %parallel_loop3A_311 = arith.index_cast %parallel_loop3A_309 : i32 to index
        %parallel_loop3A_312 = arith.index_cast %parallel_loop3A_189 : i32 to index
        %parallel_loop3A_313 = tpu.vector_load %arg5[%parallel_loop3A_310, %parallel_loop3A_311, %parallel_loop3A_312] {strides = array<i32>} : memref<7x30x128xf32, #tpu.memory_space<vmem>>, vector<1x1x16xf32>,
        %parallel_loop3A_314 = vector.shape_cast %parallel_loop3A_313 : vector<1x1x16xf32> to vector<16xf32>
        %parallel_loop3A_315 = arith.constant 7.000000e+00 : f32
        %parallel_loop3A_316 = vector.broadcast %parallel_loop3A_315 : f32 to vector<16xf32>
        %parallel_loop3A_317 = arith.divf %parallel_loop3A_272, %parallel_loop3A_316 : vector<16xf32>
        %parallel_loop3A_318 = arith.constant 7.000000e+00 : f32
        %parallel_loop3A_319 = vector.broadcast %parallel_loop3A_318 : f32 to vector<16xf32>
        %parallel_loop3A_320 = arith.divf %parallel_loop3A_278, %parallel_loop3A_319 : vector<16xf32>
        %parallel_loop3A_321 = arith.constant 5.000000e-01 : f32
        %parallel_loop3A_322 = vector.broadcast %parallel_loop3A_321 : f32 to vector<16xf32>
        %parallel_loop3A_323 = arith.mulf %parallel_loop3A_322, %parallel_loop3A_284 : vector<16xf32>
        %parallel_loop3A_324 = arith.subf %parallel_loop3A_317, %parallel_loop3A_323 : vector<16xf32>
        %parallel_loop3A_325 = arith.constant 5.000000e-01 : f32
        %parallel_loop3A_326 = vector.broadcast %parallel_loop3A_325 : f32 to vector<16xf32>
        %parallel_loop3A_327 = arith.mulf %parallel_loop3A_326, %parallel_loop3A_290 : vector<16xf32>
        %parallel_loop3A_328 = arith.subf %parallel_loop3A_320, %parallel_loop3A_327 : vector<16xf32>
        %parallel_loop3A_329 = arith.constant 5.000000e-01 : f32
        %parallel_loop3A_330 = vector.broadcast %parallel_loop3A_329 : f32 to vector<16xf32>
        %parallel_loop3A_331 = arith.mulf %parallel_loop3A_330, %parallel_loop3A_284 : vector<16xf32>
        %parallel_loop3A_332 = arith.addf %parallel_loop3A_317, %parallel_loop3A_331 : vector<16xf32>
        %parallel_loop3A_333 = arith.constant 5.000000e-01 : f32
        %parallel_loop3A_334 = vector.broadcast %parallel_loop3A_333 : f32 to vector<16xf32>
        %parallel_loop3A_335 = arith.mulf %parallel_loop3A_334, %parallel_loop3A_290 : vector<16xf32>
        %parallel_loop3A_336 = arith.addf %parallel_loop3A_320, %parallel_loop3A_335 : vector<16xf32>
        %parallel_loop3A_337 = arith.minimumf %parallel_loop3A_332, %parallel_loop3A_259 : vector<16xf32>
        %parallel_loop3A_338 = arith.maximumf %parallel_loop3A_324, %parallel_loop3A_251 : vector<16xf32>
        %parallel_loop3A_339 = arith.subf %parallel_loop3A_337, %parallel_loop3A_338 : vector<16xf32>
        %parallel_loop3A_340 = arith.constant 0.000000e+00 : f32
        %parallel_loop3A_341 = vector.broadcast %parallel_loop3A_340 : f32 to vector<16xf32>
        %parallel_loop3A_342 = arith.maximumf %parallel_loop3A_339, %parallel_loop3A_341 : vector<16xf32>
        %parallel_loop3A_343 = arith.minimumf %parallel_loop3A_336, %parallel_loop3A_263 : vector<16xf32>
        %parallel_loop3A_344 = arith.maximumf %parallel_loop3A_328, %parallel_loop3A_255 : vector<16xf32>
        %parallel_loop3A_345 = arith.subf %parallel_loop3A_343, %parallel_loop3A_344 : vector<16xf32>
        %parallel_loop3A_346 = arith.constant 0.000000e+00 : f32
        %parallel_loop3A_347 = vector.broadcast %parallel_loop3A_346 : f32 to vector<16xf32>
        %parallel_loop3A_348 = arith.maximumf %parallel_loop3A_345, %parallel_loop3A_347 : vector<16xf32>
        %parallel_loop3A_349 = arith.mulf %parallel_loop3A_342, %parallel_loop3A_348 : vector<16xf32>
        %parallel_loop3A_350 = arith.subf %parallel_loop3A_332, %parallel_loop3A_324 : vector<16xf32>
        %parallel_loop3A_351 = arith.subf %parallel_loop3A_336, %parallel_loop3A_328 : vector<16xf32>
        %parallel_loop3A_352 = arith.mulf %parallel_loop3A_350, %parallel_loop3A_351 : vector<16xf32>
        %parallel_loop3A_353 = arith.addf %parallel_loop3A_352, %parallel_loop3A_266 : vector<16xf32>
        %parallel_loop3A_354 = arith.subf %parallel_loop3A_353, %parallel_loop3A_349 : vector<16xf32>
        %parallel_loop3A_355 = arith.constant 7.000000e+00 : f32
        %parallel_loop3A_356 = vector.broadcast %parallel_loop3A_355 : f32 to vector<16xf32>
        %parallel_loop3A_357 = arith.divf %parallel_loop3A_296, %parallel_loop3A_356 : vector<16xf32>
        %parallel_loop3A_358 = arith.constant 7.000000e+00 : f32
        %parallel_loop3A_359 = vector.broadcast %parallel_loop3A_358 : f32 to vector<16xf32>
        %parallel_loop3A_360 = arith.divf %parallel_loop3A_302, %parallel_loop3A_359 : vector<16xf32>
        %parallel_loop3A_361 = arith.constant 5.000000e-01 : f32
        %parallel_loop3A_362 = vector.broadcast %parallel_loop3A_361 : f32 to vector<16xf32>
        %parallel_loop3A_363 = arith.mulf %parallel_loop3A_362, %parallel_loop3A_308 : vector<16xf32>
        %parallel_loop3A_364 = arith.subf %parallel_loop3A_357, %parallel_loop3A_363 : vector<16xf32>
        %parallel_loop3A_365 = arith.constant 5.000000e-01 : f32
        %parallel_loop3A_366 = vector.broadcast %parallel_loop3A_365 : f32 to vector<16xf32>
        %parallel_loop3A_367 = arith.mulf %parallel_loop3A_366, %parallel_loop3A_314 : vector<16xf32>
        %parallel_loop3A_368 = arith.subf %parallel_loop3A_360, %parallel_loop3A_367 : vector<16xf32>
        %parallel_loop3A_369 = arith.constant 5.000000e-01 : f32
        %parallel_loop3A_370 = vector.broadcast %parallel_loop3A_369 : f32 to vector<16xf32>
        %parallel_loop3A_371 = arith.mulf %parallel_loop3A_370, %parallel_loop3A_308 : vector<16xf32>
        %parallel_loop3A_372 = arith.addf %parallel_loop3A_357, %parallel_loop3A_371 : vector<16xf32>
        %parallel_loop3A_373 = arith.constant 5.000000e-01 : f32
        %parallel_loop3A_374 = vector.broadcast %parallel_loop3A_373 : f32 to vector<16xf32>
        %parallel_loop3A_375 = arith.mulf %parallel_loop3A_374, %parallel_loop3A_314 : vector<16xf32>
        %parallel_loop3A_376 = arith.addf %parallel_loop3A_360, %parallel_loop3A_375 : vector<16xf32>
        %parallel_loop3A_377 = arith.minimumf %parallel_loop3A_372, %parallel_loop3A_259 : vector<16xf32>
        %parallel_loop3A_378 = arith.maximumf %parallel_loop3A_364, %parallel_loop3A_251 : vector<16xf32>
        %parallel_loop3A_379 = arith.subf %parallel_loop3A_377, %parallel_loop3A_378 : vector<16xf32>
        %parallel_loop3A_380 = arith.constant 0.000000e+00 : f32
        %parallel_loop3A_381 = vector.broadcast %parallel_loop3A_380 : f32 to vector<16xf32>
        %parallel_loop3A_382 = arith.maximumf %parallel_loop3A_379, %parallel_loop3A_381 : vector<16xf32>
        %parallel_loop3A_383 = arith.minimumf %parallel_loop3A_376, %parallel_loop3A_263 : vector<16xf32>
        %parallel_loop3A_384 = arith.maximumf %parallel_loop3A_368, %parallel_loop3A_255 : vector<16xf32>
        %parallel_loop3A_385 = arith.subf %parallel_loop3A_383, %parallel_loop3A_384 : vector<16xf32>
        %parallel_loop3A_386 = arith.constant 0.000000e+00 : f32
        %parallel_loop3A_387 = vector.broadcast %parallel_loop3A_386 : f32 to vector<16xf32>
        %parallel_loop3A_388 = arith.maximumf %parallel_loop3A_385, %parallel_loop3A_387 : vector<16xf32>
        %parallel_loop3A_389 = arith.mulf %parallel_loop3A_382, %parallel_loop3A_388 : vector<16xf32>
        %parallel_loop3A_390 = arith.subf %parallel_loop3A_372, %parallel_loop3A_364 : vector<16xf32>
        %parallel_loop3A_391 = arith.subf %parallel_loop3A_376, %parallel_loop3A_368 : vector<16xf32>
        %parallel_loop3A_392 = arith.mulf %parallel_loop3A_390, %parallel_loop3A_391 : vector<16xf32>
        %parallel_loop3A_393 = arith.addf %parallel_loop3A_392, %parallel_loop3A_266 : vector<16xf32>
        %parallel_loop3A_394 = arith.subf %parallel_loop3A_393, %parallel_loop3A_389 : vector<16xf32>
        %parallel_loop3A_395 = arith.mulf %parallel_loop3A_389, %parallel_loop3A_354 : vector<16xf32>
        %parallel_loop3A_396 = arith.mulf %parallel_loop3A_349, %parallel_loop3A_394 : vector<16xf32>
        %parallel_loop3A_397 = arith.cmpf ogt, %parallel_loop3A_395, %parallel_loop3A_396 : vector<16xf32>
        %parallel_loop3A_398 = arith.select %parallel_loop3A_397, %parallel_loop3A_389, %parallel_loop3A_349 : vector<16xi1>, vector<16xf32>
        %parallel_loop3A_399 = arith.select %parallel_loop3A_397, %parallel_loop3A_394, %parallel_loop3A_354 : vector<16xi1>, vector<16xf32>
        %parallel_loop3A_400 = arith.divf %parallel_loop3A_398, %parallel_loop3A_399 : vector<16xf32>
        %parallel_loop3A_401 = arith.select %parallel_loop3A_397, %parallel_loop3A_296, %parallel_loop3A_272 : vector<16xi1>, vector<16xf32>
        %parallel_loop3A_402 = arith.select %parallel_loop3A_397, %parallel_loop3A_302, %parallel_loop3A_278 : vector<16xi1>, vector<16xf32>
        %parallel_loop3A_403 = arith.select %parallel_loop3A_397, %parallel_loop3A_308, %parallel_loop3A_284 : vector<16xi1>, vector<16xf32>
        %parallel_loop3A_404 = arith.select %parallel_loop3A_397, %parallel_loop3A_314, %parallel_loop3A_290 : vector<16xi1>, vector<16xf32>
        %parallel_loop3A_405 = arith.select %parallel_loop3A_397, %parallel_loop3A_210, %parallel_loop3A_204 : vector<16xi1>, vector<16xf32>
        %parallel_loop3A_406 = arith.constant 5 : i32
        %parallel_loop3A_407 = arith.index_cast %parallel_loop3A_171 : i32 to index
        %parallel_loop3A_408 = arith.index_cast %parallel_loop3A_406 : i32 to index
        %parallel_loop3A_409 = arith.index_cast %parallel_loop3A_189 : i32 to index
        %parallel_loop3A_410 = tpu.vector_load %arg7[%parallel_loop3A_407, %parallel_loop3A_408, %parallel_loop3A_409] {strides = array<i32>} : memref<7x30x128xf32, #tpu.memory_space<vmem>>, vector<1x1x16xf32>,
        %parallel_loop3A_411 = vector.shape_cast %parallel_loop3A_410 : vector<1x1x16xf32> to vector<16xf32>
        %parallel_loop3A_412 = arith.select %parallel_loop3A_397, %parallel_loop3A_411, %parallel_loop3A_223 : vector<16xi1>, vector<16xf32>
        %parallel_loop3A_413 = arith.constant 6 : i32
        %parallel_loop3A_414 = arith.index_cast %parallel_loop3A_171 : i32 to index
        %parallel_loop3A_415 = arith.index_cast %parallel_loop3A_413 : i32 to index
        %parallel_loop3A_416 = arith.index_cast %parallel_loop3A_189 : i32 to index
        %parallel_loop3A_417 = tpu.vector_load %arg7[%parallel_loop3A_414, %parallel_loop3A_415, %parallel_loop3A_416] {strides = array<i32>} : memref<7x30x128xf32, #tpu.memory_space<vmem>>, vector<1x1x16xf32>,
        %parallel_loop3A_418 = vector.shape_cast %parallel_loop3A_417 : vector<1x1x16xf32> to vector<16xf32>
        %parallel_loop3A_419 = arith.select %parallel_loop3A_397, %parallel_loop3A_418, %parallel_loop3A_229 : vector<16xi1>, vector<16xf32>
        %parallel_loop3A_420 = arith.constant 7 : i32
        %parallel_loop3A_421 = arith.index_cast %parallel_loop3A_171 : i32 to index
        %parallel_loop3A_422 = arith.index_cast %parallel_loop3A_420 : i32 to index
        %parallel_loop3A_423 = arith.index_cast %parallel_loop3A_189 : i32 to index
        %parallel_loop3A_424 = tpu.vector_load %arg7[%parallel_loop3A_421, %parallel_loop3A_422, %parallel_loop3A_423] {strides = array<i32>} : memref<7x30x128xf32, #tpu.memory_space<vmem>>, vector<1x1x16xf32>,
        %parallel_loop3A_425 = vector.shape_cast %parallel_loop3A_424 : vector<1x1x16xf32> to vector<16xf32>
        %parallel_loop3A_426 = arith.select %parallel_loop3A_397, %parallel_loop3A_425, %parallel_loop3A_235 : vector<16xi1>, vector<16xf32>
        %parallel_loop3A_427 = arith.constant 8 : i32
        %parallel_loop3A_428 = arith.index_cast %parallel_loop3A_171 : i32 to index
        %parallel_loop3A_429 = arith.index_cast %parallel_loop3A_427 : i32 to index
        %parallel_loop3A_430 = arith.index_cast %parallel_loop3A_189 : i32 to index
        %parallel_loop3A_431 = tpu.vector_load %arg7[%parallel_loop3A_428, %parallel_loop3A_429, %parallel_loop3A_430] {strides = array<i32>} : memref<7x30x128xf32, #tpu.memory_space<vmem>>, vector<1x1x16xf32>,
        %parallel_loop3A_432 = vector.shape_cast %parallel_loop3A_431 : vector<1x1x16xf32> to vector<16xf32>
        %parallel_loop3A_433 = arith.select %parallel_loop3A_397, %parallel_loop3A_432, %parallel_loop3A_241 : vector<16xi1>, vector<16xf32>
        %parallel_loop3A_434 = arith.subf %parallel_loop3A_401, %parallel_loop3A_412 : vector<16xf32>
        %parallel_loop3A_435 = arith.subf %parallel_loop3A_402, %parallel_loop3A_419 : vector<16xf32>
        %parallel_loop3A_436 = arith.mulf %parallel_loop3A_434, %parallel_loop3A_434 : vector<16xf32>
        %parallel_loop3A_437 = arith.mulf %parallel_loop3A_435, %parallel_loop3A_435 : vector<16xf32>
        %parallel_loop3A_438 = arith.addf %parallel_loop3A_436, %parallel_loop3A_437 : vector<16xf32>
        %parallel_loop3A_439 = arith.addf %parallel_loop3A_403, %parallel_loop3A_426 : vector<16xf32>
        %parallel_loop3A_440 = arith.mulf %parallel_loop3A_403, %parallel_loop3A_426 : vector<16xf32>
        %parallel_loop3A_441 = tpu.bitcast %parallel_loop3A_440 : vector<16xf32> -> vector<16xi32>
        %parallel_loop3A_442 = arith.constant 1 : i32
        %parallel_loop3A_443 = vector.broadcast %parallel_loop3A_442 : i32 to vector<16xi32>
        %parallel_loop3A_444 = arith.shrsi %parallel_loop3A_441, %parallel_loop3A_443 : vector<16xi32>
        %parallel_loop3A_445 = arith.constant 1597463007 : i32
        %parallel_loop3A_446 = vector.broadcast %parallel_loop3A_445 : i32 to vector<16xi32>
        %parallel_loop3A_447 = arith.subi %parallel_loop3A_446, %parallel_loop3A_444 : vector<16xi32>
        %parallel_loop3A_448 = tpu.bitcast %parallel_loop3A_447 : vector<16xi32> -> vector<16xf32>
        %parallel_loop3A_449 = arith.constant 5.000000e-01 : f32
        %parallel_loop3A_450 = vector.broadcast %parallel_loop3A_449 : f32 to vector<16xf32>
        %parallel_loop3A_451 = arith.mulf %parallel_loop3A_450, %parallel_loop3A_440 : vector<16xf32>
        %parallel_loop3A_452 = arith.mulf %parallel_loop3A_451, %parallel_loop3A_448 : vector<16xf32>
        %parallel_loop3A_453 = arith.mulf %parallel_loop3A_452, %parallel_loop3A_448 : vector<16xf32>
        %parallel_loop3A_454 = arith.constant 1.500000e+00 : f32
        %parallel_loop3A_455 = vector.broadcast %parallel_loop3A_454 : f32 to vector<16xf32>
        %parallel_loop3A_456 = arith.subf %parallel_loop3A_455, %parallel_loop3A_453 : vector<16xf32>
        %parallel_loop3A_457 = arith.mulf %parallel_loop3A_448, %parallel_loop3A_456 : vector<16xf32>
        %parallel_loop3A_458 = arith.constant 5.000000e-01 : f32
        %parallel_loop3A_459 = vector.broadcast %parallel_loop3A_458 : f32 to vector<16xf32>
        %parallel_loop3A_460 = arith.mulf %parallel_loop3A_459, %parallel_loop3A_440 : vector<16xf32>
        %parallel_loop3A_461 = arith.mulf %parallel_loop3A_460, %parallel_loop3A_457 : vector<16xf32>
        %parallel_loop3A_462 = arith.mulf %parallel_loop3A_461, %parallel_loop3A_457 : vector<16xf32>
        %parallel_loop3A_463 = arith.constant 1.500000e+00 : f32
        %parallel_loop3A_464 = vector.broadcast %parallel_loop3A_463 : f32 to vector<16xf32>
        %parallel_loop3A_465 = arith.subf %parallel_loop3A_464, %parallel_loop3A_462 : vector<16xf32>
        %parallel_loop3A_466 = arith.mulf %parallel_loop3A_457, %parallel_loop3A_465 : vector<16xf32>
        %parallel_loop3A_467 = arith.mulf %parallel_loop3A_440, %parallel_loop3A_466 : vector<16xf32>
        %parallel_loop3A_468 = arith.constant 2.000000e+00 : f32
        %parallel_loop3A_469 = vector.broadcast %parallel_loop3A_468 : f32 to vector<16xf32>
        %parallel_loop3A_470 = arith.mulf %parallel_loop3A_469, %parallel_loop3A_467 : vector<16xf32>
        %parallel_loop3A_471 = arith.subf %parallel_loop3A_439, %parallel_loop3A_470 : vector<16xf32>
        %parallel_loop3A_472 = arith.addf %parallel_loop3A_471, %parallel_loop3A_404 : vector<16xf32>
        %parallel_loop3A_473 = arith.addf %parallel_loop3A_472, %parallel_loop3A_433 : vector<16xf32>
        %parallel_loop3A_474 = arith.mulf %parallel_loop3A_404, %parallel_loop3A_433 : vector<16xf32>
        %parallel_loop3A_475 = tpu.bitcast %parallel_loop3A_474 : vector<16xf32> -> vector<16xi32>
        %parallel_loop3A_476 = arith.constant 1 : i32
        %parallel_loop3A_477 = vector.broadcast %parallel_loop3A_476 : i32 to vector<16xi32>
        %parallel_loop3A_478 = arith.shrsi %parallel_loop3A_475, %parallel_loop3A_477 : vector<16xi32>
        %parallel_loop3A_479 = arith.constant 1597463007 : i32
        %parallel_loop3A_480 = vector.broadcast %parallel_loop3A_479 : i32 to vector<16xi32>
        %parallel_loop3A_481 = arith.subi %parallel_loop3A_480, %parallel_loop3A_478 : vector<16xi32>
        %parallel_loop3A_482 = tpu.bitcast %parallel_loop3A_481 : vector<16xi32> -> vector<16xf32>
        %parallel_loop3A_483 = arith.constant 5.000000e-01 : f32
        %parallel_loop3A_484 = vector.broadcast %parallel_loop3A_483 : f32 to vector<16xf32>
        %parallel_loop3A_485 = arith.mulf %parallel_loop3A_484, %parallel_loop3A_474 : vector<16xf32>
        %parallel_loop3A_486 = arith.mulf %parallel_loop3A_485, %parallel_loop3A_482 : vector<16xf32>
        %parallel_loop3A_487 = arith.mulf %parallel_loop3A_486, %parallel_loop3A_482 : vector<16xf32>
        %parallel_loop3A_488 = arith.constant 1.500000e+00 : f32
        %parallel_loop3A_489 = vector.broadcast %parallel_loop3A_488 : f32 to vector<16xf32>
        %parallel_loop3A_490 = arith.subf %parallel_loop3A_489, %parallel_loop3A_487 : vector<16xf32>
        %parallel_loop3A_491 = arith.mulf %parallel_loop3A_482, %parallel_loop3A_490 : vector<16xf32>
        %parallel_loop3A_492 = arith.constant 5.000000e-01 : f32
        %parallel_loop3A_493 = vector.broadcast %parallel_loop3A_492 : f32 to vector<16xf32>
        %parallel_loop3A_494 = arith.mulf %parallel_loop3A_493, %parallel_loop3A_474 : vector<16xf32>
        %parallel_loop3A_495 = arith.mulf %parallel_loop3A_494, %parallel_loop3A_491 : vector<16xf32>
        %parallel_loop3A_496 = arith.mulf %parallel_loop3A_495, %parallel_loop3A_491 : vector<16xf32>
        %parallel_loop3A_497 = arith.constant 1.500000e+00 : f32
        %parallel_loop3A_498 = vector.broadcast %parallel_loop3A_497 : f32 to vector<16xf32>
        %parallel_loop3A_499 = arith.subf %parallel_loop3A_498, %parallel_loop3A_496 : vector<16xf32>
        %parallel_loop3A_500 = arith.mulf %parallel_loop3A_491, %parallel_loop3A_499 : vector<16xf32>
        %parallel_loop3A_501 = arith.mulf %parallel_loop3A_474, %parallel_loop3A_500 : vector<16xf32>
        %parallel_loop3A_502 = arith.constant 2.000000e+00 : f32
        %parallel_loop3A_503 = vector.broadcast %parallel_loop3A_502 : f32 to vector<16xf32>
        %parallel_loop3A_504 = arith.mulf %parallel_loop3A_503, %parallel_loop3A_501 : vector<16xf32>
        %parallel_loop3A_505 = arith.subf %parallel_loop3A_473, %parallel_loop3A_504 : vector<16xf32>
        %parallel_loop3A_506 = arith.subf %parallel_loop3A_405, %parallel_loop3A_400 : vector<16xf32>
        %parallel_loop3A_507 = arith.mulf %parallel_loop3A_506, %parallel_loop3A_506 : vector<16xf32>
        %parallel_loop3A_508 = arith.constant 0.000000e+00 : f32
        %parallel_loop3A_509 = vector.broadcast %parallel_loop3A_508 : f32 to vector<16xf32>
        %parallel_loop3A_510 = arith.constant 10 : i32
        %parallel_loop3A_511 = arith.index_cast %parallel_loop3A_171 : i32 to index
        %parallel_loop3A_512 = arith.index_cast %parallel_loop3A_510 : i32 to index
        %parallel_loop3A_513 = arith.index_cast %parallel_loop3A_189 : i32 to index
        %parallel_loop3A_514 = tpu.vector_load %arg5[%parallel_loop3A_511, %parallel_loop3A_512, %parallel_loop3A_513] {strides = array<i32>} : memref<7x30x128xf32, #tpu.memory_space<vmem>>, vector<1x1x16xf32>,
        %parallel_loop3A_515 = vector.shape_cast %parallel_loop3A_514 : vector<1x1x16xf32> to vector<16xf32>
        %parallel_loop3A_516 = arith.constant 10 : i32
        %parallel_loop3A_517 = arith.index_cast %parallel_loop3A_171 : i32 to index
        %parallel_loop3A_518 = arith.index_cast %parallel_loop3A_516 : i32 to index
        %parallel_loop3A_519 = arith.index_cast %parallel_loop3A_189 : i32 to index
        %parallel_loop3A_520 = tpu.vector_load %arg7[%parallel_loop3A_517, %parallel_loop3A_518, %parallel_loop3A_519] {strides = array<i32>} : memref<7x30x128xf32, #tpu.memory_space<vmem>>, vector<1x1x16xf32>,
        %parallel_loop3A_521 = vector.shape_cast %parallel_loop3A_520 : vector<1x1x16xf32> to vector<16xf32>
        %parallel_loop3A_522 = arith.subf %parallel_loop3A_515, %parallel_loop3A_521 : vector<16xf32>
        %parallel_loop3A_523 = arith.mulf %parallel_loop3A_522, %parallel_loop3A_522 : vector<16xf32>
        %parallel_loop3A_524 = arith.addf %parallel_loop3A_509, %parallel_loop3A_523 : vector<16xf32>
        %parallel_loop3A_525 = arith.constant 11 : i32
        %parallel_loop3A_526 = arith.index_cast %parallel_loop3A_171 : i32 to index
        %parallel_loop3A_527 = arith.index_cast %parallel_loop3A_525 : i32 to index
        %parallel_loop3A_528 = arith.index_cast %parallel_loop3A_189 : i32 to index
        %parallel_loop3A_529 = tpu.vector_load %arg5[%parallel_loop3A_526, %parallel_loop3A_527, %parallel_loop3A_528] {strides = array<i32>} : memref<7x30x128xf32, #tpu.memory_space<vmem>>, vector<1x1x16xf32>,
        %parallel_loop3A_530 = vector.shape_cast %parallel_loop3A_529 : vector<1x1x16xf32> to vector<16xf32>
        %parallel_loop3A_531 = arith.constant 11 : i32
        %parallel_loop3A_532 = arith.index_cast %parallel_loop3A_171 : i32 to index
        %parallel_loop3A_533 = arith.index_cast %parallel_loop3A_531 : i32 to index
        %parallel_loop3A_534 = arith.index_cast %parallel_loop3A_189 : i32 to index
        %parallel_loop3A_535 = tpu.vector_load %arg7[%parallel_loop3A_532, %parallel_loop3A_533, %parallel_loop3A_534] {strides = array<i32>} : memref<7x30x128xf32, #tpu.memory_space<vmem>>, vector<1x1x16xf32>,
        %parallel_loop3A_536 = vector.shape_cast %parallel_loop3A_535 : vector<1x1x16xf32> to vector<16xf32>
        %parallel_loop3A_537 = arith.subf %parallel_loop3A_530, %parallel_loop3A_536 : vector<16xf32>
        %parallel_loop3A_538 = arith.mulf %parallel_loop3A_537, %parallel_loop3A_537 : vector<16xf32>
        %parallel_loop3A_539 = arith.addf %parallel_loop3A_524, %parallel_loop3A_538 : vector<16xf32>
        %parallel_loop3A_540 = arith.constant 12 : i32
        %parallel_loop3A_541 = arith.index_cast %parallel_loop3A_171 : i32 to index
        %parallel_loop3A_542 = arith.index_cast %parallel_loop3A_540 : i32 to index
        %parallel_loop3A_543 = arith.index_cast %parallel_loop3A_189 : i32 to index
        %parallel_loop3A_544 = tpu.vector_load %arg5[%parallel_loop3A_541, %parallel_loop3A_542, %parallel_loop3A_543] {strides = array<i32>} : memref<7x30x128xf32, #tpu.memory_space<vmem>>, vector<1x1x16xf32>,
        %parallel_loop3A_545 = vector.shape_cast %parallel_loop3A_544 : vector<1x1x16xf32> to vector<16xf32>
        %parallel_loop3A_546 = arith.constant 12 : i32
        %parallel_loop3A_547 = arith.index_cast %parallel_loop3A_171 : i32 to index
        %parallel_loop3A_548 = arith.index_cast %parallel_loop3A_546 : i32 to index
        %parallel_loop3A_549 = arith.index_cast %parallel_loop3A_189 : i32 to index
        %parallel_loop3A_550 = tpu.vector_load %arg7[%parallel_loop3A_547, %parallel_loop3A_548, %parallel_loop3A_549] {strides = array<i32>} : memref<7x30x128xf32, #tpu.memory_space<vmem>>, vector<1x1x16xf32>,
        %parallel_loop3A_551 = vector.shape_cast %parallel_loop3A_550 : vector<1x1x16xf32> to vector<16xf32>
        %parallel_loop3A_552 = arith.subf %parallel_loop3A_545, %parallel_loop3A_551 : vector<16xf32>
        %parallel_loop3A_553 = arith.mulf %parallel_loop3A_552, %parallel_loop3A_552 : vector<16xf32>
        %parallel_loop3A_554 = arith.addf %parallel_loop3A_539, %parallel_loop3A_553 : vector<16xf32>
        %parallel_loop3A_555 = arith.constant 13 : i32
        %parallel_loop3A_556 = arith.index_cast %parallel_loop3A_171 : i32 to index
        %parallel_loop3A_557 = arith.index_cast %parallel_loop3A_555 : i32 to index
        %parallel_loop3A_558 = arith.index_cast %parallel_loop3A_189 : i32 to index
        %parallel_loop3A_559 = tpu.vector_load %arg5[%parallel_loop3A_556, %parallel_loop3A_557, %parallel_loop3A_558] {strides = array<i32>} : memref<7x30x128xf32, #tpu.memory_space<vmem>>, vector<1x1x16xf32>,
        %parallel_loop3A_560 = vector.shape_cast %parallel_loop3A_559 : vector<1x1x16xf32> to vector<16xf32>
        %parallel_loop3A_561 = arith.constant 13 : i32
        %parallel_loop3A_562 = arith.index_cast %parallel_loop3A_171 : i32 to index
        %parallel_loop3A_563 = arith.index_cast %parallel_loop3A_561 : i32 to index
        %parallel_loop3A_564 = arith.index_cast %parallel_loop3A_189 : i32 to index
        %parallel_loop3A_565 = tpu.vector_load %arg7[%parallel_loop3A_562, %parallel_loop3A_563, %parallel_loop3A_564] {strides = array<i32>} : memref<7x30x128xf32, #tpu.memory_space<vmem>>, vector<1x1x16xf32>,
        %parallel_loop3A_566 = vector.shape_cast %parallel_loop3A_565 : vector<1x1x16xf32> to vector<16xf32>
        %parallel_loop3A_567 = arith.subf %parallel_loop3A_560, %parallel_loop3A_566 : vector<16xf32>
        %parallel_loop3A_568 = arith.mulf %parallel_loop3A_567, %parallel_loop3A_567 : vector<16xf32>
        %parallel_loop3A_569 = arith.addf %parallel_loop3A_554, %parallel_loop3A_568 : vector<16xf32>
        %parallel_loop3A_570 = arith.constant 14 : i32
        %parallel_loop3A_571 = arith.index_cast %parallel_loop3A_171 : i32 to index
        %parallel_loop3A_572 = arith.index_cast %parallel_loop3A_570 : i32 to index
        %parallel_loop3A_573 = arith.index_cast %parallel_loop3A_189 : i32 to index
        %parallel_loop3A_574 = tpu.vector_load %arg5[%parallel_loop3A_571, %parallel_loop3A_572, %parallel_loop3A_573] {strides = array<i32>} : memref<7x30x128xf32, #tpu.memory_space<vmem>>, vector<1x1x16xf32>,
        %parallel_loop3A_575 = vector.shape_cast %parallel_loop3A_574 : vector<1x1x16xf32> to vector<16xf32>
        %parallel_loop3A_576 = arith.constant 14 : i32
        %parallel_loop3A_577 = arith.index_cast %parallel_loop3A_171 : i32 to index
        %parallel_loop3A_578 = arith.index_cast %parallel_loop3A_576 : i32 to index
        %parallel_loop3A_579 = arith.index_cast %parallel_loop3A_189 : i32 to index
        %parallel_loop3A_580 = tpu.vector_load %arg7[%parallel_loop3A_577, %parallel_loop3A_578, %parallel_loop3A_579] {strides = array<i32>} : memref<7x30x128xf32, #tpu.memory_space<vmem>>, vector<1x1x16xf32>,
        %parallel_loop3A_581 = vector.shape_cast %parallel_loop3A_580 : vector<1x1x16xf32> to vector<16xf32>
        %parallel_loop3A_582 = arith.subf %parallel_loop3A_575, %parallel_loop3A_581 : vector<16xf32>
        %parallel_loop3A_583 = arith.mulf %parallel_loop3A_582, %parallel_loop3A_582 : vector<16xf32>
        %parallel_loop3A_584 = arith.addf %parallel_loop3A_569, %parallel_loop3A_583 : vector<16xf32>
        %parallel_loop3A_585 = arith.constant 15 : i32
        %parallel_loop3A_586 = arith.index_cast %parallel_loop3A_171 : i32 to index
        %parallel_loop3A_587 = arith.index_cast %parallel_loop3A_585 : i32 to index
        %parallel_loop3A_588 = arith.index_cast %parallel_loop3A_189 : i32 to index
        %parallel_loop3A_589 = tpu.vector_load %arg5[%parallel_loop3A_586, %parallel_loop3A_587, %parallel_loop3A_588] {strides = array<i32>} : memref<7x30x128xf32, #tpu.memory_space<vmem>>, vector<1x1x16xf32>,
        %parallel_loop3A_590 = vector.shape_cast %parallel_loop3A_589 : vector<1x1x16xf32> to vector<16xf32>
        %parallel_loop3A_591 = arith.constant 15 : i32
        %parallel_loop3A_592 = arith.index_cast %parallel_loop3A_171 : i32 to index
        %parallel_loop3A_593 = arith.index_cast %parallel_loop3A_591 : i32 to index
        %parallel_loop3A_594 = arith.index_cast %parallel_loop3A_189 : i32 to index
        %parallel_loop3A_595 = tpu.vector_load %arg7[%parallel_loop3A_592, %parallel_loop3A_593, %parallel_loop3A_594] {strides = array<i32>} : memref<7x30x128xf32, #tpu.memory_space<vmem>>, vector<1x1x16xf32>,
        %parallel_loop3A_596 = vector.shape_cast %parallel_loop3A_595 : vector<1x1x16xf32> to vector<16xf32>
        %parallel_loop3A_597 = arith.subf %parallel_loop3A_590, %parallel_loop3A_596 : vector<16xf32>
        %parallel_loop3A_598 = arith.mulf %parallel_loop3A_597, %parallel_loop3A_597 : vector<16xf32>
        %parallel_loop3A_599 = arith.addf %parallel_loop3A_584, %parallel_loop3A_598 : vector<16xf32>
        %parallel_loop3A_600 = arith.constant 16 : i32
        %parallel_loop3A_601 = arith.index_cast %parallel_loop3A_171 : i32 to index
        %parallel_loop3A_602 = arith.index_cast %parallel_loop3A_600 : i32 to index
        %parallel_loop3A_603 = arith.index_cast %parallel_loop3A_189 : i32 to index
        %parallel_loop3A_604 = tpu.vector_load %arg5[%parallel_loop3A_601, %parallel_loop3A_602, %parallel_loop3A_603] {strides = array<i32>} : memref<7x30x128xf32, #tpu.memory_space<vmem>>, vector<1x1x16xf32>,
        %parallel_loop3A_605 = vector.shape_cast %parallel_loop3A_604 : vector<1x1x16xf32> to vector<16xf32>
        %parallel_loop3A_606 = arith.constant 16 : i32
        %parallel_loop3A_607 = arith.index_cast %parallel_loop3A_171 : i32 to index
        %parallel_loop3A_608 = arith.index_cast %parallel_loop3A_606 : i32 to index
        %parallel_loop3A_609 = arith.index_cast %parallel_loop3A_189 : i32 to index
        %parallel_loop3A_610 = tpu.vector_load %arg7[%parallel_loop3A_607, %parallel_loop3A_608, %parallel_loop3A_609] {strides = array<i32>} : memref<7x30x128xf32, #tpu.memory_space<vmem>>, vector<1x1x16xf32>,
        %parallel_loop3A_611 = vector.shape_cast %parallel_loop3A_610 : vector<1x1x16xf32> to vector<16xf32>
        %parallel_loop3A_612 = arith.subf %parallel_loop3A_605, %parallel_loop3A_611 : vector<16xf32>
        %parallel_loop3A_613 = arith.mulf %parallel_loop3A_612, %parallel_loop3A_612 : vector<16xf32>
        %parallel_loop3A_614 = arith.addf %parallel_loop3A_599, %parallel_loop3A_613 : vector<16xf32>
        %parallel_loop3A_615 = arith.constant 17 : i32
        %parallel_loop3A_616 = arith.index_cast %parallel_loop3A_171 : i32 to index
        %parallel_loop3A_617 = arith.index_cast %parallel_loop3A_615 : i32 to index
        %parallel_loop3A_618 = arith.index_cast %parallel_loop3A_189 : i32 to index
        %parallel_loop3A_619 = tpu.vector_load %arg5[%parallel_loop3A_616, %parallel_loop3A_617, %parallel_loop3A_618] {strides = array<i32>} : memref<7x30x128xf32, #tpu.memory_space<vmem>>, vector<1x1x16xf32>,
        %parallel_loop3A_620 = vector.shape_cast %parallel_loop3A_619 : vector<1x1x16xf32> to vector<16xf32>
        %parallel_loop3A_621 = arith.constant 17 : i32
        %parallel_loop3A_622 = arith.index_cast %parallel_loop3A_171 : i32 to index
        %parallel_loop3A_623 = arith.index_cast %parallel_loop3A_621 : i32 to index
        %parallel_loop3A_624 = arith.index_cast %parallel_loop3A_189 : i32 to index
        %parallel_loop3A_625 = tpu.vector_load %arg7[%parallel_loop3A_622, %parallel_loop3A_623, %parallel_loop3A_624] {strides = array<i32>} : memref<7x30x128xf32, #tpu.memory_space<vmem>>, vector<1x1x16xf32>,
        %parallel_loop3A_626 = vector.shape_cast %parallel_loop3A_625 : vector<1x1x16xf32> to vector<16xf32>
        %parallel_loop3A_627 = arith.subf %parallel_loop3A_620, %parallel_loop3A_626 : vector<16xf32>
        %parallel_loop3A_628 = arith.mulf %parallel_loop3A_627, %parallel_loop3A_627 : vector<16xf32>
        %parallel_loop3A_629 = arith.addf %parallel_loop3A_614, %parallel_loop3A_628 : vector<16xf32>
        %parallel_loop3A_630 = arith.constant 18 : i32
        %parallel_loop3A_631 = arith.index_cast %parallel_loop3A_171 : i32 to index
        %parallel_loop3A_632 = arith.index_cast %parallel_loop3A_630 : i32 to index
        %parallel_loop3A_633 = arith.index_cast %parallel_loop3A_189 : i32 to index
        %parallel_loop3A_634 = tpu.vector_load %arg5[%parallel_loop3A_631, %parallel_loop3A_632, %parallel_loop3A_633] {strides = array<i32>} : memref<7x30x128xf32, #tpu.memory_space<vmem>>, vector<1x1x16xf32>,
        %parallel_loop3A_635 = vector.shape_cast %parallel_loop3A_634 : vector<1x1x16xf32> to vector<16xf32>
        %parallel_loop3A_636 = arith.constant 18 : i32
        %parallel_loop3A_637 = arith.index_cast %parallel_loop3A_171 : i32 to index
        %parallel_loop3A_638 = arith.index_cast %parallel_loop3A_636 : i32 to index
        %parallel_loop3A_639 = arith.index_cast %parallel_loop3A_189 : i32 to index
        %parallel_loop3A_640 = tpu.vector_load %arg7[%parallel_loop3A_637, %parallel_loop3A_638, %parallel_loop3A_639] {strides = array<i32>} : memref<7x30x128xf32, #tpu.memory_space<vmem>>, vector<1x1x16xf32>,
        %parallel_loop3A_641 = vector.shape_cast %parallel_loop3A_640 : vector<1x1x16xf32> to vector<16xf32>
        %parallel_loop3A_642 = arith.subf %parallel_loop3A_635, %parallel_loop3A_641 : vector<16xf32>
        %parallel_loop3A_643 = arith.mulf %parallel_loop3A_642, %parallel_loop3A_642 : vector<16xf32>
        %parallel_loop3A_644 = arith.addf %parallel_loop3A_629, %parallel_loop3A_643 : vector<16xf32>
        %parallel_loop3A_645 = arith.constant 19 : i32
        %parallel_loop3A_646 = arith.index_cast %parallel_loop3A_171 : i32 to index
        %parallel_loop3A_647 = arith.index_cast %parallel_loop3A_645 : i32 to index
        %parallel_loop3A_648 = arith.index_cast %parallel_loop3A_189 : i32 to index
        %parallel_loop3A_649 = tpu.vector_load %arg5[%parallel_loop3A_646, %parallel_loop3A_647, %parallel_loop3A_648] {strides = array<i32>} : memref<7x30x128xf32, #tpu.memory_space<vmem>>, vector<1x1x16xf32>,
        %parallel_loop3A_650 = vector.shape_cast %parallel_loop3A_649 : vector<1x1x16xf32> to vector<16xf32>
        %parallel_loop3A_651 = arith.constant 19 : i32
        %parallel_loop3A_652 = arith.index_cast %parallel_loop3A_171 : i32 to index
        %parallel_loop3A_653 = arith.index_cast %parallel_loop3A_651 : i32 to index
        %parallel_loop3A_654 = arith.index_cast %parallel_loop3A_189 : i32 to index
        %parallel_loop3A_655 = tpu.vector_load %arg7[%parallel_loop3A_652, %parallel_loop3A_653, %parallel_loop3A_654] {strides = array<i32>} : memref<7x30x128xf32, #tpu.memory_space<vmem>>, vector<1x1x16xf32>,
        %parallel_loop3A_656 = vector.shape_cast %parallel_loop3A_655 : vector<1x1x16xf32> to vector<16xf32>
        %parallel_loop3A_657 = arith.subf %parallel_loop3A_650, %parallel_loop3A_656 : vector<16xf32>
        %parallel_loop3A_658 = arith.mulf %parallel_loop3A_657, %parallel_loop3A_657 : vector<16xf32>
        %parallel_loop3A_659 = arith.addf %parallel_loop3A_644, %parallel_loop3A_658 : vector<16xf32>
        %parallel_loop3A_660 = arith.constant 20 : i32
        %parallel_loop3A_661 = arith.index_cast %parallel_loop3A_171 : i32 to index
        %parallel_loop3A_662 = arith.index_cast %parallel_loop3A_660 : i32 to index
        %parallel_loop3A_663 = arith.index_cast %parallel_loop3A_189 : i32 to index
        %parallel_loop3A_664 = tpu.vector_load %arg5[%parallel_loop3A_661, %parallel_loop3A_662, %parallel_loop3A_663] {strides = array<i32>} : memref<7x30x128xf32, #tpu.memory_space<vmem>>, vector<1x1x16xf32>,
        %parallel_loop3A_665 = vector.shape_cast %parallel_loop3A_664 : vector<1x1x16xf32> to vector<16xf32>
        %parallel_loop3A_666 = arith.constant 20 : i32
        %parallel_loop3A_667 = arith.index_cast %parallel_loop3A_171 : i32 to index
        %parallel_loop3A_668 = arith.index_cast %parallel_loop3A_666 : i32 to index
        %parallel_loop3A_669 = arith.index_cast %parallel_loop3A_189 : i32 to index
        %parallel_loop3A_670 = tpu.vector_load %arg7[%parallel_loop3A_667, %parallel_loop3A_668, %parallel_loop3A_669] {strides = array<i32>} : memref<7x30x128xf32, #tpu.memory_space<vmem>>, vector<1x1x16xf32>,
        %parallel_loop3A_671 = vector.shape_cast %parallel_loop3A_670 : vector<1x1x16xf32> to vector<16xf32>
        %parallel_loop3A_672 = arith.subf %parallel_loop3A_665, %parallel_loop3A_671 : vector<16xf32>
        %parallel_loop3A_673 = arith.mulf %parallel_loop3A_672, %parallel_loop3A_672 : vector<16xf32>
        %parallel_loop3A_674 = arith.addf %parallel_loop3A_659, %parallel_loop3A_673 : vector<16xf32>
        %parallel_loop3A_675 = arith.constant 21 : i32
        %parallel_loop3A_676 = arith.index_cast %parallel_loop3A_171 : i32 to index
        %parallel_loop3A_677 = arith.index_cast %parallel_loop3A_675 : i32 to index
        %parallel_loop3A_678 = arith.index_cast %parallel_loop3A_189 : i32 to index
        %parallel_loop3A_679 = tpu.vector_load %arg5[%parallel_loop3A_676, %parallel_loop3A_677, %parallel_loop3A_678] {strides = array<i32>} : memref<7x30x128xf32, #tpu.memory_space<vmem>>, vector<1x1x16xf32>,
        %parallel_loop3A_680 = vector.shape_cast %parallel_loop3A_679 : vector<1x1x16xf32> to vector<16xf32>
        %parallel_loop3A_681 = arith.constant 21 : i32
        %parallel_loop3A_682 = arith.index_cast %parallel_loop3A_171 : i32 to index
        %parallel_loop3A_683 = arith.index_cast %parallel_loop3A_681 : i32 to index
        %parallel_loop3A_684 = arith.index_cast %parallel_loop3A_189 : i32 to index
        %parallel_loop3A_685 = tpu.vector_load %arg7[%parallel_loop3A_682, %parallel_loop3A_683, %parallel_loop3A_684] {strides = array<i32>} : memref<7x30x128xf32, #tpu.memory_space<vmem>>, vector<1x1x16xf32>,
        %parallel_loop3A_686 = vector.shape_cast %parallel_loop3A_685 : vector<1x1x16xf32> to vector<16xf32>
        %parallel_loop3A_687 = arith.subf %parallel_loop3A_680, %parallel_loop3A_686 : vector<16xf32>
        %parallel_loop3A_688 = arith.mulf %parallel_loop3A_687, %parallel_loop3A_687 : vector<16xf32>
        %parallel_loop3A_689 = arith.addf %parallel_loop3A_674, %parallel_loop3A_688 : vector<16xf32>
        %parallel_loop3A_690 = arith.constant 22 : i32
        %parallel_loop3A_691 = arith.index_cast %parallel_loop3A_171 : i32 to index
        %parallel_loop3A_692 = arith.index_cast %parallel_loop3A_690 : i32 to index
        %parallel_loop3A_693 = arith.index_cast %parallel_loop3A_189 : i32 to index
        %parallel_loop3A_694 = tpu.vector_load %arg5[%parallel_loop3A_691, %parallel_loop3A_692, %parallel_loop3A_693] {strides = array<i32>} : memref<7x30x128xf32, #tpu.memory_space<vmem>>, vector<1x1x16xf32>,
        %parallel_loop3A_695 = vector.shape_cast %parallel_loop3A_694 : vector<1x1x16xf32> to vector<16xf32>
        %parallel_loop3A_696 = arith.constant 22 : i32
        %parallel_loop3A_697 = arith.index_cast %parallel_loop3A_171 : i32 to index
        %parallel_loop3A_698 = arith.index_cast %parallel_loop3A_696 : i32 to index
        %parallel_loop3A_699 = arith.index_cast %parallel_loop3A_189 : i32 to index
        %parallel_loop3A_700 = tpu.vector_load %arg7[%parallel_loop3A_697, %parallel_loop3A_698, %parallel_loop3A_699] {strides = array<i32>} : memref<7x30x128xf32, #tpu.memory_space<vmem>>, vector<1x1x16xf32>,
        %parallel_loop3A_701 = vector.shape_cast %parallel_loop3A_700 : vector<1x1x16xf32> to vector<16xf32>
        %parallel_loop3A_702 = arith.subf %parallel_loop3A_695, %parallel_loop3A_701 : vector<16xf32>
        %parallel_loop3A_703 = arith.mulf %parallel_loop3A_702, %parallel_loop3A_702 : vector<16xf32>
        %parallel_loop3A_704 = arith.addf %parallel_loop3A_689, %parallel_loop3A_703 : vector<16xf32>
        %parallel_loop3A_705 = arith.constant 23 : i32
        %parallel_loop3A_706 = arith.index_cast %parallel_loop3A_171 : i32 to index
        %parallel_loop3A_707 = arith.index_cast %parallel_loop3A_705 : i32 to index
        %parallel_loop3A_708 = arith.index_cast %parallel_loop3A_189 : i32 to index
        %parallel_loop3A_709 = tpu.vector_load %arg5[%parallel_loop3A_706, %parallel_loop3A_707, %parallel_loop3A_708] {strides = array<i32>} : memref<7x30x128xf32, #tpu.memory_space<vmem>>, vector<1x1x16xf32>,
        %parallel_loop3A_710 = vector.shape_cast %parallel_loop3A_709 : vector<1x1x16xf32> to vector<16xf32>
        %parallel_loop3A_711 = arith.constant 23 : i32
        %parallel_loop3A_712 = arith.index_cast %parallel_loop3A_171 : i32 to index
        %parallel_loop3A_713 = arith.index_cast %parallel_loop3A_711 : i32 to index
        %parallel_loop3A_714 = arith.index_cast %parallel_loop3A_189 : i32 to index
        %parallel_loop3A_715 = tpu.vector_load %arg7[%parallel_loop3A_712, %parallel_loop3A_713, %parallel_loop3A_714] {strides = array<i32>} : memref<7x30x128xf32, #tpu.memory_space<vmem>>, vector<1x1x16xf32>,
        %parallel_loop3A_716 = vector.shape_cast %parallel_loop3A_715 : vector<1x1x16xf32> to vector<16xf32>
        %parallel_loop3A_717 = arith.subf %parallel_loop3A_710, %parallel_loop3A_716 : vector<16xf32>
        %parallel_loop3A_718 = arith.mulf %parallel_loop3A_717, %parallel_loop3A_717 : vector<16xf32>
        %parallel_loop3A_719 = arith.addf %parallel_loop3A_704, %parallel_loop3A_718 : vector<16xf32>
        %parallel_loop3A_720 = arith.constant 24 : i32
        %parallel_loop3A_721 = arith.index_cast %parallel_loop3A_171 : i32 to index
        %parallel_loop3A_722 = arith.index_cast %parallel_loop3A_720 : i32 to index
        %parallel_loop3A_723 = arith.index_cast %parallel_loop3A_189 : i32 to index
        %parallel_loop3A_724 = tpu.vector_load %arg5[%parallel_loop3A_721, %parallel_loop3A_722, %parallel_loop3A_723] {strides = array<i32>} : memref<7x30x128xf32, #tpu.memory_space<vmem>>, vector<1x1x16xf32>,
        %parallel_loop3A_725 = vector.shape_cast %parallel_loop3A_724 : vector<1x1x16xf32> to vector<16xf32>
        %parallel_loop3A_726 = arith.constant 24 : i32
        %parallel_loop3A_727 = arith.index_cast %parallel_loop3A_171 : i32 to index
        %parallel_loop3A_728 = arith.index_cast %parallel_loop3A_726 : i32 to index
        %parallel_loop3A_729 = arith.index_cast %parallel_loop3A_189 : i32 to index
        %parallel_loop3A_730 = tpu.vector_load %arg7[%parallel_loop3A_727, %parallel_loop3A_728, %parallel_loop3A_729] {strides = array<i32>} : memref<7x30x128xf32, #tpu.memory_space<vmem>>, vector<1x1x16xf32>,
        %parallel_loop3A_731 = vector.shape_cast %parallel_loop3A_730 : vector<1x1x16xf32> to vector<16xf32>
        %parallel_loop3A_732 = arith.subf %parallel_loop3A_725, %parallel_loop3A_731 : vector<16xf32>
        %parallel_loop3A_733 = arith.mulf %parallel_loop3A_732, %parallel_loop3A_732 : vector<16xf32>
        %parallel_loop3A_734 = arith.addf %parallel_loop3A_719, %parallel_loop3A_733 : vector<16xf32>
        %parallel_loop3A_735 = arith.constant 25 : i32
        %parallel_loop3A_736 = arith.index_cast %parallel_loop3A_171 : i32 to index
        %parallel_loop3A_737 = arith.index_cast %parallel_loop3A_735 : i32 to index
        %parallel_loop3A_738 = arith.index_cast %parallel_loop3A_189 : i32 to index
        %parallel_loop3A_739 = tpu.vector_load %arg5[%parallel_loop3A_736, %parallel_loop3A_737, %parallel_loop3A_738] {strides = array<i32>} : memref<7x30x128xf32, #tpu.memory_space<vmem>>, vector<1x1x16xf32>,
        %parallel_loop3A_740 = vector.shape_cast %parallel_loop3A_739 : vector<1x1x16xf32> to vector<16xf32>
        %parallel_loop3A_741 = arith.constant 25 : i32
        %parallel_loop3A_742 = arith.index_cast %parallel_loop3A_171 : i32 to index
        %parallel_loop3A_743 = arith.index_cast %parallel_loop3A_741 : i32 to index
        %parallel_loop3A_744 = arith.index_cast %parallel_loop3A_189 : i32 to index
        %parallel_loop3A_745 = tpu.vector_load %arg7[%parallel_loop3A_742, %parallel_loop3A_743, %parallel_loop3A_744] {strides = array<i32>} : memref<7x30x128xf32, #tpu.memory_space<vmem>>, vector<1x1x16xf32>,
        %parallel_loop3A_746 = vector.shape_cast %parallel_loop3A_745 : vector<1x1x16xf32> to vector<16xf32>
        %parallel_loop3A_747 = arith.subf %parallel_loop3A_740, %parallel_loop3A_746 : vector<16xf32>
        %parallel_loop3A_748 = arith.mulf %parallel_loop3A_747, %parallel_loop3A_747 : vector<16xf32>
        %parallel_loop3A_749 = arith.addf %parallel_loop3A_734, %parallel_loop3A_748 : vector<16xf32>
        %parallel_loop3A_750 = arith.constant 26 : i32
        %parallel_loop3A_751 = arith.index_cast %parallel_loop3A_171 : i32 to index
        %parallel_loop3A_752 = arith.index_cast %parallel_loop3A_750 : i32 to index
        %parallel_loop3A_753 = arith.index_cast %parallel_loop3A_189 : i32 to index
        %parallel_loop3A_754 = tpu.vector_load %arg5[%parallel_loop3A_751, %parallel_loop3A_752, %parallel_loop3A_753] {strides = array<i32>} : memref<7x30x128xf32, #tpu.memory_space<vmem>>, vector<1x1x16xf32>,
        %parallel_loop3A_755 = vector.shape_cast %parallel_loop3A_754 : vector<1x1x16xf32> to vector<16xf32>
        %parallel_loop3A_756 = arith.constant 26 : i32
        %parallel_loop3A_757 = arith.index_cast %parallel_loop3A_171 : i32 to index
        %parallel_loop3A_758 = arith.index_cast %parallel_loop3A_756 : i32 to index
        %parallel_loop3A_759 = arith.index_cast %parallel_loop3A_189 : i32 to index
        %parallel_loop3A_760 = tpu.vector_load %arg7[%parallel_loop3A_757, %parallel_loop3A_758, %parallel_loop3A_759] {strides = array<i32>} : memref<7x30x128xf32, #tpu.memory_space<vmem>>, vector<1x1x16xf32>,
        %parallel_loop3A_761 = vector.shape_cast %parallel_loop3A_760 : vector<1x1x16xf32> to vector<16xf32>
        %parallel_loop3A_762 = arith.subf %parallel_loop3A_755, %parallel_loop3A_761 : vector<16xf32>
        %parallel_loop3A_763 = arith.mulf %parallel_loop3A_762, %parallel_loop3A_762 : vector<16xf32>
        %parallel_loop3A_764 = arith.addf %parallel_loop3A_749, %parallel_loop3A_763 : vector<16xf32>
        %parallel_loop3A_765 = arith.constant 27 : i32
        %parallel_loop3A_766 = arith.index_cast %parallel_loop3A_171 : i32 to index
        %parallel_loop3A_767 = arith.index_cast %parallel_loop3A_765 : i32 to index
        %parallel_loop3A_768 = arith.index_cast %parallel_loop3A_189 : i32 to index
        %parallel_loop3A_769 = tpu.vector_load %arg5[%parallel_loop3A_766, %parallel_loop3A_767, %parallel_loop3A_768] {strides = array<i32>} : memref<7x30x128xf32, #tpu.memory_space<vmem>>, vector<1x1x16xf32>,
        %parallel_loop3A_770 = vector.shape_cast %parallel_loop3A_769 : vector<1x1x16xf32> to vector<16xf32>
        %parallel_loop3A_771 = arith.constant 27 : i32
        %parallel_loop3A_772 = arith.index_cast %parallel_loop3A_171 : i32 to index
        %parallel_loop3A_773 = arith.index_cast %parallel_loop3A_771 : i32 to index
        %parallel_loop3A_774 = arith.index_cast %parallel_loop3A_189 : i32 to index
        %parallel_loop3A_775 = tpu.vector_load %arg7[%parallel_loop3A_772, %parallel_loop3A_773, %parallel_loop3A_774] {strides = array<i32>} : memref<7x30x128xf32, #tpu.memory_space<vmem>>, vector<1x1x16xf32>,
        %parallel_loop3A_776 = vector.shape_cast %parallel_loop3A_775 : vector<1x1x16xf32> to vector<16xf32>
        %parallel_loop3A_777 = arith.subf %parallel_loop3A_770, %parallel_loop3A_776 : vector<16xf32>
        %parallel_loop3A_778 = arith.mulf %parallel_loop3A_777, %parallel_loop3A_777 : vector<16xf32>
        %parallel_loop3A_779 = arith.addf %parallel_loop3A_764, %parallel_loop3A_778 : vector<16xf32>
        %parallel_loop3A_780 = arith.constant 28 : i32
        %parallel_loop3A_781 = arith.index_cast %parallel_loop3A_171 : i32 to index
        %parallel_loop3A_782 = arith.index_cast %parallel_loop3A_780 : i32 to index
        %parallel_loop3A_783 = arith.index_cast %parallel_loop3A_189 : i32 to index
        %parallel_loop3A_784 = tpu.vector_load %arg5[%parallel_loop3A_781, %parallel_loop3A_782, %parallel_loop3A_783] {strides = array<i32>} : memref<7x30x128xf32, #tpu.memory_space<vmem>>, vector<1x1x16xf32>,
        %parallel_loop3A_785 = vector.shape_cast %parallel_loop3A_784 : vector<1x1x16xf32> to vector<16xf32>
        %parallel_loop3A_786 = arith.constant 28 : i32
        %parallel_loop3A_787 = arith.index_cast %parallel_loop3A_171 : i32 to index
        %parallel_loop3A_788 = arith.index_cast %parallel_loop3A_786 : i32 to index
        %parallel_loop3A_789 = arith.index_cast %parallel_loop3A_189 : i32 to index
        %parallel_loop3A_790 = tpu.vector_load %arg7[%parallel_loop3A_787, %parallel_loop3A_788, %parallel_loop3A_789] {strides = array<i32>} : memref<7x30x128xf32, #tpu.memory_space<vmem>>, vector<1x1x16xf32>,
        %parallel_loop3A_791 = vector.shape_cast %parallel_loop3A_790 : vector<1x1x16xf32> to vector<16xf32>
        %parallel_loop3A_792 = arith.subf %parallel_loop3A_785, %parallel_loop3A_791 : vector<16xf32>
        %parallel_loop3A_793 = arith.mulf %parallel_loop3A_792, %parallel_loop3A_792 : vector<16xf32>
        %parallel_loop3A_794 = arith.addf %parallel_loop3A_779, %parallel_loop3A_793 : vector<16xf32>
        %parallel_loop3A_795 = arith.constant 29 : i32
        %parallel_loop3A_796 = arith.index_cast %parallel_loop3A_171 : i32 to index
        %parallel_loop3A_797 = arith.index_cast %parallel_loop3A_795 : i32 to index
        %parallel_loop3A_798 = arith.index_cast %parallel_loop3A_189 : i32 to index
        %parallel_loop3A_799 = tpu.vector_load %arg5[%parallel_loop3A_796, %parallel_loop3A_797, %parallel_loop3A_798] {strides = array<i32>} : memref<7x30x128xf32, #tpu.memory_space<vmem>>, vector<1x1x16xf32>,
        %parallel_loop3A_800 = vector.shape_cast %parallel_loop3A_799 : vector<1x1x16xf32> to vector<16xf32>
        %parallel_loop3A_801 = arith.constant 29 : i32
        %parallel_loop3A_802 = arith.index_cast %parallel_loop3A_171 : i32 to index
        %parallel_loop3A_803 = arith.index_cast %parallel_loop3A_801 : i32 to index
        %parallel_loop3A_804 = arith.index_cast %parallel_loop3A_189 : i32 to index
        %parallel_loop3A_805 = tpu.vector_load %arg7[%parallel_loop3A_802, %parallel_loop3A_803, %parallel_loop3A_804] {strides = array<i32>} : memref<7x30x128xf32, #tpu.memory_space<vmem>>, vector<1x1x16xf32>,
        %parallel_loop3A_806 = vector.shape_cast %parallel_loop3A_805 : vector<1x1x16xf32> to vector<16xf32>
        %parallel_loop3A_807 = arith.subf %parallel_loop3A_800, %parallel_loop3A_806 : vector<16xf32>
        %parallel_loop3A_808 = arith.mulf %parallel_loop3A_807, %parallel_loop3A_807 : vector<16xf32>
        %parallel_loop3A_809 = arith.addf %parallel_loop3A_794, %parallel_loop3A_808 : vector<16xf32>
        %parallel_loop3A_810 = arith.addf %parallel_loop3A_438, %parallel_loop3A_505 : vector<16xf32>
        %parallel_loop3A_811 = arith.constant 5.000000e+00 : f32
        %parallel_loop3A_812 = vector.broadcast %parallel_loop3A_811 : f32 to vector<16xf32>
        %parallel_loop3A_813 = arith.mulf %parallel_loop3A_812, %parallel_loop3A_810 : vector<16xf32>
        %parallel_loop3A_814 = arith.addf %parallel_loop3A_813, %parallel_loop3A_507 : vector<16xf32>
        %parallel_loop3A_815 = arith.addf %parallel_loop3A_814, %parallel_loop3A_809 : vector<16xf32>
        %parallel_loop3A_816 = arith.constant 0.000000e+00 : f32
        %parallel_loop3A_817 = vector.broadcast %parallel_loop3A_816 : f32 to vector<16xf32>
        %parallel_loop3A_818 = arith.select %parallel_loop3A_198, %parallel_loop3A_815, %parallel_loop3A_817 : vector<16xi1>, vector<16xf32>
        %parallel_loop3A_819 = arith.addf %parallel_loop3A_147, %parallel_loop3A_818 : vector<16xf32>
        scf.yield %parallel_loop3A_217, %parallel_loop3A_819 : vector<16xf32>, vector<16xf32>
      } {sc.loop_unroll_factor = 1 : i64, sc.parallel_access}
      %add3A_101 = arith.constant 2 : i32
      %add3A_102 = arith.addi %mul3A_80, %add3A_101 : i32
      %dma_start3A_103 = arith.constant 0 : i32
      %dma_start3A_104 = arith.constant 0 : i32
      %dma_start3A_105 = tpu.memref_slice %arg2[%add3A_102, %dma_start3A_103, %dma_start3A_104, %mul3A_2] : memref<7x7x30x4096xf32, #tpu.memory_space<hbm>> -> memref<1x7x30x128xf32, #tpu.memory_space<hbm>>
      %dma_start3A_106 = tpu.memref_squeeze %dma_start3A_105 : memref<1x7x30x128xf32, #tpu.memory_space<hbm>> -> memref<7x30x128xf32, #tpu.memory_space<hbm>>
      %dma_start3A_107 = arith.constant 0 : i32
      %dma_start3A_108 = arith.constant 0 : i32
      %dma_start3A_109 = tpu.memref_slice %arg2[%add3A_102, %dma_start3A_107, %dma_start3A_108, %mul3A_2] : memref<7x7x30x4096xf32, #tpu.memory_space<hbm>> -> memref<1x7x30x128xf32, #tpu.memory_space<hbm>>
      %dma_start3A_110 = tpu.memref_squeeze %dma_start3A_109 : memref<1x7x30x128xf32, #tpu.memory_space<hbm>> -> memref<7x30x128xf32, #tpu.memory_space<hbm>>
      tpu.enqueue_dma source(%dma_start3A_110 : memref<7x30x128xf32, #tpu.memory_space<hbm>>) target(%arg5 : memref<7x30x128xf32, #tpu.memory_space<vmem>>) target_semaphore(%arg10 : memref<!tpu.dma_semaphore, #tpu.memory_space<semaphore_mem>>)
      %dma_start3A_111 = arith.constant 0 : i32
      %dma_start3A_112 = arith.constant 0 : i32
      %dma_start3A_113 = tpu.memref_slice %arg3[%add3A_102, %dma_start3A_111, %dma_start3A_112, %mul3A_2] : memref<7x7x30x4096xf32, #tpu.memory_space<hbm>> -> memref<1x7x30x128xf32, #tpu.memory_space<hbm>>
      %dma_start3A_114 = tpu.memref_squeeze %dma_start3A_113 : memref<1x7x30x128xf32, #tpu.memory_space<hbm>> -> memref<7x30x128xf32, #tpu.memory_space<hbm>>
      %dma_start3A_115 = arith.constant 0 : i32
      %dma_start3A_116 = arith.constant 0 : i32
      %dma_start3A_117 = tpu.memref_slice %arg3[%add3A_102, %dma_start3A_115, %dma_start3A_116, %mul3A_2] : memref<7x7x30x4096xf32, #tpu.memory_space<hbm>> -> memref<1x7x30x128xf32, #tpu.memory_space<hbm>>
      %dma_start3A_118 = tpu.memref_squeeze %dma_start3A_117 : memref<1x7x30x128xf32, #tpu.memory_space<hbm>> -> memref<7x30x128xf32, #tpu.memory_space<hbm>>
      tpu.enqueue_dma source(%dma_start3A_118 : memref<7x30x128xf32, #tpu.memory_space<hbm>>) target(%arg7 : memref<7x30x128xf32, #tpu.memory_space<vmem>>) target_semaphore(%arg12 : memref<!tpu.dma_semaphore, #tpu.memory_space<semaphore_mem>>)
      %add3A_119 = arith.constant 1 : i32
      %add3A_120 = arith.addi %mul3A_80, %add3A_119 : i32
      %dma_wait3A_121 = arith.constant 0 : i32
      %dma_wait3A_122 = arith.constant 0 : i32
      %dma_wait3A_123 = tpu.memref_slice %arg2[%add3A_120, %dma_wait3A_121, %dma_wait3A_122, %mul3A_2] : memref<7x7x30x4096xf32, #tpu.memory_space<hbm>> -> memref<1x7x30x128xf32, #tpu.memory_space<hbm>>
      %dma_wait3A_124 = tpu.memref_squeeze %dma_wait3A_123 : memref<1x7x30x128xf32, #tpu.memory_space<hbm>> -> memref<7x30x128xf32, #tpu.memory_space<hbm>>
      %dma_wait3A_125 = arith.constant 0 : i32
      %dma_wait3A_126 = arith.constant 0 : i32
      %dma_wait3A_127 = tpu.memref_slice %arg2[%add3A_120, %dma_wait3A_125, %dma_wait3A_126, %mul3A_2] : memref<7x7x30x4096xf32, #tpu.memory_space<hbm>> -> memref<1x7x30x128xf32, #tpu.memory_space<hbm>>
      %dma_wait3A_128 = tpu.memref_squeeze %dma_wait3A_127 : memref<1x7x30x128xf32, #tpu.memory_space<hbm>> -> memref<7x30x128xf32, #tpu.memory_space<hbm>>
      tpu.wait_dma2 semaphore(%arg11 : memref<!tpu.dma_semaphore, #tpu.memory_space<semaphore_mem>>) src(%dma_wait3A_128 : memref<7x30x128xf32, #tpu.memory_space<hbm>>) dst(%arg6 : memref<7x30x128xf32, #tpu.memory_space<vmem>>)
      %dma_wait3A_129 = arith.constant 0 : i32
      %dma_wait3A_130 = arith.constant 0 : i32
      %dma_wait3A_131 = tpu.memref_slice %arg3[%add3A_120, %dma_wait3A_129, %dma_wait3A_130, %mul3A_2] : memref<7x7x30x4096xf32, #tpu.memory_space<hbm>> -> memref<1x7x30x128xf32, #tpu.memory_space<hbm>>
      %dma_wait3A_132 = tpu.memref_squeeze %dma_wait3A_131 : memref<1x7x30x128xf32, #tpu.memory_space<hbm>> -> memref<7x30x128xf32, #tpu.memory_space<hbm>>
      %dma_wait3A_133 = arith.constant 0 : i32
      %dma_wait3A_134 = arith.constant 0 : i32
      %dma_wait3A_135 = tpu.memref_slice %arg3[%add3A_120, %dma_wait3A_133, %dma_wait3A_134, %mul3A_2] : memref<7x7x30x4096xf32, #tpu.memory_space<hbm>> -> memref<1x7x30x128xf32, #tpu.memory_space<hbm>>
      %dma_wait3A_136 = tpu.memref_squeeze %dma_wait3A_135 : memref<1x7x30x128xf32, #tpu.memory_space<hbm>> -> memref<7x30x128xf32, #tpu.memory_space<hbm>>
      tpu.wait_dma2 semaphore(%arg13 : memref<!tpu.dma_semaphore, #tpu.memory_space<semaphore_mem>>) src(%dma_wait3A_136 : memref<7x30x128xf32, #tpu.memory_space<hbm>>) dst(%arg8 : memref<7x30x128xf32, #tpu.memory_space<vmem>>)
      %parallel_loop3A_137 = arith.constant 0 : i32
      %parallel_loop3A_138 = arith.constant 56 : i32
      %parallel_loop3A_139 = arith.constant 1 : i32
      %parallel_loop3A_140:2 = scf.for %parallel_loop3A_145 = %parallel_loop3A_137 to %parallel_loop3A_138 step %parallel_loop3A_139 iter_args(%parallel_loop3A_146 = %parallel_loop3A_100#0, %parallel_loop3A_147 = %parallel_loop3A_100#1) -> (vector<16xf32>, vector<16xf32>)  : i32 {
        %parallel_loop3A_148 = arith.constant 8 : i32
        %parallel_loop3A_149 = arith.divsi %parallel_loop3A_145, %parallel_loop3A_148 : i32
        %parallel_loop3A_150 = arith.constant 0 : i32
        %parallel_loop3A_151 = arith.cmpi sgt, %parallel_loop3A_145, %parallel_loop3A_150 : i32
        %parallel_loop3A_152 = arith.extui %parallel_loop3A_151 : i1 to i32
        %parallel_loop3A_153 = arith.constant 0 : i32
        %parallel_loop3A_154 = arith.cmpi slt, %parallel_loop3A_145, %parallel_loop3A_153 : i32
        %parallel_loop3A_155 = arith.extui %parallel_loop3A_154 : i1 to i32
        %parallel_loop3A_156 = arith.subi %parallel_loop3A_152, %parallel_loop3A_155 : i32
        %parallel_loop3A_157 = arith.constant 0 : i32
        %parallel_loop3A_158 = arith.cmpi sgt, %parallel_loop3A_148, %parallel_loop3A_157 : i32
        %parallel_loop3A_159 = arith.extui %parallel_loop3A_158 : i1 to i32
        %parallel_loop3A_160 = arith.constant 0 : i32
        %parallel_loop3A_161 = arith.cmpi slt, %parallel_loop3A_148, %parallel_loop3A_160 : i32
        %parallel_loop3A_162 = arith.extui %parallel_loop3A_161 : i1 to i32
        %parallel_loop3A_163 = arith.subi %parallel_loop3A_159, %parallel_loop3A_162 : i32
        %parallel_loop3A_164 = arith.cmpi ne, %parallel_loop3A_156, %parallel_loop3A_163 : i32
        %parallel_loop3A_165 = arith.remsi %parallel_loop3A_145, %parallel_loop3A_148 : i32
        %parallel_loop3A_166 = arith.constant 0 : i32
        %parallel_loop3A_167 = arith.cmpi ne, %parallel_loop3A_165, %parallel_loop3A_166 : i32
        %parallel_loop3A_168 = arith.andi %parallel_loop3A_164, %parallel_loop3A_167 : i1
        %parallel_loop3A_169 = arith.constant 1 : i32
        %parallel_loop3A_170 = arith.subi %parallel_loop3A_149, %parallel_loop3A_169 : i32
        %parallel_loop3A_171 = arith.select %parallel_loop3A_168, %parallel_loop3A_170, %parallel_loop3A_149 : i32
        %parallel_loop3A_172 = arith.constant 8 : i32
        %parallel_loop3A_173 = arith.constant 0 : i32
        %parallel_loop3A_174 = arith.cmpi eq, %parallel_loop3A_172, %parallel_loop3A_173 : i32
        %parallel_loop3A_175 = arith.constant 1 : i32
        %parallel_loop3A_176 = arith.select %parallel_loop3A_174, %parallel_loop3A_175, %parallel_loop3A_172 : i32
        %parallel_loop3A_177 = arith.remsi %parallel_loop3A_145, %parallel_loop3A_176 : i32
        %parallel_loop3A_178 = arith.constant 0 : i32
        %parallel_loop3A_179 = arith.cmpi ne, %parallel_loop3A_177, %parallel_loop3A_178 : i32
        %parallel_loop3A_180 = arith.constant 0 : i32
        %parallel_loop3A_181 = arith.cmpi slt, %parallel_loop3A_177, %parallel_loop3A_180 : i32
        %parallel_loop3A_182 = arith.constant 0 : i32
        %parallel_loop3A_183 = arith.cmpi slt, %parallel_loop3A_176, %parallel_loop3A_182 : i32
        %parallel_loop3A_184 = arith.xori %parallel_loop3A_181, %parallel_loop3A_183 : i1
        %parallel_loop3A_185 = arith.andi %parallel_loop3A_184, %parallel_loop3A_179 : i1
        %parallel_loop3A_186 = arith.addi %parallel_loop3A_177, %parallel_loop3A_176 : i32
        %parallel_loop3A_187 = arith.select %parallel_loop3A_185, %parallel_loop3A_186, %parallel_loop3A_177 : i32
        %parallel_loop3A_188 = arith.constant 16 : i32
        %parallel_loop3A_189 = arith.muli %parallel_loop3A_187, %parallel_loop3A_188 : i32
        %parallel_loop3A_190 = arith.constant 4 : i32
        %parallel_loop3A_191 = arith.index_cast %parallel_loop3A_171 : i32 to index
        %parallel_loop3A_192 = arith.index_cast %parallel_loop3A_190 : i32 to index
        %parallel_loop3A_193 = arith.index_cast %parallel_loop3A_189 : i32 to index
        %parallel_loop3A_194 = tpu.vector_load %arg8[%parallel_loop3A_191, %parallel_loop3A_192, %parallel_loop3A_193] {strides = array<i32>} : memref<7x30x128xf32, #tpu.memory_space<vmem>>, vector<1x1x16xf32>,
        %parallel_loop3A_195 = vector.shape_cast %parallel_loop3A_194 : vector<1x1x16xf32> to vector<16xf32>
        %parallel_loop3A_196 = arith.constant 0.000000e+00 : f32
        %parallel_loop3A_197 = vector.broadcast %parallel_loop3A_196 : f32 to vector<16xf32>
        %parallel_loop3A_198 = arith.cmpf ogt, %parallel_loop3A_195, %parallel_loop3A_197 : vector<16xf32>
        %parallel_loop3A_199 = arith.constant 4 : i32
        %parallel_loop3A_200 = arith.index_cast %parallel_loop3A_171 : i32 to index
        %parallel_loop3A_201 = arith.index_cast %parallel_loop3A_199 : i32 to index
        %parallel_loop3A_202 = arith.index_cast %parallel_loop3A_189 : i32 to index
        %parallel_loop3A_203 = tpu.vector_load %arg6[%parallel_loop3A_200, %parallel_loop3A_201, %parallel_loop3A_202] {strides = array<i32>} : memref<7x30x128xf32, #tpu.memory_space<vmem>>, vector<1x1x16xf32>,
        %parallel_loop3A_204 = vector.shape_cast %parallel_loop3A_203 : vector<1x1x16xf32> to vector<16xf32>
        %parallel_loop3A_205 = arith.constant 9 : i32
        %parallel_loop3A_206 = arith.index_cast %parallel_loop3A_171 : i32 to index
        %parallel_loop3A_207 = arith.index_cast %parallel_loop3A_205 : i32 to index
        %parallel_loop3A_208 = arith.index_cast %parallel_loop3A_189 : i32 to index
        %parallel_loop3A_209 = tpu.vector_load %arg6[%parallel_loop3A_206, %parallel_loop3A_207, %parallel_loop3A_208] {strides = array<i32>} : memref<7x30x128xf32, #tpu.memory_space<vmem>>, vector<1x1x16xf32>,
        %parallel_loop3A_210 = vector.shape_cast %parallel_loop3A_209 : vector<1x1x16xf32> to vector<16xf32>
        %parallel_loop3A_211 = arith.mulf %parallel_loop3A_204, %parallel_loop3A_204 : vector<16xf32>
        %parallel_loop3A_212 = arith.mulf %parallel_loop3A_210, %parallel_loop3A_210 : vector<16xf32>
        %parallel_loop3A_213 = arith.addf %parallel_loop3A_211, %parallel_loop3A_212 : vector<16xf32>
        %parallel_loop3A_214 = arith.constant 0.000000e+00 : f32
        %parallel_loop3A_215 = vector.broadcast %parallel_loop3A_214 : f32 to vector<16xf32>
        %parallel_loop3A_216 = arith.select %parallel_loop3A_198, %parallel_loop3A_215, %parallel_loop3A_213 : vector<16xi1>, vector<16xf32>
        %parallel_loop3A_217 = arith.addf %parallel_loop3A_146, %parallel_loop3A_216 : vector<16xf32>
        %parallel_loop3A_218 = arith.constant 0 : i32
        %parallel_loop3A_219 = arith.index_cast %parallel_loop3A_171 : i32 to index
        %parallel_loop3A_220 = arith.index_cast %parallel_loop3A_218 : i32 to index
        %parallel_loop3A_221 = arith.index_cast %parallel_loop3A_189 : i32 to index
        %parallel_loop3A_222 = tpu.vector_load %arg8[%parallel_loop3A_219, %parallel_loop3A_220, %parallel_loop3A_221] {strides = array<i32>} : memref<7x30x128xf32, #tpu.memory_space<vmem>>, vector<1x1x16xf32>,
        %parallel_loop3A_223 = vector.shape_cast %parallel_loop3A_222 : vector<1x1x16xf32> to vector<16xf32>
        %parallel_loop3A_224 = arith.constant 1 : i32
        %parallel_loop3A_225 = arith.index_cast %parallel_loop3A_171 : i32 to index
        %parallel_loop3A_226 = arith.index_cast %parallel_loop3A_224 : i32 to index
        %parallel_loop3A_227 = arith.index_cast %parallel_loop3A_189 : i32 to index
        %parallel_loop3A_228 = tpu.vector_load %arg8[%parallel_loop3A_225, %parallel_loop3A_226, %parallel_loop3A_227] {strides = array<i32>} : memref<7x30x128xf32, #tpu.memory_space<vmem>>, vector<1x1x16xf32>,
        %parallel_loop3A_229 = vector.shape_cast %parallel_loop3A_228 : vector<1x1x16xf32> to vector<16xf32>
        %parallel_loop3A_230 = arith.constant 2 : i32
        %parallel_loop3A_231 = arith.index_cast %parallel_loop3A_171 : i32 to index
        %parallel_loop3A_232 = arith.index_cast %parallel_loop3A_230 : i32 to index
        %parallel_loop3A_233 = arith.index_cast %parallel_loop3A_189 : i32 to index
        %parallel_loop3A_234 = tpu.vector_load %arg8[%parallel_loop3A_231, %parallel_loop3A_232, %parallel_loop3A_233] {strides = array<i32>} : memref<7x30x128xf32, #tpu.memory_space<vmem>>, vector<1x1x16xf32>,
        %parallel_loop3A_235 = vector.shape_cast %parallel_loop3A_234 : vector<1x1x16xf32> to vector<16xf32>
        %parallel_loop3A_236 = arith.constant 3 : i32
        %parallel_loop3A_237 = arith.index_cast %parallel_loop3A_171 : i32 to index
        %parallel_loop3A_238 = arith.index_cast %parallel_loop3A_236 : i32 to index
        %parallel_loop3A_239 = arith.index_cast %parallel_loop3A_189 : i32 to index
        %parallel_loop3A_240 = tpu.vector_load %arg8[%parallel_loop3A_237, %parallel_loop3A_238, %parallel_loop3A_239] {strides = array<i32>} : memref<7x30x128xf32, #tpu.memory_space<vmem>>, vector<1x1x16xf32>,
        %parallel_loop3A_241 = vector.shape_cast %parallel_loop3A_240 : vector<1x1x16xf32> to vector<16xf32>
        %parallel_loop3A_242 = arith.constant 7.000000e+00 : f32
        %parallel_loop3A_243 = vector.broadcast %parallel_loop3A_242 : f32 to vector<16xf32>
        %parallel_loop3A_244 = arith.divf %parallel_loop3A_223, %parallel_loop3A_243 : vector<16xf32>
        %parallel_loop3A_245 = arith.constant 7.000000e+00 : f32
        %parallel_loop3A_246 = vector.broadcast %parallel_loop3A_245 : f32 to vector<16xf32>
        %parallel_loop3A_247 = arith.divf %parallel_loop3A_229, %parallel_loop3A_246 : vector<16xf32>
        %parallel_loop3A_248 = arith.constant 5.000000e-01 : f32
        %parallel_loop3A_249 = vector.broadcast %parallel_loop3A_248 : f32 to vector<16xf32>
        %parallel_loop3A_250 = arith.mulf %parallel_loop3A_249, %parallel_loop3A_235 : vector<16xf32>
        %parallel_loop3A_251 = arith.subf %parallel_loop3A_244, %parallel_loop3A_250 : vector<16xf32>
        %parallel_loop3A_252 = arith.constant 5.000000e-01 : f32
        %parallel_loop3A_253 = vector.broadcast %parallel_loop3A_252 : f32 to vector<16xf32>
        %parallel_loop3A_254 = arith.mulf %parallel_loop3A_253, %parallel_loop3A_241 : vector<16xf32>
        %parallel_loop3A_255 = arith.subf %parallel_loop3A_247, %parallel_loop3A_254 : vector<16xf32>
        %parallel_loop3A_256 = arith.constant 5.000000e-01 : f32
        %parallel_loop3A_257 = vector.broadcast %parallel_loop3A_256 : f32 to vector<16xf32>
        %parallel_loop3A_258 = arith.mulf %parallel_loop3A_257, %parallel_loop3A_235 : vector<16xf32>
        %parallel_loop3A_259 = arith.addf %parallel_loop3A_244, %parallel_loop3A_258 : vector<16xf32>
        %parallel_loop3A_260 = arith.constant 5.000000e-01 : f32
        %parallel_loop3A_261 = vector.broadcast %parallel_loop3A_260 : f32 to vector<16xf32>
        %parallel_loop3A_262 = arith.mulf %parallel_loop3A_261, %parallel_loop3A_241 : vector<16xf32>
        %parallel_loop3A_263 = arith.addf %parallel_loop3A_247, %parallel_loop3A_262 : vector<16xf32>
        %parallel_loop3A_264 = arith.subf %parallel_loop3A_259, %parallel_loop3A_251 : vector<16xf32>
        %parallel_loop3A_265 = arith.subf %parallel_loop3A_263, %parallel_loop3A_255 : vector<16xf32>
        %parallel_loop3A_266 = arith.mulf %parallel_loop3A_264, %parallel_loop3A_265 : vector<16xf32>
        %parallel_loop3A_267 = arith.constant 0 : i32
        %parallel_loop3A_268 = arith.index_cast %parallel_loop3A_171 : i32 to index
        %parallel_loop3A_269 = arith.index_cast %parallel_loop3A_267 : i32 to index
        %parallel_loop3A_270 = arith.index_cast %parallel_loop3A_189 : i32 to index
        %parallel_loop3A_271 = tpu.vector_load %arg6[%parallel_loop3A_268, %parallel_loop3A_269, %parallel_loop3A_270] {strides = array<i32>} : memref<7x30x128xf32, #tpu.memory_space<vmem>>, vector<1x1x16xf32>,
        %parallel_loop3A_272 = vector.shape_cast %parallel_loop3A_271 : vector<1x1x16xf32> to vector<16xf32>
        %parallel_loop3A_273 = arith.constant 1 : i32
        %parallel_loop3A_274 = arith.index_cast %parallel_loop3A_171 : i32 to index
        %parallel_loop3A_275 = arith.index_cast %parallel_loop3A_273 : i32 to index
        %parallel_loop3A_276 = arith.index_cast %parallel_loop3A_189 : i32 to index
        %parallel_loop3A_277 = tpu.vector_load %arg6[%parallel_loop3A_274, %parallel_loop3A_275, %parallel_loop3A_276] {strides = array<i32>} : memref<7x30x128xf32, #tpu.memory_space<vmem>>, vector<1x1x16xf32>,
        %parallel_loop3A_278 = vector.shape_cast %parallel_loop3A_277 : vector<1x1x16xf32> to vector<16xf32>
        %parallel_loop3A_279 = arith.constant 2 : i32
        %parallel_loop3A_280 = arith.index_cast %parallel_loop3A_171 : i32 to index
        %parallel_loop3A_281 = arith.index_cast %parallel_loop3A_279 : i32 to index
        %parallel_loop3A_282 = arith.index_cast %parallel_loop3A_189 : i32 to index
        %parallel_loop3A_283 = tpu.vector_load %arg6[%parallel_loop3A_280, %parallel_loop3A_281, %parallel_loop3A_282] {strides = array<i32>} : memref<7x30x128xf32, #tpu.memory_space<vmem>>, vector<1x1x16xf32>,
        %parallel_loop3A_284 = vector.shape_cast %parallel_loop3A_283 : vector<1x1x16xf32> to vector<16xf32>
        %parallel_loop3A_285 = arith.constant 3 : i32
        %parallel_loop3A_286 = arith.index_cast %parallel_loop3A_171 : i32 to index
        %parallel_loop3A_287 = arith.index_cast %parallel_loop3A_285 : i32 to index
        %parallel_loop3A_288 = arith.index_cast %parallel_loop3A_189 : i32 to index
        %parallel_loop3A_289 = tpu.vector_load %arg6[%parallel_loop3A_286, %parallel_loop3A_287, %parallel_loop3A_288] {strides = array<i32>} : memref<7x30x128xf32, #tpu.memory_space<vmem>>, vector<1x1x16xf32>,
        %parallel_loop3A_290 = vector.shape_cast %parallel_loop3A_289 : vector<1x1x16xf32> to vector<16xf32>
        %parallel_loop3A_291 = arith.constant 5 : i32
        %parallel_loop3A_292 = arith.index_cast %parallel_loop3A_171 : i32 to index
        %parallel_loop3A_293 = arith.index_cast %parallel_loop3A_291 : i32 to index
        %parallel_loop3A_294 = arith.index_cast %parallel_loop3A_189 : i32 to index
        %parallel_loop3A_295 = tpu.vector_load %arg6[%parallel_loop3A_292, %parallel_loop3A_293, %parallel_loop3A_294] {strides = array<i32>} : memref<7x30x128xf32, #tpu.memory_space<vmem>>, vector<1x1x16xf32>,
        %parallel_loop3A_296 = vector.shape_cast %parallel_loop3A_295 : vector<1x1x16xf32> to vector<16xf32>
        %parallel_loop3A_297 = arith.constant 6 : i32
        %parallel_loop3A_298 = arith.index_cast %parallel_loop3A_171 : i32 to index
        %parallel_loop3A_299 = arith.index_cast %parallel_loop3A_297 : i32 to index
        %parallel_loop3A_300 = arith.index_cast %parallel_loop3A_189 : i32 to index
        %parallel_loop3A_301 = tpu.vector_load %arg6[%parallel_loop3A_298, %parallel_loop3A_299, %parallel_loop3A_300] {strides = array<i32>} : memref<7x30x128xf32, #tpu.memory_space<vmem>>, vector<1x1x16xf32>,
        %parallel_loop3A_302 = vector.shape_cast %parallel_loop3A_301 : vector<1x1x16xf32> to vector<16xf32>
        %parallel_loop3A_303 = arith.constant 7 : i32
        %parallel_loop3A_304 = arith.index_cast %parallel_loop3A_171 : i32 to index
        %parallel_loop3A_305 = arith.index_cast %parallel_loop3A_303 : i32 to index
        %parallel_loop3A_306 = arith.index_cast %parallel_loop3A_189 : i32 to index
        %parallel_loop3A_307 = tpu.vector_load %arg6[%parallel_loop3A_304, %parallel_loop3A_305, %parallel_loop3A_306] {strides = array<i32>} : memref<7x30x128xf32, #tpu.memory_space<vmem>>, vector<1x1x16xf32>,
        %parallel_loop3A_308 = vector.shape_cast %parallel_loop3A_307 : vector<1x1x16xf32> to vector<16xf32>
        %parallel_loop3A_309 = arith.constant 8 : i32
        %parallel_loop3A_310 = arith.index_cast %parallel_loop3A_171 : i32 to index
        %parallel_loop3A_311 = arith.index_cast %parallel_loop3A_309 : i32 to index
        %parallel_loop3A_312 = arith.index_cast %parallel_loop3A_189 : i32 to index
        %parallel_loop3A_313 = tpu.vector_load %arg6[%parallel_loop3A_310, %parallel_loop3A_311, %parallel_loop3A_312] {strides = array<i32>} : memref<7x30x128xf32, #tpu.memory_space<vmem>>, vector<1x1x16xf32>,
        %parallel_loop3A_314 = vector.shape_cast %parallel_loop3A_313 : vector<1x1x16xf32> to vector<16xf32>
        %parallel_loop3A_315 = arith.constant 7.000000e+00 : f32
        %parallel_loop3A_316 = vector.broadcast %parallel_loop3A_315 : f32 to vector<16xf32>
        %parallel_loop3A_317 = arith.divf %parallel_loop3A_272, %parallel_loop3A_316 : vector<16xf32>
        %parallel_loop3A_318 = arith.constant 7.000000e+00 : f32
        %parallel_loop3A_319 = vector.broadcast %parallel_loop3A_318 : f32 to vector<16xf32>
        %parallel_loop3A_320 = arith.divf %parallel_loop3A_278, %parallel_loop3A_319 : vector<16xf32>
        %parallel_loop3A_321 = arith.constant 5.000000e-01 : f32
        %parallel_loop3A_322 = vector.broadcast %parallel_loop3A_321 : f32 to vector<16xf32>
        %parallel_loop3A_323 = arith.mulf %parallel_loop3A_322, %parallel_loop3A_284 : vector<16xf32>
        %parallel_loop3A_324 = arith.subf %parallel_loop3A_317, %parallel_loop3A_323 : vector<16xf32>
        %parallel_loop3A_325 = arith.constant 5.000000e-01 : f32
        %parallel_loop3A_326 = vector.broadcast %parallel_loop3A_325 : f32 to vector<16xf32>
        %parallel_loop3A_327 = arith.mulf %parallel_loop3A_326, %parallel_loop3A_290 : vector<16xf32>
        %parallel_loop3A_328 = arith.subf %parallel_loop3A_320, %parallel_loop3A_327 : vector<16xf32>
        %parallel_loop3A_329 = arith.constant 5.000000e-01 : f32
        %parallel_loop3A_330 = vector.broadcast %parallel_loop3A_329 : f32 to vector<16xf32>
        %parallel_loop3A_331 = arith.mulf %parallel_loop3A_330, %parallel_loop3A_284 : vector<16xf32>
        %parallel_loop3A_332 = arith.addf %parallel_loop3A_317, %parallel_loop3A_331 : vector<16xf32>
        %parallel_loop3A_333 = arith.constant 5.000000e-01 : f32
        %parallel_loop3A_334 = vector.broadcast %parallel_loop3A_333 : f32 to vector<16xf32>
        %parallel_loop3A_335 = arith.mulf %parallel_loop3A_334, %parallel_loop3A_290 : vector<16xf32>
        %parallel_loop3A_336 = arith.addf %parallel_loop3A_320, %parallel_loop3A_335 : vector<16xf32>
        %parallel_loop3A_337 = arith.minimumf %parallel_loop3A_332, %parallel_loop3A_259 : vector<16xf32>
        %parallel_loop3A_338 = arith.maximumf %parallel_loop3A_324, %parallel_loop3A_251 : vector<16xf32>
        %parallel_loop3A_339 = arith.subf %parallel_loop3A_337, %parallel_loop3A_338 : vector<16xf32>
        %parallel_loop3A_340 = arith.constant 0.000000e+00 : f32
        %parallel_loop3A_341 = vector.broadcast %parallel_loop3A_340 : f32 to vector<16xf32>
        %parallel_loop3A_342 = arith.maximumf %parallel_loop3A_339, %parallel_loop3A_341 : vector<16xf32>
        %parallel_loop3A_343 = arith.minimumf %parallel_loop3A_336, %parallel_loop3A_263 : vector<16xf32>
        %parallel_loop3A_344 = arith.maximumf %parallel_loop3A_328, %parallel_loop3A_255 : vector<16xf32>
        %parallel_loop3A_345 = arith.subf %parallel_loop3A_343, %parallel_loop3A_344 : vector<16xf32>
        %parallel_loop3A_346 = arith.constant 0.000000e+00 : f32
        %parallel_loop3A_347 = vector.broadcast %parallel_loop3A_346 : f32 to vector<16xf32>
        %parallel_loop3A_348 = arith.maximumf %parallel_loop3A_345, %parallel_loop3A_347 : vector<16xf32>
        %parallel_loop3A_349 = arith.mulf %parallel_loop3A_342, %parallel_loop3A_348 : vector<16xf32>
        %parallel_loop3A_350 = arith.subf %parallel_loop3A_332, %parallel_loop3A_324 : vector<16xf32>
        %parallel_loop3A_351 = arith.subf %parallel_loop3A_336, %parallel_loop3A_328 : vector<16xf32>
        %parallel_loop3A_352 = arith.mulf %parallel_loop3A_350, %parallel_loop3A_351 : vector<16xf32>
        %parallel_loop3A_353 = arith.addf %parallel_loop3A_352, %parallel_loop3A_266 : vector<16xf32>
        %parallel_loop3A_354 = arith.subf %parallel_loop3A_353, %parallel_loop3A_349 : vector<16xf32>
        %parallel_loop3A_355 = arith.constant 7.000000e+00 : f32
        %parallel_loop3A_356 = vector.broadcast %parallel_loop3A_355 : f32 to vector<16xf32>
        %parallel_loop3A_357 = arith.divf %parallel_loop3A_296, %parallel_loop3A_356 : vector<16xf32>
        %parallel_loop3A_358 = arith.constant 7.000000e+00 : f32
        %parallel_loop3A_359 = vector.broadcast %parallel_loop3A_358 : f32 to vector<16xf32>
        %parallel_loop3A_360 = arith.divf %parallel_loop3A_302, %parallel_loop3A_359 : vector<16xf32>
        %parallel_loop3A_361 = arith.constant 5.000000e-01 : f32
        %parallel_loop3A_362 = vector.broadcast %parallel_loop3A_361 : f32 to vector<16xf32>
        %parallel_loop3A_363 = arith.mulf %parallel_loop3A_362, %parallel_loop3A_308 : vector<16xf32>
        %parallel_loop3A_364 = arith.subf %parallel_loop3A_357, %parallel_loop3A_363 : vector<16xf32>
        %parallel_loop3A_365 = arith.constant 5.000000e-01 : f32
        %parallel_loop3A_366 = vector.broadcast %parallel_loop3A_365 : f32 to vector<16xf32>
        %parallel_loop3A_367 = arith.mulf %parallel_loop3A_366, %parallel_loop3A_314 : vector<16xf32>
        %parallel_loop3A_368 = arith.subf %parallel_loop3A_360, %parallel_loop3A_367 : vector<16xf32>
        %parallel_loop3A_369 = arith.constant 5.000000e-01 : f32
        %parallel_loop3A_370 = vector.broadcast %parallel_loop3A_369 : f32 to vector<16xf32>
        %parallel_loop3A_371 = arith.mulf %parallel_loop3A_370, %parallel_loop3A_308 : vector<16xf32>
        %parallel_loop3A_372 = arith.addf %parallel_loop3A_357, %parallel_loop3A_371 : vector<16xf32>
        %parallel_loop3A_373 = arith.constant 5.000000e-01 : f32
        %parallel_loop3A_374 = vector.broadcast %parallel_loop3A_373 : f32 to vector<16xf32>
        %parallel_loop3A_375 = arith.mulf %parallel_loop3A_374, %parallel_loop3A_314 : vector<16xf32>
        %parallel_loop3A_376 = arith.addf %parallel_loop3A_360, %parallel_loop3A_375 : vector<16xf32>
        %parallel_loop3A_377 = arith.minimumf %parallel_loop3A_372, %parallel_loop3A_259 : vector<16xf32>
        %parallel_loop3A_378 = arith.maximumf %parallel_loop3A_364, %parallel_loop3A_251 : vector<16xf32>
        %parallel_loop3A_379 = arith.subf %parallel_loop3A_377, %parallel_loop3A_378 : vector<16xf32>
        %parallel_loop3A_380 = arith.constant 0.000000e+00 : f32
        %parallel_loop3A_381 = vector.broadcast %parallel_loop3A_380 : f32 to vector<16xf32>
        %parallel_loop3A_382 = arith.maximumf %parallel_loop3A_379, %parallel_loop3A_381 : vector<16xf32>
        %parallel_loop3A_383 = arith.minimumf %parallel_loop3A_376, %parallel_loop3A_263 : vector<16xf32>
        %parallel_loop3A_384 = arith.maximumf %parallel_loop3A_368, %parallel_loop3A_255 : vector<16xf32>
        %parallel_loop3A_385 = arith.subf %parallel_loop3A_383, %parallel_loop3A_384 : vector<16xf32>
        %parallel_loop3A_386 = arith.constant 0.000000e+00 : f32
        %parallel_loop3A_387 = vector.broadcast %parallel_loop3A_386 : f32 to vector<16xf32>
        %parallel_loop3A_388 = arith.maximumf %parallel_loop3A_385, %parallel_loop3A_387 : vector<16xf32>
        %parallel_loop3A_389 = arith.mulf %parallel_loop3A_382, %parallel_loop3A_388 : vector<16xf32>
        %parallel_loop3A_390 = arith.subf %parallel_loop3A_372, %parallel_loop3A_364 : vector<16xf32>
        %parallel_loop3A_391 = arith.subf %parallel_loop3A_376, %parallel_loop3A_368 : vector<16xf32>
        %parallel_loop3A_392 = arith.mulf %parallel_loop3A_390, %parallel_loop3A_391 : vector<16xf32>
        %parallel_loop3A_393 = arith.addf %parallel_loop3A_392, %parallel_loop3A_266 : vector<16xf32>
        %parallel_loop3A_394 = arith.subf %parallel_loop3A_393, %parallel_loop3A_389 : vector<16xf32>
        %parallel_loop3A_395 = arith.mulf %parallel_loop3A_389, %parallel_loop3A_354 : vector<16xf32>
        %parallel_loop3A_396 = arith.mulf %parallel_loop3A_349, %parallel_loop3A_394 : vector<16xf32>
        %parallel_loop3A_397 = arith.cmpf ogt, %parallel_loop3A_395, %parallel_loop3A_396 : vector<16xf32>
        %parallel_loop3A_398 = arith.select %parallel_loop3A_397, %parallel_loop3A_389, %parallel_loop3A_349 : vector<16xi1>, vector<16xf32>
        %parallel_loop3A_399 = arith.select %parallel_loop3A_397, %parallel_loop3A_394, %parallel_loop3A_354 : vector<16xi1>, vector<16xf32>
        %parallel_loop3A_400 = arith.divf %parallel_loop3A_398, %parallel_loop3A_399 : vector<16xf32>
        %parallel_loop3A_401 = arith.select %parallel_loop3A_397, %parallel_loop3A_296, %parallel_loop3A_272 : vector<16xi1>, vector<16xf32>
        %parallel_loop3A_402 = arith.select %parallel_loop3A_397, %parallel_loop3A_302, %parallel_loop3A_278 : vector<16xi1>, vector<16xf32>
        %parallel_loop3A_403 = arith.select %parallel_loop3A_397, %parallel_loop3A_308, %parallel_loop3A_284 : vector<16xi1>, vector<16xf32>
        %parallel_loop3A_404 = arith.select %parallel_loop3A_397, %parallel_loop3A_314, %parallel_loop3A_290 : vector<16xi1>, vector<16xf32>
        %parallel_loop3A_405 = arith.select %parallel_loop3A_397, %parallel_loop3A_210, %parallel_loop3A_204 : vector<16xi1>, vector<16xf32>
        %parallel_loop3A_406 = arith.constant 5 : i32
        %parallel_loop3A_407 = arith.index_cast %parallel_loop3A_171 : i32 to index
        %parallel_loop3A_408 = arith.index_cast %parallel_loop3A_406 : i32 to index
        %parallel_loop3A_409 = arith.index_cast %parallel_loop3A_189 : i32 to index
        %parallel_loop3A_410 = tpu.vector_load %arg8[%parallel_loop3A_407, %parallel_loop3A_408, %parallel_loop3A_409] {strides = array<i32>} : memref<7x30x128xf32, #tpu.memory_space<vmem>>, vector<1x1x16xf32>,
        %parallel_loop3A_411 = vector.shape_cast %parallel_loop3A_410 : vector<1x1x16xf32> to vector<16xf32>
        %parallel_loop3A_412 = arith.select %parallel_loop3A_397, %parallel_loop3A_411, %parallel_loop3A_223 : vector<16xi1>, vector<16xf32>
        %parallel_loop3A_413 = arith.constant 6 : i32
        %parallel_loop3A_414 = arith.index_cast %parallel_loop3A_171 : i32 to index
        %parallel_loop3A_415 = arith.index_cast %parallel_loop3A_413 : i32 to index
        %parallel_loop3A_416 = arith.index_cast %parallel_loop3A_189 : i32 to index
        %parallel_loop3A_417 = tpu.vector_load %arg8[%parallel_loop3A_414, %parallel_loop3A_415, %parallel_loop3A_416] {strides = array<i32>} : memref<7x30x128xf32, #tpu.memory_space<vmem>>, vector<1x1x16xf32>,
        %parallel_loop3A_418 = vector.shape_cast %parallel_loop3A_417 : vector<1x1x16xf32> to vector<16xf32>
        %parallel_loop3A_419 = arith.select %parallel_loop3A_397, %parallel_loop3A_418, %parallel_loop3A_229 : vector<16xi1>, vector<16xf32>
        %parallel_loop3A_420 = arith.constant 7 : i32
        %parallel_loop3A_421 = arith.index_cast %parallel_loop3A_171 : i32 to index
        %parallel_loop3A_422 = arith.index_cast %parallel_loop3A_420 : i32 to index
        %parallel_loop3A_423 = arith.index_cast %parallel_loop3A_189 : i32 to index
        %parallel_loop3A_424 = tpu.vector_load %arg8[%parallel_loop3A_421, %parallel_loop3A_422, %parallel_loop3A_423] {strides = array<i32>} : memref<7x30x128xf32, #tpu.memory_space<vmem>>, vector<1x1x16xf32>,
        %parallel_loop3A_425 = vector.shape_cast %parallel_loop3A_424 : vector<1x1x16xf32> to vector<16xf32>
        %parallel_loop3A_426 = arith.select %parallel_loop3A_397, %parallel_loop3A_425, %parallel_loop3A_235 : vector<16xi1>, vector<16xf32>
        %parallel_loop3A_427 = arith.constant 8 : i32
        %parallel_loop3A_428 = arith.index_cast %parallel_loop3A_171 : i32 to index
        %parallel_loop3A_429 = arith.index_cast %parallel_loop3A_427 : i32 to index
        %parallel_loop3A_430 = arith.index_cast %parallel_loop3A_189 : i32 to index
        %parallel_loop3A_431 = tpu.vector_load %arg8[%parallel_loop3A_428, %parallel_loop3A_429, %parallel_loop3A_430] {strides = array<i32>} : memref<7x30x128xf32, #tpu.memory_space<vmem>>, vector<1x1x16xf32>,
        %parallel_loop3A_432 = vector.shape_cast %parallel_loop3A_431 : vector<1x1x16xf32> to vector<16xf32>
        %parallel_loop3A_433 = arith.select %parallel_loop3A_397, %parallel_loop3A_432, %parallel_loop3A_241 : vector<16xi1>, vector<16xf32>
        %parallel_loop3A_434 = arith.subf %parallel_loop3A_401, %parallel_loop3A_412 : vector<16xf32>
        %parallel_loop3A_435 = arith.subf %parallel_loop3A_402, %parallel_loop3A_419 : vector<16xf32>
        %parallel_loop3A_436 = arith.mulf %parallel_loop3A_434, %parallel_loop3A_434 : vector<16xf32>
        %parallel_loop3A_437 = arith.mulf %parallel_loop3A_435, %parallel_loop3A_435 : vector<16xf32>
        %parallel_loop3A_438 = arith.addf %parallel_loop3A_436, %parallel_loop3A_437 : vector<16xf32>
        %parallel_loop3A_439 = arith.addf %parallel_loop3A_403, %parallel_loop3A_426 : vector<16xf32>
        %parallel_loop3A_440 = arith.mulf %parallel_loop3A_403, %parallel_loop3A_426 : vector<16xf32>
        %parallel_loop3A_441 = tpu.bitcast %parallel_loop3A_440 : vector<16xf32> -> vector<16xi32>
        %parallel_loop3A_442 = arith.constant 1 : i32
        %parallel_loop3A_443 = vector.broadcast %parallel_loop3A_442 : i32 to vector<16xi32>
        %parallel_loop3A_444 = arith.shrsi %parallel_loop3A_441, %parallel_loop3A_443 : vector<16xi32>
        %parallel_loop3A_445 = arith.constant 1597463007 : i32
        %parallel_loop3A_446 = vector.broadcast %parallel_loop3A_445 : i32 to vector<16xi32>
        %parallel_loop3A_447 = arith.subi %parallel_loop3A_446, %parallel_loop3A_444 : vector<16xi32>
        %parallel_loop3A_448 = tpu.bitcast %parallel_loop3A_447 : vector<16xi32> -> vector<16xf32>
        %parallel_loop3A_449 = arith.constant 5.000000e-01 : f32
        %parallel_loop3A_450 = vector.broadcast %parallel_loop3A_449 : f32 to vector<16xf32>
        %parallel_loop3A_451 = arith.mulf %parallel_loop3A_450, %parallel_loop3A_440 : vector<16xf32>
        %parallel_loop3A_452 = arith.mulf %parallel_loop3A_451, %parallel_loop3A_448 : vector<16xf32>
        %parallel_loop3A_453 = arith.mulf %parallel_loop3A_452, %parallel_loop3A_448 : vector<16xf32>
        %parallel_loop3A_454 = arith.constant 1.500000e+00 : f32
        %parallel_loop3A_455 = vector.broadcast %parallel_loop3A_454 : f32 to vector<16xf32>
        %parallel_loop3A_456 = arith.subf %parallel_loop3A_455, %parallel_loop3A_453 : vector<16xf32>
        %parallel_loop3A_457 = arith.mulf %parallel_loop3A_448, %parallel_loop3A_456 : vector<16xf32>
        %parallel_loop3A_458 = arith.constant 5.000000e-01 : f32
        %parallel_loop3A_459 = vector.broadcast %parallel_loop3A_458 : f32 to vector<16xf32>
        %parallel_loop3A_460 = arith.mulf %parallel_loop3A_459, %parallel_loop3A_440 : vector<16xf32>
        %parallel_loop3A_461 = arith.mulf %parallel_loop3A_460, %parallel_loop3A_457 : vector<16xf32>
        %parallel_loop3A_462 = arith.mulf %parallel_loop3A_461, %parallel_loop3A_457 : vector<16xf32>
        %parallel_loop3A_463 = arith.constant 1.500000e+00 : f32
        %parallel_loop3A_464 = vector.broadcast %parallel_loop3A_463 : f32 to vector<16xf32>
        %parallel_loop3A_465 = arith.subf %parallel_loop3A_464, %parallel_loop3A_462 : vector<16xf32>
        %parallel_loop3A_466 = arith.mulf %parallel_loop3A_457, %parallel_loop3A_465 : vector<16xf32>
        %parallel_loop3A_467 = arith.mulf %parallel_loop3A_440, %parallel_loop3A_466 : vector<16xf32>
        %parallel_loop3A_468 = arith.constant 2.000000e+00 : f32
        %parallel_loop3A_469 = vector.broadcast %parallel_loop3A_468 : f32 to vector<16xf32>
        %parallel_loop3A_470 = arith.mulf %parallel_loop3A_469, %parallel_loop3A_467 : vector<16xf32>
        %parallel_loop3A_471 = arith.subf %parallel_loop3A_439, %parallel_loop3A_470 : vector<16xf32>
        %parallel_loop3A_472 = arith.addf %parallel_loop3A_471, %parallel_loop3A_404 : vector<16xf32>
        %parallel_loop3A_473 = arith.addf %parallel_loop3A_472, %parallel_loop3A_433 : vector<16xf32>
        %parallel_loop3A_474 = arith.mulf %parallel_loop3A_404, %parallel_loop3A_433 : vector<16xf32>
        %parallel_loop3A_475 = tpu.bitcast %parallel_loop3A_474 : vector<16xf32> -> vector<16xi32>
        %parallel_loop3A_476 = arith.constant 1 : i32
        %parallel_loop3A_477 = vector.broadcast %parallel_loop3A_476 : i32 to vector<16xi32>
        %parallel_loop3A_478 = arith.shrsi %parallel_loop3A_475, %parallel_loop3A_477 : vector<16xi32>
        %parallel_loop3A_479 = arith.constant 1597463007 : i32
        %parallel_loop3A_480 = vector.broadcast %parallel_loop3A_479 : i32 to vector<16xi32>
        %parallel_loop3A_481 = arith.subi %parallel_loop3A_480, %parallel_loop3A_478 : vector<16xi32>
        %parallel_loop3A_482 = tpu.bitcast %parallel_loop3A_481 : vector<16xi32> -> vector<16xf32>
        %parallel_loop3A_483 = arith.constant 5.000000e-01 : f32
        %parallel_loop3A_484 = vector.broadcast %parallel_loop3A_483 : f32 to vector<16xf32>
        %parallel_loop3A_485 = arith.mulf %parallel_loop3A_484, %parallel_loop3A_474 : vector<16xf32>
        %parallel_loop3A_486 = arith.mulf %parallel_loop3A_485, %parallel_loop3A_482 : vector<16xf32>
        %parallel_loop3A_487 = arith.mulf %parallel_loop3A_486, %parallel_loop3A_482 : vector<16xf32>
        %parallel_loop3A_488 = arith.constant 1.500000e+00 : f32
        %parallel_loop3A_489 = vector.broadcast %parallel_loop3A_488 : f32 to vector<16xf32>
        %parallel_loop3A_490 = arith.subf %parallel_loop3A_489, %parallel_loop3A_487 : vector<16xf32>
        %parallel_loop3A_491 = arith.mulf %parallel_loop3A_482, %parallel_loop3A_490 : vector<16xf32>
        %parallel_loop3A_492 = arith.constant 5.000000e-01 : f32
        %parallel_loop3A_493 = vector.broadcast %parallel_loop3A_492 : f32 to vector<16xf32>
        %parallel_loop3A_494 = arith.mulf %parallel_loop3A_493, %parallel_loop3A_474 : vector<16xf32>
        %parallel_loop3A_495 = arith.mulf %parallel_loop3A_494, %parallel_loop3A_491 : vector<16xf32>
        %parallel_loop3A_496 = arith.mulf %parallel_loop3A_495, %parallel_loop3A_491 : vector<16xf32>
        %parallel_loop3A_497 = arith.constant 1.500000e+00 : f32
        %parallel_loop3A_498 = vector.broadcast %parallel_loop3A_497 : f32 to vector<16xf32>
        %parallel_loop3A_499 = arith.subf %parallel_loop3A_498, %parallel_loop3A_496 : vector<16xf32>
        %parallel_loop3A_500 = arith.mulf %parallel_loop3A_491, %parallel_loop3A_499 : vector<16xf32>
        %parallel_loop3A_501 = arith.mulf %parallel_loop3A_474, %parallel_loop3A_500 : vector<16xf32>
        %parallel_loop3A_502 = arith.constant 2.000000e+00 : f32
        %parallel_loop3A_503 = vector.broadcast %parallel_loop3A_502 : f32 to vector<16xf32>
        %parallel_loop3A_504 = arith.mulf %parallel_loop3A_503, %parallel_loop3A_501 : vector<16xf32>
        %parallel_loop3A_505 = arith.subf %parallel_loop3A_473, %parallel_loop3A_504 : vector<16xf32>
        %parallel_loop3A_506 = arith.subf %parallel_loop3A_405, %parallel_loop3A_400 : vector<16xf32>
        %parallel_loop3A_507 = arith.mulf %parallel_loop3A_506, %parallel_loop3A_506 : vector<16xf32>
        %parallel_loop3A_508 = arith.constant 0.000000e+00 : f32
        %parallel_loop3A_509 = vector.broadcast %parallel_loop3A_508 : f32 to vector<16xf32>
        %parallel_loop3A_510 = arith.constant 10 : i32
        %parallel_loop3A_511 = arith.index_cast %parallel_loop3A_171 : i32 to index
        %parallel_loop3A_512 = arith.index_cast %parallel_loop3A_510 : i32 to index
        %parallel_loop3A_513 = arith.index_cast %parallel_loop3A_189 : i32 to index
        %parallel_loop3A_514 = tpu.vector_load %arg6[%parallel_loop3A_511, %parallel_loop3A_512, %parallel_loop3A_513] {strides = array<i32>} : memref<7x30x128xf32, #tpu.memory_space<vmem>>, vector<1x1x16xf32>,
        %parallel_loop3A_515 = vector.shape_cast %parallel_loop3A_514 : vector<1x1x16xf32> to vector<16xf32>
        %parallel_loop3A_516 = arith.constant 10 : i32
        %parallel_loop3A_517 = arith.index_cast %parallel_loop3A_171 : i32 to index
        %parallel_loop3A_518 = arith.index_cast %parallel_loop3A_516 : i32 to index
        %parallel_loop3A_519 = arith.index_cast %parallel_loop3A_189 : i32 to index
        %parallel_loop3A_520 = tpu.vector_load %arg8[%parallel_loop3A_517, %parallel_loop3A_518, %parallel_loop3A_519] {strides = array<i32>} : memref<7x30x128xf32, #tpu.memory_space<vmem>>, vector<1x1x16xf32>,
        %parallel_loop3A_521 = vector.shape_cast %parallel_loop3A_520 : vector<1x1x16xf32> to vector<16xf32>
        %parallel_loop3A_522 = arith.subf %parallel_loop3A_515, %parallel_loop3A_521 : vector<16xf32>
        %parallel_loop3A_523 = arith.mulf %parallel_loop3A_522, %parallel_loop3A_522 : vector<16xf32>
        %parallel_loop3A_524 = arith.addf %parallel_loop3A_509, %parallel_loop3A_523 : vector<16xf32>
        %parallel_loop3A_525 = arith.constant 11 : i32
        %parallel_loop3A_526 = arith.index_cast %parallel_loop3A_171 : i32 to index
        %parallel_loop3A_527 = arith.index_cast %parallel_loop3A_525 : i32 to index
        %parallel_loop3A_528 = arith.index_cast %parallel_loop3A_189 : i32 to index
        %parallel_loop3A_529 = tpu.vector_load %arg6[%parallel_loop3A_526, %parallel_loop3A_527, %parallel_loop3A_528] {strides = array<i32>} : memref<7x30x128xf32, #tpu.memory_space<vmem>>, vector<1x1x16xf32>,
        %parallel_loop3A_530 = vector.shape_cast %parallel_loop3A_529 : vector<1x1x16xf32> to vector<16xf32>
        %parallel_loop3A_531 = arith.constant 11 : i32
        %parallel_loop3A_532 = arith.index_cast %parallel_loop3A_171 : i32 to index
        %parallel_loop3A_533 = arith.index_cast %parallel_loop3A_531 : i32 to index
        %parallel_loop3A_534 = arith.index_cast %parallel_loop3A_189 : i32 to index
        %parallel_loop3A_535 = tpu.vector_load %arg8[%parallel_loop3A_532, %parallel_loop3A_533, %parallel_loop3A_534] {strides = array<i32>} : memref<7x30x128xf32, #tpu.memory_space<vmem>>, vector<1x1x16xf32>,
        %parallel_loop3A_536 = vector.shape_cast %parallel_loop3A_535 : vector<1x1x16xf32> to vector<16xf32>
        %parallel_loop3A_537 = arith.subf %parallel_loop3A_530, %parallel_loop3A_536 : vector<16xf32>
        %parallel_loop3A_538 = arith.mulf %parallel_loop3A_537, %parallel_loop3A_537 : vector<16xf32>
        %parallel_loop3A_539 = arith.addf %parallel_loop3A_524, %parallel_loop3A_538 : vector<16xf32>
        %parallel_loop3A_540 = arith.constant 12 : i32
        %parallel_loop3A_541 = arith.index_cast %parallel_loop3A_171 : i32 to index
        %parallel_loop3A_542 = arith.index_cast %parallel_loop3A_540 : i32 to index
        %parallel_loop3A_543 = arith.index_cast %parallel_loop3A_189 : i32 to index
        %parallel_loop3A_544 = tpu.vector_load %arg6[%parallel_loop3A_541, %parallel_loop3A_542, %parallel_loop3A_543] {strides = array<i32>} : memref<7x30x128xf32, #tpu.memory_space<vmem>>, vector<1x1x16xf32>,
        %parallel_loop3A_545 = vector.shape_cast %parallel_loop3A_544 : vector<1x1x16xf32> to vector<16xf32>
        %parallel_loop3A_546 = arith.constant 12 : i32
        %parallel_loop3A_547 = arith.index_cast %parallel_loop3A_171 : i32 to index
        %parallel_loop3A_548 = arith.index_cast %parallel_loop3A_546 : i32 to index
        %parallel_loop3A_549 = arith.index_cast %parallel_loop3A_189 : i32 to index
        %parallel_loop3A_550 = tpu.vector_load %arg8[%parallel_loop3A_547, %parallel_loop3A_548, %parallel_loop3A_549] {strides = array<i32>} : memref<7x30x128xf32, #tpu.memory_space<vmem>>, vector<1x1x16xf32>,
        %parallel_loop3A_551 = vector.shape_cast %parallel_loop3A_550 : vector<1x1x16xf32> to vector<16xf32>
        %parallel_loop3A_552 = arith.subf %parallel_loop3A_545, %parallel_loop3A_551 : vector<16xf32>
        %parallel_loop3A_553 = arith.mulf %parallel_loop3A_552, %parallel_loop3A_552 : vector<16xf32>
        %parallel_loop3A_554 = arith.addf %parallel_loop3A_539, %parallel_loop3A_553 : vector<16xf32>
        %parallel_loop3A_555 = arith.constant 13 : i32
        %parallel_loop3A_556 = arith.index_cast %parallel_loop3A_171 : i32 to index
        %parallel_loop3A_557 = arith.index_cast %parallel_loop3A_555 : i32 to index
        %parallel_loop3A_558 = arith.index_cast %parallel_loop3A_189 : i32 to index
        %parallel_loop3A_559 = tpu.vector_load %arg6[%parallel_loop3A_556, %parallel_loop3A_557, %parallel_loop3A_558] {strides = array<i32>} : memref<7x30x128xf32, #tpu.memory_space<vmem>>, vector<1x1x16xf32>,
        %parallel_loop3A_560 = vector.shape_cast %parallel_loop3A_559 : vector<1x1x16xf32> to vector<16xf32>
        %parallel_loop3A_561 = arith.constant 13 : i32
        %parallel_loop3A_562 = arith.index_cast %parallel_loop3A_171 : i32 to index
        %parallel_loop3A_563 = arith.index_cast %parallel_loop3A_561 : i32 to index
        %parallel_loop3A_564 = arith.index_cast %parallel_loop3A_189 : i32 to index
        %parallel_loop3A_565 = tpu.vector_load %arg8[%parallel_loop3A_562, %parallel_loop3A_563, %parallel_loop3A_564] {strides = array<i32>} : memref<7x30x128xf32, #tpu.memory_space<vmem>>, vector<1x1x16xf32>,
        %parallel_loop3A_566 = vector.shape_cast %parallel_loop3A_565 : vector<1x1x16xf32> to vector<16xf32>
        %parallel_loop3A_567 = arith.subf %parallel_loop3A_560, %parallel_loop3A_566 : vector<16xf32>
        %parallel_loop3A_568 = arith.mulf %parallel_loop3A_567, %parallel_loop3A_567 : vector<16xf32>
        %parallel_loop3A_569 = arith.addf %parallel_loop3A_554, %parallel_loop3A_568 : vector<16xf32>
        %parallel_loop3A_570 = arith.constant 14 : i32
        %parallel_loop3A_571 = arith.index_cast %parallel_loop3A_171 : i32 to index
        %parallel_loop3A_572 = arith.index_cast %parallel_loop3A_570 : i32 to index
        %parallel_loop3A_573 = arith.index_cast %parallel_loop3A_189 : i32 to index
        %parallel_loop3A_574 = tpu.vector_load %arg6[%parallel_loop3A_571, %parallel_loop3A_572, %parallel_loop3A_573] {strides = array<i32>} : memref<7x30x128xf32, #tpu.memory_space<vmem>>, vector<1x1x16xf32>,
        %parallel_loop3A_575 = vector.shape_cast %parallel_loop3A_574 : vector<1x1x16xf32> to vector<16xf32>
        %parallel_loop3A_576 = arith.constant 14 : i32
        %parallel_loop3A_577 = arith.index_cast %parallel_loop3A_171 : i32 to index
        %parallel_loop3A_578 = arith.index_cast %parallel_loop3A_576 : i32 to index
        %parallel_loop3A_579 = arith.index_cast %parallel_loop3A_189 : i32 to index
        %parallel_loop3A_580 = tpu.vector_load %arg8[%parallel_loop3A_577, %parallel_loop3A_578, %parallel_loop3A_579] {strides = array<i32>} : memref<7x30x128xf32, #tpu.memory_space<vmem>>, vector<1x1x16xf32>,
        %parallel_loop3A_581 = vector.shape_cast %parallel_loop3A_580 : vector<1x1x16xf32> to vector<16xf32>
        %parallel_loop3A_582 = arith.subf %parallel_loop3A_575, %parallel_loop3A_581 : vector<16xf32>
        %parallel_loop3A_583 = arith.mulf %parallel_loop3A_582, %parallel_loop3A_582 : vector<16xf32>
        %parallel_loop3A_584 = arith.addf %parallel_loop3A_569, %parallel_loop3A_583 : vector<16xf32>
        %parallel_loop3A_585 = arith.constant 15 : i32
        %parallel_loop3A_586 = arith.index_cast %parallel_loop3A_171 : i32 to index
        %parallel_loop3A_587 = arith.index_cast %parallel_loop3A_585 : i32 to index
        %parallel_loop3A_588 = arith.index_cast %parallel_loop3A_189 : i32 to index
        %parallel_loop3A_589 = tpu.vector_load %arg6[%parallel_loop3A_586, %parallel_loop3A_587, %parallel_loop3A_588] {strides = array<i32>} : memref<7x30x128xf32, #tpu.memory_space<vmem>>, vector<1x1x16xf32>,
        %parallel_loop3A_590 = vector.shape_cast %parallel_loop3A_589 : vector<1x1x16xf32> to vector<16xf32>
        %parallel_loop3A_591 = arith.constant 15 : i32
        %parallel_loop3A_592 = arith.index_cast %parallel_loop3A_171 : i32 to index
        %parallel_loop3A_593 = arith.index_cast %parallel_loop3A_591 : i32 to index
        %parallel_loop3A_594 = arith.index_cast %parallel_loop3A_189 : i32 to index
        %parallel_loop3A_595 = tpu.vector_load %arg8[%parallel_loop3A_592, %parallel_loop3A_593, %parallel_loop3A_594] {strides = array<i32>} : memref<7x30x128xf32, #tpu.memory_space<vmem>>, vector<1x1x16xf32>,
        %parallel_loop3A_596 = vector.shape_cast %parallel_loop3A_595 : vector<1x1x16xf32> to vector<16xf32>
        %parallel_loop3A_597 = arith.subf %parallel_loop3A_590, %parallel_loop3A_596 : vector<16xf32>
        %parallel_loop3A_598 = arith.mulf %parallel_loop3A_597, %parallel_loop3A_597 : vector<16xf32>
        %parallel_loop3A_599 = arith.addf %parallel_loop3A_584, %parallel_loop3A_598 : vector<16xf32>
        %parallel_loop3A_600 = arith.constant 16 : i32
        %parallel_loop3A_601 = arith.index_cast %parallel_loop3A_171 : i32 to index
        %parallel_loop3A_602 = arith.index_cast %parallel_loop3A_600 : i32 to index
        %parallel_loop3A_603 = arith.index_cast %parallel_loop3A_189 : i32 to index
        %parallel_loop3A_604 = tpu.vector_load %arg6[%parallel_loop3A_601, %parallel_loop3A_602, %parallel_loop3A_603] {strides = array<i32>} : memref<7x30x128xf32, #tpu.memory_space<vmem>>, vector<1x1x16xf32>,
        %parallel_loop3A_605 = vector.shape_cast %parallel_loop3A_604 : vector<1x1x16xf32> to vector<16xf32>
        %parallel_loop3A_606 = arith.constant 16 : i32
        %parallel_loop3A_607 = arith.index_cast %parallel_loop3A_171 : i32 to index
        %parallel_loop3A_608 = arith.index_cast %parallel_loop3A_606 : i32 to index
        %parallel_loop3A_609 = arith.index_cast %parallel_loop3A_189 : i32 to index
        %parallel_loop3A_610 = tpu.vector_load %arg8[%parallel_loop3A_607, %parallel_loop3A_608, %parallel_loop3A_609] {strides = array<i32>} : memref<7x30x128xf32, #tpu.memory_space<vmem>>, vector<1x1x16xf32>,
        %parallel_loop3A_611 = vector.shape_cast %parallel_loop3A_610 : vector<1x1x16xf32> to vector<16xf32>
        %parallel_loop3A_612 = arith.subf %parallel_loop3A_605, %parallel_loop3A_611 : vector<16xf32>
        %parallel_loop3A_613 = arith.mulf %parallel_loop3A_612, %parallel_loop3A_612 : vector<16xf32>
        %parallel_loop3A_614 = arith.addf %parallel_loop3A_599, %parallel_loop3A_613 : vector<16xf32>
        %parallel_loop3A_615 = arith.constant 17 : i32
        %parallel_loop3A_616 = arith.index_cast %parallel_loop3A_171 : i32 to index
        %parallel_loop3A_617 = arith.index_cast %parallel_loop3A_615 : i32 to index
        %parallel_loop3A_618 = arith.index_cast %parallel_loop3A_189 : i32 to index
        %parallel_loop3A_619 = tpu.vector_load %arg6[%parallel_loop3A_616, %parallel_loop3A_617, %parallel_loop3A_618] {strides = array<i32>} : memref<7x30x128xf32, #tpu.memory_space<vmem>>, vector<1x1x16xf32>,
        %parallel_loop3A_620 = vector.shape_cast %parallel_loop3A_619 : vector<1x1x16xf32> to vector<16xf32>
        %parallel_loop3A_621 = arith.constant 17 : i32
        %parallel_loop3A_622 = arith.index_cast %parallel_loop3A_171 : i32 to index
        %parallel_loop3A_623 = arith.index_cast %parallel_loop3A_621 : i32 to index
        %parallel_loop3A_624 = arith.index_cast %parallel_loop3A_189 : i32 to index
        %parallel_loop3A_625 = tpu.vector_load %arg8[%parallel_loop3A_622, %parallel_loop3A_623, %parallel_loop3A_624] {strides = array<i32>} : memref<7x30x128xf32, #tpu.memory_space<vmem>>, vector<1x1x16xf32>,
        %parallel_loop3A_626 = vector.shape_cast %parallel_loop3A_625 : vector<1x1x16xf32> to vector<16xf32>
        %parallel_loop3A_627 = arith.subf %parallel_loop3A_620, %parallel_loop3A_626 : vector<16xf32>
        %parallel_loop3A_628 = arith.mulf %parallel_loop3A_627, %parallel_loop3A_627 : vector<16xf32>
        %parallel_loop3A_629 = arith.addf %parallel_loop3A_614, %parallel_loop3A_628 : vector<16xf32>
        %parallel_loop3A_630 = arith.constant 18 : i32
        %parallel_loop3A_631 = arith.index_cast %parallel_loop3A_171 : i32 to index
        %parallel_loop3A_632 = arith.index_cast %parallel_loop3A_630 : i32 to index
        %parallel_loop3A_633 = arith.index_cast %parallel_loop3A_189 : i32 to index
        %parallel_loop3A_634 = tpu.vector_load %arg6[%parallel_loop3A_631, %parallel_loop3A_632, %parallel_loop3A_633] {strides = array<i32>} : memref<7x30x128xf32, #tpu.memory_space<vmem>>, vector<1x1x16xf32>,
        %parallel_loop3A_635 = vector.shape_cast %parallel_loop3A_634 : vector<1x1x16xf32> to vector<16xf32>
        %parallel_loop3A_636 = arith.constant 18 : i32
        %parallel_loop3A_637 = arith.index_cast %parallel_loop3A_171 : i32 to index
        %parallel_loop3A_638 = arith.index_cast %parallel_loop3A_636 : i32 to index
        %parallel_loop3A_639 = arith.index_cast %parallel_loop3A_189 : i32 to index
        %parallel_loop3A_640 = tpu.vector_load %arg8[%parallel_loop3A_637, %parallel_loop3A_638, %parallel_loop3A_639] {strides = array<i32>} : memref<7x30x128xf32, #tpu.memory_space<vmem>>, vector<1x1x16xf32>,
        %parallel_loop3A_641 = vector.shape_cast %parallel_loop3A_640 : vector<1x1x16xf32> to vector<16xf32>
        %parallel_loop3A_642 = arith.subf %parallel_loop3A_635, %parallel_loop3A_641 : vector<16xf32>
        %parallel_loop3A_643 = arith.mulf %parallel_loop3A_642, %parallel_loop3A_642 : vector<16xf32>
        %parallel_loop3A_644 = arith.addf %parallel_loop3A_629, %parallel_loop3A_643 : vector<16xf32>
        %parallel_loop3A_645 = arith.constant 19 : i32
        %parallel_loop3A_646 = arith.index_cast %parallel_loop3A_171 : i32 to index
        %parallel_loop3A_647 = arith.index_cast %parallel_loop3A_645 : i32 to index
        %parallel_loop3A_648 = arith.index_cast %parallel_loop3A_189 : i32 to index
        %parallel_loop3A_649 = tpu.vector_load %arg6[%parallel_loop3A_646, %parallel_loop3A_647, %parallel_loop3A_648] {strides = array<i32>} : memref<7x30x128xf32, #tpu.memory_space<vmem>>, vector<1x1x16xf32>,
        %parallel_loop3A_650 = vector.shape_cast %parallel_loop3A_649 : vector<1x1x16xf32> to vector<16xf32>
        %parallel_loop3A_651 = arith.constant 19 : i32
        %parallel_loop3A_652 = arith.index_cast %parallel_loop3A_171 : i32 to index
        %parallel_loop3A_653 = arith.index_cast %parallel_loop3A_651 : i32 to index
        %parallel_loop3A_654 = arith.index_cast %parallel_loop3A_189 : i32 to index
        %parallel_loop3A_655 = tpu.vector_load %arg8[%parallel_loop3A_652, %parallel_loop3A_653, %parallel_loop3A_654] {strides = array<i32>} : memref<7x30x128xf32, #tpu.memory_space<vmem>>, vector<1x1x16xf32>,
        %parallel_loop3A_656 = vector.shape_cast %parallel_loop3A_655 : vector<1x1x16xf32> to vector<16xf32>
        %parallel_loop3A_657 = arith.subf %parallel_loop3A_650, %parallel_loop3A_656 : vector<16xf32>
        %parallel_loop3A_658 = arith.mulf %parallel_loop3A_657, %parallel_loop3A_657 : vector<16xf32>
        %parallel_loop3A_659 = arith.addf %parallel_loop3A_644, %parallel_loop3A_658 : vector<16xf32>
        %parallel_loop3A_660 = arith.constant 20 : i32
        %parallel_loop3A_661 = arith.index_cast %parallel_loop3A_171 : i32 to index
        %parallel_loop3A_662 = arith.index_cast %parallel_loop3A_660 : i32 to index
        %parallel_loop3A_663 = arith.index_cast %parallel_loop3A_189 : i32 to index
        %parallel_loop3A_664 = tpu.vector_load %arg6[%parallel_loop3A_661, %parallel_loop3A_662, %parallel_loop3A_663] {strides = array<i32>} : memref<7x30x128xf32, #tpu.memory_space<vmem>>, vector<1x1x16xf32>,
        %parallel_loop3A_665 = vector.shape_cast %parallel_loop3A_664 : vector<1x1x16xf32> to vector<16xf32>
        %parallel_loop3A_666 = arith.constant 20 : i32
        %parallel_loop3A_667 = arith.index_cast %parallel_loop3A_171 : i32 to index
        %parallel_loop3A_668 = arith.index_cast %parallel_loop3A_666 : i32 to index
        %parallel_loop3A_669 = arith.index_cast %parallel_loop3A_189 : i32 to index
        %parallel_loop3A_670 = tpu.vector_load %arg8[%parallel_loop3A_667, %parallel_loop3A_668, %parallel_loop3A_669] {strides = array<i32>} : memref<7x30x128xf32, #tpu.memory_space<vmem>>, vector<1x1x16xf32>,
        %parallel_loop3A_671 = vector.shape_cast %parallel_loop3A_670 : vector<1x1x16xf32> to vector<16xf32>
        %parallel_loop3A_672 = arith.subf %parallel_loop3A_665, %parallel_loop3A_671 : vector<16xf32>
        %parallel_loop3A_673 = arith.mulf %parallel_loop3A_672, %parallel_loop3A_672 : vector<16xf32>
        %parallel_loop3A_674 = arith.addf %parallel_loop3A_659, %parallel_loop3A_673 : vector<16xf32>
        %parallel_loop3A_675 = arith.constant 21 : i32
        %parallel_loop3A_676 = arith.index_cast %parallel_loop3A_171 : i32 to index
        %parallel_loop3A_677 = arith.index_cast %parallel_loop3A_675 : i32 to index
        %parallel_loop3A_678 = arith.index_cast %parallel_loop3A_189 : i32 to index
        %parallel_loop3A_679 = tpu.vector_load %arg6[%parallel_loop3A_676, %parallel_loop3A_677, %parallel_loop3A_678] {strides = array<i32>} : memref<7x30x128xf32, #tpu.memory_space<vmem>>, vector<1x1x16xf32>,
        %parallel_loop3A_680 = vector.shape_cast %parallel_loop3A_679 : vector<1x1x16xf32> to vector<16xf32>
        %parallel_loop3A_681 = arith.constant 21 : i32
        %parallel_loop3A_682 = arith.index_cast %parallel_loop3A_171 : i32 to index
        %parallel_loop3A_683 = arith.index_cast %parallel_loop3A_681 : i32 to index
        %parallel_loop3A_684 = arith.index_cast %parallel_loop3A_189 : i32 to index
        %parallel_loop3A_685 = tpu.vector_load %arg8[%parallel_loop3A_682, %parallel_loop3A_683, %parallel_loop3A_684] {strides = array<i32>} : memref<7x30x128xf32, #tpu.memory_space<vmem>>, vector<1x1x16xf32>,
        %parallel_loop3A_686 = vector.shape_cast %parallel_loop3A_685 : vector<1x1x16xf32> to vector<16xf32>
        %parallel_loop3A_687 = arith.subf %parallel_loop3A_680, %parallel_loop3A_686 : vector<16xf32>
        %parallel_loop3A_688 = arith.mulf %parallel_loop3A_687, %parallel_loop3A_687 : vector<16xf32>
        %parallel_loop3A_689 = arith.addf %parallel_loop3A_674, %parallel_loop3A_688 : vector<16xf32>
        %parallel_loop3A_690 = arith.constant 22 : i32
        %parallel_loop3A_691 = arith.index_cast %parallel_loop3A_171 : i32 to index
        %parallel_loop3A_692 = arith.index_cast %parallel_loop3A_690 : i32 to index
        %parallel_loop3A_693 = arith.index_cast %parallel_loop3A_189 : i32 to index
        %parallel_loop3A_694 = tpu.vector_load %arg6[%parallel_loop3A_691, %parallel_loop3A_692, %parallel_loop3A_693] {strides = array<i32>} : memref<7x30x128xf32, #tpu.memory_space<vmem>>, vector<1x1x16xf32>,
        %parallel_loop3A_695 = vector.shape_cast %parallel_loop3A_694 : vector<1x1x16xf32> to vector<16xf32>
        %parallel_loop3A_696 = arith.constant 22 : i32
        %parallel_loop3A_697 = arith.index_cast %parallel_loop3A_171 : i32 to index
        %parallel_loop3A_698 = arith.index_cast %parallel_loop3A_696 : i32 to index
        %parallel_loop3A_699 = arith.index_cast %parallel_loop3A_189 : i32 to index
        %parallel_loop3A_700 = tpu.vector_load %arg8[%parallel_loop3A_697, %parallel_loop3A_698, %parallel_loop3A_699] {strides = array<i32>} : memref<7x30x128xf32, #tpu.memory_space<vmem>>, vector<1x1x16xf32>,
        %parallel_loop3A_701 = vector.shape_cast %parallel_loop3A_700 : vector<1x1x16xf32> to vector<16xf32>
        %parallel_loop3A_702 = arith.subf %parallel_loop3A_695, %parallel_loop3A_701 : vector<16xf32>
        %parallel_loop3A_703 = arith.mulf %parallel_loop3A_702, %parallel_loop3A_702 : vector<16xf32>
        %parallel_loop3A_704 = arith.addf %parallel_loop3A_689, %parallel_loop3A_703 : vector<16xf32>
        %parallel_loop3A_705 = arith.constant 23 : i32
        %parallel_loop3A_706 = arith.index_cast %parallel_loop3A_171 : i32 to index
        %parallel_loop3A_707 = arith.index_cast %parallel_loop3A_705 : i32 to index
        %parallel_loop3A_708 = arith.index_cast %parallel_loop3A_189 : i32 to index
        %parallel_loop3A_709 = tpu.vector_load %arg6[%parallel_loop3A_706, %parallel_loop3A_707, %parallel_loop3A_708] {strides = array<i32>} : memref<7x30x128xf32, #tpu.memory_space<vmem>>, vector<1x1x16xf32>,
        %parallel_loop3A_710 = vector.shape_cast %parallel_loop3A_709 : vector<1x1x16xf32> to vector<16xf32>
        %parallel_loop3A_711 = arith.constant 23 : i32
        %parallel_loop3A_712 = arith.index_cast %parallel_loop3A_171 : i32 to index
        %parallel_loop3A_713 = arith.index_cast %parallel_loop3A_711 : i32 to index
        %parallel_loop3A_714 = arith.index_cast %parallel_loop3A_189 : i32 to index
        %parallel_loop3A_715 = tpu.vector_load %arg8[%parallel_loop3A_712, %parallel_loop3A_713, %parallel_loop3A_714] {strides = array<i32>} : memref<7x30x128xf32, #tpu.memory_space<vmem>>, vector<1x1x16xf32>,
        %parallel_loop3A_716 = vector.shape_cast %parallel_loop3A_715 : vector<1x1x16xf32> to vector<16xf32>
        %parallel_loop3A_717 = arith.subf %parallel_loop3A_710, %parallel_loop3A_716 : vector<16xf32>
        %parallel_loop3A_718 = arith.mulf %parallel_loop3A_717, %parallel_loop3A_717 : vector<16xf32>
        %parallel_loop3A_719 = arith.addf %parallel_loop3A_704, %parallel_loop3A_718 : vector<16xf32>
        %parallel_loop3A_720 = arith.constant 24 : i32
        %parallel_loop3A_721 = arith.index_cast %parallel_loop3A_171 : i32 to index
        %parallel_loop3A_722 = arith.index_cast %parallel_loop3A_720 : i32 to index
        %parallel_loop3A_723 = arith.index_cast %parallel_loop3A_189 : i32 to index
        %parallel_loop3A_724 = tpu.vector_load %arg6[%parallel_loop3A_721, %parallel_loop3A_722, %parallel_loop3A_723] {strides = array<i32>} : memref<7x30x128xf32, #tpu.memory_space<vmem>>, vector<1x1x16xf32>,
        %parallel_loop3A_725 = vector.shape_cast %parallel_loop3A_724 : vector<1x1x16xf32> to vector<16xf32>
        %parallel_loop3A_726 = arith.constant 24 : i32
        %parallel_loop3A_727 = arith.index_cast %parallel_loop3A_171 : i32 to index
        %parallel_loop3A_728 = arith.index_cast %parallel_loop3A_726 : i32 to index
        %parallel_loop3A_729 = arith.index_cast %parallel_loop3A_189 : i32 to index
        %parallel_loop3A_730 = tpu.vector_load %arg8[%parallel_loop3A_727, %parallel_loop3A_728, %parallel_loop3A_729] {strides = array<i32>} : memref<7x30x128xf32, #tpu.memory_space<vmem>>, vector<1x1x16xf32>,
        %parallel_loop3A_731 = vector.shape_cast %parallel_loop3A_730 : vector<1x1x16xf32> to vector<16xf32>
        %parallel_loop3A_732 = arith.subf %parallel_loop3A_725, %parallel_loop3A_731 : vector<16xf32>
        %parallel_loop3A_733 = arith.mulf %parallel_loop3A_732, %parallel_loop3A_732 : vector<16xf32>
        %parallel_loop3A_734 = arith.addf %parallel_loop3A_719, %parallel_loop3A_733 : vector<16xf32>
        %parallel_loop3A_735 = arith.constant 25 : i32
        %parallel_loop3A_736 = arith.index_cast %parallel_loop3A_171 : i32 to index
        %parallel_loop3A_737 = arith.index_cast %parallel_loop3A_735 : i32 to index
        %parallel_loop3A_738 = arith.index_cast %parallel_loop3A_189 : i32 to index
        %parallel_loop3A_739 = tpu.vector_load %arg6[%parallel_loop3A_736, %parallel_loop3A_737, %parallel_loop3A_738] {strides = array<i32>} : memref<7x30x128xf32, #tpu.memory_space<vmem>>, vector<1x1x16xf32>,
        %parallel_loop3A_740 = vector.shape_cast %parallel_loop3A_739 : vector<1x1x16xf32> to vector<16xf32>
        %parallel_loop3A_741 = arith.constant 25 : i32
        %parallel_loop3A_742 = arith.index_cast %parallel_loop3A_171 : i32 to index
        %parallel_loop3A_743 = arith.index_cast %parallel_loop3A_741 : i32 to index
        %parallel_loop3A_744 = arith.index_cast %parallel_loop3A_189 : i32 to index
        %parallel_loop3A_745 = tpu.vector_load %arg8[%parallel_loop3A_742, %parallel_loop3A_743, %parallel_loop3A_744] {strides = array<i32>} : memref<7x30x128xf32, #tpu.memory_space<vmem>>, vector<1x1x16xf32>,
        %parallel_loop3A_746 = vector.shape_cast %parallel_loop3A_745 : vector<1x1x16xf32> to vector<16xf32>
        %parallel_loop3A_747 = arith.subf %parallel_loop3A_740, %parallel_loop3A_746 : vector<16xf32>
        %parallel_loop3A_748 = arith.mulf %parallel_loop3A_747, %parallel_loop3A_747 : vector<16xf32>
        %parallel_loop3A_749 = arith.addf %parallel_loop3A_734, %parallel_loop3A_748 : vector<16xf32>
        %parallel_loop3A_750 = arith.constant 26 : i32
        %parallel_loop3A_751 = arith.index_cast %parallel_loop3A_171 : i32 to index
        %parallel_loop3A_752 = arith.index_cast %parallel_loop3A_750 : i32 to index
        %parallel_loop3A_753 = arith.index_cast %parallel_loop3A_189 : i32 to index
        %parallel_loop3A_754 = tpu.vector_load %arg6[%parallel_loop3A_751, %parallel_loop3A_752, %parallel_loop3A_753] {strides = array<i32>} : memref<7x30x128xf32, #tpu.memory_space<vmem>>, vector<1x1x16xf32>,
        %parallel_loop3A_755 = vector.shape_cast %parallel_loop3A_754 : vector<1x1x16xf32> to vector<16xf32>
        %parallel_loop3A_756 = arith.constant 26 : i32
        %parallel_loop3A_757 = arith.index_cast %parallel_loop3A_171 : i32 to index
        %parallel_loop3A_758 = arith.index_cast %parallel_loop3A_756 : i32 to index
        %parallel_loop3A_759 = arith.index_cast %parallel_loop3A_189 : i32 to index
        %parallel_loop3A_760 = tpu.vector_load %arg8[%parallel_loop3A_757, %parallel_loop3A_758, %parallel_loop3A_759] {strides = array<i32>} : memref<7x30x128xf32, #tpu.memory_space<vmem>>, vector<1x1x16xf32>,
        %parallel_loop3A_761 = vector.shape_cast %parallel_loop3A_760 : vector<1x1x16xf32> to vector<16xf32>
        %parallel_loop3A_762 = arith.subf %parallel_loop3A_755, %parallel_loop3A_761 : vector<16xf32>
        %parallel_loop3A_763 = arith.mulf %parallel_loop3A_762, %parallel_loop3A_762 : vector<16xf32>
        %parallel_loop3A_764 = arith.addf %parallel_loop3A_749, %parallel_loop3A_763 : vector<16xf32>
        %parallel_loop3A_765 = arith.constant 27 : i32
        %parallel_loop3A_766 = arith.index_cast %parallel_loop3A_171 : i32 to index
        %parallel_loop3A_767 = arith.index_cast %parallel_loop3A_765 : i32 to index
        %parallel_loop3A_768 = arith.index_cast %parallel_loop3A_189 : i32 to index
        %parallel_loop3A_769 = tpu.vector_load %arg6[%parallel_loop3A_766, %parallel_loop3A_767, %parallel_loop3A_768] {strides = array<i32>} : memref<7x30x128xf32, #tpu.memory_space<vmem>>, vector<1x1x16xf32>,
        %parallel_loop3A_770 = vector.shape_cast %parallel_loop3A_769 : vector<1x1x16xf32> to vector<16xf32>
        %parallel_loop3A_771 = arith.constant 27 : i32
        %parallel_loop3A_772 = arith.index_cast %parallel_loop3A_171 : i32 to index
        %parallel_loop3A_773 = arith.index_cast %parallel_loop3A_771 : i32 to index
        %parallel_loop3A_774 = arith.index_cast %parallel_loop3A_189 : i32 to index
        %parallel_loop3A_775 = tpu.vector_load %arg8[%parallel_loop3A_772, %parallel_loop3A_773, %parallel_loop3A_774] {strides = array<i32>} : memref<7x30x128xf32, #tpu.memory_space<vmem>>, vector<1x1x16xf32>,
        %parallel_loop3A_776 = vector.shape_cast %parallel_loop3A_775 : vector<1x1x16xf32> to vector<16xf32>
        %parallel_loop3A_777 = arith.subf %parallel_loop3A_770, %parallel_loop3A_776 : vector<16xf32>
        %parallel_loop3A_778 = arith.mulf %parallel_loop3A_777, %parallel_loop3A_777 : vector<16xf32>
        %parallel_loop3A_779 = arith.addf %parallel_loop3A_764, %parallel_loop3A_778 : vector<16xf32>
        %parallel_loop3A_780 = arith.constant 28 : i32
        %parallel_loop3A_781 = arith.index_cast %parallel_loop3A_171 : i32 to index
        %parallel_loop3A_782 = arith.index_cast %parallel_loop3A_780 : i32 to index
        %parallel_loop3A_783 = arith.index_cast %parallel_loop3A_189 : i32 to index
        %parallel_loop3A_784 = tpu.vector_load %arg6[%parallel_loop3A_781, %parallel_loop3A_782, %parallel_loop3A_783] {strides = array<i32>} : memref<7x30x128xf32, #tpu.memory_space<vmem>>, vector<1x1x16xf32>,
        %parallel_loop3A_785 = vector.shape_cast %parallel_loop3A_784 : vector<1x1x16xf32> to vector<16xf32>
        %parallel_loop3A_786 = arith.constant 28 : i32
        %parallel_loop3A_787 = arith.index_cast %parallel_loop3A_171 : i32 to index
        %parallel_loop3A_788 = arith.index_cast %parallel_loop3A_786 : i32 to index
        %parallel_loop3A_789 = arith.index_cast %parallel_loop3A_189 : i32 to index
        %parallel_loop3A_790 = tpu.vector_load %arg8[%parallel_loop3A_787, %parallel_loop3A_788, %parallel_loop3A_789] {strides = array<i32>} : memref<7x30x128xf32, #tpu.memory_space<vmem>>, vector<1x1x16xf32>,
        %parallel_loop3A_791 = vector.shape_cast %parallel_loop3A_790 : vector<1x1x16xf32> to vector<16xf32>
        %parallel_loop3A_792 = arith.subf %parallel_loop3A_785, %parallel_loop3A_791 : vector<16xf32>
        %parallel_loop3A_793 = arith.mulf %parallel_loop3A_792, %parallel_loop3A_792 : vector<16xf32>
        %parallel_loop3A_794 = arith.addf %parallel_loop3A_779, %parallel_loop3A_793 : vector<16xf32>
        %parallel_loop3A_795 = arith.constant 29 : i32
        %parallel_loop3A_796 = arith.index_cast %parallel_loop3A_171 : i32 to index
        %parallel_loop3A_797 = arith.index_cast %parallel_loop3A_795 : i32 to index
        %parallel_loop3A_798 = arith.index_cast %parallel_loop3A_189 : i32 to index
        %parallel_loop3A_799 = tpu.vector_load %arg6[%parallel_loop3A_796, %parallel_loop3A_797, %parallel_loop3A_798] {strides = array<i32>} : memref<7x30x128xf32, #tpu.memory_space<vmem>>, vector<1x1x16xf32>,
        %parallel_loop3A_800 = vector.shape_cast %parallel_loop3A_799 : vector<1x1x16xf32> to vector<16xf32>
        %parallel_loop3A_801 = arith.constant 29 : i32
        %parallel_loop3A_802 = arith.index_cast %parallel_loop3A_171 : i32 to index
        %parallel_loop3A_803 = arith.index_cast %parallel_loop3A_801 : i32 to index
        %parallel_loop3A_804 = arith.index_cast %parallel_loop3A_189 : i32 to index
        %parallel_loop3A_805 = tpu.vector_load %arg8[%parallel_loop3A_802, %parallel_loop3A_803, %parallel_loop3A_804] {strides = array<i32>} : memref<7x30x128xf32, #tpu.memory_space<vmem>>, vector<1x1x16xf32>,
        %parallel_loop3A_806 = vector.shape_cast %parallel_loop3A_805 : vector<1x1x16xf32> to vector<16xf32>
        %parallel_loop3A_807 = arith.subf %parallel_loop3A_800, %parallel_loop3A_806 : vector<16xf32>
        %parallel_loop3A_808 = arith.mulf %parallel_loop3A_807, %parallel_loop3A_807 : vector<16xf32>
        %parallel_loop3A_809 = arith.addf %parallel_loop3A_794, %parallel_loop3A_808 : vector<16xf32>
        %parallel_loop3A_810 = arith.addf %parallel_loop3A_438, %parallel_loop3A_505 : vector<16xf32>
        %parallel_loop3A_811 = arith.constant 5.000000e+00 : f32
        %parallel_loop3A_812 = vector.broadcast %parallel_loop3A_811 : f32 to vector<16xf32>
        %parallel_loop3A_813 = arith.mulf %parallel_loop3A_812, %parallel_loop3A_810 : vector<16xf32>
        %parallel_loop3A_814 = arith.addf %parallel_loop3A_813, %parallel_loop3A_507 : vector<16xf32>
        %parallel_loop3A_815 = arith.addf %parallel_loop3A_814, %parallel_loop3A_809 : vector<16xf32>
        %parallel_loop3A_816 = arith.constant 0.000000e+00 : f32
        %parallel_loop3A_817 = vector.broadcast %parallel_loop3A_816 : f32 to vector<16xf32>
        %parallel_loop3A_818 = arith.select %parallel_loop3A_198, %parallel_loop3A_815, %parallel_loop3A_817 : vector<16xi1>, vector<16xf32>
        %parallel_loop3A_819 = arith.addf %parallel_loop3A_147, %parallel_loop3A_818 : vector<16xf32>
        scf.yield %parallel_loop3A_217, %parallel_loop3A_819 : vector<16xf32>, vector<16xf32>
      } {sc.loop_unroll_factor = 1 : i64, sc.parallel_access}
      %add3A_141 = arith.constant 3 : i32
      %add3A_142 = arith.addi %mul3A_80, %add3A_141 : i32
      %lt3A = arith.constant 7 : i32
      %lt3A_143 = arith.cmpi slt, %add3A_142, %lt3A : i32
      %convert_element_type3A = arith.extui %lt3A_143 : i1 to i32
      %cond3A = arith.constant 0 : i32
      %cond3A_144 = arith.cmpi ne, %convert_element_type3A, %cond3A : i32
      scf.if %cond3A_144 {
        %add3A_145 = arith.constant 3 : i32
        %add3A_146 = arith.addi %mul3A_80, %add3A_145 : i32
        %dma_start3A_147 = arith.constant 0 : i32
        %dma_start3A_148 = arith.constant 0 : i32
        %dma_start3A_149 = tpu.memref_slice %arg2[%add3A_146, %dma_start3A_147, %dma_start3A_148, %mul3A_2] : memref<7x7x30x4096xf32, #tpu.memory_space<hbm>> -> memref<1x7x30x128xf32, #tpu.memory_space<hbm>>
        %dma_start3A_150 = tpu.memref_squeeze %dma_start3A_149 : memref<1x7x30x128xf32, #tpu.memory_space<hbm>> -> memref<7x30x128xf32, #tpu.memory_space<hbm>>
        %dma_start3A_151 = arith.constant 0 : i32
        %dma_start3A_152 = arith.constant 0 : i32
        %dma_start3A_153 = tpu.memref_slice %arg2[%add3A_146, %dma_start3A_151, %dma_start3A_152, %mul3A_2] : memref<7x7x30x4096xf32, #tpu.memory_space<hbm>> -> memref<1x7x30x128xf32, #tpu.memory_space<hbm>>
        %dma_start3A_154 = tpu.memref_squeeze %dma_start3A_153 : memref<1x7x30x128xf32, #tpu.memory_space<hbm>> -> memref<7x30x128xf32, #tpu.memory_space<hbm>>
        tpu.enqueue_dma source(%dma_start3A_154 : memref<7x30x128xf32, #tpu.memory_space<hbm>>) target(%arg6 : memref<7x30x128xf32, #tpu.memory_space<vmem>>) target_semaphore(%arg11 : memref<!tpu.dma_semaphore, #tpu.memory_space<semaphore_mem>>)
        %dma_start3A_155 = arith.constant 0 : i32
        %dma_start3A_156 = arith.constant 0 : i32
        %dma_start3A_157 = tpu.memref_slice %arg3[%add3A_146, %dma_start3A_155, %dma_start3A_156, %mul3A_2] : memref<7x7x30x4096xf32, #tpu.memory_space<hbm>> -> memref<1x7x30x128xf32, #tpu.memory_space<hbm>>
        %dma_start3A_158 = tpu.memref_squeeze %dma_start3A_157 : memref<1x7x30x128xf32, #tpu.memory_space<hbm>> -> memref<7x30x128xf32, #tpu.memory_space<hbm>>
        %dma_start3A_159 = arith.constant 0 : i32
        %dma_start3A_160 = arith.constant 0 : i32
        %dma_start3A_161 = tpu.memref_slice %arg3[%add3A_146, %dma_start3A_159, %dma_start3A_160, %mul3A_2] : memref<7x7x30x4096xf32, #tpu.memory_space<hbm>> -> memref<1x7x30x128xf32, #tpu.memory_space<hbm>>
        %dma_start3A_162 = tpu.memref_squeeze %dma_start3A_161 : memref<1x7x30x128xf32, #tpu.memory_space<hbm>> -> memref<7x30x128xf32, #tpu.memory_space<hbm>>
        tpu.enqueue_dma source(%dma_start3A_162 : memref<7x30x128xf32, #tpu.memory_space<hbm>>) target(%arg8 : memref<7x30x128xf32, #tpu.memory_space<vmem>>) target_semaphore(%arg13 : memref<!tpu.dma_semaphore, #tpu.memory_space<semaphore_mem>>)
      } else {
      }
      scf.yield %parallel_loop3A_140#0, %parallel_loop3A_140#1 : vector<16xf32>, vector<16xf32>
    }
    %scan3A_43 = arith.constant 3 : i32
    %dma_wait3A = arith.constant 6 : i32
    %dma_wait3A_44 = arith.constant 0 : i32
    %dma_wait3A_45 = arith.constant 0 : i32
    %dma_wait3A_46 = tpu.memref_slice %arg2[%dma_wait3A, %dma_wait3A_44, %dma_wait3A_45, %mul3A_2] : memref<7x7x30x4096xf32, #tpu.memory_space<hbm>> -> memref<1x7x30x128xf32, #tpu.memory_space<hbm>>
    %dma_wait3A_47 = tpu.memref_squeeze %dma_wait3A_46 : memref<1x7x30x128xf32, #tpu.memory_space<hbm>> -> memref<7x30x128xf32, #tpu.memory_space<hbm>>
    %dma_wait3A_48 = arith.constant 0 : i32
    %dma_wait3A_49 = arith.constant 0 : i32
    %dma_wait3A_50 = tpu.memref_slice %arg2[%dma_wait3A, %dma_wait3A_48, %dma_wait3A_49, %mul3A_2] : memref<7x7x30x4096xf32, #tpu.memory_space<hbm>> -> memref<1x7x30x128xf32, #tpu.memory_space<hbm>>
    %dma_wait3A_51 = tpu.memref_squeeze %dma_wait3A_50 : memref<1x7x30x128xf32, #tpu.memory_space<hbm>> -> memref<7x30x128xf32, #tpu.memory_space<hbm>>
    tpu.wait_dma2 semaphore(%arg10 : memref<!tpu.dma_semaphore, #tpu.memory_space<semaphore_mem>>) src(%dma_wait3A_51 : memref<7x30x128xf32, #tpu.memory_space<hbm>>) dst(%arg5 : memref<7x30x128xf32, #tpu.memory_space<vmem>>)
    %dma_wait3A_52 = arith.constant 6 : i32
    %dma_wait3A_53 = arith.constant 0 : i32
    %dma_wait3A_54 = arith.constant 0 : i32
    %dma_wait3A_55 = tpu.memref_slice %arg3[%dma_wait3A_52, %dma_wait3A_53, %dma_wait3A_54, %mul3A_2] : memref<7x7x30x4096xf32, #tpu.memory_space<hbm>> -> memref<1x7x30x128xf32, #tpu.memory_space<hbm>>
    %dma_wait3A_56 = tpu.memref_squeeze %dma_wait3A_55 : memref<1x7x30x128xf32, #tpu.memory_space<hbm>> -> memref<7x30x128xf32, #tpu.memory_space<hbm>>
    %dma_wait3A_57 = arith.constant 0 : i32
    %dma_wait3A_58 = arith.constant 0 : i32
    %dma_wait3A_59 = tpu.memref_slice %arg3[%dma_wait3A_52, %dma_wait3A_57, %dma_wait3A_58, %mul3A_2] : memref<7x7x30x4096xf32, #tpu.memory_space<hbm>> -> memref<1x7x30x128xf32, #tpu.memory_space<hbm>>
    %dma_wait3A_60 = tpu.memref_squeeze %dma_wait3A_59 : memref<1x7x30x128xf32, #tpu.memory_space<hbm>> -> memref<7x30x128xf32, #tpu.memory_space<hbm>>
    tpu.wait_dma2 semaphore(%arg12 : memref<!tpu.dma_semaphore, #tpu.memory_space<semaphore_mem>>) src(%dma_wait3A_60 : memref<7x30x128xf32, #tpu.memory_space<hbm>>) dst(%arg7 : memref<7x30x128xf32, #tpu.memory_space<vmem>>)
    %parallel_loop3A = arith.constant 0 : i32
    %parallel_loop3A_61 = arith.constant 56 : i32
    %parallel_loop3A_62 = arith.constant 1 : i32
    %parallel_loop3A_63:2 = scf.for %parallel_loop3A_76 = %parallel_loop3A to %parallel_loop3A_61 step %parallel_loop3A_62 iter_args(%parallel_loop3A_77 = %scan3A_42#0, %parallel_loop3A_78 = %scan3A_42#1) -> (vector<16xf32>, vector<16xf32>)  : i32 {
      %parallel_loop3A_79 = arith.constant 8 : i32
      %parallel_loop3A_80 = arith.divsi %parallel_loop3A_76, %parallel_loop3A_79 : i32
      %parallel_loop3A_81 = arith.constant 0 : i32
      %parallel_loop3A_82 = arith.cmpi sgt, %parallel_loop3A_76, %parallel_loop3A_81 : i32
      %parallel_loop3A_83 = arith.extui %parallel_loop3A_82 : i1 to i32
      %parallel_loop3A_84 = arith.constant 0 : i32
      %parallel_loop3A_85 = arith.cmpi slt, %parallel_loop3A_76, %parallel_loop3A_84 : i32
      %parallel_loop3A_86 = arith.extui %parallel_loop3A_85 : i1 to i32
      %parallel_loop3A_87 = arith.subi %parallel_loop3A_83, %parallel_loop3A_86 : i32
      %parallel_loop3A_88 = arith.constant 0 : i32
      %parallel_loop3A_89 = arith.cmpi sgt, %parallel_loop3A_79, %parallel_loop3A_88 : i32
      %parallel_loop3A_90 = arith.extui %parallel_loop3A_89 : i1 to i32
      %parallel_loop3A_91 = arith.constant 0 : i32
      %parallel_loop3A_92 = arith.cmpi slt, %parallel_loop3A_79, %parallel_loop3A_91 : i32
      %parallel_loop3A_93 = arith.extui %parallel_loop3A_92 : i1 to i32
      %parallel_loop3A_94 = arith.subi %parallel_loop3A_90, %parallel_loop3A_93 : i32
      %parallel_loop3A_95 = arith.cmpi ne, %parallel_loop3A_87, %parallel_loop3A_94 : i32
      %parallel_loop3A_96 = arith.remsi %parallel_loop3A_76, %parallel_loop3A_79 : i32
      %parallel_loop3A_97 = arith.constant 0 : i32
      %parallel_loop3A_98 = arith.cmpi ne, %parallel_loop3A_96, %parallel_loop3A_97 : i32
      %parallel_loop3A_99 = arith.andi %parallel_loop3A_95, %parallel_loop3A_98 : i1
      %parallel_loop3A_100 = arith.constant 1 : i32
      %parallel_loop3A_101 = arith.subi %parallel_loop3A_80, %parallel_loop3A_100 : i32
      %parallel_loop3A_102 = arith.select %parallel_loop3A_99, %parallel_loop3A_101, %parallel_loop3A_80 : i32
      %parallel_loop3A_103 = arith.constant 8 : i32
      %parallel_loop3A_104 = arith.constant 0 : i32
      %parallel_loop3A_105 = arith.cmpi eq, %parallel_loop3A_103, %parallel_loop3A_104 : i32
      %parallel_loop3A_106 = arith.constant 1 : i32
      %parallel_loop3A_107 = arith.select %parallel_loop3A_105, %parallel_loop3A_106, %parallel_loop3A_103 : i32
      %parallel_loop3A_108 = arith.remsi %parallel_loop3A_76, %parallel_loop3A_107 : i32
      %parallel_loop3A_109 = arith.constant 0 : i32
      %parallel_loop3A_110 = arith.cmpi ne, %parallel_loop3A_108, %parallel_loop3A_109 : i32
      %parallel_loop3A_111 = arith.constant 0 : i32
      %parallel_loop3A_112 = arith.cmpi slt, %parallel_loop3A_108, %parallel_loop3A_111 : i32
      %parallel_loop3A_113 = arith.constant 0 : i32
      %parallel_loop3A_114 = arith.cmpi slt, %parallel_loop3A_107, %parallel_loop3A_113 : i32
      %parallel_loop3A_115 = arith.xori %parallel_loop3A_112, %parallel_loop3A_114 : i1
      %parallel_loop3A_116 = arith.andi %parallel_loop3A_115, %parallel_loop3A_110 : i1
      %parallel_loop3A_117 = arith.addi %parallel_loop3A_108, %parallel_loop3A_107 : i32
      %parallel_loop3A_118 = arith.select %parallel_loop3A_116, %parallel_loop3A_117, %parallel_loop3A_108 : i32
      %parallel_loop3A_119 = arith.constant 16 : i32
      %parallel_loop3A_120 = arith.muli %parallel_loop3A_118, %parallel_loop3A_119 : i32
      %parallel_loop3A_121 = arith.constant 4 : i32
      %parallel_loop3A_122 = arith.index_cast %parallel_loop3A_102 : i32 to index
      %parallel_loop3A_123 = arith.index_cast %parallel_loop3A_121 : i32 to index
      %parallel_loop3A_124 = arith.index_cast %parallel_loop3A_120 : i32 to index
      %parallel_loop3A_125 = tpu.vector_load %arg7[%parallel_loop3A_122, %parallel_loop3A_123, %parallel_loop3A_124] {strides = array<i32>} : memref<7x30x128xf32, #tpu.memory_space<vmem>>, vector<1x1x16xf32>,
      %parallel_loop3A_126 = vector.shape_cast %parallel_loop3A_125 : vector<1x1x16xf32> to vector<16xf32>
      %parallel_loop3A_127 = arith.constant 0.000000e+00 : f32
      %parallel_loop3A_128 = vector.broadcast %parallel_loop3A_127 : f32 to vector<16xf32>
      %parallel_loop3A_129 = arith.cmpf ogt, %parallel_loop3A_126, %parallel_loop3A_128 : vector<16xf32>
      %parallel_loop3A_130 = arith.constant 4 : i32
      %parallel_loop3A_131 = arith.index_cast %parallel_loop3A_102 : i32 to index
      %parallel_loop3A_132 = arith.index_cast %parallel_loop3A_130 : i32 to index
      %parallel_loop3A_133 = arith.index_cast %parallel_loop3A_120 : i32 to index
      %parallel_loop3A_134 = tpu.vector_load %arg5[%parallel_loop3A_131, %parallel_loop3A_132, %parallel_loop3A_133] {strides = array<i32>} : memref<7x30x128xf32, #tpu.memory_space<vmem>>, vector<1x1x16xf32>,
      %parallel_loop3A_135 = vector.shape_cast %parallel_loop3A_134 : vector<1x1x16xf32> to vector<16xf32>
      %parallel_loop3A_136 = arith.constant 9 : i32
      %parallel_loop3A_137 = arith.index_cast %parallel_loop3A_102 : i32 to index
      %parallel_loop3A_138 = arith.index_cast %parallel_loop3A_136 : i32 to index
      %parallel_loop3A_139 = arith.index_cast %parallel_loop3A_120 : i32 to index
      %parallel_loop3A_140 = tpu.vector_load %arg5[%parallel_loop3A_137, %parallel_loop3A_138, %parallel_loop3A_139] {strides = array<i32>} : memref<7x30x128xf32, #tpu.memory_space<vmem>>, vector<1x1x16xf32>,
      %parallel_loop3A_141 = vector.shape_cast %parallel_loop3A_140 : vector<1x1x16xf32> to vector<16xf32>
      %parallel_loop3A_142 = arith.mulf %parallel_loop3A_135, %parallel_loop3A_135 : vector<16xf32>
      %parallel_loop3A_143 = arith.mulf %parallel_loop3A_141, %parallel_loop3A_141 : vector<16xf32>
      %parallel_loop3A_144 = arith.addf %parallel_loop3A_142, %parallel_loop3A_143 : vector<16xf32>
      %parallel_loop3A_145 = arith.constant 0.000000e+00 : f32
      %parallel_loop3A_146 = vector.broadcast %parallel_loop3A_145 : f32 to vector<16xf32>
      %parallel_loop3A_147 = arith.select %parallel_loop3A_129, %parallel_loop3A_146, %parallel_loop3A_144 : vector<16xi1>, vector<16xf32>
      %parallel_loop3A_148 = arith.addf %parallel_loop3A_77, %parallel_loop3A_147 : vector<16xf32>
      %parallel_loop3A_149 = arith.constant 0 : i32
      %parallel_loop3A_150 = arith.index_cast %parallel_loop3A_102 : i32 to index
      %parallel_loop3A_151 = arith.index_cast %parallel_loop3A_149 : i32 to index
      %parallel_loop3A_152 = arith.index_cast %parallel_loop3A_120 : i32 to index
      %parallel_loop3A_153 = tpu.vector_load %arg7[%parallel_loop3A_150, %parallel_loop3A_151, %parallel_loop3A_152] {strides = array<i32>} : memref<7x30x128xf32, #tpu.memory_space<vmem>>, vector<1x1x16xf32>,
      %parallel_loop3A_154 = vector.shape_cast %parallel_loop3A_153 : vector<1x1x16xf32> to vector<16xf32>
      %parallel_loop3A_155 = arith.constant 1 : i32
      %parallel_loop3A_156 = arith.index_cast %parallel_loop3A_102 : i32 to index
      %parallel_loop3A_157 = arith.index_cast %parallel_loop3A_155 : i32 to index
      %parallel_loop3A_158 = arith.index_cast %parallel_loop3A_120 : i32 to index
      %parallel_loop3A_159 = tpu.vector_load %arg7[%parallel_loop3A_156, %parallel_loop3A_157, %parallel_loop3A_158] {strides = array<i32>} : memref<7x30x128xf32, #tpu.memory_space<vmem>>, vector<1x1x16xf32>,
      %parallel_loop3A_160 = vector.shape_cast %parallel_loop3A_159 : vector<1x1x16xf32> to vector<16xf32>
      %parallel_loop3A_161 = arith.constant 2 : i32
      %parallel_loop3A_162 = arith.index_cast %parallel_loop3A_102 : i32 to index
      %parallel_loop3A_163 = arith.index_cast %parallel_loop3A_161 : i32 to index
      %parallel_loop3A_164 = arith.index_cast %parallel_loop3A_120 : i32 to index
      %parallel_loop3A_165 = tpu.vector_load %arg7[%parallel_loop3A_162, %parallel_loop3A_163, %parallel_loop3A_164] {strides = array<i32>} : memref<7x30x128xf32, #tpu.memory_space<vmem>>, vector<1x1x16xf32>,
      %parallel_loop3A_166 = vector.shape_cast %parallel_loop3A_165 : vector<1x1x16xf32> to vector<16xf32>
      %parallel_loop3A_167 = arith.constant 3 : i32
      %parallel_loop3A_168 = arith.index_cast %parallel_loop3A_102 : i32 to index
      %parallel_loop3A_169 = arith.index_cast %parallel_loop3A_167 : i32 to index
      %parallel_loop3A_170 = arith.index_cast %parallel_loop3A_120 : i32 to index
      %parallel_loop3A_171 = tpu.vector_load %arg7[%parallel_loop3A_168, %parallel_loop3A_169, %parallel_loop3A_170] {strides = array<i32>} : memref<7x30x128xf32, #tpu.memory_space<vmem>>, vector<1x1x16xf32>,
      %parallel_loop3A_172 = vector.shape_cast %parallel_loop3A_171 : vector<1x1x16xf32> to vector<16xf32>
      %parallel_loop3A_173 = arith.constant 7.000000e+00 : f32
      %parallel_loop3A_174 = vector.broadcast %parallel_loop3A_173 : f32 to vector<16xf32>
      %parallel_loop3A_175 = arith.divf %parallel_loop3A_154, %parallel_loop3A_174 : vector<16xf32>
      %parallel_loop3A_176 = arith.constant 7.000000e+00 : f32
      %parallel_loop3A_177 = vector.broadcast %parallel_loop3A_176 : f32 to vector<16xf32>
      %parallel_loop3A_178 = arith.divf %parallel_loop3A_160, %parallel_loop3A_177 : vector<16xf32>
      %parallel_loop3A_179 = arith.constant 5.000000e-01 : f32
      %parallel_loop3A_180 = vector.broadcast %parallel_loop3A_179 : f32 to vector<16xf32>
      %parallel_loop3A_181 = arith.mulf %parallel_loop3A_180, %parallel_loop3A_166 : vector<16xf32>
      %parallel_loop3A_182 = arith.subf %parallel_loop3A_175, %parallel_loop3A_181 : vector<16xf32>
      %parallel_loop3A_183 = arith.constant 5.000000e-01 : f32
      %parallel_loop3A_184 = vector.broadcast %parallel_loop3A_183 : f32 to vector<16xf32>
      %parallel_loop3A_185 = arith.mulf %parallel_loop3A_184, %parallel_loop3A_172 : vector<16xf32>
      %parallel_loop3A_186 = arith.subf %parallel_loop3A_178, %parallel_loop3A_185 : vector<16xf32>
      %parallel_loop3A_187 = arith.constant 5.000000e-01 : f32
      %parallel_loop3A_188 = vector.broadcast %parallel_loop3A_187 : f32 to vector<16xf32>
      %parallel_loop3A_189 = arith.mulf %parallel_loop3A_188, %parallel_loop3A_166 : vector<16xf32>
      %parallel_loop3A_190 = arith.addf %parallel_loop3A_175, %parallel_loop3A_189 : vector<16xf32>
      %parallel_loop3A_191 = arith.constant 5.000000e-01 : f32
      %parallel_loop3A_192 = vector.broadcast %parallel_loop3A_191 : f32 to vector<16xf32>
      %parallel_loop3A_193 = arith.mulf %parallel_loop3A_192, %parallel_loop3A_172 : vector<16xf32>
      %parallel_loop3A_194 = arith.addf %parallel_loop3A_178, %parallel_loop3A_193 : vector<16xf32>
      %parallel_loop3A_195 = arith.subf %parallel_loop3A_190, %parallel_loop3A_182 : vector<16xf32>
      %parallel_loop3A_196 = arith.subf %parallel_loop3A_194, %parallel_loop3A_186 : vector<16xf32>
      %parallel_loop3A_197 = arith.mulf %parallel_loop3A_195, %parallel_loop3A_196 : vector<16xf32>
      %parallel_loop3A_198 = arith.constant 0 : i32
      %parallel_loop3A_199 = arith.index_cast %parallel_loop3A_102 : i32 to index
      %parallel_loop3A_200 = arith.index_cast %parallel_loop3A_198 : i32 to index
      %parallel_loop3A_201 = arith.index_cast %parallel_loop3A_120 : i32 to index
      %parallel_loop3A_202 = tpu.vector_load %arg5[%parallel_loop3A_199, %parallel_loop3A_200, %parallel_loop3A_201] {strides = array<i32>} : memref<7x30x128xf32, #tpu.memory_space<vmem>>, vector<1x1x16xf32>,
      %parallel_loop3A_203 = vector.shape_cast %parallel_loop3A_202 : vector<1x1x16xf32> to vector<16xf32>
      %parallel_loop3A_204 = arith.constant 1 : i32
      %parallel_loop3A_205 = arith.index_cast %parallel_loop3A_102 : i32 to index
      %parallel_loop3A_206 = arith.index_cast %parallel_loop3A_204 : i32 to index
      %parallel_loop3A_207 = arith.index_cast %parallel_loop3A_120 : i32 to index
      %parallel_loop3A_208 = tpu.vector_load %arg5[%parallel_loop3A_205, %parallel_loop3A_206, %parallel_loop3A_207] {strides = array<i32>} : memref<7x30x128xf32, #tpu.memory_space<vmem>>, vector<1x1x16xf32>,
      %parallel_loop3A_209 = vector.shape_cast %parallel_loop3A_208 : vector<1x1x16xf32> to vector<16xf32>
      %parallel_loop3A_210 = arith.constant 2 : i32
      %parallel_loop3A_211 = arith.index_cast %parallel_loop3A_102 : i32 to index
      %parallel_loop3A_212 = arith.index_cast %parallel_loop3A_210 : i32 to index
      %parallel_loop3A_213 = arith.index_cast %parallel_loop3A_120 : i32 to index
      %parallel_loop3A_214 = tpu.vector_load %arg5[%parallel_loop3A_211, %parallel_loop3A_212, %parallel_loop3A_213] {strides = array<i32>} : memref<7x30x128xf32, #tpu.memory_space<vmem>>, vector<1x1x16xf32>,
      %parallel_loop3A_215 = vector.shape_cast %parallel_loop3A_214 : vector<1x1x16xf32> to vector<16xf32>
      %parallel_loop3A_216 = arith.constant 3 : i32
      %parallel_loop3A_217 = arith.index_cast %parallel_loop3A_102 : i32 to index
      %parallel_loop3A_218 = arith.index_cast %parallel_loop3A_216 : i32 to index
      %parallel_loop3A_219 = arith.index_cast %parallel_loop3A_120 : i32 to index
      %parallel_loop3A_220 = tpu.vector_load %arg5[%parallel_loop3A_217, %parallel_loop3A_218, %parallel_loop3A_219] {strides = array<i32>} : memref<7x30x128xf32, #tpu.memory_space<vmem>>, vector<1x1x16xf32>,
      %parallel_loop3A_221 = vector.shape_cast %parallel_loop3A_220 : vector<1x1x16xf32> to vector<16xf32>
      %parallel_loop3A_222 = arith.constant 5 : i32
      %parallel_loop3A_223 = arith.index_cast %parallel_loop3A_102 : i32 to index
      %parallel_loop3A_224 = arith.index_cast %parallel_loop3A_222 : i32 to index
      %parallel_loop3A_225 = arith.index_cast %parallel_loop3A_120 : i32 to index
      %parallel_loop3A_226 = tpu.vector_load %arg5[%parallel_loop3A_223, %parallel_loop3A_224, %parallel_loop3A_225] {strides = array<i32>} : memref<7x30x128xf32, #tpu.memory_space<vmem>>, vector<1x1x16xf32>,
      %parallel_loop3A_227 = vector.shape_cast %parallel_loop3A_226 : vector<1x1x16xf32> to vector<16xf32>
      %parallel_loop3A_228 = arith.constant 6 : i32
      %parallel_loop3A_229 = arith.index_cast %parallel_loop3A_102 : i32 to index
      %parallel_loop3A_230 = arith.index_cast %parallel_loop3A_228 : i32 to index
      %parallel_loop3A_231 = arith.index_cast %parallel_loop3A_120 : i32 to index
      %parallel_loop3A_232 = tpu.vector_load %arg5[%parallel_loop3A_229, %parallel_loop3A_230, %parallel_loop3A_231] {strides = array<i32>} : memref<7x30x128xf32, #tpu.memory_space<vmem>>, vector<1x1x16xf32>,
      %parallel_loop3A_233 = vector.shape_cast %parallel_loop3A_232 : vector<1x1x16xf32> to vector<16xf32>
      %parallel_loop3A_234 = arith.constant 7 : i32
      %parallel_loop3A_235 = arith.index_cast %parallel_loop3A_102 : i32 to index
      %parallel_loop3A_236 = arith.index_cast %parallel_loop3A_234 : i32 to index
      %parallel_loop3A_237 = arith.index_cast %parallel_loop3A_120 : i32 to index
      %parallel_loop3A_238 = tpu.vector_load %arg5[%parallel_loop3A_235, %parallel_loop3A_236, %parallel_loop3A_237] {strides = array<i32>} : memref<7x30x128xf32, #tpu.memory_space<vmem>>, vector<1x1x16xf32>,
      %parallel_loop3A_239 = vector.shape_cast %parallel_loop3A_238 : vector<1x1x16xf32> to vector<16xf32>
      %parallel_loop3A_240 = arith.constant 8 : i32
      %parallel_loop3A_241 = arith.index_cast %parallel_loop3A_102 : i32 to index
      %parallel_loop3A_242 = arith.index_cast %parallel_loop3A_240 : i32 to index
      %parallel_loop3A_243 = arith.index_cast %parallel_loop3A_120 : i32 to index
      %parallel_loop3A_244 = tpu.vector_load %arg5[%parallel_loop3A_241, %parallel_loop3A_242, %parallel_loop3A_243] {strides = array<i32>} : memref<7x30x128xf32, #tpu.memory_space<vmem>>, vector<1x1x16xf32>,
      %parallel_loop3A_245 = vector.shape_cast %parallel_loop3A_244 : vector<1x1x16xf32> to vector<16xf32>
      %parallel_loop3A_246 = arith.constant 7.000000e+00 : f32
      %parallel_loop3A_247 = vector.broadcast %parallel_loop3A_246 : f32 to vector<16xf32>
      %parallel_loop3A_248 = arith.divf %parallel_loop3A_203, %parallel_loop3A_247 : vector<16xf32>
      %parallel_loop3A_249 = arith.constant 7.000000e+00 : f32
      %parallel_loop3A_250 = vector.broadcast %parallel_loop3A_249 : f32 to vector<16xf32>
      %parallel_loop3A_251 = arith.divf %parallel_loop3A_209, %parallel_loop3A_250 : vector<16xf32>
      %parallel_loop3A_252 = arith.constant 5.000000e-01 : f32
      %parallel_loop3A_253 = vector.broadcast %parallel_loop3A_252 : f32 to vector<16xf32>
      %parallel_loop3A_254 = arith.mulf %parallel_loop3A_253, %parallel_loop3A_215 : vector<16xf32>
      %parallel_loop3A_255 = arith.subf %parallel_loop3A_248, %parallel_loop3A_254 : vector<16xf32>
      %parallel_loop3A_256 = arith.constant 5.000000e-01 : f32
      %parallel_loop3A_257 = vector.broadcast %parallel_loop3A_256 : f32 to vector<16xf32>
      %parallel_loop3A_258 = arith.mulf %parallel_loop3A_257, %parallel_loop3A_221 : vector<16xf32>
      %parallel_loop3A_259 = arith.subf %parallel_loop3A_251, %parallel_loop3A_258 : vector<16xf32>
      %parallel_loop3A_260 = arith.constant 5.000000e-01 : f32
      %parallel_loop3A_261 = vector.broadcast %parallel_loop3A_260 : f32 to vector<16xf32>
      %parallel_loop3A_262 = arith.mulf %parallel_loop3A_261, %parallel_loop3A_215 : vector<16xf32>
      %parallel_loop3A_263 = arith.addf %parallel_loop3A_248, %parallel_loop3A_262 : vector<16xf32>
      %parallel_loop3A_264 = arith.constant 5.000000e-01 : f32
      %parallel_loop3A_265 = vector.broadcast %parallel_loop3A_264 : f32 to vector<16xf32>
      %parallel_loop3A_266 = arith.mulf %parallel_loop3A_265, %parallel_loop3A_221 : vector<16xf32>
      %parallel_loop3A_267 = arith.addf %parallel_loop3A_251, %parallel_loop3A_266 : vector<16xf32>
      %parallel_loop3A_268 = arith.minimumf %parallel_loop3A_263, %parallel_loop3A_190 : vector<16xf32>
      %parallel_loop3A_269 = arith.maximumf %parallel_loop3A_255, %parallel_loop3A_182 : vector<16xf32>
      %parallel_loop3A_270 = arith.subf %parallel_loop3A_268, %parallel_loop3A_269 : vector<16xf32>
      %parallel_loop3A_271 = arith.constant 0.000000e+00 : f32
      %parallel_loop3A_272 = vector.broadcast %parallel_loop3A_271 : f32 to vector<16xf32>
      %parallel_loop3A_273 = arith.maximumf %parallel_loop3A_270, %parallel_loop3A_272 : vector<16xf32>
      %parallel_loop3A_274 = arith.minimumf %parallel_loop3A_267, %parallel_loop3A_194 : vector<16xf32>
      %parallel_loop3A_275 = arith.maximumf %parallel_loop3A_259, %parallel_loop3A_186 : vector<16xf32>
      %parallel_loop3A_276 = arith.subf %parallel_loop3A_274, %parallel_loop3A_275 : vector<16xf32>
      %parallel_loop3A_277 = arith.constant 0.000000e+00 : f32
      %parallel_loop3A_278 = vector.broadcast %parallel_loop3A_277 : f32 to vector<16xf32>
      %parallel_loop3A_279 = arith.maximumf %parallel_loop3A_276, %parallel_loop3A_278 : vector<16xf32>
      %parallel_loop3A_280 = arith.mulf %parallel_loop3A_273, %parallel_loop3A_279 : vector<16xf32>
      %parallel_loop3A_281 = arith.subf %parallel_loop3A_263, %parallel_loop3A_255 : vector<16xf32>
      %parallel_loop3A_282 = arith.subf %parallel_loop3A_267, %parallel_loop3A_259 : vector<16xf32>
      %parallel_loop3A_283 = arith.mulf %parallel_loop3A_281, %parallel_loop3A_282 : vector<16xf32>
      %parallel_loop3A_284 = arith.addf %parallel_loop3A_283, %parallel_loop3A_197 : vector<16xf32>
      %parallel_loop3A_285 = arith.subf %parallel_loop3A_284, %parallel_loop3A_280 : vector<16xf32>
      %parallel_loop3A_286 = arith.constant 7.000000e+00 : f32
      %parallel_loop3A_287 = vector.broadcast %parallel_loop3A_286 : f32 to vector<16xf32>
      %parallel_loop3A_288 = arith.divf %parallel_loop3A_227, %parallel_loop3A_287 : vector<16xf32>
      %parallel_loop3A_289 = arith.constant 7.000000e+00 : f32
      %parallel_loop3A_290 = vector.broadcast %parallel_loop3A_289 : f32 to vector<16xf32>
      %parallel_loop3A_291 = arith.divf %parallel_loop3A_233, %parallel_loop3A_290 : vector<16xf32>
      %parallel_loop3A_292 = arith.constant 5.000000e-01 : f32
      %parallel_loop3A_293 = vector.broadcast %parallel_loop3A_292 : f32 to vector<16xf32>
      %parallel_loop3A_294 = arith.mulf %parallel_loop3A_293, %parallel_loop3A_239 : vector<16xf32>
      %parallel_loop3A_295 = arith.subf %parallel_loop3A_288, %parallel_loop3A_294 : vector<16xf32>
      %parallel_loop3A_296 = arith.constant 5.000000e-01 : f32
      %parallel_loop3A_297 = vector.broadcast %parallel_loop3A_296 : f32 to vector<16xf32>
      %parallel_loop3A_298 = arith.mulf %parallel_loop3A_297, %parallel_loop3A_245 : vector<16xf32>
      %parallel_loop3A_299 = arith.subf %parallel_loop3A_291, %parallel_loop3A_298 : vector<16xf32>
      %parallel_loop3A_300 = arith.constant 5.000000e-01 : f32
      %parallel_loop3A_301 = vector.broadcast %parallel_loop3A_300 : f32 to vector<16xf32>
      %parallel_loop3A_302 = arith.mulf %parallel_loop3A_301, %parallel_loop3A_239 : vector<16xf32>
      %parallel_loop3A_303 = arith.addf %parallel_loop3A_288, %parallel_loop3A_302 : vector<16xf32>
      %parallel_loop3A_304 = arith.constant 5.000000e-01 : f32
      %parallel_loop3A_305 = vector.broadcast %parallel_loop3A_304 : f32 to vector<16xf32>
      %parallel_loop3A_306 = arith.mulf %parallel_loop3A_305, %parallel_loop3A_245 : vector<16xf32>
      %parallel_loop3A_307 = arith.addf %parallel_loop3A_291, %parallel_loop3A_306 : vector<16xf32>
      %parallel_loop3A_308 = arith.minimumf %parallel_loop3A_303, %parallel_loop3A_190 : vector<16xf32>
      %parallel_loop3A_309 = arith.maximumf %parallel_loop3A_295, %parallel_loop3A_182 : vector<16xf32>
      %parallel_loop3A_310 = arith.subf %parallel_loop3A_308, %parallel_loop3A_309 : vector<16xf32>
      %parallel_loop3A_311 = arith.constant 0.000000e+00 : f32
      %parallel_loop3A_312 = vector.broadcast %parallel_loop3A_311 : f32 to vector<16xf32>
      %parallel_loop3A_313 = arith.maximumf %parallel_loop3A_310, %parallel_loop3A_312 : vector<16xf32>
      %parallel_loop3A_314 = arith.minimumf %parallel_loop3A_307, %parallel_loop3A_194 : vector<16xf32>
      %parallel_loop3A_315 = arith.maximumf %parallel_loop3A_299, %parallel_loop3A_186 : vector<16xf32>
      %parallel_loop3A_316 = arith.subf %parallel_loop3A_314, %parallel_loop3A_315 : vector<16xf32>
      %parallel_loop3A_317 = arith.constant 0.000000e+00 : f32
      %parallel_loop3A_318 = vector.broadcast %parallel_loop3A_317 : f32 to vector<16xf32>
      %parallel_loop3A_319 = arith.maximumf %parallel_loop3A_316, %parallel_loop3A_318 : vector<16xf32>
      %parallel_loop3A_320 = arith.mulf %parallel_loop3A_313, %parallel_loop3A_319 : vector<16xf32>
      %parallel_loop3A_321 = arith.subf %parallel_loop3A_303, %parallel_loop3A_295 : vector<16xf32>
      %parallel_loop3A_322 = arith.subf %parallel_loop3A_307, %parallel_loop3A_299 : vector<16xf32>
      %parallel_loop3A_323 = arith.mulf %parallel_loop3A_321, %parallel_loop3A_322 : vector<16xf32>
      %parallel_loop3A_324 = arith.addf %parallel_loop3A_323, %parallel_loop3A_197 : vector<16xf32>
      %parallel_loop3A_325 = arith.subf %parallel_loop3A_324, %parallel_loop3A_320 : vector<16xf32>
      %parallel_loop3A_326 = arith.mulf %parallel_loop3A_320, %parallel_loop3A_285 : vector<16xf32>
      %parallel_loop3A_327 = arith.mulf %parallel_loop3A_280, %parallel_loop3A_325 : vector<16xf32>
      %parallel_loop3A_328 = arith.cmpf ogt, %parallel_loop3A_326, %parallel_loop3A_327 : vector<16xf32>
      %parallel_loop3A_329 = arith.select %parallel_loop3A_328, %parallel_loop3A_320, %parallel_loop3A_280 : vector<16xi1>, vector<16xf32>
      %parallel_loop3A_330 = arith.select %parallel_loop3A_328, %parallel_loop3A_325, %parallel_loop3A_285 : vector<16xi1>, vector<16xf32>
      %parallel_loop3A_331 = arith.divf %parallel_loop3A_329, %parallel_loop3A_330 : vector<16xf32>
      %parallel_loop3A_332 = arith.select %parallel_loop3A_328, %parallel_loop3A_227, %parallel_loop3A_203 : vector<16xi1>, vector<16xf32>
      %parallel_loop3A_333 = arith.select %parallel_loop3A_328, %parallel_loop3A_233, %parallel_loop3A_209 : vector<16xi1>, vector<16xf32>
      %parallel_loop3A_334 = arith.select %parallel_loop3A_328, %parallel_loop3A_239, %parallel_loop3A_215 : vector<16xi1>, vector<16xf32>
      %parallel_loop3A_335 = arith.select %parallel_loop3A_328, %parallel_loop3A_245, %parallel_loop3A_221 : vector<16xi1>, vector<16xf32>
      %parallel_loop3A_336 = arith.select %parallel_loop3A_328, %parallel_loop3A_141, %parallel_loop3A_135 : vector<16xi1>, vector<16xf32>
      %parallel_loop3A_337 = arith.constant 5 : i32
      %parallel_loop3A_338 = arith.index_cast %parallel_loop3A_102 : i32 to index
      %parallel_loop3A_339 = arith.index_cast %parallel_loop3A_337 : i32 to index
      %parallel_loop3A_340 = arith.index_cast %parallel_loop3A_120 : i32 to index
      %parallel_loop3A_341 = tpu.vector_load %arg7[%parallel_loop3A_338, %parallel_loop3A_339, %parallel_loop3A_340] {strides = array<i32>} : memref<7x30x128xf32, #tpu.memory_space<vmem>>, vector<1x1x16xf32>,
      %parallel_loop3A_342 = vector.shape_cast %parallel_loop3A_341 : vector<1x1x16xf32> to vector<16xf32>
      %parallel_loop3A_343 = arith.select %parallel_loop3A_328, %parallel_loop3A_342, %parallel_loop3A_154 : vector<16xi1>, vector<16xf32>
      %parallel_loop3A_344 = arith.constant 6 : i32
      %parallel_loop3A_345 = arith.index_cast %parallel_loop3A_102 : i32 to index
      %parallel_loop3A_346 = arith.index_cast %parallel_loop3A_344 : i32 to index
      %parallel_loop3A_347 = arith.index_cast %parallel_loop3A_120 : i32 to index
      %parallel_loop3A_348 = tpu.vector_load %arg7[%parallel_loop3A_345, %parallel_loop3A_346, %parallel_loop3A_347] {strides = array<i32>} : memref<7x30x128xf32, #tpu.memory_space<vmem>>, vector<1x1x16xf32>,
      %parallel_loop3A_349 = vector.shape_cast %parallel_loop3A_348 : vector<1x1x16xf32> to vector<16xf32>
      %parallel_loop3A_350 = arith.select %parallel_loop3A_328, %parallel_loop3A_349, %parallel_loop3A_160 : vector<16xi1>, vector<16xf32>
      %parallel_loop3A_351 = arith.constant 7 : i32
      %parallel_loop3A_352 = arith.index_cast %parallel_loop3A_102 : i32 to index
      %parallel_loop3A_353 = arith.index_cast %parallel_loop3A_351 : i32 to index
      %parallel_loop3A_354 = arith.index_cast %parallel_loop3A_120 : i32 to index
      %parallel_loop3A_355 = tpu.vector_load %arg7[%parallel_loop3A_352, %parallel_loop3A_353, %parallel_loop3A_354] {strides = array<i32>} : memref<7x30x128xf32, #tpu.memory_space<vmem>>, vector<1x1x16xf32>,
      %parallel_loop3A_356 = vector.shape_cast %parallel_loop3A_355 : vector<1x1x16xf32> to vector<16xf32>
      %parallel_loop3A_357 = arith.select %parallel_loop3A_328, %parallel_loop3A_356, %parallel_loop3A_166 : vector<16xi1>, vector<16xf32>
      %parallel_loop3A_358 = arith.constant 8 : i32
      %parallel_loop3A_359 = arith.index_cast %parallel_loop3A_102 : i32 to index
      %parallel_loop3A_360 = arith.index_cast %parallel_loop3A_358 : i32 to index
      %parallel_loop3A_361 = arith.index_cast %parallel_loop3A_120 : i32 to index
      %parallel_loop3A_362 = tpu.vector_load %arg7[%parallel_loop3A_359, %parallel_loop3A_360, %parallel_loop3A_361] {strides = array<i32>} : memref<7x30x128xf32, #tpu.memory_space<vmem>>, vector<1x1x16xf32>,
      %parallel_loop3A_363 = vector.shape_cast %parallel_loop3A_362 : vector<1x1x16xf32> to vector<16xf32>
      %parallel_loop3A_364 = arith.select %parallel_loop3A_328, %parallel_loop3A_363, %parallel_loop3A_172 : vector<16xi1>, vector<16xf32>
      %parallel_loop3A_365 = arith.subf %parallel_loop3A_332, %parallel_loop3A_343 : vector<16xf32>
      %parallel_loop3A_366 = arith.subf %parallel_loop3A_333, %parallel_loop3A_350 : vector<16xf32>
      %parallel_loop3A_367 = arith.mulf %parallel_loop3A_365, %parallel_loop3A_365 : vector<16xf32>
      %parallel_loop3A_368 = arith.mulf %parallel_loop3A_366, %parallel_loop3A_366 : vector<16xf32>
      %parallel_loop3A_369 = arith.addf %parallel_loop3A_367, %parallel_loop3A_368 : vector<16xf32>
      %parallel_loop3A_370 = arith.addf %parallel_loop3A_334, %parallel_loop3A_357 : vector<16xf32>
      %parallel_loop3A_371 = arith.mulf %parallel_loop3A_334, %parallel_loop3A_357 : vector<16xf32>
      %parallel_loop3A_372 = tpu.bitcast %parallel_loop3A_371 : vector<16xf32> -> vector<16xi32>
      %parallel_loop3A_373 = arith.constant 1 : i32
      %parallel_loop3A_374 = vector.broadcast %parallel_loop3A_373 : i32 to vector<16xi32>
      %parallel_loop3A_375 = arith.shrsi %parallel_loop3A_372, %parallel_loop3A_374 : vector<16xi32>
      %parallel_loop3A_376 = arith.constant 1597463007 : i32
      %parallel_loop3A_377 = vector.broadcast %parallel_loop3A_376 : i32 to vector<16xi32>
      %parallel_loop3A_378 = arith.subi %parallel_loop3A_377, %parallel_loop3A_375 : vector<16xi32>
      %parallel_loop3A_379 = tpu.bitcast %parallel_loop3A_378 : vector<16xi32> -> vector<16xf32>
      %parallel_loop3A_380 = arith.constant 5.000000e-01 : f32
      %parallel_loop3A_381 = vector.broadcast %parallel_loop3A_380 : f32 to vector<16xf32>
      %parallel_loop3A_382 = arith.mulf %parallel_loop3A_381, %parallel_loop3A_371 : vector<16xf32>
      %parallel_loop3A_383 = arith.mulf %parallel_loop3A_382, %parallel_loop3A_379 : vector<16xf32>
      %parallel_loop3A_384 = arith.mulf %parallel_loop3A_383, %parallel_loop3A_379 : vector<16xf32>
      %parallel_loop3A_385 = arith.constant 1.500000e+00 : f32
      %parallel_loop3A_386 = vector.broadcast %parallel_loop3A_385 : f32 to vector<16xf32>
      %parallel_loop3A_387 = arith.subf %parallel_loop3A_386, %parallel_loop3A_384 : vector<16xf32>
      %parallel_loop3A_388 = arith.mulf %parallel_loop3A_379, %parallel_loop3A_387 : vector<16xf32>
      %parallel_loop3A_389 = arith.constant 5.000000e-01 : f32
      %parallel_loop3A_390 = vector.broadcast %parallel_loop3A_389 : f32 to vector<16xf32>
      %parallel_loop3A_391 = arith.mulf %parallel_loop3A_390, %parallel_loop3A_371 : vector<16xf32>
      %parallel_loop3A_392 = arith.mulf %parallel_loop3A_391, %parallel_loop3A_388 : vector<16xf32>
      %parallel_loop3A_393 = arith.mulf %parallel_loop3A_392, %parallel_loop3A_388 : vector<16xf32>
      %parallel_loop3A_394 = arith.constant 1.500000e+00 : f32
      %parallel_loop3A_395 = vector.broadcast %parallel_loop3A_394 : f32 to vector<16xf32>
      %parallel_loop3A_396 = arith.subf %parallel_loop3A_395, %parallel_loop3A_393 : vector<16xf32>
      %parallel_loop3A_397 = arith.mulf %parallel_loop3A_388, %parallel_loop3A_396 : vector<16xf32>
      %parallel_loop3A_398 = arith.mulf %parallel_loop3A_371, %parallel_loop3A_397 : vector<16xf32>
      %parallel_loop3A_399 = arith.constant 2.000000e+00 : f32
      %parallel_loop3A_400 = vector.broadcast %parallel_loop3A_399 : f32 to vector<16xf32>
      %parallel_loop3A_401 = arith.mulf %parallel_loop3A_400, %parallel_loop3A_398 : vector<16xf32>
      %parallel_loop3A_402 = arith.subf %parallel_loop3A_370, %parallel_loop3A_401 : vector<16xf32>
      %parallel_loop3A_403 = arith.addf %parallel_loop3A_402, %parallel_loop3A_335 : vector<16xf32>
      %parallel_loop3A_404 = arith.addf %parallel_loop3A_403, %parallel_loop3A_364 : vector<16xf32>
      %parallel_loop3A_405 = arith.mulf %parallel_loop3A_335, %parallel_loop3A_364 : vector<16xf32>
      %parallel_loop3A_406 = tpu.bitcast %parallel_loop3A_405 : vector<16xf32> -> vector<16xi32>
      %parallel_loop3A_407 = arith.constant 1 : i32
      %parallel_loop3A_408 = vector.broadcast %parallel_loop3A_407 : i32 to vector<16xi32>
      %parallel_loop3A_409 = arith.shrsi %parallel_loop3A_406, %parallel_loop3A_408 : vector<16xi32>
      %parallel_loop3A_410 = arith.constant 1597463007 : i32
      %parallel_loop3A_411 = vector.broadcast %parallel_loop3A_410 : i32 to vector<16xi32>
      %parallel_loop3A_412 = arith.subi %parallel_loop3A_411, %parallel_loop3A_409 : vector<16xi32>
      %parallel_loop3A_413 = tpu.bitcast %parallel_loop3A_412 : vector<16xi32> -> vector<16xf32>
      %parallel_loop3A_414 = arith.constant 5.000000e-01 : f32
      %parallel_loop3A_415 = vector.broadcast %parallel_loop3A_414 : f32 to vector<16xf32>
      %parallel_loop3A_416 = arith.mulf %parallel_loop3A_415, %parallel_loop3A_405 : vector<16xf32>
      %parallel_loop3A_417 = arith.mulf %parallel_loop3A_416, %parallel_loop3A_413 : vector<16xf32>
      %parallel_loop3A_418 = arith.mulf %parallel_loop3A_417, %parallel_loop3A_413 : vector<16xf32>
      %parallel_loop3A_419 = arith.constant 1.500000e+00 : f32
      %parallel_loop3A_420 = vector.broadcast %parallel_loop3A_419 : f32 to vector<16xf32>
      %parallel_loop3A_421 = arith.subf %parallel_loop3A_420, %parallel_loop3A_418 : vector<16xf32>
      %parallel_loop3A_422 = arith.mulf %parallel_loop3A_413, %parallel_loop3A_421 : vector<16xf32>
      %parallel_loop3A_423 = arith.constant 5.000000e-01 : f32
      %parallel_loop3A_424 = vector.broadcast %parallel_loop3A_423 : f32 to vector<16xf32>
      %parallel_loop3A_425 = arith.mulf %parallel_loop3A_424, %parallel_loop3A_405 : vector<16xf32>
      %parallel_loop3A_426 = arith.mulf %parallel_loop3A_425, %parallel_loop3A_422 : vector<16xf32>
      %parallel_loop3A_427 = arith.mulf %parallel_loop3A_426, %parallel_loop3A_422 : vector<16xf32>
      %parallel_loop3A_428 = arith.constant 1.500000e+00 : f32
      %parallel_loop3A_429 = vector.broadcast %parallel_loop3A_428 : f32 to vector<16xf32>
      %parallel_loop3A_430 = arith.subf %parallel_loop3A_429, %parallel_loop3A_427 : vector<16xf32>
      %parallel_loop3A_431 = arith.mulf %parallel_loop3A_422, %parallel_loop3A_430 : vector<16xf32>
      %parallel_loop3A_432 = arith.mulf %parallel_loop3A_405, %parallel_loop3A_431 : vector<16xf32>
      %parallel_loop3A_433 = arith.constant 2.000000e+00 : f32
      %parallel_loop3A_434 = vector.broadcast %parallel_loop3A_433 : f32 to vector<16xf32>
      %parallel_loop3A_435 = arith.mulf %parallel_loop3A_434, %parallel_loop3A_432 : vector<16xf32>
      %parallel_loop3A_436 = arith.subf %parallel_loop3A_404, %parallel_loop3A_435 : vector<16xf32>
      %parallel_loop3A_437 = arith.subf %parallel_loop3A_336, %parallel_loop3A_331 : vector<16xf32>
      %parallel_loop3A_438 = arith.mulf %parallel_loop3A_437, %parallel_loop3A_437 : vector<16xf32>
      %parallel_loop3A_439 = arith.constant 0.000000e+00 : f32
      %parallel_loop3A_440 = vector.broadcast %parallel_loop3A_439 : f32 to vector<16xf32>
      %parallel_loop3A_441 = arith.constant 10 : i32
      %parallel_loop3A_442 = arith.index_cast %parallel_loop3A_102 : i32 to index
      %parallel_loop3A_443 = arith.index_cast %parallel_loop3A_441 : i32 to index
      %parallel_loop3A_444 = arith.index_cast %parallel_loop3A_120 : i32 to index
      %parallel_loop3A_445 = tpu.vector_load %arg5[%parallel_loop3A_442, %parallel_loop3A_443, %parallel_loop3A_444] {strides = array<i32>} : memref<7x30x128xf32, #tpu.memory_space<vmem>>, vector<1x1x16xf32>,
      %parallel_loop3A_446 = vector.shape_cast %parallel_loop3A_445 : vector<1x1x16xf32> to vector<16xf32>
      %parallel_loop3A_447 = arith.constant 10 : i32
      %parallel_loop3A_448 = arith.index_cast %parallel_loop3A_102 : i32 to index
      %parallel_loop3A_449 = arith.index_cast %parallel_loop3A_447 : i32 to index
      %parallel_loop3A_450 = arith.index_cast %parallel_loop3A_120 : i32 to index
      %parallel_loop3A_451 = tpu.vector_load %arg7[%parallel_loop3A_448, %parallel_loop3A_449, %parallel_loop3A_450] {strides = array<i32>} : memref<7x30x128xf32, #tpu.memory_space<vmem>>, vector<1x1x16xf32>,
      %parallel_loop3A_452 = vector.shape_cast %parallel_loop3A_451 : vector<1x1x16xf32> to vector<16xf32>
      %parallel_loop3A_453 = arith.subf %parallel_loop3A_446, %parallel_loop3A_452 : vector<16xf32>
      %parallel_loop3A_454 = arith.mulf %parallel_loop3A_453, %parallel_loop3A_453 : vector<16xf32>
      %parallel_loop3A_455 = arith.addf %parallel_loop3A_440, %parallel_loop3A_454 : vector<16xf32>
      %parallel_loop3A_456 = arith.constant 11 : i32
      %parallel_loop3A_457 = arith.index_cast %parallel_loop3A_102 : i32 to index
      %parallel_loop3A_458 = arith.index_cast %parallel_loop3A_456 : i32 to index
      %parallel_loop3A_459 = arith.index_cast %parallel_loop3A_120 : i32 to index
      %parallel_loop3A_460 = tpu.vector_load %arg5[%parallel_loop3A_457, %parallel_loop3A_458, %parallel_loop3A_459] {strides = array<i32>} : memref<7x30x128xf32, #tpu.memory_space<vmem>>, vector<1x1x16xf32>,
      %parallel_loop3A_461 = vector.shape_cast %parallel_loop3A_460 : vector<1x1x16xf32> to vector<16xf32>
      %parallel_loop3A_462 = arith.constant 11 : i32
      %parallel_loop3A_463 = arith.index_cast %parallel_loop3A_102 : i32 to index
      %parallel_loop3A_464 = arith.index_cast %parallel_loop3A_462 : i32 to index
      %parallel_loop3A_465 = arith.index_cast %parallel_loop3A_120 : i32 to index
      %parallel_loop3A_466 = tpu.vector_load %arg7[%parallel_loop3A_463, %parallel_loop3A_464, %parallel_loop3A_465] {strides = array<i32>} : memref<7x30x128xf32, #tpu.memory_space<vmem>>, vector<1x1x16xf32>,
      %parallel_loop3A_467 = vector.shape_cast %parallel_loop3A_466 : vector<1x1x16xf32> to vector<16xf32>
      %parallel_loop3A_468 = arith.subf %parallel_loop3A_461, %parallel_loop3A_467 : vector<16xf32>
      %parallel_loop3A_469 = arith.mulf %parallel_loop3A_468, %parallel_loop3A_468 : vector<16xf32>
      %parallel_loop3A_470 = arith.addf %parallel_loop3A_455, %parallel_loop3A_469 : vector<16xf32>
      %parallel_loop3A_471 = arith.constant 12 : i32
      %parallel_loop3A_472 = arith.index_cast %parallel_loop3A_102 : i32 to index
      %parallel_loop3A_473 = arith.index_cast %parallel_loop3A_471 : i32 to index
      %parallel_loop3A_474 = arith.index_cast %parallel_loop3A_120 : i32 to index
      %parallel_loop3A_475 = tpu.vector_load %arg5[%parallel_loop3A_472, %parallel_loop3A_473, %parallel_loop3A_474] {strides = array<i32>} : memref<7x30x128xf32, #tpu.memory_space<vmem>>, vector<1x1x16xf32>,
      %parallel_loop3A_476 = vector.shape_cast %parallel_loop3A_475 : vector<1x1x16xf32> to vector<16xf32>
      %parallel_loop3A_477 = arith.constant 12 : i32
      %parallel_loop3A_478 = arith.index_cast %parallel_loop3A_102 : i32 to index
      %parallel_loop3A_479 = arith.index_cast %parallel_loop3A_477 : i32 to index
      %parallel_loop3A_480 = arith.index_cast %parallel_loop3A_120 : i32 to index
      %parallel_loop3A_481 = tpu.vector_load %arg7[%parallel_loop3A_478, %parallel_loop3A_479, %parallel_loop3A_480] {strides = array<i32>} : memref<7x30x128xf32, #tpu.memory_space<vmem>>, vector<1x1x16xf32>,
      %parallel_loop3A_482 = vector.shape_cast %parallel_loop3A_481 : vector<1x1x16xf32> to vector<16xf32>
      %parallel_loop3A_483 = arith.subf %parallel_loop3A_476, %parallel_loop3A_482 : vector<16xf32>
      %parallel_loop3A_484 = arith.mulf %parallel_loop3A_483, %parallel_loop3A_483 : vector<16xf32>
      %parallel_loop3A_485 = arith.addf %parallel_loop3A_470, %parallel_loop3A_484 : vector<16xf32>
      %parallel_loop3A_486 = arith.constant 13 : i32
      %parallel_loop3A_487 = arith.index_cast %parallel_loop3A_102 : i32 to index
      %parallel_loop3A_488 = arith.index_cast %parallel_loop3A_486 : i32 to index
      %parallel_loop3A_489 = arith.index_cast %parallel_loop3A_120 : i32 to index
      %parallel_loop3A_490 = tpu.vector_load %arg5[%parallel_loop3A_487, %parallel_loop3A_488, %parallel_loop3A_489] {strides = array<i32>} : memref<7x30x128xf32, #tpu.memory_space<vmem>>, vector<1x1x16xf32>,
      %parallel_loop3A_491 = vector.shape_cast %parallel_loop3A_490 : vector<1x1x16xf32> to vector<16xf32>
      %parallel_loop3A_492 = arith.constant 13 : i32
      %parallel_loop3A_493 = arith.index_cast %parallel_loop3A_102 : i32 to index
      %parallel_loop3A_494 = arith.index_cast %parallel_loop3A_492 : i32 to index
      %parallel_loop3A_495 = arith.index_cast %parallel_loop3A_120 : i32 to index
      %parallel_loop3A_496 = tpu.vector_load %arg7[%parallel_loop3A_493, %parallel_loop3A_494, %parallel_loop3A_495] {strides = array<i32>} : memref<7x30x128xf32, #tpu.memory_space<vmem>>, vector<1x1x16xf32>,
      %parallel_loop3A_497 = vector.shape_cast %parallel_loop3A_496 : vector<1x1x16xf32> to vector<16xf32>
      %parallel_loop3A_498 = arith.subf %parallel_loop3A_491, %parallel_loop3A_497 : vector<16xf32>
      %parallel_loop3A_499 = arith.mulf %parallel_loop3A_498, %parallel_loop3A_498 : vector<16xf32>
      %parallel_loop3A_500 = arith.addf %parallel_loop3A_485, %parallel_loop3A_499 : vector<16xf32>
      %parallel_loop3A_501 = arith.constant 14 : i32
      %parallel_loop3A_502 = arith.index_cast %parallel_loop3A_102 : i32 to index
      %parallel_loop3A_503 = arith.index_cast %parallel_loop3A_501 : i32 to index
      %parallel_loop3A_504 = arith.index_cast %parallel_loop3A_120 : i32 to index
      %parallel_loop3A_505 = tpu.vector_load %arg5[%parallel_loop3A_502, %parallel_loop3A_503, %parallel_loop3A_504] {strides = array<i32>} : memref<7x30x128xf32, #tpu.memory_space<vmem>>, vector<1x1x16xf32>,
      %parallel_loop3A_506 = vector.shape_cast %parallel_loop3A_505 : vector<1x1x16xf32> to vector<16xf32>
      %parallel_loop3A_507 = arith.constant 14 : i32
      %parallel_loop3A_508 = arith.index_cast %parallel_loop3A_102 : i32 to index
      %parallel_loop3A_509 = arith.index_cast %parallel_loop3A_507 : i32 to index
      %parallel_loop3A_510 = arith.index_cast %parallel_loop3A_120 : i32 to index
      %parallel_loop3A_511 = tpu.vector_load %arg7[%parallel_loop3A_508, %parallel_loop3A_509, %parallel_loop3A_510] {strides = array<i32>} : memref<7x30x128xf32, #tpu.memory_space<vmem>>, vector<1x1x16xf32>,
      %parallel_loop3A_512 = vector.shape_cast %parallel_loop3A_511 : vector<1x1x16xf32> to vector<16xf32>
      %parallel_loop3A_513 = arith.subf %parallel_loop3A_506, %parallel_loop3A_512 : vector<16xf32>
      %parallel_loop3A_514 = arith.mulf %parallel_loop3A_513, %parallel_loop3A_513 : vector<16xf32>
      %parallel_loop3A_515 = arith.addf %parallel_loop3A_500, %parallel_loop3A_514 : vector<16xf32>
      %parallel_loop3A_516 = arith.constant 15 : i32
      %parallel_loop3A_517 = arith.index_cast %parallel_loop3A_102 : i32 to index
      %parallel_loop3A_518 = arith.index_cast %parallel_loop3A_516 : i32 to index
      %parallel_loop3A_519 = arith.index_cast %parallel_loop3A_120 : i32 to index
      %parallel_loop3A_520 = tpu.vector_load %arg5[%parallel_loop3A_517, %parallel_loop3A_518, %parallel_loop3A_519] {strides = array<i32>} : memref<7x30x128xf32, #tpu.memory_space<vmem>>, vector<1x1x16xf32>,
      %parallel_loop3A_521 = vector.shape_cast %parallel_loop3A_520 : vector<1x1x16xf32> to vector<16xf32>
      %parallel_loop3A_522 = arith.constant 15 : i32
      %parallel_loop3A_523 = arith.index_cast %parallel_loop3A_102 : i32 to index
      %parallel_loop3A_524 = arith.index_cast %parallel_loop3A_522 : i32 to index
      %parallel_loop3A_525 = arith.index_cast %parallel_loop3A_120 : i32 to index
      %parallel_loop3A_526 = tpu.vector_load %arg7[%parallel_loop3A_523, %parallel_loop3A_524, %parallel_loop3A_525] {strides = array<i32>} : memref<7x30x128xf32, #tpu.memory_space<vmem>>, vector<1x1x16xf32>,
      %parallel_loop3A_527 = vector.shape_cast %parallel_loop3A_526 : vector<1x1x16xf32> to vector<16xf32>
      %parallel_loop3A_528 = arith.subf %parallel_loop3A_521, %parallel_loop3A_527 : vector<16xf32>
      %parallel_loop3A_529 = arith.mulf %parallel_loop3A_528, %parallel_loop3A_528 : vector<16xf32>
      %parallel_loop3A_530 = arith.addf %parallel_loop3A_515, %parallel_loop3A_529 : vector<16xf32>
      %parallel_loop3A_531 = arith.constant 16 : i32
      %parallel_loop3A_532 = arith.index_cast %parallel_loop3A_102 : i32 to index
      %parallel_loop3A_533 = arith.index_cast %parallel_loop3A_531 : i32 to index
      %parallel_loop3A_534 = arith.index_cast %parallel_loop3A_120 : i32 to index
      %parallel_loop3A_535 = tpu.vector_load %arg5[%parallel_loop3A_532, %parallel_loop3A_533, %parallel_loop3A_534] {strides = array<i32>} : memref<7x30x128xf32, #tpu.memory_space<vmem>>, vector<1x1x16xf32>,
      %parallel_loop3A_536 = vector.shape_cast %parallel_loop3A_535 : vector<1x1x16xf32> to vector<16xf32>
      %parallel_loop3A_537 = arith.constant 16 : i32
      %parallel_loop3A_538 = arith.index_cast %parallel_loop3A_102 : i32 to index
      %parallel_loop3A_539 = arith.index_cast %parallel_loop3A_537 : i32 to index
      %parallel_loop3A_540 = arith.index_cast %parallel_loop3A_120 : i32 to index
      %parallel_loop3A_541 = tpu.vector_load %arg7[%parallel_loop3A_538, %parallel_loop3A_539, %parallel_loop3A_540] {strides = array<i32>} : memref<7x30x128xf32, #tpu.memory_space<vmem>>, vector<1x1x16xf32>,
      %parallel_loop3A_542 = vector.shape_cast %parallel_loop3A_541 : vector<1x1x16xf32> to vector<16xf32>
      %parallel_loop3A_543 = arith.subf %parallel_loop3A_536, %parallel_loop3A_542 : vector<16xf32>
      %parallel_loop3A_544 = arith.mulf %parallel_loop3A_543, %parallel_loop3A_543 : vector<16xf32>
      %parallel_loop3A_545 = arith.addf %parallel_loop3A_530, %parallel_loop3A_544 : vector<16xf32>
      %parallel_loop3A_546 = arith.constant 17 : i32
      %parallel_loop3A_547 = arith.index_cast %parallel_loop3A_102 : i32 to index
      %parallel_loop3A_548 = arith.index_cast %parallel_loop3A_546 : i32 to index
      %parallel_loop3A_549 = arith.index_cast %parallel_loop3A_120 : i32 to index
      %parallel_loop3A_550 = tpu.vector_load %arg5[%parallel_loop3A_547, %parallel_loop3A_548, %parallel_loop3A_549] {strides = array<i32>} : memref<7x30x128xf32, #tpu.memory_space<vmem>>, vector<1x1x16xf32>,
      %parallel_loop3A_551 = vector.shape_cast %parallel_loop3A_550 : vector<1x1x16xf32> to vector<16xf32>
      %parallel_loop3A_552 = arith.constant 17 : i32
      %parallel_loop3A_553 = arith.index_cast %parallel_loop3A_102 : i32 to index
      %parallel_loop3A_554 = arith.index_cast %parallel_loop3A_552 : i32 to index
      %parallel_loop3A_555 = arith.index_cast %parallel_loop3A_120 : i32 to index
      %parallel_loop3A_556 = tpu.vector_load %arg7[%parallel_loop3A_553, %parallel_loop3A_554, %parallel_loop3A_555] {strides = array<i32>} : memref<7x30x128xf32, #tpu.memory_space<vmem>>, vector<1x1x16xf32>,
      %parallel_loop3A_557 = vector.shape_cast %parallel_loop3A_556 : vector<1x1x16xf32> to vector<16xf32>
      %parallel_loop3A_558 = arith.subf %parallel_loop3A_551, %parallel_loop3A_557 : vector<16xf32>
      %parallel_loop3A_559 = arith.mulf %parallel_loop3A_558, %parallel_loop3A_558 : vector<16xf32>
      %parallel_loop3A_560 = arith.addf %parallel_loop3A_545, %parallel_loop3A_559 : vector<16xf32>
      %parallel_loop3A_561 = arith.constant 18 : i32
      %parallel_loop3A_562 = arith.index_cast %parallel_loop3A_102 : i32 to index
      %parallel_loop3A_563 = arith.index_cast %parallel_loop3A_561 : i32 to index
      %parallel_loop3A_564 = arith.index_cast %parallel_loop3A_120 : i32 to index
      %parallel_loop3A_565 = tpu.vector_load %arg5[%parallel_loop3A_562, %parallel_loop3A_563, %parallel_loop3A_564] {strides = array<i32>} : memref<7x30x128xf32, #tpu.memory_space<vmem>>, vector<1x1x16xf32>,
      %parallel_loop3A_566 = vector.shape_cast %parallel_loop3A_565 : vector<1x1x16xf32> to vector<16xf32>
      %parallel_loop3A_567 = arith.constant 18 : i32
      %parallel_loop3A_568 = arith.index_cast %parallel_loop3A_102 : i32 to index
      %parallel_loop3A_569 = arith.index_cast %parallel_loop3A_567 : i32 to index
      %parallel_loop3A_570 = arith.index_cast %parallel_loop3A_120 : i32 to index
      %parallel_loop3A_571 = tpu.vector_load %arg7[%parallel_loop3A_568, %parallel_loop3A_569, %parallel_loop3A_570] {strides = array<i32>} : memref<7x30x128xf32, #tpu.memory_space<vmem>>, vector<1x1x16xf32>,
      %parallel_loop3A_572 = vector.shape_cast %parallel_loop3A_571 : vector<1x1x16xf32> to vector<16xf32>
      %parallel_loop3A_573 = arith.subf %parallel_loop3A_566, %parallel_loop3A_572 : vector<16xf32>
      %parallel_loop3A_574 = arith.mulf %parallel_loop3A_573, %parallel_loop3A_573 : vector<16xf32>
      %parallel_loop3A_575 = arith.addf %parallel_loop3A_560, %parallel_loop3A_574 : vector<16xf32>
      %parallel_loop3A_576 = arith.constant 19 : i32
      %parallel_loop3A_577 = arith.index_cast %parallel_loop3A_102 : i32 to index
      %parallel_loop3A_578 = arith.index_cast %parallel_loop3A_576 : i32 to index
      %parallel_loop3A_579 = arith.index_cast %parallel_loop3A_120 : i32 to index
      %parallel_loop3A_580 = tpu.vector_load %arg5[%parallel_loop3A_577, %parallel_loop3A_578, %parallel_loop3A_579] {strides = array<i32>} : memref<7x30x128xf32, #tpu.memory_space<vmem>>, vector<1x1x16xf32>,
      %parallel_loop3A_581 = vector.shape_cast %parallel_loop3A_580 : vector<1x1x16xf32> to vector<16xf32>
      %parallel_loop3A_582 = arith.constant 19 : i32
      %parallel_loop3A_583 = arith.index_cast %parallel_loop3A_102 : i32 to index
      %parallel_loop3A_584 = arith.index_cast %parallel_loop3A_582 : i32 to index
      %parallel_loop3A_585 = arith.index_cast %parallel_loop3A_120 : i32 to index
      %parallel_loop3A_586 = tpu.vector_load %arg7[%parallel_loop3A_583, %parallel_loop3A_584, %parallel_loop3A_585] {strides = array<i32>} : memref<7x30x128xf32, #tpu.memory_space<vmem>>, vector<1x1x16xf32>,
      %parallel_loop3A_587 = vector.shape_cast %parallel_loop3A_586 : vector<1x1x16xf32> to vector<16xf32>
      %parallel_loop3A_588 = arith.subf %parallel_loop3A_581, %parallel_loop3A_587 : vector<16xf32>
      %parallel_loop3A_589 = arith.mulf %parallel_loop3A_588, %parallel_loop3A_588 : vector<16xf32>
      %parallel_loop3A_590 = arith.addf %parallel_loop3A_575, %parallel_loop3A_589 : vector<16xf32>
      %parallel_loop3A_591 = arith.constant 20 : i32
      %parallel_loop3A_592 = arith.index_cast %parallel_loop3A_102 : i32 to index
      %parallel_loop3A_593 = arith.index_cast %parallel_loop3A_591 : i32 to index
      %parallel_loop3A_594 = arith.index_cast %parallel_loop3A_120 : i32 to index
      %parallel_loop3A_595 = tpu.vector_load %arg5[%parallel_loop3A_592, %parallel_loop3A_593, %parallel_loop3A_594] {strides = array<i32>} : memref<7x30x128xf32, #tpu.memory_space<vmem>>, vector<1x1x16xf32>,
      %parallel_loop3A_596 = vector.shape_cast %parallel_loop3A_595 : vector<1x1x16xf32> to vector<16xf32>
      %parallel_loop3A_597 = arith.constant 20 : i32
      %parallel_loop3A_598 = arith.index_cast %parallel_loop3A_102 : i32 to index
      %parallel_loop3A_599 = arith.index_cast %parallel_loop3A_597 : i32 to index
      %parallel_loop3A_600 = arith.index_cast %parallel_loop3A_120 : i32 to index
      %parallel_loop3A_601 = tpu.vector_load %arg7[%parallel_loop3A_598, %parallel_loop3A_599, %parallel_loop3A_600] {strides = array<i32>} : memref<7x30x128xf32, #tpu.memory_space<vmem>>, vector<1x1x16xf32>,
      %parallel_loop3A_602 = vector.shape_cast %parallel_loop3A_601 : vector<1x1x16xf32> to vector<16xf32>
      %parallel_loop3A_603 = arith.subf %parallel_loop3A_596, %parallel_loop3A_602 : vector<16xf32>
      %parallel_loop3A_604 = arith.mulf %parallel_loop3A_603, %parallel_loop3A_603 : vector<16xf32>
      %parallel_loop3A_605 = arith.addf %parallel_loop3A_590, %parallel_loop3A_604 : vector<16xf32>
      %parallel_loop3A_606 = arith.constant 21 : i32
      %parallel_loop3A_607 = arith.index_cast %parallel_loop3A_102 : i32 to index
      %parallel_loop3A_608 = arith.index_cast %parallel_loop3A_606 : i32 to index
      %parallel_loop3A_609 = arith.index_cast %parallel_loop3A_120 : i32 to index
      %parallel_loop3A_610 = tpu.vector_load %arg5[%parallel_loop3A_607, %parallel_loop3A_608, %parallel_loop3A_609] {strides = array<i32>} : memref<7x30x128xf32, #tpu.memory_space<vmem>>, vector<1x1x16xf32>,
      %parallel_loop3A_611 = vector.shape_cast %parallel_loop3A_610 : vector<1x1x16xf32> to vector<16xf32>
      %parallel_loop3A_612 = arith.constant 21 : i32
      %parallel_loop3A_613 = arith.index_cast %parallel_loop3A_102 : i32 to index
      %parallel_loop3A_614 = arith.index_cast %parallel_loop3A_612 : i32 to index
      %parallel_loop3A_615 = arith.index_cast %parallel_loop3A_120 : i32 to index
      %parallel_loop3A_616 = tpu.vector_load %arg7[%parallel_loop3A_613, %parallel_loop3A_614, %parallel_loop3A_615] {strides = array<i32>} : memref<7x30x128xf32, #tpu.memory_space<vmem>>, vector<1x1x16xf32>,
      %parallel_loop3A_617 = vector.shape_cast %parallel_loop3A_616 : vector<1x1x16xf32> to vector<16xf32>
      %parallel_loop3A_618 = arith.subf %parallel_loop3A_611, %parallel_loop3A_617 : vector<16xf32>
      %parallel_loop3A_619 = arith.mulf %parallel_loop3A_618, %parallel_loop3A_618 : vector<16xf32>
      %parallel_loop3A_620 = arith.addf %parallel_loop3A_605, %parallel_loop3A_619 : vector<16xf32>
      %parallel_loop3A_621 = arith.constant 22 : i32
      %parallel_loop3A_622 = arith.index_cast %parallel_loop3A_102 : i32 to index
      %parallel_loop3A_623 = arith.index_cast %parallel_loop3A_621 : i32 to index
      %parallel_loop3A_624 = arith.index_cast %parallel_loop3A_120 : i32 to index
      %parallel_loop3A_625 = tpu.vector_load %arg5[%parallel_loop3A_622, %parallel_loop3A_623, %parallel_loop3A_624] {strides = array<i32>} : memref<7x30x128xf32, #tpu.memory_space<vmem>>, vector<1x1x16xf32>,
      %parallel_loop3A_626 = vector.shape_cast %parallel_loop3A_625 : vector<1x1x16xf32> to vector<16xf32>
      %parallel_loop3A_627 = arith.constant 22 : i32
      %parallel_loop3A_628 = arith.index_cast %parallel_loop3A_102 : i32 to index
      %parallel_loop3A_629 = arith.index_cast %parallel_loop3A_627 : i32 to index
      %parallel_loop3A_630 = arith.index_cast %parallel_loop3A_120 : i32 to index
      %parallel_loop3A_631 = tpu.vector_load %arg7[%parallel_loop3A_628, %parallel_loop3A_629, %parallel_loop3A_630] {strides = array<i32>} : memref<7x30x128xf32, #tpu.memory_space<vmem>>, vector<1x1x16xf32>,
      %parallel_loop3A_632 = vector.shape_cast %parallel_loop3A_631 : vector<1x1x16xf32> to vector<16xf32>
      %parallel_loop3A_633 = arith.subf %parallel_loop3A_626, %parallel_loop3A_632 : vector<16xf32>
      %parallel_loop3A_634 = arith.mulf %parallel_loop3A_633, %parallel_loop3A_633 : vector<16xf32>
      %parallel_loop3A_635 = arith.addf %parallel_loop3A_620, %parallel_loop3A_634 : vector<16xf32>
      %parallel_loop3A_636 = arith.constant 23 : i32
      %parallel_loop3A_637 = arith.index_cast %parallel_loop3A_102 : i32 to index
      %parallel_loop3A_638 = arith.index_cast %parallel_loop3A_636 : i32 to index
      %parallel_loop3A_639 = arith.index_cast %parallel_loop3A_120 : i32 to index
      %parallel_loop3A_640 = tpu.vector_load %arg5[%parallel_loop3A_637, %parallel_loop3A_638, %parallel_loop3A_639] {strides = array<i32>} : memref<7x30x128xf32, #tpu.memory_space<vmem>>, vector<1x1x16xf32>,
      %parallel_loop3A_641 = vector.shape_cast %parallel_loop3A_640 : vector<1x1x16xf32> to vector<16xf32>
      %parallel_loop3A_642 = arith.constant 23 : i32
      %parallel_loop3A_643 = arith.index_cast %parallel_loop3A_102 : i32 to index
      %parallel_loop3A_644 = arith.index_cast %parallel_loop3A_642 : i32 to index
      %parallel_loop3A_645 = arith.index_cast %parallel_loop3A_120 : i32 to index
      %parallel_loop3A_646 = tpu.vector_load %arg7[%parallel_loop3A_643, %parallel_loop3A_644, %parallel_loop3A_645] {strides = array<i32>} : memref<7x30x128xf32, #tpu.memory_space<vmem>>, vector<1x1x16xf32>,
      %parallel_loop3A_647 = vector.shape_cast %parallel_loop3A_646 : vector<1x1x16xf32> to vector<16xf32>
      %parallel_loop3A_648 = arith.subf %parallel_loop3A_641, %parallel_loop3A_647 : vector<16xf32>
      %parallel_loop3A_649 = arith.mulf %parallel_loop3A_648, %parallel_loop3A_648 : vector<16xf32>
      %parallel_loop3A_650 = arith.addf %parallel_loop3A_635, %parallel_loop3A_649 : vector<16xf32>
      %parallel_loop3A_651 = arith.constant 24 : i32
      %parallel_loop3A_652 = arith.index_cast %parallel_loop3A_102 : i32 to index
      %parallel_loop3A_653 = arith.index_cast %parallel_loop3A_651 : i32 to index
      %parallel_loop3A_654 = arith.index_cast %parallel_loop3A_120 : i32 to index
      %parallel_loop3A_655 = tpu.vector_load %arg5[%parallel_loop3A_652, %parallel_loop3A_653, %parallel_loop3A_654] {strides = array<i32>} : memref<7x30x128xf32, #tpu.memory_space<vmem>>, vector<1x1x16xf32>,
      %parallel_loop3A_656 = vector.shape_cast %parallel_loop3A_655 : vector<1x1x16xf32> to vector<16xf32>
      %parallel_loop3A_657 = arith.constant 24 : i32
      %parallel_loop3A_658 = arith.index_cast %parallel_loop3A_102 : i32 to index
      %parallel_loop3A_659 = arith.index_cast %parallel_loop3A_657 : i32 to index
      %parallel_loop3A_660 = arith.index_cast %parallel_loop3A_120 : i32 to index
      %parallel_loop3A_661 = tpu.vector_load %arg7[%parallel_loop3A_658, %parallel_loop3A_659, %parallel_loop3A_660] {strides = array<i32>} : memref<7x30x128xf32, #tpu.memory_space<vmem>>, vector<1x1x16xf32>,
      %parallel_loop3A_662 = vector.shape_cast %parallel_loop3A_661 : vector<1x1x16xf32> to vector<16xf32>
      %parallel_loop3A_663 = arith.subf %parallel_loop3A_656, %parallel_loop3A_662 : vector<16xf32>
      %parallel_loop3A_664 = arith.mulf %parallel_loop3A_663, %parallel_loop3A_663 : vector<16xf32>
      %parallel_loop3A_665 = arith.addf %parallel_loop3A_650, %parallel_loop3A_664 : vector<16xf32>
      %parallel_loop3A_666 = arith.constant 25 : i32
      %parallel_loop3A_667 = arith.index_cast %parallel_loop3A_102 : i32 to index
      %parallel_loop3A_668 = arith.index_cast %parallel_loop3A_666 : i32 to index
      %parallel_loop3A_669 = arith.index_cast %parallel_loop3A_120 : i32 to index
      %parallel_loop3A_670 = tpu.vector_load %arg5[%parallel_loop3A_667, %parallel_loop3A_668, %parallel_loop3A_669] {strides = array<i32>} : memref<7x30x128xf32, #tpu.memory_space<vmem>>, vector<1x1x16xf32>,
      %parallel_loop3A_671 = vector.shape_cast %parallel_loop3A_670 : vector<1x1x16xf32> to vector<16xf32>
      %parallel_loop3A_672 = arith.constant 25 : i32
      %parallel_loop3A_673 = arith.index_cast %parallel_loop3A_102 : i32 to index
      %parallel_loop3A_674 = arith.index_cast %parallel_loop3A_672 : i32 to index
      %parallel_loop3A_675 = arith.index_cast %parallel_loop3A_120 : i32 to index
      %parallel_loop3A_676 = tpu.vector_load %arg7[%parallel_loop3A_673, %parallel_loop3A_674, %parallel_loop3A_675] {strides = array<i32>} : memref<7x30x128xf32, #tpu.memory_space<vmem>>, vector<1x1x16xf32>,
      %parallel_loop3A_677 = vector.shape_cast %parallel_loop3A_676 : vector<1x1x16xf32> to vector<16xf32>
      %parallel_loop3A_678 = arith.subf %parallel_loop3A_671, %parallel_loop3A_677 : vector<16xf32>
      %parallel_loop3A_679 = arith.mulf %parallel_loop3A_678, %parallel_loop3A_678 : vector<16xf32>
      %parallel_loop3A_680 = arith.addf %parallel_loop3A_665, %parallel_loop3A_679 : vector<16xf32>
      %parallel_loop3A_681 = arith.constant 26 : i32
      %parallel_loop3A_682 = arith.index_cast %parallel_loop3A_102 : i32 to index
      %parallel_loop3A_683 = arith.index_cast %parallel_loop3A_681 : i32 to index
      %parallel_loop3A_684 = arith.index_cast %parallel_loop3A_120 : i32 to index
      %parallel_loop3A_685 = tpu.vector_load %arg5[%parallel_loop3A_682, %parallel_loop3A_683, %parallel_loop3A_684] {strides = array<i32>} : memref<7x30x128xf32, #tpu.memory_space<vmem>>, vector<1x1x16xf32>,
      %parallel_loop3A_686 = vector.shape_cast %parallel_loop3A_685 : vector<1x1x16xf32> to vector<16xf32>
      %parallel_loop3A_687 = arith.constant 26 : i32
      %parallel_loop3A_688 = arith.index_cast %parallel_loop3A_102 : i32 to index
      %parallel_loop3A_689 = arith.index_cast %parallel_loop3A_687 : i32 to index
      %parallel_loop3A_690 = arith.index_cast %parallel_loop3A_120 : i32 to index
      %parallel_loop3A_691 = tpu.vector_load %arg7[%parallel_loop3A_688, %parallel_loop3A_689, %parallel_loop3A_690] {strides = array<i32>} : memref<7x30x128xf32, #tpu.memory_space<vmem>>, vector<1x1x16xf32>,
      %parallel_loop3A_692 = vector.shape_cast %parallel_loop3A_691 : vector<1x1x16xf32> to vector<16xf32>
      %parallel_loop3A_693 = arith.subf %parallel_loop3A_686, %parallel_loop3A_692 : vector<16xf32>
      %parallel_loop3A_694 = arith.mulf %parallel_loop3A_693, %parallel_loop3A_693 : vector<16xf32>
      %parallel_loop3A_695 = arith.addf %parallel_loop3A_680, %parallel_loop3A_694 : vector<16xf32>
      %parallel_loop3A_696 = arith.constant 27 : i32
      %parallel_loop3A_697 = arith.index_cast %parallel_loop3A_102 : i32 to index
      %parallel_loop3A_698 = arith.index_cast %parallel_loop3A_696 : i32 to index
      %parallel_loop3A_699 = arith.index_cast %parallel_loop3A_120 : i32 to index
      %parallel_loop3A_700 = tpu.vector_load %arg5[%parallel_loop3A_697, %parallel_loop3A_698, %parallel_loop3A_699] {strides = array<i32>} : memref<7x30x128xf32, #tpu.memory_space<vmem>>, vector<1x1x16xf32>,
      %parallel_loop3A_701 = vector.shape_cast %parallel_loop3A_700 : vector<1x1x16xf32> to vector<16xf32>
      %parallel_loop3A_702 = arith.constant 27 : i32
      %parallel_loop3A_703 = arith.index_cast %parallel_loop3A_102 : i32 to index
      %parallel_loop3A_704 = arith.index_cast %parallel_loop3A_702 : i32 to index
      %parallel_loop3A_705 = arith.index_cast %parallel_loop3A_120 : i32 to index
      %parallel_loop3A_706 = tpu.vector_load %arg7[%parallel_loop3A_703, %parallel_loop3A_704, %parallel_loop3A_705] {strides = array<i32>} : memref<7x30x128xf32, #tpu.memory_space<vmem>>, vector<1x1x16xf32>,
      %parallel_loop3A_707 = vector.shape_cast %parallel_loop3A_706 : vector<1x1x16xf32> to vector<16xf32>
      %parallel_loop3A_708 = arith.subf %parallel_loop3A_701, %parallel_loop3A_707 : vector<16xf32>
      %parallel_loop3A_709 = arith.mulf %parallel_loop3A_708, %parallel_loop3A_708 : vector<16xf32>
      %parallel_loop3A_710 = arith.addf %parallel_loop3A_695, %parallel_loop3A_709 : vector<16xf32>
      %parallel_loop3A_711 = arith.constant 28 : i32
      %parallel_loop3A_712 = arith.index_cast %parallel_loop3A_102 : i32 to index
      %parallel_loop3A_713 = arith.index_cast %parallel_loop3A_711 : i32 to index
      %parallel_loop3A_714 = arith.index_cast %parallel_loop3A_120 : i32 to index
      %parallel_loop3A_715 = tpu.vector_load %arg5[%parallel_loop3A_712, %parallel_loop3A_713, %parallel_loop3A_714] {strides = array<i32>} : memref<7x30x128xf32, #tpu.memory_space<vmem>>, vector<1x1x16xf32>,
      %parallel_loop3A_716 = vector.shape_cast %parallel_loop3A_715 : vector<1x1x16xf32> to vector<16xf32>
      %parallel_loop3A_717 = arith.constant 28 : i32
      %parallel_loop3A_718 = arith.index_cast %parallel_loop3A_102 : i32 to index
      %parallel_loop3A_719 = arith.index_cast %parallel_loop3A_717 : i32 to index
      %parallel_loop3A_720 = arith.index_cast %parallel_loop3A_120 : i32 to index
      %parallel_loop3A_721 = tpu.vector_load %arg7[%parallel_loop3A_718, %parallel_loop3A_719, %parallel_loop3A_720] {strides = array<i32>} : memref<7x30x128xf32, #tpu.memory_space<vmem>>, vector<1x1x16xf32>,
      %parallel_loop3A_722 = vector.shape_cast %parallel_loop3A_721 : vector<1x1x16xf32> to vector<16xf32>
      %parallel_loop3A_723 = arith.subf %parallel_loop3A_716, %parallel_loop3A_722 : vector<16xf32>
      %parallel_loop3A_724 = arith.mulf %parallel_loop3A_723, %parallel_loop3A_723 : vector<16xf32>
      %parallel_loop3A_725 = arith.addf %parallel_loop3A_710, %parallel_loop3A_724 : vector<16xf32>
      %parallel_loop3A_726 = arith.constant 29 : i32
      %parallel_loop3A_727 = arith.index_cast %parallel_loop3A_102 : i32 to index
      %parallel_loop3A_728 = arith.index_cast %parallel_loop3A_726 : i32 to index
      %parallel_loop3A_729 = arith.index_cast %parallel_loop3A_120 : i32 to index
      %parallel_loop3A_730 = tpu.vector_load %arg5[%parallel_loop3A_727, %parallel_loop3A_728, %parallel_loop3A_729] {strides = array<i32>} : memref<7x30x128xf32, #tpu.memory_space<vmem>>, vector<1x1x16xf32>,
      %parallel_loop3A_731 = vector.shape_cast %parallel_loop3A_730 : vector<1x1x16xf32> to vector<16xf32>
      %parallel_loop3A_732 = arith.constant 29 : i32
      %parallel_loop3A_733 = arith.index_cast %parallel_loop3A_102 : i32 to index
      %parallel_loop3A_734 = arith.index_cast %parallel_loop3A_732 : i32 to index
      %parallel_loop3A_735 = arith.index_cast %parallel_loop3A_120 : i32 to index
      %parallel_loop3A_736 = tpu.vector_load %arg7[%parallel_loop3A_733, %parallel_loop3A_734, %parallel_loop3A_735] {strides = array<i32>} : memref<7x30x128xf32, #tpu.memory_space<vmem>>, vector<1x1x16xf32>,
      %parallel_loop3A_737 = vector.shape_cast %parallel_loop3A_736 : vector<1x1x16xf32> to vector<16xf32>
      %parallel_loop3A_738 = arith.subf %parallel_loop3A_731, %parallel_loop3A_737 : vector<16xf32>
      %parallel_loop3A_739 = arith.mulf %parallel_loop3A_738, %parallel_loop3A_738 : vector<16xf32>
      %parallel_loop3A_740 = arith.addf %parallel_loop3A_725, %parallel_loop3A_739 : vector<16xf32>
      %parallel_loop3A_741 = arith.addf %parallel_loop3A_369, %parallel_loop3A_436 : vector<16xf32>
      %parallel_loop3A_742 = arith.constant 5.000000e+00 : f32
      %parallel_loop3A_743 = vector.broadcast %parallel_loop3A_742 : f32 to vector<16xf32>
      %parallel_loop3A_744 = arith.mulf %parallel_loop3A_743, %parallel_loop3A_741 : vector<16xf32>
      %parallel_loop3A_745 = arith.addf %parallel_loop3A_744, %parallel_loop3A_438 : vector<16xf32>
      %parallel_loop3A_746 = arith.addf %parallel_loop3A_745, %parallel_loop3A_740 : vector<16xf32>
      %parallel_loop3A_747 = arith.constant 0.000000e+00 : f32
      %parallel_loop3A_748 = vector.broadcast %parallel_loop3A_747 : f32 to vector<16xf32>
      %parallel_loop3A_749 = arith.select %parallel_loop3A_129, %parallel_loop3A_746, %parallel_loop3A_748 : vector<16xi1>, vector<16xf32>
      %parallel_loop3A_750 = arith.addf %parallel_loop3A_78, %parallel_loop3A_749 : vector<16xf32>
      scf.yield %parallel_loop3A_148, %parallel_loop3A_750 : vector<16xf32>, vector<16xf32>
    } {sc.loop_unroll_factor = 1 : i64, sc.parallel_access}
    %mul3A_64 = arith.constant 5.000000e-01 : f32
    %mul3A_65 = vector.broadcast %mul3A_64 : f32 to vector<16xf32>
    %mul3A_66 = arith.mulf %mul3A_65, %parallel_loop3A_63#0 : vector<16xf32>
    %add3A_67 = arith.addf %parallel_loop3A_63#1, %mul3A_66 : vector<16xf32>
    %mul3A_68 = arith.constant 2.44140625E-4 : f32
    %mul3A_69 = vector.broadcast %mul3A_68 : f32 to vector<16xf32>
    %mul3A_70 = arith.mulf %add3A_67, %mul3A_69 : vector<16xf32>
    %swap3A = arith.constant 0 : index
    %swap3A_71 = tpu.vector_load %arg9[%swap3A] {strides = array<i32>} : memref<16xf32, #tpu.memory_space<vmem>>, vector<16xf32>,
    %swap3A_72 = vector.shape_cast %swap3A_71 : vector<16xf32> to vector<16xf32>
    %swap3A_73 = vector.shape_cast %mul3A_70 : vector<16xf32> to vector<16xf32>
    tpu.vector_store %arg9[%swap3A], %swap3A_73 {strides = array<i32>} : memref<16xf32, #tpu.memory_space<vmem>>, vector<16xf32>,
    %mul3A_74 = arith.constant 16 : i32
    %mul3A_75 = arith.muli %add3A, %mul3A_74 : i32
    "tpu.region"() ({
      %run_scoped3A = tpu.sem_alloc : memref<!tpu.dma_semaphore, #tpu.memory_space<semaphore_mem>>
      %dma_start3A_76 = tpu.memref_slice %arg4[%mul3A_75] : memref<512xf32, #tpu.memory_space<hbm>> -> memref<16xf32, #tpu.memory_space<hbm>>
      %dma_start3A_77 = tpu.memref_slice %arg4[%mul3A_75] : memref<512xf32, #tpu.memory_space<hbm>> -> memref<16xf32, #tpu.memory_space<hbm>>
      tpu.enqueue_dma source(%arg9 : memref<16xf32, #tpu.memory_space<vmem>>) target(%dma_start3A_77 : memref<16xf32, #tpu.memory_space<hbm>>) target_semaphore(%run_scoped3A : memref<!tpu.dma_semaphore, #tpu.memory_space<semaphore_mem>>)
      %dma_wait3A_78 = tpu.memref_slice %arg4[%mul3A_75] : memref<512xf32, #tpu.memory_space<hbm>> -> memref<16xf32, #tpu.memory_space<hbm>>
      %dma_wait3A_79 = tpu.memref_slice %arg4[%mul3A_75] : memref<512xf32, #tpu.memory_space<hbm>> -> memref<16xf32, #tpu.memory_space<hbm>>
      tpu.wait_dma2 semaphore(%run_scoped3A : memref<!tpu.dma_semaphore, #tpu.memory_space<semaphore_mem>>) src(%arg9 : memref<16xf32, #tpu.memory_space<vmem>>) dst(%dma_wait3A_79 : memref<16xf32, #tpu.memory_space<hbm>>)
      tpu.yield
    }) : () -> ()
    return
  }
}

</mosaic_0001>

<sc_bundles>
// kernel: _sc_loss.3.cloned.1.call-start
scs
__scs_entry_jumppad:
0x0: {  	(pc) =	sbr.rel $0x88, $3  }
0x1: {  	(tag) =	ssettag $0x0;
	lr =	simm.s32 $0x1  }
0x2: {  	[smem:$0x3F9F] =	sst lr;
	_ =	strace $0xD0000000  }
0x3: {  	_ = 	snop  }
0x4: {  	_ = 	snop  }
0x5: {  	_ = 	snop  }
0x6: {  	_ = 	snop  }
0x7: {  	_ = 	snop  }
__scs_overlays_trampoline_lowered:
0x8: {  	[smem:$0x3FAE] =	sst s0  }
0x9: {  	[smem:$0x3FAF] =	sst s1  }
0xa: {  	[smem:$0x3FB0] =	sst s2  }
0xb: {  	[smem:$0x3FB1] =	sst s3  }
0xc: {  	[smem:$0x3FB2] =	sst s4  }
0xd: {  	[smem:$0x3FB3] =	sst s5  }
0xe: {  	[smem:$0x3FB4] =	sst s6  }
0xf: {  	[smem:$0x3FB5] =	sst s7  }
0x10: {  	[smem:$0x3FB6] =	sst s8  }
0x11: {  	[smem:$0x3FB7] =	sst s9;
	s0 =	simm.s32 @!p0 $0x0  }
0x12: {  	s1 =	sld [smem:$0x3F9D];
	s0 =	simm.s32 @p0 $0x1  }
0x13: {  	[smem:$0x3FB8] =	sst s0;
	s0 =	simm.s32 @!p1 $0x0  }
0x14: {  	s2 =	sld [smem:$0x3F9C];
	s0 =	simm.s32 @p1 $0x1  }
0x15: {  	[smem:$0x3FB9] =	sst s0;
	s0 =	simm.s32 @!p2 $0x0  }
0x16: {  	s3 =	sld [smem:$0x3FDB];
	s0 =	simm.s32 @p2 $0x1  }
0x17: {  	s4 =	simm.s32 $0x1BF5;
	[smem:$0x3FBB] =	sst s0  }
0x18: {  	s0 =	sld [smem:$0x3F9E];
	_ =	swait.ge [sflag:s4], $0x0  }
0x19: {  	s7 =	sld [smem:$0x3F9F]  }
0x1a: {  	s8 =	sadd.s32 $0xFFFFE003, lr  }
0x1b: {  	s9 =	sadd.s32 $0xFFFFFEF7, lr;
	s5 =	simm.s32 $0xFFFFFFFF;
	p2 =	slt.u32 s8, $0xFFFFF086  }
0x1c: {  	p1 =	slt.u32 s9, $0xF7A;
	s5 =	simm.s32 @!p2 $0x0  }
0x1d: {  	s5 =	simm.s32 @p1 $0x1;
	p0 =	seq.s32 s7, s2  }
0x1e: {  	s7 =	smul.u32 @!p0 $0xF7A, s2;
	p2 =	seq.s32 @!p0 s5, $0x0  }
0x1f: {  	s9 =	smul.u32 $0xF7A, s1;
	s8 =	simm.s32 @!p0 $0x1BF5;
	p2 =	por !p2, p0  }
0x20: {  	[sflag:s8] =	ssyncset.s32 @!p0 $0xFFFFF086;
	s6 =	sadd.s32 @!p0 s3, s7;
	s7 =	simm.s32 @!p0 $0x108  }
0x21: {  	s3 =	sadd.s32 s3, s9;
	s6 =	sadd.s32 @!p0 $0x88, s6;
	s7 =	simm.s32 @p2 $0x1082  }
0x22: {  	[simem:s7], [sflag:s8] =	dma.local @!p0 [hbm:s6], $0xF7A  }
0x23: {  	s9 =	sor.u32 $0xD0000000, s2;
	s6 =	simm.s32 $0x108;
	_ =	swait.ge @!p0 [sflag:s8], $0x0  }
0x24: {  	s3 =	sadd.s32 $0x88, s3;
	s6 =	simm.s32 @!p1 $0x1082;
	[sflag:s4] =	ssyncset.s32 $0xFFFFF086  }
0x25: {  	[simem:s6], [sflag:s4] =	dma.local [hbm:s3], $0xF7A  }
0x26: {  	[smem:$0x3F9F] =	sst s1;
	(tag) =	ssettag s2;
	_ =	strace s9  }
0x27: {  	s1 =	sld [smem:$0x3FAF]  }
0x28: {  	s2 =	sld [smem:$0x3FB0]  }
0x29: {  	s4 =	sld [smem:$0x3FB2]  }
0x2a: {  	p0 =	seq.s32 s5, $0x0;
	s5 =	sld [smem:$0x3FB3]  }
0x2b: {  	s6 =	sld [smem:$0x3FB4]  }
0x2c: {  	s7 =	sld [smem:$0x3FB5]  }
0x2d: {  	s3 =	simm.s32 $0x108;
	s8 =	sld [smem:$0x3FB6]  }
0x2e: {  	s3 =	simm.s32 @!p0 $0x1082;
	s9 =	sld [smem:$0x3FB7]  }
0x2f: {  	lr =	sadd.s32 s0, s3;
	s0 =	sld [smem:$0x3FAE]  }
0x30: {  	s3 =	sld [smem:$0x3FB1]  }
0x31: {  	[smem:$0x3FBA] =	sst s10  }
0x32: {  	s10 =	sld [smem:$0x3FB8];
	_ =	sdelay $0x3  }
0x33: {  	p0 =	seq.s32 s10, $0x1;
	s10 =	sld [smem:$0x3FBA];
	_ =	sdelay $0x3  }
0x34: {  	[smem:$0x3FBA] =	sst s10  }
0x35: {  	s10 =	sld [smem:$0x3FB9];
	_ =	sdelay $0x3  }
0x36: {  	p1 =	seq.s32 s10, $0x1;
	s10 =	sld [smem:$0x3FBA];
	_ =	sdelay $0x3  }
0x37: {  	[smem:$0x3FBA] =	sst s10  }
0x38: {  	s10 =	sld [smem:$0x3FBB]  }
0x39: {  	_ = 	snop;
	(pc) =	sbr.ind lr, $3  }
0x3a: {  	_ = 	snop  }
0x3b: {  	_ = 	snop  }
0x3c: {  	p2 =	seq.s32 s10, $0x1;
	s10 =	sld [smem:$0x3FBA]  }
0x3d: {  	_ =	shalt  }
0x3e: {  	_ =	shalt  }
0x3f: {  	_ =	shalt  }
0x40: {  	_ =	shalt  }
0x41: {  	_ =	shalt  }
0x42: {  	_ =	shalt  }
0x43: {  	_ =	shalt  }
0x44: {  	_ =	shalt  }
0x45: {  	_ =	shalt  }
0x46: {  	_ =	shalt  }
0x47: {  	_ =	shalt  }
0x48: {  	_ =	shalt  }
0x49: {  	_ =	shalt  }
0x4a: {  	_ =	shalt  }
0x4b: {  	_ =	shalt  }
0x4c: {  	_ =	shalt  }
0x4d: {  	_ =	shalt  }
0x4e: {  	_ =	shalt  }
0x4f: {  	_ =	shalt  }
0x50: {  	_ =	shalt  }
0x51: {  	_ =	shalt  }
0x52: {  	_ =	shalt  }
0x53: {  	_ =	shalt  }
0x54: {  	_ =	shalt  }
0x55: {  	_ =	shalt  }
0x56: {  	_ =	shalt  }
0x57: {  	_ =	shalt  }
0x58: {  	_ =	shalt  }
0x59: {  	_ =	shalt  }
0x5a: {  	_ =	shalt  }
0x5b: {  	_ =	shalt  }
0x5c: {  	_ =	shalt  }
0x5d: {  	_ =	shalt  }
0x5e: {  	_ =	shalt  }
0x5f: {  	_ =	shalt  }
0x60: {  	_ =	shalt  }
0x61: {  	_ =	shalt  }
0x62: {  	_ =	shalt  }
0x63: {  	_ =	shalt  }
0x64: {  	_ =	shalt  }
0x65: {  	_ =	shalt  }
0x66: {  	_ =	shalt  }
0x67: {  	_ =	shalt  }
0x68: {  	_ =	shalt  }
0x69: {  	_ =	shalt  }
0x6a: {  	_ =	shalt  }
0x6b: {  	_ =	shalt  }
0x6c: {  	_ =	shalt  }
0x6d: {  	_ =	shalt  }
0x6e: {  	_ =	shalt  }
0x6f: {  	_ =	shalt  }
0x70: {  	_ =	shalt  }
0x71: {  	_ =	shalt  }
0x72: {  	_ =	shalt  }
0x73: {  	_ =	shalt  }
0x74: {  	_ =	shalt  }
0x75: {  	_ =	shalt  }
0x76: {  	_ =	shalt  }
0x77: {  	_ =	shalt  }
0x78: {  	_ =	shalt  }
0x79: {  	_ =	shalt  }
0x7a: {  	_ =	shalt  }
0x7b: {  	_ =	shalt  }
0x7c: {  	_ =	shalt  }
0x7d: {  	_ =	shalt  }
0x7e: {  	_ =	shalt  }
0x7f: {  	_ =	shalt  }
0x80: {  	_ =	shalt  }
0x81: {  	_ =	shalt  }
0x82: {  	_ =	shalt  }
0x83: {  	_ =	shalt  }
0x84: {  	_ =	shalt  }
0x85: {  	_ =	shalt  }
0x86: {  	_ =	shalt  }
0x87: {  	_ =	shalt  }
.Lfunc_end0:
.L_simem_size_0:
called_computation_lowered:
.L_overlay_start_0:
0x88: {  	s2 =	sld [smem:$0x3FD9]  }
0x89: {  	s3 =	sld [smem:$0x3FFE];
	_ =	sdelay $0x1  }
0x8a: {  	s1 =	srdreg.scid  }
0x8b: {  	s0 =	sand.u32 $0x1, s1  }
0x8c: {  	s18 =	sshll.u32 s0, $0xA;
	s2 =	sadd.s32 s3, s2  }
0x8d: {  	s2 =	sadd.s32 s2, s18  }
0x8e: {  	[smem:$0x3FC6] =	sst s2  }
0x8f: {  	_ = 	snop  }
0x90: {  	s2 =	sld [smem:$0x3FC9]  }
0x91: {  	s19 =	sld [smem:$0x3FC8]  }
0x92: {  	s4 =	sld [smem:$0x3FD0];
	(tm) =	ssettm $0x1  }
0x93: {  	s5 =	sld [smem:$0x3FFB];
	_ =	sdelay $0x3  }
0x94: {  	_ =	strace s5  }
0x95: {  	s5 =	sld [smem:$0x3FFC];
	_ =	sdelay $0x3  }
0x96: {  	_ =	strace s5  }
0x97: {  	s5 =	sld [smem:$0x3FFD];
	_ =	sdelay $0x3  }
0x98: {  	_ =	strace s5  }
0x99: {  	_ =	strace $0x8FFFFFFF  }
0x9a: {  	s20 =	sld [smem:$0x3FDB];
	_ =	sdelay $0x1  }
0x9b: {  	s6 =	simm.s32 $_scs_section_size  }
0x9c: {  	s7 =	simm.s32 $_size__tile_overlayer_lowered;
	s8 =	simm.s32 $_tile_overlayer_lowered  }
0x9d: {  	s23 =	simm.s32 $0x1BFF;
	s22 =	sshll.u32 s8, $0x1;
	s5 =	sadd.s32 s6, s20  }
0x9e: {  	s9 =	simm.s32 $0x0;
	s21 =	sshll.u32 s7, $0x1;
	s7 =	sadd.s32 s22, s5  }
0x9f: {  	[timem:s9], [sflag:s23] =	dma.local [hbm:s7], s21  }
0xa0: {  	_ =	swait.ge [sflag:s23], s21  }
0xa1: {  	s6 =	ssub.s32 $0x0, s21;
	[sflag:s23] =	ssyncset.done $0x0  }
0xa2: {  	[sflag:s23] =	ssyncadd.s32 s6;
	_ =	sdelay $0x1  }
0xa3: {  	s24 =	simm.s32 $0x1B8B  }
0xa4: {  	_ =	swait.ge [sflag:s24], $0x1  }
0xa5: {  	[sflag:s24] =	ssyncset.done $0x0  }
0xa6: {  	s25 =	simm.s32 $0x1B8E;
	[sflag:s24] =	ssyncadd.s32 $0xFFFFFFFF  }
0xa7: {  	s26 =	simm.s32 $execute0_lowered;
	[smem:$0x3FD2] =	sst s25  }
0xa8: {  	s6 =	sshll.u32 s26, $0x1;
	_ =	strace $0x80000046;
	[dreg:$0x1] =	wrdreg $0xFFFFFFFF  }
0xa9: {  	s28 =	simm.s32 $_size_execute0_lowered;
	s5 =	sadd.s32 s5, s6;
	[dreg:$0x0] =	wrdreg $0x0  }
0xaa: {  	s6 =	sshll.u32 s28, $0x1;
	[dreg:$0x2] =	wrdreg s5  }
0xab: {  	[dreg:$0x3] =	wrdreg s6  }
0xac: {  	[dreg:$0x4] =	wrdreg $0xC0  }
0xad: {  	_ =	task [dreg:s9], $0x5FFFF  }
0xae: {  	[dreg:$0x1] =	wrdreg $0xFFFFFFFF  }
0xaf: {  	[dreg:$0x0] =	wrdreg $0x60  }
0xb0: {  	[dreg:$0x2] =	wrdreg s2  }
0xb1: {  	[dreg:$0x3] =	wrdreg s19  }
0xb2: {  	[dreg:$0x4] =	wrdreg s4  }
0xb3: {  	[dreg:$0x5] =	wrdreg $0x9  }
0xb4: {  	_ =	task.clear_ibuf [dreg:s9], $0x6FFFF;
	_ =	strace $0x90000046  }
0xb5: {  	s29 =	simm.s32 $0x9;
	_ =	strace $0x80000048  }
0xb6: {  	_ =	swait.ge [sflag:s29], $0x1  }
0xb7: {  	[sflag:s29] =	ssyncadd.s32 $0xFFFFFFFF  }
0xb8: {  	_ =	strace $0x90000048  }
0xb9: {  	_ =	sfence  }
0xba: {  	s30 =	sld [smem:$0x0];
	_ =	sdelay $0x2  }
0xbb: {  	s31 =	sshll.u32 s1, $0xD;
	s1 =	sshrl.u32 s1, $0x2  }
0xbc: {  	s3 =	sand.u32 $0x4000, s31;
	s1 =	sadd.s32 s1, s30  }
0xbd: {  	s0 =	sor.u32 s3, s0;
	s1 =	sshll.u32 s1, $0x11  }
0xbe: {  	s0 =	sor.u32 s1, s0  }
0xbf: {  	s0 =	sadd.s32 $0x8F2B, s0  }
0xc0: {  	[sflag:s0] =	ssyncadd.remote.s32 $0x1  }
0xc1: {  	_ =	sfence.sel $0xFFFF  }
0xc2: {  	[dreg:$0x0] =	wrdreg $0xFFFFFFFF;
	(pc) =	sbr.abs _section_cstart, $3  }
0xc3: {  	[dreg:$0x1] =	wrdreg $0xFFFFFFFF  }
0xc4: {  	_ =	task.clear_ibuf [dreg:s9], $0x2FFFF;
	_ =	strace $0x9FFFFFFF  }
0xc5: {  	(tm) =	ssettm $0x7FFFFFFF  }
tec
execute0_lowered:
.L_overlay_start_1:
0x0: {  	(tag) =	ssettag $0x1  }
0x1: {  	s1 =	rddreg [dreg:$0x0]  }
0x2: {  	s3 =	rddreg [dreg:$0x1]  }
0x3: {  	s0 =	rddreg [dreg:$0x2]  }
0x4: {  	s2 =	srdreg.scid;
	s6 =	stileid.u32  }
0x5: {  	s4 =	simm.s32 $0x0;
	s2 =	sand.u32 $0x1, s2;
	s6 =	sshll.u32 s6, $0x1  }
0x6: {  	[smem:$0x7FF] =	sst s4;
	s5 =	ssub.s32 $0x2, s2;
	s2 =	sor.u32 s2, s6  }
0x7: {  	s6 =	sshll.u32 s2, $0x7;
	s13 =	sshll.u32 s2, $0xA;
	s2 =	sshll.u32 s2, $0x1  }
0x8: {  	_ =	strace $0x80000047;
	s7 =	sshrl.u32 s5, $0x1;
	s0 =	sadd.s32 s0, s2  }
0x9: {  	s5 =	ssub.s32 s5, s7;
	s11 =	sadd.s32 s1, s6;
	[dreg:$0x8] =	wrdreg s0  }
0xa: {  	s8 =	sor.u32 $0x1C000, s6;
	s6 =	sadd.s32 s3, s6;
	[dreg:$0x4] =	wrdreg s11  }
0xb: {  	s14 =	smax.u32 s5, $0x1;
	[dreg:$0x5] =	wrdreg s6  }
0xc: {  	s15 =	sadd.s32 $0x4000, s11;
	[dreg:$0x9] =	wrdreg s14  }
0xd: {  	s16 =	sadd.s32 $0x8000, s11;
	[dreg:$0xa] =	wrdreg s15  }
0xe: {  	s17 =	sadd.s32 $0xC000, s11;
	[dreg:$0xb] =	wrdreg s16  }
0xf: {  	s18 =	sadd.s32 $0x10000, s11;
	[dreg:$0xc] =	wrdreg s17  }
0x10: {  	s19 =	sadd.s32 $0x14000, s11;
	[dreg:$0xd] =	wrdreg s18  }
0x11: {  	s20 =	sadd.s32 $0x18000, s11;
	[dreg:$0xe] =	wrdreg s19  }
0x12: {  	s21 =	sadd.s32 $0x3000, s11;
	[dreg:$0xf] =	wrdreg s20  }
0x13: {  	s22 =	sadd.s32 $0x7000, s11;
	[dreg:$0x10] =	wrdreg s21  }
0x14: {  	s23 =	sadd.s32 $0xB000, s11;
	[dreg:$0x11] =	wrdreg s22  }
0x15: {  	s24 =	sadd.s32 $0xF000, s11;
	[dreg:$0x12] =	wrdreg s23  }
0x16: {  	s25 =	sadd.s32 $0x13000, s11;
	[dreg:$0x13] =	wrdreg s24  }
0x17: {  	s26 =	sadd.s32 $0x17000, s11;
	[dreg:$0x14] =	wrdreg s25  }
0x18: {  	s31 =	sadd.s32 $0x1B000, s11;
	[dreg:$0x15] =	wrdreg s26  }
0x19: {  	s2 =	sadd.s32 $0x4000, s6;
	[dreg:$0x16] =	wrdreg s31  }
0x1a: {  	s5 =	sadd.s32 $0x8000, s6;
	[dreg:$0x17] =	wrdreg s2  }
0x1b: {  	s7 =	sadd.s32 $0xC000, s6;
	[dreg:$0x18] =	wrdreg s5  }
0x1c: {  	s9 =	sor.u32 $0x1C0000, s13;
	s11 =	sadd.s32 $0x10000, s6;
	[dreg:$0x19] =	wrdreg s7  }
0x1d: {  	s10 =	sor.u32 $0x2A0000, s13;
	s13 =	sadd.s32 $0x14000, s6;
	[dreg:$0x1a] =	wrdreg s11  }
0x1e: {  	s12 =	sadd.s32 s1, s8;
	[dreg:$0x1b] =	wrdreg s13  }
0x1f: {  	s8 =	sadd.s32 s3, s8;
	[dreg:$0x6] =	wrdreg s12  }
0x20: {  	s14 =	sadd.s32 $0x18000, s6;
	[dreg:$0x7] =	wrdreg s8  }
0x21: {  	s15 =	sadd.s32 $0x3000, s6;
	[dreg:$0x1c] =	wrdreg s14  }
0x22: {  	s16 =	sadd.s32 $0x7000, s6;
	[dreg:$0x1d] =	wrdreg s15  }
0x23: {  	s17 =	sadd.s32 $0xB000, s6;
	[dreg:$0x1e] =	wrdreg s16  }
0x24: {  	s18 =	sadd.s32 $0xF000, s6;
	[dreg:$0x1f] =	wrdreg s17  }
0x25: {  	s19 =	sadd.s32 $0x13000, s6;
	[smem:$0x7E0] =	sst s18  }
0x26: {  	s20 =	sadd.s32 $0x17000, s6;
	[smem:$0x7E1] =	sst s19  }
0x27: {  	s21 =	sadd.s32 $0x1B000, s6;
	[smem:$0x7E2] =	sst s20  }
0x28: {  	s22 =	sadd.s32 $0x4000, s12;
	[smem:$0x7E3] =	sst s21  }
0x29: {  	s23 =	sadd.s32 $0x8000, s12;
	[smem:$0x7E4] =	sst s22  }
0x2a: {  	s24 =	sadd.s32 $0xC000, s12;
	[smem:$0x7E5] =	sst s23  }
0x2b: {  	s25 =	sadd.s32 $0x10000, s12;
	[smem:$0x7E6] =	sst s24  }
0x2c: {  	s26 =	sadd.s32 $0x14000, s12;
	[smem:$0x7E7] =	sst s25  }
0x2d: {  	s31 =	sadd.s32 $0x18000, s12;
	[smem:$0x7E8] =	sst s26  }
0x2e: {  	s2 =	sadd.s32 $0x3000, s12;
	[smem:$0x7E9] =	sst s31  }
0x2f: {  	s5 =	sadd.s32 $0x7000, s12;
	[smem:$0x7EA] =	sst s2  }
0x30: {  	s6 =	sadd.s32 $0xB000, s12;
	[smem:$0x7EB] =	sst s5  }
0x31: {  	s7 =	sadd.s32 $0xF000, s12;
	[smem:$0x7EC] =	sst s6  }
0x32: {  	s11 =	sadd.s32 $0x13000, s12;
	[smem:$0x7ED] =	sst s7  }
0x33: {  	s13 =	sadd.s32 $0x17000, s12;
	[smem:$0x7EE] =	sst s11  }
0x34: {  	[smem:$0x7EF] =	sst s13;
	s14 =	sadd.s32 $0x1B000, s12  }
0x35: {  	s15 =	sadd.s32 $0x4000, s8;
	[smem:$0x7F0] =	sst s14  }
0x36: {  	s16 =	sadd.s32 $0x8000, s8;
	[smem:$0x7F1] =	sst s15  }
0x37: {  	s17 =	sadd.s32 $0xC000, s8;
	[smem:$0x7F2] =	sst s16  }
0x38: {  	s18 =	sadd.s32 $0x10000, s8;
	[smem:$0x7F3] =	sst s17  }
0x39: {  	s19 =	sadd.s32 $0x14000, s8;
	[smem:$0x7F4] =	sst s18  }
0x3a: {  	s20 =	sadd.s32 $0x18000, s8;
	[smem:$0x7F5] =	sst s19  }
0x3b: {  	v0 =	vimm.f32 $7.000000000e+00;
	s21 =	sadd.s32 $0x3000, s8;
	[smem:$0x7F6] =	sst s20  }
0x3c: {  	s28 =	simm.s32 $0x3;
	(erf) = vrcp.f32 v0;
	s22 =	sadd.s32 $0x7000, s8;
	[smem:$0x7F7] =	sst s21  }
0x3d: {  	s29 =	simm.s32 $0x2;
	s23 =	sadd.s32 $0xB000, s8;
	[smem:$0x7F8] =	sst s22  }
0x3e: {  	s30 =	simm.s32 $0x4;
	s24 =	sadd.s32 $0xF000, s8;
	[smem:$0x7F9] =	sst s23  }
0x3f: {  	s25 =	sadd.s32 $0x13000, s8;
	s26 =	sadd.s32 $0x17000, s8;
	[smem:$0x7FA] =	sst s24  }
0x40: {  	s31 =	sadd.s32 $0x1B000, s8;
	s5 =	simm.s32 $0xEC00;
	[smem:$0x7FB] =	sst s25  }
0x41: {  	s6 =	simm.s32 $0xFC00;
	s7 =	simm.s32 $0x10C00;
	[smem:$0x7FC] =	sst s26  }
0x42: {  	s8 =	simm.s32 $0x11C00;
	s11 =	simm.s32 $0x0;
	[smem:$0x7FD] =	sst s31  }
0x43: {  	s21 =	simm.s32 $0x400;
	s22 =	simm.s32 $0x8000;
	s18 =	simm.s32 $0x12000  }
0x44: {  	s19 =	simm.s32 $0x13000;
	s20 =	simm.s32 $0x14000;
	s23 =	simm.s32 $0x12C00  }
0x45: {  	s24 =	simm.s32 $0x13C00;
	s25 =	simm.s32 $0x14C00;
	s26 =	simm.s32 $0x1;
	v0 =	vpop (erf)  }
.LBB2_1:
0x46: {  	[smem:$0x7DF] =	sst s11  }
0x47: {  	s0 =	rddreg [dreg:$0x4]  }
0x48: {  	s15 =	rddreg [dreg:$0xa]  }
0x49: {  	[tilespmem:s4], [sflag:$0x1] =	stream.strided.gather [hbm4b:s0+s21], $0xC00, s22, s21, $0x38;
	[tilespmem:$0x1C080] =	vst v63  }
0x4a: {  	s2 =	simm.s32 $0x1000;
	s16 =	rddreg [dreg:$0xb]  }
0x4b: {  	[tilespmem:s2], [sflag:$0x1] =	stream.strided.gather [hbm4b:s15+s21], $0xC00, s22, s21, $0x38;
	[tilespmem:$0x1C080] =	vst v63  }
0x4c: {  	s17 =	simm.s32 $0x2000;
	s12 =	rddreg [dreg:$0xd]  }
0x4d: {  	[tilespmem:s17], [sflag:$0x1] =	stream.strided.gather [hbm4b:s16+s21], $0xC00, s22, s21, $0x38;
	[tilespmem:$0x1C080] =	vst v63  }
0x4e: {  	s11 =	simm.s32 $0x3000;
	s2 =	rddreg [dreg:$0xc]  }
0x4f: {  	[tilespmem:s11], [sflag:$0x1] =	stream.strided.gather [hbm4b:s2+s21], $0xC00, s22, s21, $0x38;
	[tilespmem:$0x1C080] =	vst v63  }
0x50: {  	s13 =	simm.s32 $0x4000;
	s14 =	rddreg [dreg:$0xe]  }
0x51: {  	[tilespmem:s13], [sflag:$0x1] =	stream.strided.gather [hbm4b:s12+s21], $0xC00, s22, s21, $0x38;
	[tilespmem:$0x1C080] =	vst v63  }
0x52: {  	s15 =	simm.s32 $0x5000;
	s16 =	rddreg [dreg:$0xf]  }
0x53: {  	[tilespmem:s15], [sflag:$0x1] =	stream.strided.gather [hbm4b:s14+s21], $0xC00, s22, s21, $0x38;
	[tilespmem:$0x1C080] =	vst v63  }
0x54: {  	s17 =	simm.s32 $0x6000;
	s2 =	rddreg [dreg:$0x10]  }
0x55: {  	[tilespmem:s17], [sflag:$0x1] =	stream.strided.gather [hbm4b:s16+s21], $0xC00, s22, s21, $0x38;
	[tilespmem:$0x1C080] =	vst v63  }
0x56: {  	s11 =	simm.s32 $0xC00;
	s12 =	rddreg [dreg:$0x11]  }
0x57: {  	[tilespmem:s11], [sflag:$0x1] =	stream.linear.gather [hbm4b:s2+s4], $0x300, $0x38;
	[tilespmem:$0x1C080] =	vst v63  }
0x58: {  	s13 =	simm.s32 $0x1C00;
	s14 =	rddreg [dreg:$0x12]  }
0x59: {  	[tilespmem:s13], [sflag:$0x1] =	stream.linear.gather [hbm4b:s12+s4], $0x300, $0x38;
	[tilespmem:$0x1C080] =	vst v63  }
0x5a: {  	s15 =	simm.s32 $0x2C00;
	s16 =	rddreg [dreg:$0x13]  }
0x5b: {  	[tilespmem:s15], [sflag:$0x1] =	stream.linear.gather [hbm4b:s14+s4], $0x300, $0x38;
	[tilespmem:$0x1C080] =	vst v63  }
0x5c: {  	s17 =	simm.s32 $0x3C00;
	s2 =	rddreg [dreg:$0x14]  }
0x5d: {  	[tilespmem:s17], [sflag:$0x1] =	stream.linear.gather [hbm4b:s16+s4], $0x300, $0x38;
	[tilespmem:$0x1C080] =	vst v63  }
0x5e: {  	s11 =	simm.s32 $0x4C00;
	s12 =	rddreg [dreg:$0x15]  }
0x5f: {  	[tilespmem:s11], [sflag:$0x1] =	stream.linear.gather [hbm4b:s2+s4], $0x300, $0x38;
	[tilespmem:$0x1C080] =	vst v63  }
0x60: {  	s13 =	simm.s32 $0x5C00;
	s14 =	rddreg [dreg:$0x16]  }
0x61: {  	[tilespmem:s13], [sflag:$0x1] =	stream.linear.gather [hbm4b:s12+s4], $0x300, $0x38;
	[tilespmem:$0x1C080] =	vst v63  }
0x62: {  	s15 =	simm.s32 $0x6C00;
	s16 =	rddreg [dreg:$0x5]  }
0x63: {  	[tilespmem:s15], [sflag:$0x1] =	stream.linear.gather [hbm4b:s14+s4], $0x300, $0x38;
	[tilespmem:$0x1C080] =	vst v63  }
0x64: {  	s17 =	simm.s32 $0xE000;
	s11 =	rddreg [dreg:$0x17]  }
0x65: {  	[tilespmem:s17], [sflag:$0x3] =	stream.strided.gather [hbm4b:s16+s21], $0xC00, s22, s21, $0x38;
	[tilespmem:$0x1C080] =	vst v63  }
0x66: {  	s2 =	rddreg [dreg:$0x1b];
	s12 =	simm.s32 $0xF000  }
0x67: {  	[tilespmem:s12], [sflag:$0x3] =	stream.strided.gather [hbm4b:s11+s21], $0xC00, s22, s21, $0x38;
	[tilespmem:$0x1C080] =	vst v63  }
0x68: {  	s13 =	rddreg [dreg:$0x18];
	s14 =	simm.s32 $0x10000  }
0x69: {  	[tilespmem:s14], [sflag:$0x3] =	stream.strided.gather [hbm4b:s13+s21], $0xC00, s22, s21, $0x38;
	[tilespmem:$0x1C080] =	vst v63  }
0x6a: {  	s15 =	rddreg [dreg:$0x19];
	s16 =	simm.s32 $0x11000  }
0x6b: {  	[tilespmem:s16], [sflag:$0x3] =	stream.strided.gather [hbm4b:s15+s21], $0xC00, s22, s21, $0x38;
	[tilespmem:$0x1C080] =	vst v63  }
0x6c: {  	s17 =	rddreg [dreg:$0x1a]  }
0x6d: {  	[tilespmem:s18], [sflag:$0x3] =	stream.strided.gather [hbm4b:s17+s21], $0xC00, s22, s21, $0x38;
	[tilespmem:$0x1C080] =	vst v63  }
0x6e: {  	s11 =	rddreg [dreg:$0x1c]  }
0x6f: {  	[tilespmem:s19], [sflag:$0x3] =	stream.strided.gather [hbm4b:s2+s21], $0xC00, s22, s21, $0x38;
	[tilespmem:$0x1C080] =	vst v63  }
0x70: {  	s12 =	rddreg [dreg:$0x1d]  }
0x71: {  	[tilespmem:s20], [sflag:$0x3] =	stream.strided.gather [hbm4b:s11+s21], $0xC00, s22, s21, $0x38;
	[tilespmem:$0x1C080] =	vst v63  }
0x72: {  	s13 =	rddreg [dreg:$0x1e]  }
0x73: {  	[tilespmem:s5], [sflag:$0x3] =	stream.linear.gather [hbm4b:s12+s4], $0x300, $0x38;
	[tilespmem:$0x1C080] =	vst v63  }
0x74: {  	s14 =	rddreg [dreg:$0x1f]  }
0x75: {  	[tilespmem:s6], [sflag:$0x3] =	stream.linear.gather [hbm4b:s13+s4], $0x300, $0x38;
	[tilespmem:$0x1C080] =	vst v63  }
0x76: {  	s15 =	sld [smem:$0x7E0]  }
0x77: {  	[tilespmem:s7], [sflag:$0x3] =	stream.linear.gather [hbm4b:s14+s4], $0x300, $0x38;
	[tilespmem:$0x1C080] =	vst v63  }
0x78: {  	s16 =	sld [smem:$0x7E1]  }
0x79: {  	[tilespmem:s8], [sflag:$0x3] =	stream.linear.gather [hbm4b:s15+s4], $0x300, $0x38;
	[tilespmem:$0x1C080] =	vst v63  }
0x7a: {  	s17 =	sld [smem:$0x7E2]  }
0x7b: {  	[tilespmem:s23], [sflag:$0x3] =	stream.linear.gather [hbm4b:s16+s4], $0x300, $0x38;
	[tilespmem:$0x1C080] =	vst v63  }
0x7c: {  	s2 =	sld [smem:$0x7E3]  }
0x7d: {  	[tilespmem:s24], [sflag:$0x3] =	stream.linear.gather [hbm4b:s17+s4], $0x300, $0x38;
	[tilespmem:$0x1C080] =	vst v63  }
0x7e: {  	s11 =	rddreg [dreg:$0x6]  }
0x7f: {  	[tilespmem:s25], [sflag:$0x3] =	stream.linear.gather [hbm4b:s2+s4], $0x300, $0x38;
	[tilespmem:$0x1C080] =	vst v63  }
0x80: {  	s12 =	simm.s32 $0x7000;
	s13 =	sld [smem:$0x7E4]  }
0x81: {  	[tilespmem:s12], [sflag:$0x2] =	stream.strided.gather [hbm4b:s11+s21], $0xC00, s22, s21, $0x38;
	[tilespmem:$0x1C080] =	vst v63  }
0x82: {  	s14 =	sld [smem:$0x7E5]  }
0x83: {  	[tilespmem:s22], [sflag:$0x2] =	stream.strided.gather [hbm4b:s13+s21], $0xC00, s22, s21, $0x38;
	[tilespmem:$0x1C080] =	vst v63  }
0x84: {  	s15 =	simm.s32 $0x9000;
	s16 =	sld [smem:$0x7E6]  }
0x85: {  	[tilespmem:s15], [sflag:$0x2] =	stream.strided.gather [hbm4b:s14+s21], $0xC00, s22, s21, $0x38;
	[tilespmem:$0x1C080] =	vst v63  }
0x86: {  	s17 =	simm.s32 $0xA000;
	s2 =	sld [smem:$0x7E7]  }
0x87: {  	[tilespmem:s17], [sflag:$0x2] =	stream.strided.gather [hbm4b:s16+s21], $0xC00, s22, s21, $0x38;
	[tilespmem:$0x1C080] =	vst v63  }
0x88: {  	s11 =	simm.s32 $0xB000;
	s12 =	sld [smem:$0x7E8]  }
0x89: {  	[tilespmem:s11], [sflag:$0x2] =	stream.strided.gather [hbm4b:s2+s21], $0xC00, s22, s21, $0x38;
	[tilespmem:$0x1C080] =	vst v63  }
0x8a: {  	s13 =	simm.s32 $0xC000;
	s14 =	sld [smem:$0x7E9]  }
0x8b: {  	[tilespmem:s13], [sflag:$0x2] =	stream.strided.gather [hbm4b:s12+s21], $0xC00, s22, s21, $0x38;
	[tilespmem:$0x1C080] =	vst v63  }
0x8c: {  	s15 =	simm.s32 $0xD000;
	s16 =	sld [smem:$0x7EA]  }
0x8d: {  	[tilespmem:s15], [sflag:$0x2] =	stream.strided.gather [hbm4b:s14+s21], $0xC00, s22, s21, $0x38;
	[tilespmem:$0x1C080] =	vst v63  }
0x8e: {  	s17 =	simm.s32 $0x7C00;
	s2 =	sld [smem:$0x7EB]  }
0x8f: {  	[tilespmem:s17], [sflag:$0x2] =	stream.linear.gather [hbm4b:s16+s4], $0x300, $0x38;
	[tilespmem:$0x1C080] =	vst v63  }
0x90: {  	s11 =	simm.s32 $0x8C00;
	s12 =	sld [smem:$0x7EC]  }
0x91: {  	[tilespmem:s11], [sflag:$0x2] =	stream.linear.gather [hbm4b:s2+s4], $0x300, $0x38;
	[tilespmem:$0x1C080] =	vst v63  }
0x92: {  	s13 =	simm.s32 $0x9C00;
	s14 =	sld [smem:$0x7ED]  }
0x93: {  	[tilespmem:s13], [sflag:$0x2] =	stream.linear.gather [hbm4b:s12+s4], $0x300, $0x38;
	[tilespmem:$0x1C080] =	vst v63  }
0x94: {  	s15 =	simm.s32 $0xAC00;
	s16 =	sld [smem:$0x7EE]  }
0x95: {  	[tilespmem:s15], [sflag:$0x2] =	stream.linear.gather [hbm4b:s14+s4], $0x300, $0x38;
	[tilespmem:$0x1C080] =	vst v63  }
0x96: {  	s17 =	simm.s32 $0xBC00;
	s2 =	sld [smem:$0x7EF]  }
0x97: {  	[tilespmem:s17], [sflag:$0x2] =	stream.linear.gather [hbm4b:s16+s4], $0x300, $0x38;
	[tilespmem:$0x1C080] =	vst v63  }
0x98: {  	s11 =	simm.s32 $0xCC00;
	s12 =	sld [smem:$0x7F0]  }
0x99: {  	[tilespmem:s11], [sflag:$0x2] =	stream.linear.gather [hbm4b:s2+s4], $0x300, $0x38;
	[tilespmem:$0x1C080] =	vst v63  }
0x9a: {  	s13 =	simm.s32 $0xDC00;
	s14 =	rddreg [dreg:$0x7]  }
0x9b: {  	[tilespmem:s13], [sflag:$0x2] =	stream.linear.gather [hbm4b:s12+s4], $0x300, $0x38;
	[tilespmem:$0x1C080] =	vst v63  }
0x9c: {  	s15 =	simm.s32 $0x15000;
	s16 =	sld [smem:$0x7F1]  }
0x9d: {  	[tilespmem:s15], [sflag:$0x4] =	stream.strided.gather [hbm4b:s14+s21], $0xC00, s22, s21, $0x38;
	[tilespmem:$0x1C080] =	vst v63  }
0x9e: {  	s17 =	simm.s32 $0x16000;
	s2 =	sld [smem:$0x7F2]  }
0x9f: {  	[tilespmem:s17], [sflag:$0x4] =	stream.strided.gather [hbm4b:s16+s21], $0xC00, s22, s21, $0x38;
	[tilespmem:$0x1C080] =	vst v63  }
0xa0: {  	s11 =	simm.s32 $0x17000;
	s12 =	sld [smem:$0x7F3]  }
0xa1: {  	[tilespmem:s11], [sflag:$0x4] =	stream.strided.gather [hbm4b:s2+s21], $0xC00, s22, s21, $0x38;
	[tilespmem:$0x1C080] =	vst v63  }
0xa2: {  	s13 =	simm.s32 $0x18000;
	s14 =	sld [smem:$0x7F4]  }
0xa3: {  	[tilespmem:s13], [sflag:$0x4] =	stream.strided.gather [hbm4b:s12+s21], $0xC00, s22, s21, $0x38;
	[tilespmem:$0x1C080] =	vst v63  }
0xa4: {  	s15 =	simm.s32 $0x19000;
	s16 =	sld [smem:$0x7F5]  }
0xa5: {  	[tilespmem:s15], [sflag:$0x4] =	stream.strided.gather [hbm4b:s14+s21], $0xC00, s22, s21, $0x38;
	[tilespmem:$0x1C080] =	vst v63  }
0xa6: {  	s17 =	simm.s32 $0x1A000;
	s2 =	sld [smem:$0x7F6]  }
0xa7: {  	[tilespmem:s17], [sflag:$0x4] =	stream.strided.gather [hbm4b:s16+s21], $0xC00, s22, s21, $0x38;
	[tilespmem:$0x1C080] =	vst v63  }
0xa8: {  	s11 =	simm.s32 $0x1B000;
	s12 =	sld [smem:$0x7F7]  }
0xa9: {  	[tilespmem:s11], [sflag:$0x4] =	stream.strided.gather [hbm4b:s2+s21], $0xC00, s22, s21, $0x38;
	[tilespmem:$0x1C080] =	vst v63  }
0xaa: {  	s13 =	simm.s32 $0x15C00;
	s14 =	sld [smem:$0x7F8]  }
0xab: {  	[tilespmem:s13], [sflag:$0x4] =	stream.linear.gather [hbm4b:s12+s4], $0x300, $0x38;
	[tilespmem:$0x1C080] =	vst v63  }
0xac: {  	s15 =	simm.s32 $0x16C00;
	s16 =	sld [smem:$0x7F9]  }
0xad: {  	[tilespmem:s15], [sflag:$0x4] =	stream.linear.gather [hbm4b:s14+s4], $0x300, $0x38;
	[tilespmem:$0x1C080] =	vst v63  }
0xae: {  	s17 =	simm.s32 $0x17C00;
	s2 =	sld [smem:$0x7FA]  }
0xaf: {  	[tilespmem:s17], [sflag:$0x4] =	stream.linear.gather [hbm4b:s16+s4], $0x300, $0x38;
	[tilespmem:$0x1C080] =	vst v63  }
0xb0: {  	s11 =	simm.s32 $0x18C00;
	s12 =	sld [smem:$0x7FB]  }
0xb1: {  	[tilespmem:s11], [sflag:$0x4] =	stream.linear.gather [hbm4b:s2+s4], $0x300, $0x38;
	[tilespmem:$0x1C080] =	vst v63  }
0xb2: {  	s13 =	simm.s32 $0x19C00;
	s14 =	sld [smem:$0x7FC]  }
0xb3: {  	[tilespmem:s13], [sflag:$0x4] =	stream.linear.gather [hbm4b:s12+s4], $0x300, $0x38;
	[tilespmem:$0x1C080] =	vst v63  }
0xb4: {  	s15 =	simm.s32 $0x1AC00;
	s16 =	sld [smem:$0x7FD]  }
0xb5: {  	[tilespmem:s15], [sflag:$0x4] =	stream.linear.gather [hbm4b:s14+s4], $0x300, $0x38;
	[tilespmem:$0x1C080] =	vst v63  }
0xb6: {  	s31 =	simm.s32 $0x0;
	s17 =	simm.s32 $0x1BC00  }
0xb7: {  	v1 =	vimm.f32 $0.0e+00;
	v2 =	vimm.f32 $0.0e+00;
	[tilespmem:s17], [sflag:$0x4] =	stream.linear.gather [hbm4b:s16+s4], $0x300, $0x38;
	[tilespmem:$0x1C080] =	vst v63  }
.LBB2_2:
0xb8: {  	_ =	swait.ge [sflag:s26], $0x6900  }
0xb9: {  	[sflag:s26] =	ssyncset.done $0x0  }
0xba: {  	[sflag:s26] =	ssyncadd.s32 $0xFFFF9700  }
0xbb: {  	s0 =	simm.s32 $0x0;
	_ =	swait.ge [sflag:s28], $0x6900  }
0xbc: {  	s2 =	sand.u32 $0x70, s0;
	s11 =	sand.u32 $0x7000, s0;
	[sflag:s28] =	ssyncset.done $0x0  }
0xbd: {  	s13 =	sor.u32 s2, s11;
	[sflag:s28] =	ssyncadd.s32 $0xFFFF9700  }
0xbe: {  	v5 =	vld [tilespmem:s13+$0xE000]  }
0xbf: {  	v7 =	vld [tilespmem:s13+$0xD80]  }
0xc0: {  	v10 =	vld [tilespmem:s13+$0xED80]  }
0xc1: {  	v6 =	vld [tilespmem:s13+$0xE080]  }
0xc2: {  	v11 =	vld [tilespmem:s13+$0xE100]  }
0xc3: {  	v3 =	vld [tilespmem:s13+$0xE180]  }
0xc4: {  	v4 =	vld [tilespmem:s13+$0x0]  }
0xc5: {  	v8 =	vld [tilespmem:s13+$0x80]  }
0xc6: {  	v12 =	vld [tilespmem:s13+$0x100]  }
0xc7: {  	v15 =	vld [tilespmem:s13+$0x180]  }
0xc8: {  	s14 =	sand.u32 $0xFFFFF000, s0;
	v13 =	vld [tilespmem:s13+$0x280]  }
0xc9: {  	s15 =	sadd.s32 $0x0, s14;
	v20 =	vld [tilespmem:s13+$0x400];
	v14 =	vmul.f32 v5, v0;
	v16 =	vmul.f32 v6, v0  }
0xca: {  	s2 =	sor.u32 $0x380, s15;
	v9 =	vld [tilespmem:s13+$0x300];
	v18 =	vmul.f32 $5.000000000e-01, v11;
	v19 =	vmul.f32 $5.000000000e-01, v3  }
0xcb: {  	v23 =	vld [tilespmem:s2+$0x0];
	v21 =	vmul.f32 v4, v0;
	v22 =	vmul.f32 v8, v0  }
0xcc: {  	v17 =	vld [tilespmem:s13+$0xD00];
	v24 =	vmul.f32 $5.000000000e-01, v12;
	v25 =	vmul.f32 $5.000000000e-01, v15  }
0xcd: {  	v26 =	vld [tilespmem:s13+$0xED00];
	v28 =	vmul.f32 v13, v0;
	v27 =	vsub.f32 v14, v18;
	v29 =	vsub.f32 v16, v19  }
0xce: {  	s12 =	sor.u32 $0xB80, s15;
	v30 =	vld [tilespmem:s13+$0xC00];
	v33 =	vmul.f32 $5.000000000e-01, v20;
	v14 =	vadd.f32 v18, v14;
	v16 =	vadd.f32 v19, v16  }
0xcf: {  	v34 =	vld [tilespmem:s12+$0x0];
	v18 =	vmul.f32 v9, v0;
	v31 =	vsub.f32 v21, v24;
	v32 =	vsub.f32 v22, v25  }
0xd0: {  	v59 =	vld [tilespmem:s13+$0xB00];
	v21 =	vadd.f32 v24, v21;
	v22 =	vadd.f32 v25, v22;
	v24 =	vmul.f32 $5.000000000e-01, v23  }
0xd1: {  	v60 =	vld [tilespmem:s13+$0xEB00];
	v35 =	vsub.f32 v18, v33;
	v18 =	vadd.f32 v33, v18  }
0xd2: {  	v39 =	vld [tilespmem:s13+$0x900];
	v36 =	vsub.f32 v28, v24;
	v24 =	vadd.f32 v24, v28  }
0xd3: {  	s11 =	sor.u32 $0x780, s15;
	v43 =	vld [tilespmem:s13+$0xE900];
	v37 =	vsub.f32 v14, v27;
	v38 =	vsub.f32 v16, v29  }
0xd4: {  	v61 =	vld [tilespmem:s11+$0x0];
	v40 =	vmin.f32 v21, v14;
	v41 =	vmax.f32 v31, v27;
	v42 =	vmin.f32 v22, v16  }
0xd5: {  	v62 =	vld [tilespmem:s13+$0x600];
	v44 =	vmax.f32 v32, v29;
	v21 =	vsub.f32 v21, v31;
	v22 =	vsub.f32 v22, v32  }
0xd6: {  	v45 =	vld [tilespmem:s13+$0x500];
	v63 =	vsub.f32 v40, v41;
	v46 =	vsub.f32 v42, v44;
	v16 =	vmin.f32 v18, v16  }
0xd7: {  	v47 =	vld [tilespmem:s13+$0xE500];
	v29 =	vmax.f32 v35, v29;
	v18 =	vsub.f32 v18, v35;
	v14 =	vmin.f32 v24, v14  }
0xd8: {  	v50 =	vld [tilespmem:s13+$0xE600];
	v24 =	vsub.f32 v24, v36;
	v27 =	vmax.f32 v36, v27;
	v48 =	vmul.f32 v38, v37  }
0xd9: {  	v21 =	vmul.f32 v22, v21;
	v16 =	vsub.f32 v16, v29;
	v22 =	vsub.f32 v14, v27;
	v27 =	vld [tilespmem:s13+$0x580]  }
0xda: {  	v14 =	vmax.f32 v63, $0.0e+00;
	v49 =	vmax.f32 v46, $0.0e+00;
	v18 =	vmul.f32 v18, v24;
	v24 =	vld [tilespmem:s13+$0xE580]  }
0xdb: {  	v51 =	vld [tilespmem:s13+$0xE680];
	v14 =	vmul.f32 v49, v14;
	v22 =	vmax.f32 v22, $0.0e+00;
	v16 =	vmax.f32 v16, $0.0e+00  }
0xdc: {  	v55 =	vld [tilespmem:s11+$0xE000];
	v21 =	vadd.f32 v21, v48;
	v16 =	vmul.f32 v16, v22;
	v18 =	vadd.f32 v18, v48  }
0xdd: {  	v7 =	vsub.f32 v7, v10;
	v17 =	vsub.f32 v17, v26;
	v22 =	vld [tilespmem:s13+$0x680]  }
0xde: {  	v10 =	vsub.f32 v21, v14;
	v21 =	vld [tilespmem:s2+$0xE000];
	v18 =	vsub.f32 v18, v16  }
0xdf: {  	v54 =	vld [tilespmem:s13+$0xE700];
	v29 =	vsub.f32 v45, v47;
	v24 =	vsub.f32 v27, v24  }
0xe0: {  	v32 =	vsub.f32 v62, v50;
	v52 =	vmul.f32 v16, v10;
	v27 =	vld [tilespmem:s13+$0x700];
	v53 =	vmul.f32 v18, v14  }
0xe1: {  	v56 =	vld [tilespmem:s13+$0x800];
	v31 =	vsub.f32 v61, v55;
	v29 =	vmul.f32 v29, v29;
	v24 =	vmul.f32 v24, v24  }
0xe2: {  	v19 =	vld [tilespmem:s13+$0xEC00];
	v26 =	vmul.f32 v32, v32;
	v22 =	vsub.f32 v22, v51;
	vm0 =	vgt.f32 v52, v53  }
0xe3: {  	v57 =	vsel vm0, v23, v12;
	v21 =	vsel vm0, v21, v11;
	v11 =	vadd.f32 v24, v29;
	v12 =	vld [tilespmem:s13+$0xE800]  }
0xe4: {  	v28 =	vsub.f32 v59, v60;
	v61 =	vmul.f32 v7, v7;
	v23 =	vld [tilespmem:s13+$0xE400];
	v24 =	vmul.f32 v21, v57  }
0xe5: {  	v45 =	vld [tilespmem:s13+$0xE880];
	v22 =	vmul.f32 v22, v22;
	v11 =	vadd.f32 v26, v11;
	v26 =	vsub.f32 v27, v54  }
0xe6: {  	v31 =	vmul.f32 v31, v31;
	v27 =	vld [tilespmem:s13+$0x880];
	v42 =	vshra.s32 v24, $0x1;
	v44 =	vmul.f32 $5.000000000e-01, v24  }
0xe7: {  	v25 =	vld [tilespmem:s12+$0xE000];
	v29 =	vsub.s32 $0x5F3759DF, v42;
	v11 =	vadd.f32 v22, v11;
	v22 =	vmul.f32 v26, v26  }
0xe8: {  	v50 =	vld [tilespmem:s13+$0xA00];
	v28 =	vmul.f32 v28, v28;
	v15 =	vsel vm0, v20, v15;
	v46 =	vmul.f32 v29, v44  }
0xe9: {  	v49 =	vld [tilespmem:s13+$0xE980];
	v12 =	vsub.f32 v56, v12;
	v20 =	vsel vm0, v23, v3;
	v3 =	vadd.f32 v22, v11  }
0xea: {  	v11 =	vld [tilespmem:s13+$0x980];
	v48 =	vmul.f32 v20, v15;
	v22 =	vmul.f32 v29, v46  }
0xeb: {  	v53 =	vld [tilespmem:s13+$0xEA00];
	v12 =	vmul.f32 v12, v12;
	v27 =	vsub.f32 v27, v45;
	v31 =	vadd.f32 v31, v3  }
0xec: {  	v47 =	vld [tilespmem:s13+$0xEA80];
	v23 =	vsub.f32 v39, v43;
	v51 =	vshra.s32 v48, $0x1;
	v22 =	vsub.f32 $1.500000000e+00, v22  }
0xed: {  	v26 =	vld [tilespmem:s13+$0xA80];
	v52 =	vmul.f32 $5.000000000e-01, v48;
	v27 =	vmul.f32 v27, v27;
	v12 =	vadd.f32 v12, v31  }
0xee: {  	v23 =	vmul.f32 v23, v23;
	v38 =	vsub.s32 $0x5F3759DF, v51;
	v22 =	vmul.f32 v29, v22  }
0xef: {  	v54 =	vmul.f32 v38, v52;
	v11 =	vsub.f32 v11, v49;
	v12 =	vadd.f32 v27, v12  }
0xf0: {  	v25 =	vsub.f32 v34, v25;
	v58 =	vsub.f32 v50, v53;
	v27 =	vmul.f32 v22, v44  }
0xf1: {  	v55 =	vld [tilespmem:s13+$0xE200];
	v29 =	vmul.f32 v38, v54;
	v11 =	vmul.f32 v11, v11;
	v12 =	vadd.f32 v23, v12  }
0xf2: {  	v62 =	vld [tilespmem:s13+$0xE280];
	v19 =	vsub.f32 v30, v19;
	v26 =	vsub.f32 v26, v47;
	v27 =	vmul.f32 v27, v22  }
0xf3: {  	v59 =	vld [tilespmem:s13+$0xC80];
	v29 =	vsub.f32 $1.500000000e+00, v29;
	v11 =	vadd.f32 v11, v12;
	v12 =	vmul.f32 v58, v58  }
0xf4: {  	v60 =	vld [tilespmem:s13+$0xEC80];
	v19 =	vmul.f32 v19, v19;
	v25 =	vmul.f32 v25, v25;
	v27 =	vsub.f32 $1.500000000e+00, v27  }
0xf5: {  	s12 =	simm.s32 $0x10;
	v7 =	vld [tilespmem:s13+$0x200];
	s2 =	simm.s32 $0x200;
	v29 =	vmul.f32 v38, v29;
	v11 =	vadd.f32 v12, v11;
	v12 =	vmul.f32 v26, v26  }
0xf6: {  	s16 =	sand.u32 $0x70, s12;
	s14 =	sand.u32 $0x7000, s2;
	v18 =	vsel vm0, v18, v10;
	v13 =	vsel vm0, v13, v4;
	v26 =	vld [tilespmem:s13+$0xE300];
	v22 =	vmul.f32 v27, v22  }
0xf7: {  	s11 =	sor.u32 s16, s14;
	v10 =	vld [tilespmem:s13+$0x480];
	v5 =	vsel vm0, v62, v5;
	v27 =	vmul.f32 v29, v52;
	v63 =	vadd.f32 v12, v11  }
0xf8: {  	s17 =	sand.u32 $0x7, s0;
	v4 =	vld [tilespmem:s11+$0xE080];
	(erf) = vrcp.f32 v18;
	v21 =	vadd.f32 v21, v57;
	v18 =	vmul.f32 v22, v24  }
0xf9: {  	s15 =	sshll.u32 s17, $0x4;
	v5 =	vsub.f32 v13, v5;
	v3 =	vld [tilespmem:s11+$0xE000];
	v22 =	vmul.f32 v27, v29;
	v27 =	vadd.f32 v28, v63  }
0xfa: {  	v8 =	vsel vm0, v9, v8;
	s13 =	sadd.s32 $0x0, s15;
	v11 =	vld [tilespmem:s11+$0xD80];
	v24 =	vsub.f32 v59, v60;
	v9 =	vadd.f32 v18, v18  }
0xfb: {  	s16 =	sor.u32 $0xE00, s13;
	v12 =	vld [tilespmem:s11+$0xED80];
	v18 =	vsub.f32 $1.500000000e+00, v22;
	v6 =	vsel vm0, v26, v6;
	v22 =	vadd.f32 v25, v27  }
0xfc: {  	v25 =	vld [tilespmem:s16+$0x0];
	v6 =	vsub.f32 v8, v6;
	v9 =	vsub.f32 v21, v9  }
0xfd: {  	s13 =	sor.u32 $0xE80, s13;
	v13 =	vmul.f32 v18, v29;
	v18 =	vld [tilespmem:s16+$0xE000];
	v8 =	vadd.f32 v19, v22;
	v19 =	vmul.f32 v24, v24  }
0xfe: {  	v21 =	vld [tilespmem:s13+$0x0]  }
0xff: {  	v17 =	vmul.f32 v17, v17;
	v24 =	vld [tilespmem:s13+$0xE000];
	v9 =	vadd.f32 v9, v15;
	v22 =	vmul.f32 v13, v48  }
0x100: {  	v14 =	vsel vm0, v16, v14;
	v26 =	vmul.f32 v6, v6;
	v6 =	vld [tilespmem:s11+$0x0];
	v8 =	vadd.f32 v19, v8  }
0x101: {  	v5 =	vmul.f32 v5, v5;
	v15 =	vld [tilespmem:s11+$0xE100];
	v9 =	vadd.f32 v9, v20;
	v16 =	vadd.f32 v22, v22;
	v19 =	vpop (erf)  }
0x102: {  	v13 =	vld [tilespmem:s11+$0xE180];
	v18 =	vsub.f32 v25, v18;
	v8 =	vadd.f32 v17, v8;
	v14 =	vmul.f32 v19, v14  }
0x103: {  	v20 =	vsel vm0, v10, v7;
	v22 =	vld [tilespmem:s11+$0x100];
	v19 =	vadd.f32 v26, v5;
	v9 =	vsub.f32 v9, v16  }
0x104: {  	v49 =	vmul.f32 v4, v0;
	v5 =	vld [tilespmem:s11+$0x80];
	v17 =	vsub.f32 v21, v24;
	v16 =	vsub.f32 v20, v14  }
0x105: {  	s17 =	sand.u32 $0xFFFFF000, s2;
	v18 =	vmul.f32 v18, v18;
	v14 =	vld [tilespmem:s11+$0x180];
	v20 =	vadd.f32 v61, v8;
	v19 =	vadd.f32 v9, v19  }
0x106: {  	v23 =	vmul.f32 v3, v0;
	s15 =	sadd.s32 $0x10, s17;
	v9 =	vld [tilespmem:s11+$0x280];
	v17 =	vmul.f32 v17, v17  }
0x107: {  	s14 =	sor.u32 $0x380, s15;
	v8 =	vld [tilespmem:s11+$0x300];
	v21 =	vmul.f32 v16, v16;
	v18 =	vadd.f32 v18, v20;
	v20 =	vmul.f32 $5.000000000e+00, v19  }
0x108: {  	vm0 =	vgt.f32 v55, $0.0e+00;
	v25 =	vld [tilespmem:s14+$0x0];
	v59 =	vmul.f32 v6, v0;
	v60 =	vmul.f32 $5.000000000e-01, v15  }
0x109: {  	v63 =	vmul.f32 $5.000000000e-01, v13;
	v19 =	vld [tilespmem:s11+$0x400];
	v17 =	vadd.f32 v17, v18;
	v18 =	vadd.f32 v20, v21  }
0x10a: {  	v26 =	vmul.f32 $5.000000000e-01, v22;
	v42 =	vsub.f32 v23, v60;
	v16 =	vld [tilespmem:s11+$0xD00];
	v61 =	vmul.f32 v5, v0  }
0x10b: {  	s13 =	simm.s32 $0x400;
	v21 =	vld [tilespmem:s11+$0xED00];
	v24 =	vmul.f32 $5.000000000e-01, v14;
	v62 =	vmul.f32 v9, v0;
	v17 =	vadd.f32 v17, v18  }
.LBB2_3:
0x10c: {  	p0 =	sne.s32 s13, $0x6E00;
	v18 =	vsub.f32 v49, v63;
	v20 =	vadd.f32 v60, v23;
	v23 =	vmul.f32 v8, v0;
	v27 =	vld [tilespmem:s11+$0xC00]  }
0x10d: {  	v28 =	vadd.f32 v63, v49;
	v29 =	vsub.f32 v59, v26;
	s16 =	sor.u32 $0xB80, s15;
	v30 =	vld [tilespmem:s11+$0xEC00];
	v17 =	vnsel vm0, $0x0, v17  }
0x10e: {  	v31 =	vsub.f32 v61, v24;
	v32 =	vmul.f32 $5.000000000e-01, v19;
	v33 =	vld [tilespmem:s16+$0x0];
	v1 =	vadd.f32 v17, v1  }
0x10f: {  	v24 =	vadd.f32 v24, v61;
	v17 =	vadd.f32 v26, v59;
	v26 =	vmul.f32 $5.000000000e-01, v25;
	v34 =	vld [tilespmem:s16+$0xE000]  }
0x110: {  	v36 =	vmul.f32 v7, v7;
	v35 =	vsub.f32 v23, v32;
	v32 =	vadd.f32 v32, v23;
	v23 =	vld [tilespmem:s11+$0xB00]  }
0x111: {  	v10 =	vmul.f32 v10, v10;
	v37 =	vsub.f32 v62, v26;
	v26 =	vadd.f32 v26, v62;
	v7 =	vld [tilespmem:s11+$0xEB00]  }
0x112: {  	v38 =	vsub.f32 v20, v42;
	v39 =	vsub.f32 v28, v18;
	v40 =	vld [tilespmem:s11+$0x900]  }
0x113: {  	s15 =	sor.u32 $0x780, s15;
	v43 =	vmax.f32 v29, v42;
	v44 =	vmin.f32 v24, v28;
	v41 =	vmin.f32 v17, v20;
	v45 =	vld [tilespmem:s11+$0xE900]  }
0x114: {  	v46 =	vmax.f32 v31, v18;
	v24 =	vsub.f32 v24, v31;
	v17 =	vsub.f32 v17, v29;
	v29 =	vld [tilespmem:s15+$0x0]  }
0x115: {  	v28 =	vmin.f32 v32, v28;
	v18 =	vmax.f32 v35, v18;
	v31 =	vsub.f32 v32, v35;
	v32 =	vld [tilespmem:s11+$0x600]  }
0x116: {  	v35 =	vsub.f32 v41, v43;
	v20 =	vmin.f32 v26, v20;
	v26 =	vsub.f32 v26, v37;
	v41 =	vld [tilespmem:s11+$0x500]  }
0x117: {  	v43 =	vsub.f32 v44, v46;
	v37 =	vmax.f32 v37, v42;
	v28 =	vsub.f32 v28, v18;
	v42 =	vld [tilespmem:s11+$0xE500]  }
0x118: {  	v38 =	vmul.f32 v39, v38;
	v17 =	vmul.f32 v24, v17;
	v20 =	vsub.f32 v20, v37;
	v24 =	vld [tilespmem:s11+$0x580]  }
0x119: {  	v18 =	vmax.f32 v35, $0.0e+00;
	v35 =	vmax.f32 v43, $0.0e+00;
	v26 =	vmul.f32 v31, v26;
	v31 =	vld [tilespmem:s11+$0xE580]  }
0x11a: {  	v18 =	vmul.f32 v35, v18;
	v28 =	vmax.f32 v28, $0.0e+00;
	v20 =	vmax.f32 v20, $0.0e+00;
	v35 =	vld [tilespmem:s11+$0xE600]  }
0x11b: {  	v17 =	vadd.f32 v17, v38;
	v20 =	vmul.f32 v28, v20;
	v26 =	vadd.f32 v26, v38;
	v28 =	vld [tilespmem:s11+$0x680]  }
0x11c: {  	v11 =	vsub.f32 v11, v12;
	v10 =	vadd.f32 v10, v36;
	v37 =	vld [tilespmem:s11+$0xE680]  }
0x11d: {  	v12 =	vsub.f32 v17, v18;
	v26 =	vsub.f32 v26, v20;
	v36 =	vld [tilespmem:s14+$0xE000]  }
0x11e: {  	v17 =	vsel vm0, $0x0, v10;
	v38 =	vsub.f32 v41, v42;
	v24 =	vsub.f32 v24, v31;
	v31 =	vld [tilespmem:s11+$0x700]  }
0x11f: {  	v10 =	vmul.f32 v20, v12;
	v39 =	vmul.f32 v26, v18;
	v32 =	vsub.f32 v32, v35;
	v35 =	vld [tilespmem:s11+$0xE700]  }
0x120: {  	v16 =	vsub.f32 v16, v21;
	v38 =	vmul.f32 v38, v38;
	v24 =	vmul.f32 v24, v24;
	v41 =	vld [tilespmem:s15+$0xE000]  }
0x121: {  	vm0 =	vgt.f32 v10, v39;
	v10 =	vmul.f32 v32, v32;
	v21 =	vsub.f32 v28, v37;
	v28 =	vld [tilespmem:s11+$0x800]  }
0x122: {  	v22 =	vsel vm0, v25, v22;
	v15 =	vsel vm0, v36, v15;
	v24 =	vadd.f32 v24, v38;
	v25 =	vld [tilespmem:s11+$0xE800]  }
0x123: {  	v27 =	vsub.f32 v27, v30;
	v33 =	vsub.f32 v33, v34;
	v32 =	vld [tilespmem:s11+$0xE400];
	v36 =	vmul.f32 v15, v22  }
0x124: {  	v21 =	vmul.f32 v21, v21;
	v10 =	vadd.f32 v10, v24;
	v24 =	vsub.f32 v31, v35;
	v30 =	vld [tilespmem:s11+$0x880]  }
0x125: {  	v31 =	vshra.s32 v36, $0x1;
	v34 =	vmul.f32 $5.000000000e-01, v36;
	v29 =	vsub.f32 v29, v41;
	v35 =	vld [tilespmem:s11+$0xE880]  }
0x126: {  	v31 =	vsub.s32 $0x5F3759DF, v31;
	v10 =	vadd.f32 v21, v10;
	v21 =	vmul.f32 v24, v24;
	v24 =	vld [tilespmem:s11+$0xA80]  }
0x127: {  	v37 =	vmul.f32 v31, v34;
	v29 =	vmul.f32 v29, v29;
	v25 =	vsub.f32 v28, v25;
	v28 =	vld [tilespmem:s11+$0xEA80]  }
0x128: {  	v14 =	vsel vm0, v19, v14;
	v19 =	vsel vm0, v32, v13;
	v10 =	vadd.f32 v21, v10;
	v13 =	vld [tilespmem:s11+$0x980]  }
0x129: {  	s12 =	sadd.s32 $0x10, s12;
	v21 =	vmul.f32 v31, v37;
	v32 =	vmul.f32 v19, v14;
	v37 =	vsub.f32 v40, v45;
	v38 =	vld [tilespmem:s11+$0xE980]  }
0x12a: {  	s14 =	sand.u32 $0x70, s12;
	s15 =	sand.u32 $0x7000, s13;
	v25 =	vmul.f32 v25, v25;
	v10 =	vadd.f32 v29, v10;
	v29 =	vsub.f32 v30, v35;
	v30 =	vld [tilespmem:s11+$0xA00]  }
0x12b: {  	s14 =	sor.u32 s14, s15;
	v21 =	vsub.f32 $1.500000000e+00, v21;
	v35 =	vshra.s32 v32, $0x1;
	v39 =	vmul.f32 $5.000000000e-01, v32;
	v40 =	vld [tilespmem:s11+$0xEA00]  }
0x12c: {  	v41 =	vld [tilespmem:s14+$0xE000];
	v35 =	vsub.s32 $0x5F3759DF, v35;
	v10 =	vadd.f32 v25, v10;
	v25 =	vmul.f32 v29, v29  }
0x12d: {  	v29 =	vmul.f32 v31, v21;
	v21 =	vmul.f32 v35, v39;
	v31 =	vsub.f32 v23, v7  }
0x12e: {  	v7 =	vadd.f32 v25, v10;
	v10 =	vmul.f32 v37, v37;
	v13 =	vsub.f32 v13, v38  }
0x12f: {  	v24 =	vsub.f32 v24, v28;
	v25 =	vmul.f32 v29, v34;
	v34 =	vmul.f32 v35, v21  }
0x130: {  	v21 =	vld [tilespmem:s11+$0xE200];
	v7 =	vadd.f32 v10, v7;
	v10 =	vmul.f32 v13, v13;
	v13 =	vsub.f32 v30, v40  }
0x131: {  	v23 =	vmul.f32 v41, v0;
	v25 =	vmul.f32 v25, v29;
	v28 =	vsub.f32 $1.500000000e+00, v34;
	v30 =	vld [tilespmem:s11+$0xC80]  }
0x132: {  	v37 =	vmul.f32 v11, v11;
	v10 =	vadd.f32 v10, v7;
	v13 =	vmul.f32 v13, v13;
	v34 =	vld [tilespmem:s11+$0xEC80]  }
0x133: {  	v27 =	vmul.f32 v27, v27;
	v7 =	vld [tilespmem:s11+$0x200];
	v11 =	vsub.f32 $1.500000000e+00, v25;
	v25 =	vmul.f32 v35, v28  }
0x134: {  	v33 =	vmul.f32 v33, v33;
	v24 =	vmul.f32 v24, v24;
	v28 =	vld [tilespmem:s11+$0xE280];
	v13 =	vadd.f32 v13, v10  }
0x135: {  	s0 =	sadd.s32 $0x1, s0;
	v12 =	vsel vm0, v26, v12;
	v26 =	vld [tilespmem:s11+$0xE300];
	v29 =	vmul.f32 v11, v29;
	v35 =	vmul.f32 v25, v39  }
0x136: {  	s15 =	sand.u32 $0x7, s0;
	v10 =	vld [tilespmem:s11+$0x480];
	v13 =	vadd.f32 v24, v13;
	v24 =	vmul.f32 v31, v31;
	(erf) = vrcp.f32 v12;
	s11 =	smov.u32 s14  }
0x137: {  	s14 =	sshll.u32 s15, $0x4;
	v11 =	vld [tilespmem:s11+$0xD80];
	v29 =	vmul.f32 v29, v36;
	v31 =	vmul.f32 v35, v25;
	v30 =	vsub.f32 v30, v34  }
0x138: {  	v6 =	vsel vm0, v9, v6;
	v9 =	vadd.f32 v15, v22;
	s14 =	sadd.s32 s14, s2;
	s2 =	smov.u32 s13;
	v12 =	vld [tilespmem:s11+$0xED80];
	v13 =	vadd.f32 v24, v13  }
0x139: {  	v5 =	vsel vm0, v8, v5;
	s15 =	sor.u32 $0xE00, s14;
	v22 =	vld [tilespmem:s11+$0xE080];
	v8 =	vadd.f32 v29, v29;
	v15 =	vsub.f32 $1.500000000e+00, v31  }
0x13a: {  	v24 =	vsel vm0, v28, v3;
	v3 =	vmovc v41;
	v4 =	vsel vm0, v26, v4;
	v13 =	vadd.f32 v33, v13;
	v26 =	vld [tilespmem:s15+$0x0]  }
0x13b: {  	s14 =	sor.u32 $0xE80, s14;
	v6 =	vsub.f32 v6, v24;
	v8 =	vsub.f32 v9, v8;
	v9 =	vmul.f32 v15, v25;
	v24 =	vld [tilespmem:s15+$0xE000]  }
0x13c: {  	v31 =	vsub.f32 v5, v4;
	v5 =	vadd.f32 v27, v13;
	v13 =	vmul.f32 v30, v30;
	v25 =	vld [tilespmem:s14+$0x0]  }
0x13d: {  	v8 =	vadd.f32 v8, v14;
	v9 =	vmul.f32 v9, v32;
	v14 =	vmul.f32 v16, v16;
	v16 =	vld [tilespmem:s14+$0xE000]  }
0x13e: {  	v27 =	vmul.f32 v6, v6;
	v28 =	vmul.f32 v31, v31;
	v15 =	vld [tilespmem:s11+$0xE100];
	v29 =	vadd.f32 v13, v5;
	v4 =	vmovc v22  }
0x13f: {  	v5 =	vsel vm0, v20, v18;
	v13 =	vld [tilespmem:s11+$0xE180];
	v8 =	vadd.f32 v8, v19;
	v9 =	vadd.f32 v9, v9;
	v18 =	vpop (erf)  }
0x140: {  	v19 =	vadd.f32 v28, v27;
	v6 =	vld [tilespmem:s11+$0x0];
	v18 =	vmul.f32 v18, v5;
	v20 =	vsub.f32 v26, v24  }
0x141: {  	v24 =	vsel vm0, v10, v7;
	v5 =	vld [tilespmem:s11+$0x80];
	v8 =	vsub.f32 v8, v9;
	v9 =	vadd.f32 v14, v29  }
0x142: {  	v49 =	vmul.f32 v4, v0;
	v22 =	vld [tilespmem:s11+$0x100];
	v18 =	vsub.f32 v24, v18;
	v16 =	vsub.f32 v25, v16  }
0x143: {  	v20 =	vmul.f32 v20, v20;
	v14 =	vld [tilespmem:s11+$0x180];
	v24 =	vadd.f32 v37, v9;
	v19 =	vadd.f32 v8, v19  }
0x144: {  	v2 =	vadd.f32 v17, v2;
	v60 =	vmul.f32 $5.000000000e-01, v15;
	v9 =	vld [tilespmem:s11+$0x280];
	v25 =	vmul.f32 v16, v16  }
.Ltmp0:
0x145: {  	s14 =	sand.u32 $0xFFFFF000, s13;
	v17 =	vmul.f32 v18, v18;
	v8 =	vld [tilespmem:s11+$0x300];
	v18 =	vadd.f32 v20, v24;
	v20 =	vmul.f32 $5.000000000e+00, v19;
	(pc) =	sbr.rel @p0 .LBB2_3-.Ltmp0, $4  }
0x146: {  	s15 =	sadd.s32 s14, s12;
	v63 =	vmul.f32 $5.000000000e-01, v13;
	v59 =	vmul.f32 v6, v0;
	v16 =	vld [tilespmem:s11+$0xD00]  }
0x147: {  	s14 =	sor.u32 $0x380, s15;
	v61 =	vmul.f32 v5, v0;
	v19 =	vld [tilespmem:s11+$0x400];
	v18 =	vadd.f32 v25, v18;
	v17 =	vadd.f32 v20, v17  }
0x148: {  	vm0 =	vgt.f32 v21, $0.0e+00;
	v26 =	vmul.f32 $5.000000000e-01, v22;
	v25 =	vld [tilespmem:s14+$0x0];
	v24 =	vmul.f32 $5.000000000e-01, v14  }
0x149: {  	s13 =	sadd.s32 $0x200, s13;
	v42 =	vsub.f32 v23, v60;
	v62 =	vmul.f32 v9, v0;
	v21 =	vld [tilespmem:s11+$0xED00];
	v17 =	vadd.f32 v18, v17  }
0x14a: {  	v18 =	vld [tilespmem:s11+$0xC00];
	_ =	sdelay $0x4  }
0x14b: {  	[tilespmem:$0x1FF10] =	vst v18;
	v18 =	vld [tilespmem:s11+$0xEC00];
	_ =	sdelay $0x3  }
0x14c: {  	s12 =	sor.u32 $0xB80, s15  }
0x14d: {  	[tilespmem:$0x1FF20] =	vst v18;
	v18 =	vld [tilespmem:s12+$0x0];
	_ =	sdelay $0x4  }
0x14e: {  	[tilespmem:$0x1FF00] =	vst v18;
	v18 =	vld [tilespmem:s11+$0xB00];
	_ =	sdelay $0x4  }
0x14f: {  	[tilespmem:$0x1FF30] =	vst v18;
	v18 =	vld [tilespmem:s11+$0xEB00];
	_ =	sdelay $0x4  }
0x150: {  	[tilespmem:$0x1FF40] =	vst v18;
	v18 =	vld [tilespmem:s11+$0xE200];
	_ =	sdelay $0x4  }
0x151: {  	[tilespmem:$0x1FFF0] =	vst v18;
	v18 =	vld [tilespmem:s11+$0xC80];
	_ =	sdelay $0x4  }
0x152: {  	[tilespmem:$0x1FF50] =	vst v18;
	v18 =	vld [tilespmem:s11+$0xEC80];
	_ =	sdelay $0x4  }
0x153: {  	[tilespmem:$0x1FF60] =	vst v18;
	v18 =	vld [tilespmem:s11+$0x200];
	_ =	sdelay $0x1  }
0x154: {  	v45 =	vld [tilespmem:s11+$0x900]  }
0x155: {  	v46 =	vld [tilespmem:s11+$0xE900]  }
0x156: {  	v38 =	vld [tilespmem:s11+$0x600]  }
0x157: {  	[tilespmem:$0x1FFB0] =	vst v18;
	v18 =	vld [tilespmem:s11+$0xE280]  }
0x158: {  	v33 =	vld [tilespmem:s11+$0x500]  }
0x159: {  	v31 =	vld [tilespmem:s11+$0xE500]  }
0x15a: {  	v32 =	vld [tilespmem:s11+$0x580]  }
0x15b: {  	v30 =	vld [tilespmem:s11+$0xE580]  }
0x15c: {  	[tilespmem:$0x1FF70] =	vst v18;
	v18 =	vld [tilespmem:s11+$0xE300]  }
0x15d: {  	v34 =	vld [tilespmem:s11+$0xE600]  }
0x15e: {  	v36 =	vld [tilespmem:s11+$0x680]  }
0x15f: {  	v35 =	vld [tilespmem:s11+$0xE680]  }
0x160: {  	v37 =	vld [tilespmem:s14+$0xE000]  }
0x161: {  	s0 =	sadd.s32 $0x1, s0;
	[tilespmem:$0x1FF80] =	vst v18;
	v18 =	vld [tilespmem:s11+$0x480]  }
0x162: {  	v57 =	vld [tilespmem:s11+$0x700];
	s0 =	sand.u32 $0x7, s0  }
0x163: {  	v58 =	vld [tilespmem:s11+$0xE700];
	s0 =	sshll.u32 s0, $0x4  }
0x164: {  	v54 =	vld [tilespmem:s11+$0x800];
	s2 =	sadd.s32 s0, s2  }
0x165: {  	v55 =	vld [tilespmem:s11+$0xE800];
	s14 =	sor.u32 $0xE00, s2  }
0x166: {  	[tilespmem:$0x1FFC0] =	vst v18;
	v18 =	vld [tilespmem:s14+$0x0]  }
0x167: {  	v52 =	vld [tilespmem:s11+$0xE400]  }
0x168: {  	v50 =	vld [tilespmem:s11+$0x880]  }
0x169: {  	v51 =	vld [tilespmem:s11+$0xE880]  }
0x16a: {  	v40 =	vld [tilespmem:s11+$0xA80]  }
0x16b: {  	[tilespmem:$0x1FF90] =	vst v18;
	v18 =	vld [tilespmem:s14+$0xE000]  }
0x16c: {  	v41 =	vld [tilespmem:s11+$0xEA80]  }
0x16d: {  	s13 =	sor.u32 $0x780, s15;
	v47 =	vld [tilespmem:s11+$0x980]  }
0x16e: {  	v53 =	vld [tilespmem:s13+$0x0]  }
0x16f: {  	v56 =	vld [tilespmem:s13+$0xE000];
	s13 =	sor.u32 $0xE80, s2  }
0x170: {  	s0 =	smul.u32 $0x1C0000, s31;
	[tilespmem:$0x1FFA0] =	vst v18;
	v18 =	vld [tilespmem:s13+$0x0]  }
0x171: {  	v48 =	vld [tilespmem:s11+$0xE980]  }
0x172: {  	v43 =	vld [tilespmem:s11+$0xA00];
	s15 =	sadd.s32 s9, s0  }
0x173: {  	v44 =	vld [tilespmem:s11+$0xEA00];
	s11 =	sshrl.u32 s15, $0x3  }
0x174: {  	v39 =	vld [tilespmem:s12+$0xE000];
	s2 =	simm.s32 $0x0;
	s12 =	sadd.s32 s1, s11  }
0x175: {  	[tilespmem:$0x1FFD0] =	vst v18;
	v18 =	vld [tilespmem:s13+$0xE000];
	[tilespmem:s2], [sflag:$0x1] =	stream.strided.gather [hbm4b:s12+s21], $0xC00, s22, s21, $0x38  }
0x176: {  	s17 =	simm.s32 $0x1000;
	s16 =	sadd.s32 $0x4000, s12  }
0x177: {  	[tilespmem:s17], [sflag:$0x1] =	stream.strided.gather [hbm4b:s16+s21], $0xC00, s22, s21, $0x38;
	[tilespmem:$0x1C080] =	vst v63  }
0x178: {  	s15 =	simm.s32 $0x2000;
	s14 =	sadd.s32 $0x8000, s12  }
0x179: {  	[tilespmem:s15], [sflag:$0x1] =	stream.strided.gather [hbm4b:s14+s21], $0xC00, s22, s21, $0x38;
	[tilespmem:$0x1C080] =	vst v63  }
0x17a: {  	s16 =	sadd.s32 $0xC000, s12;
	s17 =	simm.s32 $0x3000  }
0x17b: {  	[tilespmem:s17], [sflag:$0x1] =	stream.strided.gather [hbm4b:s16+s21], $0xC00, s22, s21, $0x38;
	[tilespmem:$0x1C080] =	vst v63  }
0x17c: {  	s14 =	sadd.s32 $0x10000, s12;
	s15 =	simm.s32 $0x4000  }
0x17d: {  	v27 =	vadd.f32 v60, v23;
	[tilespmem:s15], [sflag:$0x1] =	stream.strided.gather [hbm4b:s14+s21], $0xC00, s22, s21, $0x38;
	[tilespmem:$0x1C080] =	vst v63  }
0x17e: {  	v60 =	vsub.f32 v49, v63;
	v49 =	vadd.f32 v63, v49;
	s16 =	sadd.s32 $0x14000, s12;
	s17 =	simm.s32 $0x5000  }
0x17f: {  	v23 =	vsub.f32 v59, v26;
	v26 =	vadd.f32 v26, v59;
	[tilespmem:s17], [sflag:$0x1] =	stream.strided.gather [hbm4b:s16+s21], $0xC00, s22, s21, $0x38;
	[tilespmem:$0x1C080] =	vst v63  }
0x180: {  	v59 =	vsub.f32 v61, v24;
	v24 =	vadd.f32 v24, v61;
	s14 =	sadd.s32 $0x18000, s12;
	s15 =	simm.s32 $0x6000  }
0x181: {  	v63 =	vmul.f32 v8, v0;
	v20 =	vmul.f32 $5.000000000e-01, v19;
	v29 =	vsub.f32 v26, v23;
	[tilespmem:s15], [sflag:$0x1] =	stream.strided.gather [hbm4b:s14+s21], $0xC00, s22, s21, $0x38;
	[tilespmem:$0x1C080] =	vst v63  }
0x182: {  	v23 =	vmax.f32 v23, v42;
	v28 =	vsub.f32 v24, v59;
	[tilespmem:$0x1FFE0] =	vst v18;
	v18 =	vmul.f32 $5.000000000e-01, v25;
	s16 =	sadd.s32 $0x3000, s12;
	s17 =	simm.s32 $0xC00  }
0x183: {  	v59 =	vmax.f32 v59, v60;
	v61 =	vsub.f32 v63, v20;
	v20 =	vadd.f32 v20, v63;
	[tilespmem:s17], [sflag:$0x1] =	stream.linear.gather [hbm4b:s16+s2], $0x300, $0x38;
	[tilespmem:$0x1C080] =	vst v63  }
0x184: {  	v28 =	vmul.f32 v28, v29;
	v63 =	vsub.f32 v62, v18;
	v18 =	vadd.f32 v18, v62;
	s14 =	sadd.s32 $0x7000, s12;
	s15 =	simm.s32 $0x1C00  }
0x185: {  	v62 =	vmin.f32 v26, v27;
	v26 =	vmin.f32 v24, v49;
	v24 =	vsub.f32 v49, v60;
	[tilespmem:s15], [sflag:$0x1] =	stream.linear.gather [hbm4b:s14+s2], $0x300, $0x38;
	[tilespmem:$0x1C080] =	vst v63  }
0x186: {  	v49 =	vmin.f32 v20, v49;
	v20 =	vsub.f32 v20, v61;
	v23 =	vsub.f32 v62, v23;
	s16 =	sadd.s32 $0xB000, s12;
	s17 =	simm.s32 $0x2C00  }
0x187: {  	v60 =	vmax.f32 v61, v60;
	v26 =	vsub.f32 v26, v59;
	v62 =	vsub.f32 v27, v42;
	[tilespmem:s17], [sflag:$0x1] =	stream.linear.gather [hbm4b:s16+s2], $0x300, $0x38;
	[tilespmem:$0x1C080] =	vst v63  }
0x188: {  	v27 =	vmin.f32 v18, v27;
	v18 =	vsub.f32 v18, v63;
	v63 =	vmax.f32 v63, v42;
	s14 =	sadd.s32 $0xF000, s12;
	s15 =	simm.s32 $0x3C00  }
0x189: {  	v49 =	vsub.f32 v49, v60;
	v24 =	vmul.f32 v24, v62;
	v27 =	vsub.f32 v27, v63;
	[tilespmem:s15], [sflag:$0x1] =	stream.linear.gather [hbm4b:s14+s2], $0x300, $0x38;
	[tilespmem:$0x1C080] =	vst v63  }
0x18a: {  	v18 =	vmul.f32 v20, v18;
	v20 =	vmax.f32 v23, $0.0e+00;
	v23 =	vmax.f32 v26, $0.0e+00;
	s16 =	sadd.s32 $0x13000, s12;
	s17 =	simm.s32 $0x4C00  }
0x18b: {  	v26 =	vmax.f32 v49, $0.0e+00;
	v23 =	vmul.f32 v23, v20;
	v20 =	vmax.f32 v27, $0.0e+00;
	[tilespmem:s17], [sflag:$0x1] =	stream.linear.gather [hbm4b:s16+s2], $0x300, $0x38;
	[tilespmem:$0x1C080] =	vst v63  }
0x18c: {  	v49 =	vmul.f32 v26, v20;
	v20 =	vadd.f32 v28, v24;
	v18 =	vadd.f32 v18, v24;
	s15 =	sadd.s32 $0x17000, s12;
	s16 =	simm.s32 $0x5C00  }
0x18d: {  	[tilespmem:s16], [sflag:$0x1] =	stream.linear.gather [hbm4b:s15+s2], $0x300, $0x38;
	[tilespmem:$0x1C080] =	vst v63  }
0x18e: {  	v20 =	vsub.f32 v20, v23;
	v18 =	vsub.f32 v18, v49;
	s12 =	sadd.s32 $0x1B000, s12;
	s17 =	simm.s32 $0x6C00  }
0x18f: {  	[tilespmem:s17], [sflag:$0x1] =	stream.linear.gather [hbm4b:s12+s2], $0x300, $0x38;
	[tilespmem:$0x1C080] =	vst v63  }
0x190: {  	s11 =	sadd.s32 s3, s11;
	s13 =	simm.s32 $0xE000;
	v24 =	vmul.f32 v49, v20;
	v26 =	vmul.f32 v18, v23  }
0x191: {  	v27 =	vsub.f32 v33, v31;
	v28 =	vsub.f32 v32, v30;
	[tilespmem:s13], [sflag:$0x3] =	stream.strided.gather [hbm4b:s11+s21], $0xC00, s22, s21, $0x38;
	[tilespmem:$0x1C080] =	vst v63  }
0x192: {  	vm1 =	vgt.f32 v24, v26;
	s14 =	sadd.s32 $0x4000, s11;
	s15 =	simm.s32 $0xF000  }
0x193: {  	v24 =	vsub.f32 v38, v34;
	v26 =	vmul.f32 v27, v27;
	v27 =	vmul.f32 v28, v28;
	[tilespmem:s15], [sflag:$0x3] =	stream.strided.gather [hbm4b:s14+s21], $0xC00, s22, s21, $0x38;
	[tilespmem:$0x1C080] =	vst v63  }
0x194: {  	v28 =	vsub.f32 v36, v35;
	v22 =	vsel vm1, v25, v22;
	s16 =	sadd.s32 $0x8000, s11;
	s17 =	simm.s32 $0x10000  }
0x195: {  	v15 =	vsel vm1, v37, v15;
	v24 =	vmul.f32 v24, v24;
	v25 =	vadd.f32 v27, v26;
	[tilespmem:s17], [sflag:$0x3] =	stream.strided.gather [hbm4b:s16+s21], $0xC00, s22, s21, $0x38;
	[tilespmem:$0x1C080] =	vst v63  }
0x196: {  	v26 =	vmul.f32 v15, v22;
	s14 =	sadd.s32 $0xC000, s11;
	s15 =	simm.s32 $0x11000  }
0x197: {  	v27 =	vsub.f32 v57, v58;
	v24 =	vadd.f32 v24, v25;
	v25 =	vmul.f32 v28, v28;
	[tilespmem:s15], [sflag:$0x3] =	stream.strided.gather [hbm4b:s14+s21], $0xC00, s22, s21, $0x38;
	[tilespmem:$0x1C080] =	vst v63  }
0x198: {  	v29 =	vsub.f32 v53, v56;
	v28 =	vshra.s32 v26, $0x1;
	v30 =	vmul.f32 $5.000000000e-01, v26;
	s16 =	sadd.s32 $0x10000, s11  }
0x199: {  	v28 =	vsub.s32 $0x5F3759DF, v28;
	v24 =	vadd.f32 v25, v24;
	v25 =	vmul.f32 v27, v27;
	[tilespmem:s18], [sflag:$0x3] =	stream.strided.gather [hbm4b:s16+s21], $0xC00, s22, s21, $0x38;
	[tilespmem:$0x1C080] =	vst v63  }
0x19a: {  	v27 =	vmul.f32 v28, v30;
	s17 =	sadd.s32 $0x14000, s11  }
0x19b: {  	v31 =	vsub.f32 v54, v55;
	v24 =	vadd.f32 v25, v24;
	v25 =	vmul.f32 v29, v29;
	[tilespmem:s19], [sflag:$0x3] =	stream.strided.gather [hbm4b:s17+s21], $0xC00, s22, s21, $0x38;
	[tilespmem:$0x1C080] =	vst v63  }
0x19c: {  	v11 =	vsub.f32 v11, v12;
	v12 =	vsel vm1, v19, v14;
	v14 =	vmul.f32 v28, v27;
	s13 =	sadd.s32 $0x18000, s11  }
0x19d: {  	v13 =	vsel vm1, v52, v13;
	v19 =	vadd.f32 v25, v24;
	v24 =	vmul.f32 v31, v31;
	[tilespmem:s20], [sflag:$0x3] =	stream.strided.gather [hbm4b:s13+s21], $0xC00, s22, s21, $0x38;
	[tilespmem:$0x1C080] =	vst v63  }
0x19e: {  	v27 =	vmul.f32 v13, v12;
	v14 =	vsub.f32 $1.500000000e+00, v14;
	s14 =	sadd.s32 $0x3000, s11  }
0x19f: {  	v18 =	vsel vm1, v18, v20;
	v29 =	vsub.f32 v50, v51;
	v19 =	vadd.f32 v24, v19;
	[tilespmem:s5], [sflag:$0x3] =	stream.linear.gather [hbm4b:s14+s2], $0x300, $0x38;
	[tilespmem:$0x1C080] =	vst v63  }
0x1a0: {  	v56 =	vld [tilespmem:$0x1FF40];
	v24 =	vshra.s32 v27, $0x1;
	v14 =	vmul.f32 v28, v14;
	v28 =	vmul.f32 $5.000000000e-01, v27;
	s15 =	sadd.s32 $0x7000, s11  }
0x1a1: {  	v55 =	vld [tilespmem:$0x1FF30];
	v25 =	vsub.f32 v45, v46;
	v20 =	vsub.s32 $0x5F3759DF, v24;
	v24 =	vmul.f32 v29, v29;
	[tilespmem:s6], [sflag:$0x3] =	stream.linear.gather [hbm4b:s15+s2], $0x300, $0x38  }
0x1a2: {  	(erf) = vrcp.f32 v18;
	v18 =	vmul.f32 v20, v28;
	s16 =	sadd.s32 $0xB000, s11  }
0x1a3: {  	v25 =	vmul.f32 v25, v25;
	v29 =	vld [tilespmem:$0x1FF00];
	v19 =	vadd.f32 v24, v19;
	v24 =	vsub.f32 v47, v48;
	[tilespmem:s7], [sflag:$0x3] =	stream.linear.gather [hbm4b:s16+s2], $0x300, $0x38  }
0x1a4: {  	v30 =	vmul.f32 v14, v30;
	v18 =	vmul.f32 v20, v18;
	s17 =	sadd.s32 $0xF000, s11  }
0x1a5: {  	v19 =	vadd.f32 v25, v19;
	v25 =	vsub.f32 v43, v44;
	v24 =	vmul.f32 v24, v24;
	[tilespmem:s8], [sflag:$0x3] =	stream.linear.gather [hbm4b:s17+s2], $0x300, $0x38;
	[tilespmem:$0x1C080] =	vst v63  }
0x1a6: {  	v32 =	vsub.f32 v55, v56;
	v57 =	vsub.f32 v40, v41;
	v30 =	vmul.f32 v30, v14;
	s13 =	sadd.s32 $0x13000, s11  }
0x1a7: {  	v18 =	vsub.f32 $1.500000000e+00, v18;
	v19 =	vadd.f32 v24, v19;
	v24 =	vmul.f32 v25, v25;
	[tilespmem:s23], [sflag:$0x3] =	stream.linear.gather [hbm4b:s13+s2], $0x300, $0x38;
	[tilespmem:$0x1C080] =	vst v63  }
0x1a8: {  	v29 =	vsub.f32 v29, v39;
	v25 =	vsub.f32 $1.500000000e+00, v30;
	s14 =	sadd.s32 $0x17000, s11  }
0x1a9: {  	v54 =	vld [tilespmem:$0x1FF20];
	v18 =	vmul.f32 v20, v18;
	v19 =	vadd.f32 v24, v19;
	v24 =	vmul.f32 v57, v57;
	[tilespmem:s24], [sflag:$0x3] =	stream.linear.gather [hbm4b:s14+s2], $0x300, $0x38  }
0x1aa: {  	v16 =	vsub.f32 v16, v21;
	v31 =	vld [tilespmem:$0x1FF10];
	v14 =	vmul.f32 v25, v14;
	v25 =	vmul.f32 v29, v29;
	s11 =	sadd.s32 $0x1B000, s11  }
0x1ab: {  	v29 =	vld [tilespmem:$0x1FF60];
	v21 =	vmul.f32 v18, v28;
	v28 =	vpop (erf);
	v19 =	vadd.f32 v24, v19;
	v24 =	vmul.f32 v32, v32;
	[tilespmem:s25], [sflag:$0x3] =	stream.linear.gather [hbm4b:s11+s2], $0x300, $0x38  }
0x1ac: {  	v14 =	vmul.f32 v14, v26;
	v26 =	vld [tilespmem:$0x1FF50];
	_ =	swait.ge [sflag:s29], $0x6900  }
0x1ad: {  	v6 =	vsel vm1, v9, v6;
	v9 =	vadd.f32 v15, v22;
	v15 =	vadd.f32 v24, v19;
	v19 =	vld [tilespmem:$0x1FF70];
	_ =	sdelay $0x1  }
0x1ae: {  	v21 =	vmul.f32 v21, v18  }
0x1af: {  	[sflag:s29] =	ssyncset.done $0x0  }
0x1b0: {  	v5 =	vsel vm1, v8, v5;
	v8 =	vadd.f32 v14, v14;
	v14 =	vsub.f32 $1.500000000e+00, v21;
	[sflag:s29] =	ssyncadd.s32 $0xFFFF9700  }
0x1b1: {  	v3 =	vsel vm1, v19, v3;
	v19 =	vld [tilespmem:$0x1FF80];
	_ =	swait.ge [sflag:s30], $0x6900  }
0x1b2: {  	v6 =	vsub.f32 v6, v3;
	v3 =	vsub.f32 v9, v8;
	v8 =	vmul.f32 v14, v18;
	v18 =	vld [tilespmem:$0x1FFA0]  }
0x1b3: {  	v31 =	vsub.f32 v31, v54;
	s15 =	sand.u32 $0x70, s2;
	s16 =	sand.u32 $0x7000, s2;
	[sflag:s30] =	ssyncset.done $0x0;
	v45 =	vld [tilespmem:$0x1FFB0]  }
0x1b4: {  	s14 =	sor.u32 s15, s16;
	v46 =	vld [tilespmem:$0x1FFC0];
	[sflag:s30] =	ssyncadd.s32 $0xFFFF9700;
	v12 =	vadd.f32 v3, v12;
	v8 =	vmul.f32 v8, v27  }
0x1b5: {  	v20 =	vmul.f32 v31, v31;
	v15 =	vadd.f32 v25, v15;
	v26 =	vsub.f32 v26, v29;
	v39 =	vld [tilespmem:s14+$0x7900]  }
0x1b6: {  	v52 =	vld [tilespmem:s14+$0x15900];
	v4 =	vsel vm1, v19, v4;
	v12 =	vadd.f32 v12, v13;
	v8 =	vadd.f32 v8, v8  }
0x1b7: {  	v9 =	vmul.f32 v26, v26;
	v13 =	vld [tilespmem:s14+$0x15100];
	v4 =	vsub.f32 v5, v4;
	v5 =	vadd.f32 v20, v15  }
0x1b8: {  	v19 =	vld [tilespmem:$0x1FFE0]  }
0x1b9: {  	v8 =	vsub.f32 v12, v8;
	v12 =	vld [tilespmem:$0x1FFD0];
	v5 =	vadd.f32 v9, v5;
	v9 =	vsel vm1, v49, v23  }
0x1ba: {  	v14 =	vmul.f32 v16, v16;
	v16 =	vmul.f32 v28, v9;
	v9 =	vld [tilespmem:$0x1FF90]  }
0x1bb: {  	v17 =	vnsel vm0, $0x0, v17;
	v6 =	vmul.f32 v6, v6;
	v15 =	vmul.f32 v4, v4  }
0x1bc: {  	v7 =	vmul.f32 v7, v7;
	v1 =	vadd.f32 v17, v1;
	v4 =	vld [tilespmem:s14+$0x15080]  }
0x1bd: {  	v23 =	vld [tilespmem:s14+$0x7400];
	v5 =	vadd.f32 v14, v5;
	v14 =	vadd.f32 v15, v6;
	v15 =	vsel vm1, v46, v45  }
0x1be: {  	v11 =	vmul.f32 v11, v11;
	v52 =	vsub.f32 v39, v52;
	v6 =	vld [tilespmem:s14+$0x7000];
	v15 =	vsub.f32 v15, v16  }
0x1bf: {  	v21 =	vmul.f32 $5.000000000e-01, v13;
	v12 =	vsub.f32 v12, v19;
	v18 =	vsub.f32 v9, v18;
	v9 =	vld [tilespmem:s14+$0x15180]  }
0x1c0: {  	v3 =	vld [tilespmem:s14+$0x15000];
	v8 =	vadd.f32 v8, v14;
	v14 =	vmul.f32 v10, v10;
	v15 =	vmul.f32 v15, v15  }
0x1c1: {  	v11 =	vadd.f32 v11, v5;
	v5 =	vld [tilespmem:s14+$0x7080];
	v19 =	vmul.f32 v4, v0;
	v18 =	vmul.f32 v18, v18  }
0x1c2: {  	s17 =	sand.u32 $0xFFFFF000, s2;
	v20 =	vld [tilespmem:s14+$0x7100];
	v61 =	vmul.f32 $5.000000000e-01, v23;
	v16 =	vmul.f32 $5.000000000e+00, v8;
	v14 =	vadd.f32 v14, v7  }
0x1c3: {  	s12 =	sadd.s32 $0x0, s17;
	v10 =	vmul.f32 v12, v12;
	v24 =	vmul.f32 v6, v0;
	v12 =	vadd.f32 v18, v11;
	v11 =	vld [tilespmem:s14+$0x7180]  }
0x1c4: {  	s15 =	sor.u32 $0x380, s12;
	v8 =	vld [tilespmem:s14+$0x7280];
	v15 =	vadd.f32 v16, v15;
	v14 =	vsel vm0, $0x0, v14;
	v22 =	vmul.f32 $5.000000000e-01, v9  }
0x1c5: {  	v26 =	vld [tilespmem:s15+$0x7000];
	v14 =	vadd.f32 v14, v2;
	v18 =	vmul.f32 v3, v0;
	v12 =	vadd.f32 v10, v12  }
0x1c6: {  	v25 =	vmul.f32 v5, v0;
	v10 =	vld [tilespmem:s14+$0x7300];
	v58 =	vsub.f32 v19, v22;
	v19 =	vadd.f32 v22, v19  }
0x1c7: {  	s11 =	sor.u32 $0xB80, s12;
	v29 =	vld [tilespmem:s14+$0x15D80];
	v30 =	vsub.f32 v18, v21;
	v27 =	vadd.f32 v12, v15;
	v12 =	vmul.f32 $5.000000000e-01, v20  }
0x1c8: {  	s13 =	sor.u32 $0x780, s12;
	v35 =	vld [tilespmem:s11+$0x7000];
	v18 =	vadd.f32 v21, v18;
	v15 =	vmul.f32 $5.000000000e-01, v11;
	v48 =	vsub.f32 v19, v58  }
0x1c9: {  	v54 =	vld [tilespmem:s13+$0x7000];
	v31 =	vmul.f32 v8, v0;
	v59 =	vsub.f32 v24, v12;
	v24 =	vadd.f32 v12, v24  }
0x1ca: {  	v55 =	vld [tilespmem:s14+$0x7600];
	v60 =	vsub.f32 v25, v15;
	v15 =	vadd.f32 v15, v25;
	v25 =	vmul.f32 $5.000000000e-01, v26  }
0x1cb: {  	v57 =	vld [tilespmem:s14+$0x7500];
	v21 =	vmul.f32 v10, v0;
	v49 =	vmin.f32 v24, v18;
	v24 =	vsub.f32 v24, v59  }
0x1cc: {  	v37 =	vmul.f32 v52, v52;
	v63 =	vsub.f32 v31, v25;
	v25 =	vadd.f32 v25, v31;
	v31 =	vld [tilespmem:$0x1FFF0]  }
0x1cd: {  	v17 =	vld [tilespmem:s14+$0x15680];
	v50 =	vmax.f32 v59, v30;
	v62 =	vsub.f32 v21, v61;
	v21 =	vadd.f32 v61, v21  }
0x1ce: {  	v47 =	vld [tilespmem:s14+$0x7800];
	v51 =	vmin.f32 v15, v19;
	v53 =	vmax.f32 v60, v58;
	v15 =	vsub.f32 v15, v60  }
0x1cf: {  	v28 =	vld [tilespmem:s14+$0x7D80];
	v56 =	vsub.f32 v49, v50;
	v19 =	vmin.f32 v21, v19;
	v32 =	vmax.f32 v62, v58  }
0x1d0: {  	v7 =	vld [tilespmem:s14+$0x7C00];
	v21 =	vsub.f32 v21, v62;
	v58 =	vsub.f32 v51, v53;
	v24 =	vmul.f32 v15, v24  }
0x1d1: {  	v59 =	vld [tilespmem:s14+$0x15500];
	v15 =	vmax.f32 v56, $0.0e+00;
	vm0 =	vgt.f32 v31, $0.0e+00;
	v31 =	vsub.f32 v18, v30  }
0x1d2: {  	v61 =	vld [tilespmem:s14+$0x15600];
	v18 =	vmin.f32 v25, v18;
	v25 =	vsub.f32 v25, v63;
	v30 =	vmax.f32 v63, v30  }
0x1d3: {  	v62 =	vmul.f32 v46, v46;
	v19 =	vsub.f32 v19, v32;
	v18 =	vsub.f32 v18, v30;
	v30 =	vld [tilespmem:s14+$0x7580]  }
0x1d4: {  	v60 =	vmax.f32 v58, $0.0e+00;
	v31 =	vmul.f32 v48, v31;
	v21 =	vmul.f32 v21, v25;
	v25 =	vld [tilespmem:s14+$0x15580]  }
0x1d5: {  	v50 =	vld [tilespmem:s11+$0x15000];
	v15 =	vmul.f32 v60, v15;
	v19 =	vmax.f32 v19, $0.0e+00;
	v18 =	vmax.f32 v18, $0.0e+00  }
0x1d6: {  	v46 =	vld [tilespmem:s13+$0x15000];
	v24 =	vadd.f32 v24, v31;
	v19 =	vmul.f32 v19, v18;
	v18 =	vadd.f32 v21, v31  }
0x1d7: {  	v32 =	vsub.f32 v57, v59;
	v34 =	vsub.f32 v55, v61;
	v2 =	vnsel vm0, $0x0, v27;
	v21 =	vld [tilespmem:s14+$0x7680]  }
0x1d8: {  	v27 =	vmul.f32 v45, v45;
	v24 =	vsub.f32 v24, v15;
	v31 =	vsub.f32 v18, v19;
	v18 =	vld [tilespmem:s15+$0x15000]  }
0x1d9: {  	v45 =	vld [tilespmem:s14+$0x15700];
	v1 =	vadd.f32 v2, v1;
	v2 =	vmul.f32 v32, v32;
	v25 =	vsub.f32 v30, v25  }
0x1da: {  	v30 =	vld [tilespmem:s14+$0x7700];
	v63 =	vmul.f32 v19, v24;
	v44 =	vmul.f32 v31, v15  }
0x1db: {  	v16 =	vld [tilespmem:s14+$0x7D00];
	v35 =	vsub.f32 v35, v50;
	v34 =	vmul.f32 v34, v34;
	v25 =	vmul.f32 v25, v25  }
0x1dc: {  	v12 =	vld [tilespmem:s14+$0x15C00];
	v32 =	vsub.f32 v54, v46;
	v21 =	vsub.f32 v21, v17;
	vm1 =	vgt.f32 v63, v44  }
0x1dd: {  	v20 =	vsel vm1, v26, v20;
	v13 =	vsel vm1, v18, v13;
	v2 =	vadd.f32 v25, v2;
	v25 =	vld [tilespmem:s14+$0x15800]  }
0x1de: {  	v17 =	vadd.f32 v62, v27;
	v18 =	vsub.f32 v28, v29;
	v26 =	vld [tilespmem:s14+$0x15400];
	v27 =	vmul.f32 v13, v20  }
0x1df: {  	v49 =	vld [tilespmem:s14+$0x15880];
	v21 =	vmul.f32 v21, v21;
	v28 =	vsub.f32 v30, v45;
	v2 =	vadd.f32 v34, v2  }
0x1e0: {  	v61 =	vmul.f32 v35, v35;
	v29 =	vld [tilespmem:s14+$0x7880];
	v30 =	vshra.s32 v27, $0x1;
	v48 =	vmul.f32 $5.000000000e-01, v27  }
0x1e1: {  	v22 =	vld [tilespmem:s14+$0x15D00];
	v30 =	vsub.s32 $0x5F3759DF, v30;
	v2 =	vadd.f32 v21, v2;
	v21 =	vmul.f32 v28, v28  }
0x1e2: {  	v53 =	vld [tilespmem:s14+$0x15980];
	v32 =	vmul.f32 v32, v32;
	v23 =	vsel vm1, v23, v11;
	v51 =	vmul.f32 v30, v48  }
0x1e3: {  	v57 =	vld [tilespmem:s14+$0x15A00];
	v25 =	vsub.f32 v47, v25;
	v26 =	vsel vm1, v26, v9;
	v2 =	vadd.f32 v21, v2  }
0x1e4: {  	v59 =	vsub.f32 v7, v12;
	v9 =	vld [tilespmem:s14+$0x7980];
	v21 =	vmul.f32 v26, v23;
	v11 =	vmul.f32 v30, v51  }
0x1e5: {  	v58 =	vld [tilespmem:s14+$0x7A80];
	v29 =	vsub.f32 v29, v49;
	v25 =	vmul.f32 v25, v25;
	v2 =	vadd.f32 v32, v2  }
0x1e6: {  	v54 =	vld [tilespmem:s14+$0x7A00];
	v55 =	vshra.s32 v21, $0x1;
	v56 =	vmul.f32 $5.000000000e-01, v21;
	v11 =	vsub.f32 $1.500000000e+00, v11  }
0x1e7: {  	v62 =	vld [tilespmem:s14+$0x15300];
	v33 =	vsub.s32 $0x5F3759DF, v55;
	v2 =	vadd.f32 v25, v2;
	v25 =	vmul.f32 v29, v29  }
0x1e8: {  	v29 =	vsub.f32 v16, v22;
	v16 =	vld [tilespmem:s14+$0x15A80];
	v22 =	vmul.f32 v33, v56;
	v11 =	vmul.f32 v30, v11  }
0x1e9: {  	v24 =	vsel vm1, v31, v24;
	v28 =	vld [tilespmem:s14+$0x7B00];
	v9 =	vsub.f32 v9, v53;
	v25 =	vadd.f32 v25, v2  }
0x1ea: {  	v5 =	vsel vm1, v10, v5;
	v30 =	vld [tilespmem:s14+$0x15B00];
	v22 =	vmul.f32 v33, v22;
	v34 =	vmul.f32 v11, v48  }
0x1eb: {  	s12 =	simm.s32 $0x200;
	s13 =	simm.s32 $0x10;
	v7 =	vld [tilespmem:s14+$0x7200];
	v32 =	vsub.f32 v54, v57;
	v9 =	vmul.f32 v9, v9;
	v25 =	vadd.f32 v37, v25  }
0x1ec: {  	s17 =	sand.u32 $0x7000, s12;
	s16 =	sand.u32 $0x70, s13;
	v60 =	vld [tilespmem:s14+$0x7C80];
	(erf) = vrcp.f32 v24;
	v22 =	vsub.f32 $1.500000000e+00, v22;
	v12 =	vmul.f32 v34, v11  }
0x1ed: {  	s11 =	sor.u32 s16, s17;
	v31 =	vld [tilespmem:s14+$0x15C80];
	v16 =	vsub.f32 v58, v16;
	v9 =	vadd.f32 v9, v25;
	v25 =	vmul.f32 v32, v32  }
0x1ee: {  	v10 =	vsel vm1, v62, v4;
	v4 =	vld [tilespmem:s11+$0x15080];
	v22 =	vmul.f32 v33, v22;
	v12 =	vsub.f32 $1.500000000e+00, v12  }
0x1ef: {  	v28 =	vsub.f32 v28, v30;
	v30 =	vld [tilespmem:s14+$0x15280];
	v16 =	vmul.f32 v16, v16;
	v25 =	vadd.f32 v25, v9  }
0x1f0: {  	v6 =	vsel vm1, v8, v6;
	v2 =	vld [tilespmem:s11+$0x15000];
	v11 =	vmul.f32 v12, v11;
	v12 =	vmul.f32 v22, v56  }
0x1f1: {  	s15 =	sand.u32 $0x7, s2;
	v8 =	vadd.f32 v13, v20;
	v9 =	vld [tilespmem:s14+$0x7480];
	v16 =	vadd.f32 v16, v25;
	v25 =	vmul.f32 v28, v28  }
0x1f2: {  	v5 =	vsub.f32 v5, v10;
	v28 =	vld [tilespmem:s14+$0x15200];
	s14 =	sshll.u32 s15, $0x4;
	v24 =	vmul.f32 v11, v27;
	v27 =	vmul.f32 v12, v22  }
0x1f3: {  	v15 =	vsel vm1, v19, v15;
	v11 =	vld [tilespmem:s11+$0x7D80];
	s14 =	sadd.s32 $0x0, s14;
	v13 =	vadd.f32 v25, v16;
	v25 =	vsub.f32 v60, v31  }
0x1f4: {  	v12 =	vld [tilespmem:s11+$0x15D80];
	v3 =	vsel vm1, v30, v3;
	s16 =	sor.u32 $0xE00, s14;
	v16 =	vadd.f32 v24, v24;
	v19 =	vsub.f32 $1.500000000e+00, v27  }
0x1f5: {  	v3 =	vsub.f32 v6, v3;
	v24 =	vmul.f32 v59, v59;
	v27 =	vld [tilespmem:s16+$0x7000];
	v13 =	vadd.f32 v61, v13  }
0x1f6: {  	v5 =	vmul.f32 v5, v5;
	s14 =	sor.u32 $0xE80, s14;
	v6 =	vsub.f32 v8, v16;
	v8 =	vmul.f32 v19, v22;
	v19 =	vld [tilespmem:s16+$0x15000]  }
0x1f7: {  	v3 =	vmul.f32 v3, v3;
	v10 =	vadd.f32 v24, v13;
	v13 =	vmul.f32 v25, v25;
	v25 =	vld [tilespmem:s14+$0x7000]  }
0x1f8: {  	v6 =	vadd.f32 v6, v23;
	v8 =	vmul.f32 v8, v21;
	v21 =	vld [tilespmem:s14+$0x15000]  }
0x1f9: {  	v17 =	vsel vm0, $0x0, v17;
	v16 =	vld [tilespmem:s11+$0x15100];
	v3 =	vadd.f32 v5, v3;
	v10 =	vadd.f32 v13, v10  }
0x1fa: {  	v5 =	vld [tilespmem:s11+$0x7080];
	v23 =	vmul.f32 v29, v29;
	v24 =	vadd.f32 v6, v26;
	v8 =	vadd.f32 v8, v8;
	v26 =	vpop (erf)  }
0x1fb: {  	v18 =	vmul.f32 v18, v18;
	v13 =	vld [tilespmem:s11+$0x15180];
	v15 =	vmul.f32 v26, v15;
	v26 =	vsub.f32 v27, v19  }
0x1fc: {  	v20 =	vsel vm1, v9, v7;
	v6 =	vld [tilespmem:s11+$0x7000];
	v10 =	vadd.f32 v23, v10;
	v8 =	vsub.f32 v24, v8  }
0x1fd: {  	v22 =	vmul.f32 v2, v0;
	v19 =	vld [tilespmem:s11+$0x7100];
	v20 =	vsub.f32 v20, v15;
	v21 =	vsub.f32 v25, v21  }
0x1fe: {  	v15 =	vld [tilespmem:s11+$0x7180];
	v18 =	vadd.f32 v18, v10;
	v23 =	vmul.f32 v26, v26;
	v3 =	vadd.f32 v8, v3  }
0x1ff: {  	vm0 =	vgt.f32 v28, $0.0e+00;
	v24 =	vmul.f32 v4, v0;
	v10 =	vld [tilespmem:s11+$0x7280];
	v21 =	vmul.f32 v21, v21  }
0x200: {  	s17 =	sand.u32 $0xFFFFF000, s12;
	v8 =	vld [tilespmem:s11+$0x7300];
	v20 =	vmul.f32 v20, v20;
	v23 =	vadd.f32 v23, v18;
	v30 =	vmul.f32 $5.000000000e+00, v3  }
0x201: {  	s16 =	sadd.s32 $0x10, s17;
	v27 =	vmul.f32 v5, v0;
	v25 =	vmul.f32 $5.000000000e-01, v16;
	v18 =	vld [tilespmem:s11+$0x7400];
	v3 =	vadd.f32 v17, v14  }
0x202: {  	s15 =	sor.u32 $0x380, s16;
	v29 =	vmul.f32 $5.000000000e-01, v13;
	v14 =	vld [tilespmem:s11+$0x7D00];
	v63 =	vadd.f32 v21, v23;
	v20 =	vadd.f32 v30, v20  }
0x203: {  	v26 =	vmul.f32 v6, v0;
	v21 =	vld [tilespmem:s15+$0x7000];
	v23 =	vsub.f32 v22, v25;
	v30 =	vmul.f32 $5.000000000e-01, v19  }
0x204: {  	s14 =	simm.s32 $0x400;
	v17 =	vld [tilespmem:s11+$0x15D00];
	v31 =	vmul.f32 $5.000000000e-01, v15;
	v28 =	vmul.f32 v10, v0;
	v20 =	vadd.f32 v63, v20  }
.LBB2_5:
0x205: {  	p0 =	sne.s32 s14, $0x6E00;
	v32 =	vsub.f32 v24, v29;
	v25 =	vadd.f32 v25, v22;
	v22 =	vmul.f32 v8, v0;
	v33 =	vld [tilespmem:s11+$0x7C00]  }
0x206: {  	v24 =	vadd.f32 v29, v24;
	v29 =	vsub.f32 v26, v30;
	s17 =	sor.u32 $0xB80, s16;
	v34 =	vld [tilespmem:s11+$0x15C00];
	v20 =	vnsel vm0, $0x0, v20  }
0x207: {  	v35 =	vsub.f32 v27, v31;
	v36 =	vmul.f32 $5.000000000e-01, v18;
	v37 =	vld [tilespmem:s17+$0x7000];
	v1 =	vadd.f32 v20, v1  }
0x208: {  	v20 =	vadd.f32 v30, v26;
	v26 =	vadd.f32 v31, v27;
	v27 =	vmul.f32 $5.000000000e-01, v21;
	v30 =	vld [tilespmem:s17+$0x15000]  }
0x209: {  	v38 =	vmul.f32 v7, v7;
	v31 =	vsub.f32 v22, v36;
	v36 =	vadd.f32 v36, v22;
	v22 =	vld [tilespmem:s11+$0x7B00]  }
0x20a: {  	v9 =	vmul.f32 v9, v9;
	v39 =	vsub.f32 v28, v27;
	v27 =	vadd.f32 v27, v28;
	v7 =	vld [tilespmem:s11+$0x15B00]  }
0x20b: {  	v40 =	vsub.f32 v24, v32;
	v28 =	vsub.f32 v25, v23;
	v41 =	vld [tilespmem:s11+$0x7900]  }
0x20c: {  	s16 =	sor.u32 $0x780, s16;
	v43 =	vmax.f32 v29, v23;
	v42 =	vmin.f32 v20, v25;
	v44 =	vmin.f32 v26, v24;
	v45 =	vld [tilespmem:s11+$0x15900]  }
0x20d: {  	v46 =	vmax.f32 v35, v32;
	v20 =	vsub.f32 v20, v29;
	v26 =	vsub.f32 v26, v35;
	v29 =	vld [tilespmem:s16+$0x7000]  }
0x20e: {  	v24 =	vmin.f32 v36, v24;
	v32 =	vmax.f32 v31, v32;
	v31 =	vsub.f32 v36, v31;
	v35 =	vld [tilespmem:s11+$0x7600]  }
0x20f: {  	v36 =	vsub.f32 v42, v43;
	v25 =	vmin.f32 v27, v25;
	v27 =	vsub.f32 v27, v39;
	v42 =	vld [tilespmem:s11+$0x7500]  }
0x210: {  	v43 =	vsub.f32 v44, v46;
	v23 =	vmax.f32 v39, v23;
	v24 =	vsub.f32 v24, v32;
	v32 =	vld [tilespmem:s11+$0x15500]  }
0x211: {  	v20 =	vmul.f32 v26, v20;
	v28 =	vmul.f32 v40, v28;
	v25 =	vsub.f32 v25, v23;
	v26 =	vld [tilespmem:s11+$0x7580]  }
0x212: {  	v23 =	vmax.f32 v36, $0.0e+00;
	v36 =	vmax.f32 v43, $0.0e+00;
	v27 =	vmul.f32 v31, v27;
	v31 =	vld [tilespmem:s11+$0x15580]  }
0x213: {  	v23 =	vmul.f32 v36, v23;
	v24 =	vmax.f32 v24, $0.0e+00;
	v25 =	vmax.f32 v25, $0.0e+00;
	v36 =	vld [tilespmem:s11+$0x15600]  }
0x214: {  	v20 =	vadd.f32 v20, v28;
	v24 =	vmul.f32 v24, v25;
	v25 =	vadd.f32 v27, v28;
	v27 =	vld [tilespmem:s11+$0x7680]  }
0x215: {  	v11 =	vsub.f32 v11, v12;
	v9 =	vadd.f32 v9, v38;
	v28 =	vld [tilespmem:s11+$0x15680]  }
0x216: {  	v12 =	vsub.f32 v20, v23;
	v25 =	vsub.f32 v25, v24;
	v38 =	vld [tilespmem:s15+$0x15000]  }
0x217: {  	v20 =	vsel vm0, $0x0, v9;
	v32 =	vsub.f32 v42, v32;
	v26 =	vsub.f32 v26, v31;
	v31 =	vld [tilespmem:s11+$0x7700]  }
0x218: {  	v9 =	vmul.f32 v24, v12;
	v39 =	vmul.f32 v25, v23;
	v35 =	vsub.f32 v35, v36;
	v36 =	vld [tilespmem:s11+$0x15700]  }
0x219: {  	v14 =	vsub.f32 v14, v17;
	v32 =	vmul.f32 v32, v32;
	v26 =	vmul.f32 v26, v26;
	v40 =	vld [tilespmem:s16+$0x15000]  }
0x21a: {  	vm0 =	vgt.f32 v9, v39;
	v9 =	vmul.f32 v35, v35;
	v17 =	vsub.f32 v27, v28;
	v27 =	vld [tilespmem:s11+$0x7800]  }
0x21b: {  	v19 =	vsel vm0, v21, v19;
	v16 =	vsel vm0, v38, v16;
	v21 =	vadd.f32 v26, v32;
	v26 =	vld [tilespmem:s11+$0x15800]  }
0x21c: {  	v33 =	vsub.f32 v33, v34;
	v30 =	vsub.f32 v37, v30;
	v28 =	vld [tilespmem:s11+$0x15400];
	v32 =	vmul.f32 v16, v19  }
0x21d: {  	v17 =	vmul.f32 v17, v17;
	v9 =	vadd.f32 v9, v21;
	v21 =	vsub.f32 v31, v36;
	v31 =	vld [tilespmem:s11+$0x7880]  }
0x21e: {  	v34 =	vshra.s32 v32, $0x1;
	v35 =	vmul.f32 $5.000000000e-01, v32;
	v29 =	vsub.f32 v29, v40;
	v36 =	vld [tilespmem:s11+$0x15880]  }
0x21f: {  	v34 =	vsub.s32 $0x5F3759DF, v34;
	v9 =	vadd.f32 v17, v9;
	v17 =	vmul.f32 v21, v21;
	v21 =	vld [tilespmem:s11+$0x7A80]  }
0x220: {  	v37 =	vmul.f32 v34, v35;
	v29 =	vmul.f32 v29, v29;
	v26 =	vsub.f32 v27, v26;
	v27 =	vld [tilespmem:s11+$0x15A80]  }
0x221: {  	v15 =	vsel vm0, v18, v15;
	v18 =	vsel vm0, v28, v13;
	v9 =	vadd.f32 v17, v9;
	v13 =	vld [tilespmem:s11+$0x7980]  }
0x222: {  	s13 =	sadd.s32 $0x10, s13;
	v17 =	vmul.f32 v34, v37;
	v28 =	vmul.f32 v18, v15;
	v37 =	vsub.f32 v41, v45;
	v38 =	vld [tilespmem:s11+$0x15980]  }
0x223: {  	s15 =	sand.u32 $0x70, s13;
	s16 =	sand.u32 $0x7000, s14;
	v26 =	vmul.f32 v26, v26;
	v9 =	vadd.f32 v29, v9;
	v29 =	vsub.f32 v31, v36;
	v31 =	vld [tilespmem:s11+$0x7A00]  }
0x224: {  	s15 =	sor.u32 s15, s16;
	v17 =	vsub.f32 $1.500000000e+00, v17;
	v36 =	vshra.s32 v28, $0x1;
	v39 =	vmul.f32 $5.000000000e-01, v28;
	v40 =	vld [tilespmem:s11+$0x15A00]  }
0x225: {  	v41 =	vld [tilespmem:s15+$0x15000];
	v36 =	vsub.s32 $0x5F3759DF, v36;
	v9 =	vadd.f32 v26, v9;
	v26 =	vmul.f32 v29, v29  }
0x226: {  	v29 =	vmul.f32 v34, v17;
	v17 =	vmul.f32 v36, v39;
	v34 =	vsub.f32 v22, v7  }
0x227: {  	v7 =	vadd.f32 v26, v9;
	v9 =	vmul.f32 v37, v37;
	v13 =	vsub.f32 v13, v38  }
0x228: {  	v21 =	vsub.f32 v21, v27;
	v26 =	vmul.f32 v29, v35;
	v35 =	vmul.f32 v36, v17  }
0x229: {  	v17 =	vld [tilespmem:s11+$0x15200];
	v7 =	vadd.f32 v9, v7;
	v9 =	vmul.f32 v13, v13;
	v13 =	vsub.f32 v31, v40  }
0x22a: {  	v22 =	vmul.f32 v41, v0;
	v26 =	vmul.f32 v26, v29;
	v27 =	vsub.f32 $1.500000000e+00, v35;
	v31 =	vld [tilespmem:s11+$0x7C80]  }
0x22b: {  	v37 =	vmul.f32 v11, v11;
	v9 =	vadd.f32 v9, v7;
	v13 =	vmul.f32 v13, v13;
	v35 =	vld [tilespmem:s11+$0x15C80]  }
0x22c: {  	v7 =	vld [tilespmem:s11+$0x7200];
	v11 =	vsub.f32 $1.500000000e+00, v26;
	v26 =	vmul.f32 v36, v27;
	v27 =	vmul.f32 v33, v33  }
0x22d: {  	v30 =	vmul.f32 v30, v30;
	v21 =	vmul.f32 v21, v21;
	v33 =	vld [tilespmem:s11+$0x15280];
	v13 =	vadd.f32 v13, v9  }
0x22e: {  	s2 =	sadd.s32 $0x1, s2;
	v12 =	vsel vm0, v25, v12;
	v25 =	vld [tilespmem:s11+$0x15300];
	v29 =	vmul.f32 v11, v29;
	v36 =	vmul.f32 v26, v39  }
0x22f: {  	s16 =	sand.u32 $0x7, s2;
	v9 =	vld [tilespmem:s11+$0x7480];
	v13 =	vadd.f32 v21, v13;
	v21 =	vmul.f32 v34, v34;
	(erf) = vrcp.f32 v12;
	s11 =	smov.u32 s15  }
0x230: {  	s15 =	sshll.u32 s16, $0x4;
	v11 =	vld [tilespmem:s11+$0x7D80];
	v29 =	vmul.f32 v29, v32;
	v32 =	vmul.f32 v36, v26;
	v31 =	vsub.f32 v31, v35  }
0x231: {  	v6 =	vsel vm0, v10, v6;
	v10 =	vadd.f32 v16, v19;
	s15 =	sadd.s32 s15, s12;
	s12 =	smov.u32 s14;
	v12 =	vld [tilespmem:s11+$0x15D80];
	v13 =	vadd.f32 v21, v13  }
0x232: {  	v5 =	vsel vm0, v8, v5;
	s16 =	sor.u32 $0xE00, s15;
	v19 =	vld [tilespmem:s11+$0x15080];
	v8 =	vadd.f32 v29, v29;
	v16 =	vsub.f32 $1.500000000e+00, v32  }
0x233: {  	v21 =	vsel vm0, v33, v2;
	v2 =	vmovc v41;
	v4 =	vsel vm0, v25, v4;
	v13 =	vadd.f32 v30, v13;
	v25 =	vld [tilespmem:s16+$0x7000]  }
0x234: {  	s15 =	sor.u32 $0xE80, s15;
	v6 =	vsub.f32 v6, v21;
	v8 =	vsub.f32 v10, v8;
	v10 =	vmul.f32 v16, v26;
	v21 =	vld [tilespmem:s16+$0x15000]  }
0x235: {  	v30 =	vsub.f32 v5, v4;
	v5 =	vadd.f32 v27, v13;
	v13 =	vmul.f32 v31, v31;
	v26 =	vld [tilespmem:s15+$0x7000]  }
0x236: {  	v14 =	vmul.f32 v14, v14;
	v8 =	vadd.f32 v8, v15;
	v10 =	vmul.f32 v10, v28;
	v15 =	vld [tilespmem:s15+$0x15000]  }
0x237: {  	v27 =	vmul.f32 v6, v6;
	v28 =	vmul.f32 v30, v30;
	v16 =	vld [tilespmem:s11+$0x15100];
	v29 =	vadd.f32 v13, v5;
	v4 =	vmovc v19  }
0x238: {  	v5 =	vsel vm0, v24, v23;
	v13 =	vld [tilespmem:s11+$0x15180];
	v8 =	vadd.f32 v8, v18;
	v10 =	vadd.f32 v10, v10;
	v18 =	vpop (erf)  }
0x239: {  	v23 =	vadd.f32 v28, v27;
	v6 =	vld [tilespmem:s11+$0x7000];
	v18 =	vmul.f32 v18, v5;
	v21 =	vsub.f32 v25, v21  }
0x23a: {  	v25 =	vsel vm0, v9, v7;
	v5 =	vld [tilespmem:s11+$0x7080];
	v8 =	vsub.f32 v8, v10;
	v10 =	vadd.f32 v14, v29  }
0x23b: {  	v24 =	vmul.f32 v4, v0;
	v19 =	vld [tilespmem:s11+$0x7100];
	v14 =	vsub.f32 v25, v18;
	v18 =	vsub.f32 v26, v15  }
0x23c: {  	v21 =	vmul.f32 v21, v21;
	v15 =	vld [tilespmem:s11+$0x7180];
	v26 =	vadd.f32 v37, v10;
	v23 =	vadd.f32 v8, v23  }
0x23d: {  	v3 =	vadd.f32 v20, v3;
	v25 =	vmul.f32 $5.000000000e-01, v16;
	v10 =	vld [tilespmem:s11+$0x7280];
	v28 =	vmul.f32 v18, v18  }
.Ltmp1:
0x23e: {  	s15 =	sand.u32 $0xFFFFF000, s14;
	v20 =	vmul.f32 v14, v14;
	v8 =	vld [tilespmem:s11+$0x7300];
	v21 =	vadd.f32 v21, v26;
	v23 =	vmul.f32 $5.000000000e+00, v23;
	(pc) =	sbr.rel @p0 .LBB2_5-.Ltmp1, $4  }
0x23f: {  	s16 =	sadd.s32 s15, s13;
	v29 =	vmul.f32 $5.000000000e-01, v13;
	v26 =	vmul.f32 v6, v0;
	v14 =	vld [tilespmem:s11+$0x7D00]  }
0x240: {  	s15 =	sor.u32 $0x380, s16;
	v27 =	vmul.f32 v5, v0;
	v18 =	vld [tilespmem:s11+$0x7400];
	v32 =	vadd.f32 v28, v21;
	v20 =	vadd.f32 v23, v20  }
0x241: {  	vm0 =	vgt.f32 v17, $0.0e+00;
	v30 =	vmul.f32 $5.000000000e-01, v19;
	v21 =	vld [tilespmem:s15+$0x7000];
	v31 =	vmul.f32 $5.000000000e-01, v15  }
0x242: {  	s14 =	sadd.s32 $0x200, s14;
	v23 =	vsub.f32 v22, v25;
	v28 =	vmul.f32 v10, v0;
	v17 =	vld [tilespmem:s11+$0x15D00];
	v20 =	vadd.f32 v32, v20  }
0x243: {  	v32 =	vsub.f32 v24, v29  }
0x244: {  	v22 =	vadd.f32 v25, v22;
	v55 =	vadd.f32 v29, v24  }
0x245: {  	v56 =	vsub.f32 v26, v30;
	v33 =	vsub.f32 v27, v31  }
0x246: {  	v54 =	vmul.f32 v8, v0;
	v57 =	vadd.f32 v30, v26;
	v58 =	vadd.f32 v31, v27  }
0x247: {  	v35 =	vld [tilespmem:s11+$0x7C00];
	v34 =	vmul.f32 $5.000000000e-01, v18;
	v61 =	vsub.f32 v22, v23;
	v38 =	vsub.f32 v55, v32  }
0x248: {  	v31 =	vld [tilespmem:s11+$0x15C00];
	v40 =	vmin.f32 v57, v22;
	v41 =	vmax.f32 v56, v23;
	v42 =	vmin.f32 v58, v55  }
0x249: {  	v39 =	vld [tilespmem:s11+$0x7900];
	v44 =	vmax.f32 v33, v32;
	v26 =	vsub.f32 v57, v56;
	v27 =	vsub.f32 v58, v33  }
0x24a: {  	v43 =	vld [tilespmem:s11+$0x15900];
	v59 =	vmul.f32 $5.000000000e-01, v21;
	v63 =	vsub.f32 v40, v41;
	v46 =	vsub.f32 v42, v44  }
0x24b: {  	v62 =	vld [tilespmem:s11+$0x7600];
	v36 =	vsub.f32 v54, v34;
	v25 =	vadd.f32 v34, v54  }
0x24c: {  	v45 =	vld [tilespmem:s11+$0x7500];
	v30 =	vmul.f32 v38, v61;
	v37 =	vsub.f32 v28, v59;
	v60 =	vadd.f32 v59, v28  }
0x24d: {  	v48 =	vld [tilespmem:s11+$0x15500];
	v24 =	vmin.f32 v25, v55;
	v32 =	vmax.f32 v36, v32;
	v25 =	vsub.f32 v25, v36  }
0x24e: {  	v49 =	vld [tilespmem:s11+$0x7580];
	v22 =	vmin.f32 v60, v22;
	v28 =	vsub.f32 v60, v37;
	v47 =	vmax.f32 v37, v23  }
0x24f: {  	v52 =	vld [tilespmem:s11+$0x15580];
	v26 =	vmul.f32 v27, v26;
	v24 =	vsub.f32 v24, v32;
	v22 =	vsub.f32 v22, v47  }
0x250: {  	s14 =	sor.u32 $0x780, s16;
	v53 =	vld [tilespmem:s11+$0x15600];
	v50 =	vmax.f32 v63, $0.0e+00;
	v51 =	vmax.f32 v46, $0.0e+00;
	v25 =	vmul.f32 v25, v28  }
0x251: {  	v29 =	vld [tilespmem:s14+$0x7000];
	v27 =	vmul.f32 v51, v50;
	v24 =	vmax.f32 v24, $0.0e+00;
	v22 =	vmax.f32 v22, $0.0e+00  }
0x252: {  	v56 =	vld [tilespmem:s11+$0x15680];
	v26 =	vadd.f32 v26, v30;
	v22 =	vmul.f32 v24, v22;
	v54 =	vadd.f32 v25, v30  }
0x253: {  	v55 =	vld [tilespmem:s11+$0x7680]  }
0x254: {  	v57 =	vld [tilespmem:s15+$0x15000];
	v26 =	vsub.f32 v26, v27;
	v24 =	vsub.f32 v54, v22  }
0x255: {  	v58 =	vld [tilespmem:s11+$0x7700];
	v32 =	vsub.f32 v45, v48;
	v23 =	vsub.f32 v49, v52  }
0x256: {  	v61 =	vld [tilespmem:s11+$0x15700];
	v33 =	vsub.f32 v62, v53;
	v59 =	vmul.f32 v22, v26;
	v60 =	vmul.f32 v24, v27  }
0x257: {  	v11 =	vsub.f32 v11, v12;
	v62 =	vld [tilespmem:s14+$0x15000];
	v32 =	vmul.f32 v32, v32;
	v23 =	vmul.f32 v23, v23  }
0x258: {  	v63 =	vld [tilespmem:s11+$0x7800];
	v33 =	vmul.f32 v33, v33;
	v25 =	vsub.f32 v55, v56;
	vm1 =	vgt.f32 v59, v60  }
0x259: {  	v45 =	vld [tilespmem:s11+$0x15800];
	v44 =	vadd.f32 v23, v32;
	v19 =	vsel vm1, v21, v19;
	v16 =	vsel vm1, v57, v16  }
0x25a: {  	v11 =	vmul.f32 v11, v11;
	v14 =	vsub.f32 v14, v17;
	v46 =	vld [tilespmem:s11+$0x15400];
	v37 =	vmul.f32 v16, v19  }
0x25b: {  	v49 =	vld [tilespmem:s11+$0x15880];
	v28 =	vsub.f32 v58, v61;
	v25 =	vmul.f32 v25, v25;
	v21 =	vadd.f32 v33, v44  }
0x25c: {  	s13 =	sor.u32 $0xB80, s16;
	v47 =	vld [tilespmem:s11+$0x7880];
	v29 =	vsub.f32 v29, v62;
	v48 =	vshra.s32 v37, $0x1;
	v38 =	vmul.f32 $5.000000000e-01, v37  }
0x25d: {  	v34 =	vld [tilespmem:s13+$0x7000];
	v51 =	vmul.f32 v28, v28;
	v21 =	vadd.f32 v25, v21;
	v36 =	vsub.s32 $0x5F3759DF, v48  }
0x25e: {  	v50 =	vld [tilespmem:s13+$0x15000];
	v29 =	vmul.f32 v29, v29;
	v23 =	vsub.f32 v63, v45;
	v52 =	vmul.f32 v36, v38  }
0x25f: {  	v54 =	vld [tilespmem:s11+$0x7980];
	v15 =	vsel vm1, v18, v15;
	v13 =	vsel vm1, v46, v13;
	v53 =	vadd.f32 v51, v21  }
0x260: {  	v56 =	vsub.f32 v39, v43;
	v57 =	vld [tilespmem:s11+$0x15980];
	v30 =	vmul.f32 v13, v15;
	v55 =	vmul.f32 v36, v52  }
0x261: {  	v62 =	vld [tilespmem:s11+$0x15A00];
	v58 =	vsub.f32 v47, v49;
	v23 =	vmul.f32 v23, v23;
	v18 =	vadd.f32 v29, v53  }
0x262: {  	v59 =	vld [tilespmem:s11+$0x7A00];
	v60 =	vshra.s32 v30, $0x1;
	v61 =	vmul.f32 $5.000000000e-01, v30;
	v25 =	vsub.f32 $1.500000000e+00, v55  }
0x263: {  	v63 =	vld [tilespmem:s11+$0x7A80];
	v45 =	vmul.f32 v58, v58;
	v40 =	vsub.s32 $0x5F3759DF, v60;
	v18 =	vadd.f32 v23, v18  }
0x264: {  	v31 =	vsub.f32 v35, v31;
	v46 =	vld [tilespmem:s11+$0x15A80];
	v47 =	vmul.f32 v40, v61;
	v25 =	vmul.f32 v36, v25  }
0x265: {  	v28 =	vld [tilespmem:s11+$0x7B00];
	v49 =	vmul.f32 v56, v56;
	v21 =	vsub.f32 v54, v57;
	v18 =	vadd.f32 v45, v18  }
0x266: {  	v50 =	vsub.f32 v34, v50;
	v48 =	vld [tilespmem:s11+$0x15B00];
	v29 =	vmul.f32 v40, v47;
	v51 =	vmul.f32 v25, v38  }
0x267: {  	v56 =	vld [tilespmem:s11+$0x15280];
	v21 =	vmul.f32 v21, v21;
	v52 =	vsub.f32 v59, v62;
	v18 =	vadd.f32 v49, v18  }
0x268: {  	v24 =	vsel vm1, v24, v26;
	v29 =	vsub.f32 $1.500000000e+00, v29;
	v53 =	vmul.f32 v51, v25  }
0x269: {  	v12 =	vsub.f32 v63, v46;
	v55 =	vmul.f32 v52, v52;
	v18 =	vadd.f32 v21, v18  }
0x26a: {  	s2 =	sadd.s32 $0x1, s2;
	v6 =	vsel vm1, v10, v6;
	v29 =	vmul.f32 v40, v29;
	v33 =	vsub.f32 $1.500000000e+00, v53  }
0x26b: {  	s2 =	sand.u32 $0x7, s2;
	v60 =	vld [tilespmem:s11+$0x15C80];
	v12 =	vmul.f32 v12, v12;
	v28 =	vsub.f32 v28, v48;
	v18 =	vadd.f32 v55, v18  }
0x26c: {  	s2 =	sshll.u32 s2, $0x4;
	v2 =	vsel vm1, v56, v2;
	v54 =	vld [tilespmem:s11+$0x7C80];
	v59 =	vmul.f32 v29, v61;
	v25 =	vmul.f32 v33, v25  }
0x26d: {  	s2 =	sadd.s32 s2, s12;
	v58 =	vld [tilespmem:s11+$0x15300];
	(erf) = vrcp.f32 v24;
	v61 =	vmul.f32 v28, v28;
	v12 =	vadd.f32 v12, v18  }
0x26e: {  	s12 =	sor.u32 $0xE00, s2;
	v2 =	vsub.f32 v6, v2;
	v63 =	vmul.f32 v59, v29;
	v62 =	vmul.f32 v25, v37  }
0x26f: {  	v43 =	vld [tilespmem:s12+$0x7000];
	v57 =	vmul.f32 v50, v50;
	v28 =	vadd.f32 v16, v19;
	v12 =	vadd.f32 v61, v12  }
0x270: {  	s2 =	sor.u32 $0xE80, s2;
	v41 =	vmul.f32 v31, v31;
	v23 =	vld [tilespmem:s11+$0x7200];
	v40 =	vsub.f32 $1.500000000e+00, v63;
	v39 =	vadd.f32 v62, v62  }
0x271: {  	v5 =	vsel vm1, v8, v5;
	v48 =	vld [tilespmem:s2+$0x7000];
	v42 =	vsub.f32 v54, v60;
	v12 =	vadd.f32 v57, v12  }
0x272: {  	v4 =	vsel vm1, v58, v4;
	v45 =	vld [tilespmem:s12+$0x15000];
	v44 =	vmul.f32 v40, v29;
	v10 =	vsub.f32 v28, v39  }
0x273: {  	v4 =	vsub.f32 v5, v4;
	v47 =	vmul.f32 v42, v42;
	v33 =	vld [tilespmem:s11+$0x7480];
	v46 =	vadd.f32 v41, v12  }
0x274: {  	v14 =	vmul.f32 v14, v14;
	v51 =	vld [tilespmem:s2+$0x15000];
	v50 =	vmul.f32 v44, v30;
	v49 =	vadd.f32 v10, v15  }
0x275: {  	v2 =	vmul.f32 v2, v2;
	v4 =	vmul.f32 v4, v4;
	v6 =	vadd.f32 v47, v46  }
0x276: {  	v52 =	vpop (erf);
	v37 =	vsel vm1, v22, v27;
	v10 =	vadd.f32 v50, v50;
	v5 =	vadd.f32 v49, v13  }
0x277: {  	v2 =	vadd.f32 v4, v2;
	v53 =	vsub.f32 v43, v45;
	v8 =	vmul.f32 v52, v37  }
0x278: {  	v38 =	vsel vm1, v33, v23;
	v6 =	vadd.f32 v14, v6;
	v54 =	vsub.f32 v5, v10  }
0x279: {  	v7 =	vmul.f32 v7, v7;
	v55 =	vsub.f32 v48, v51;
	v8 =	vsub.f32 v38, v8  }
0x27a: {  	v56 =	vmul.f32 v53, v53;
	v6 =	vadd.f32 v11, v6;
	v2 =	vadd.f32 v54, v2  }
0x27b: {  	v57 =	vmul.f32 v9, v9;
	v8 =	vmul.f32 v8, v8  }
0x27c: {  	v58 =	vld [tilespmem:s11+$0x15200];
	v5 =	vmul.f32 v55, v55;
	v6 =	vadd.f32 v56, v6;
	v2 =	vmul.f32 $5.000000000e+00, v2  }
0x27d: {  	v59 =	vmul.f32 v23, v23;
	v4 =	vadd.f32 v57, v7  }
0x27e: {  	p0 =	seq.s32 s31, $0x2;
	v60 =	vmul.f32 v33, v33;
	v5 =	vadd.f32 v5, v6;
	v2 =	vadd.f32 v2, v8  }
.Ltmp2:
0x27f: {  	v61 =	vnsel vm0, $0x0, v20;
	(pc) =	sbr.rel @p0 .LBB2_8-.Ltmp2, $4  }
0x280: {  	v4 =	vsel vm0, $0x0, v4;
	v62 =	vadd.f32 v60, v59;
	v2 =	vadd.f32 v5, v2  }
0x281: {  	vm15 =	vgt.f32 v58, $0.0e+00;
	v1 =	vadd.f32 v61, v1;
	v3 =	vadd.f32 v4, v3  }
0x282: {  	v63 =	vsel vm15, $0x0, v62;
	v2 =	vnsel vm15, $0x0, v2  }
0x283: {  	v1 =	vadd.f32 v2, v1;
	v2 =	vadd.f32 v63, v3  }
0x284: {  	s0 =	sadd.s32 s10, s0  }
0x285: {  	s0 =	sshrl.u32 s0, $0x3  }
0x286: {  	s11 =	simm.s32 $0x7000;
	s2 =	sadd.s32 s1, s0  }
0x287: {  	[tilespmem:s11], [sflag:$0x2] =	stream.strided.gather [hbm4b:s2+s21], $0xC00, s22, s21, $0x38;
	[tilespmem:$0x1C080] =	vst v63  }
0x288: {  	s12 =	sadd.s32 $0x4000, s2  }
0x289: {  	[tilespmem:s22], [sflag:$0x2] =	stream.strided.gather [hbm4b:s12+s21], $0xC00, s22, s21, $0x38;
	[tilespmem:$0x1C080] =	vst v63  }
0x28a: {  	s13 =	sadd.s32 $0x8000, s2;
	s12 =	simm.s32 $0x9000  }
0x28b: {  	[tilespmem:s12], [sflag:$0x2] =	stream.strided.gather [hbm4b:s13+s21], $0xC00, s22, s21, $0x38;
	[tilespmem:$0x1C080] =	vst v63  }
0x28c: {  	s15 =	simm.s32 $0xA000;
	s14 =	sadd.s32 $0xC000, s2  }
0x28d: {  	[tilespmem:s15], [sflag:$0x2] =	stream.strided.gather [hbm4b:s14+s21], $0xC00, s22, s21, $0x38;
	[tilespmem:$0x1C080] =	vst v63  }
0x28e: {  	s17 =	simm.s32 $0xB000;
	s16 =	sadd.s32 $0x10000, s2  }
0x28f: {  	[tilespmem:s17], [sflag:$0x2] =	stream.strided.gather [hbm4b:s16+s21], $0xC00, s22, s21, $0x38;
	[tilespmem:$0x1C080] =	vst v63  }
0x290: {  	s12 =	sadd.s32 $0x14000, s2;
	s13 =	simm.s32 $0xC000  }
0x291: {  	[tilespmem:s13], [sflag:$0x2] =	stream.strided.gather [hbm4b:s12+s21], $0xC00, s22, s21, $0x38;
	[tilespmem:$0x1C080] =	vst v63  }
0x292: {  	s14 =	sadd.s32 $0x18000, s2;
	s15 =	simm.s32 $0xD000  }
0x293: {  	[tilespmem:s15], [sflag:$0x2] =	stream.strided.gather [hbm4b:s14+s21], $0xC00, s22, s21, $0x38;
	[tilespmem:$0x1C080] =	vst v63  }
0x294: {  	s16 =	sadd.s32 $0x3000, s2;
	s17 =	simm.s32 $0x7C00  }
0x295: {  	[tilespmem:s17], [sflag:$0x2] =	stream.linear.gather [hbm4b:s16+s4], $0x300, $0x38;
	[tilespmem:$0x1C080] =	vst v63  }
0x296: {  	s12 =	sadd.s32 $0x7000, s2;
	s13 =	simm.s32 $0x8C00  }
0x297: {  	[tilespmem:s13], [sflag:$0x2] =	stream.linear.gather [hbm4b:s12+s4], $0x300, $0x38;
	[tilespmem:$0x1C080] =	vst v63  }
0x298: {  	s14 =	sadd.s32 $0xB000, s2;
	s15 =	simm.s32 $0x9C00  }
0x299: {  	[tilespmem:s15], [sflag:$0x2] =	stream.linear.gather [hbm4b:s14+s4], $0x300, $0x38;
	[tilespmem:$0x1C080] =	vst v63  }
0x29a: {  	s16 =	sadd.s32 $0xF000, s2;
	s17 =	simm.s32 $0xAC00  }
0x29b: {  	[tilespmem:s17], [sflag:$0x2] =	stream.linear.gather [hbm4b:s16+s4], $0x300, $0x38;
	[tilespmem:$0x1C080] =	vst v63  }
0x29c: {  	s13 =	sadd.s32 $0x13000, s2;
	s14 =	simm.s32 $0xBC00  }
0x29d: {  	[tilespmem:s14], [sflag:$0x2] =	stream.linear.gather [hbm4b:s13+s4], $0x300, $0x38;
	[tilespmem:$0x1C080] =	vst v63  }
0x29e: {  	s15 =	sadd.s32 $0x17000, s2;
	s16 =	simm.s32 $0xCC00  }
0x29f: {  	[tilespmem:s16], [sflag:$0x2] =	stream.linear.gather [hbm4b:s15+s4], $0x300, $0x38;
	[tilespmem:$0x1C080] =	vst v63  }
0x2a0: {  	s2 =	sadd.s32 $0x1B000, s2;
	s17 =	simm.s32 $0xDC00  }
0x2a1: {  	[tilespmem:s17], [sflag:$0x2] =	stream.linear.gather [hbm4b:s2+s4], $0x300, $0x38;
	[tilespmem:$0x1C080] =	vst v63  }
0x2a2: {  	s0 =	sadd.s32 s3, s0;
	s11 =	simm.s32 $0x15000  }
0x2a3: {  	[tilespmem:s11], [sflag:$0x4] =	stream.strided.gather [hbm4b:s0+s21], $0xC00, s22, s21, $0x38;
	[tilespmem:$0x1C080] =	vst v63  }
0x2a4: {  	s12 =	sadd.s32 $0x4000, s0;
	s13 =	simm.s32 $0x16000  }
0x2a5: {  	[tilespmem:s13], [sflag:$0x4] =	stream.strided.gather [hbm4b:s12+s21], $0xC00, s22, s21, $0x38;
	[tilespmem:$0x1C080] =	vst v63  }
0x2a6: {  	s14 =	sadd.s32 $0x8000, s0;
	s15 =	simm.s32 $0x17000  }
0x2a7: {  	[tilespmem:s15], [sflag:$0x4] =	stream.strided.gather [hbm4b:s14+s21], $0xC00, s22, s21, $0x38;
	[tilespmem:$0x1C080] =	vst v63  }
0x2a8: {  	s16 =	sadd.s32 $0xC000, s0;
	s17 =	simm.s32 $0x18000  }
0x2a9: {  	[tilespmem:s17], [sflag:$0x4] =	stream.strided.gather [hbm4b:s16+s21], $0xC00, s22, s21, $0x38;
	[tilespmem:$0x1C080] =	vst v63  }
0x2aa: {  	s12 =	sadd.s32 $0x10000, s0;
	s13 =	simm.s32 $0x19000  }
0x2ab: {  	[tilespmem:s13], [sflag:$0x4] =	stream.strided.gather [hbm4b:s12+s21], $0xC00, s22, s21, $0x38;
	[tilespmem:$0x1C080] =	vst v63  }
0x2ac: {  	s14 =	sadd.s32 $0x14000, s0;
	s15 =	simm.s32 $0x1A000  }
0x2ad: {  	[tilespmem:s15], [sflag:$0x4] =	stream.strided.gather [hbm4b:s14+s21], $0xC00, s22, s21, $0x38;
	[tilespmem:$0x1C080] =	vst v63  }
0x2ae: {  	s16 =	sadd.s32 $0x18000, s0;
	s17 =	simm.s32 $0x1B000  }
0x2af: {  	[tilespmem:s17], [sflag:$0x4] =	stream.strided.gather [hbm4b:s16+s21], $0xC00, s22, s21, $0x38;
	[tilespmem:$0x1C080] =	vst v63  }
0x2b0: {  	s12 =	sadd.s32 $0x3000, s0;
	s13 =	simm.s32 $0x15C00  }
0x2b1: {  	[tilespmem:s13], [sflag:$0x4] =	stream.linear.gather [hbm4b:s12+s4], $0x300, $0x38;
	[tilespmem:$0x1C080] =	vst v63  }
0x2b2: {  	s14 =	sadd.s32 $0x7000, s0;
	s15 =	simm.s32 $0x16C00  }
0x2b3: {  	[tilespmem:s15], [sflag:$0x4] =	stream.linear.gather [hbm4b:s14+s4], $0x300, $0x38;
	[tilespmem:$0x1C080] =	vst v63  }
0x2b4: {  	s16 =	sadd.s32 $0xB000, s0;
	s17 =	simm.s32 $0x17C00  }
0x2b5: {  	[tilespmem:s17], [sflag:$0x4] =	stream.linear.gather [hbm4b:s16+s4], $0x300, $0x38;
	[tilespmem:$0x1C080] =	vst v63  }
0x2b6: {  	s11 =	sadd.s32 $0xF000, s0;
	s12 =	simm.s32 $0x18C00  }
0x2b7: {  	[tilespmem:s12], [sflag:$0x4] =	stream.linear.gather [hbm4b:s11+s4], $0x300, $0x38;
	[tilespmem:$0x1C080] =	vst v63  }
0x2b8: {  	s13 =	sadd.s32 $0x13000, s0;
	s14 =	simm.s32 $0x19C00  }
0x2b9: {  	[tilespmem:s14], [sflag:$0x4] =	stream.linear.gather [hbm4b:s13+s4], $0x300, $0x38;
	[tilespmem:$0x1C080] =	vst v63  }
.Ltmp3:
0x2ba: {  	_ = 	snop;
	(pc) =	sbr.rel .LBB2_2-.Ltmp3, $4  }
0x2bb: {  	s15 =	sadd.s32 $0x17000, s0;
	s16 =	simm.s32 $0x1AC00  }
0x2bc: {  	[tilespmem:s16], [sflag:$0x4] =	stream.linear.gather [hbm4b:s15+s4], $0x300, $0x38;
	[tilespmem:$0x1C080] =	vst v63  }
0x2bd: {  	s31 =	sadd.s32 $0x1, s31;
	s0 =	sadd.s32 $0x1B000, s0;
	s17 =	simm.s32 $0x1BC00  }
0x2be: {  	[tilespmem:s17], [sflag:$0x4] =	stream.linear.gather [hbm4b:s0+s4], $0x300, $0x38;
	[tilespmem:$0x1C080] =	vst v63  }
.LBB2_8:
0x2bf: {  	_ =	swait.ge [sflag:s26], $0x6900  }
0x2c0: {  	[sflag:s26] =	ssyncset.done $0x0  }
0x2c1: {  	[sflag:s26] =	ssyncadd.s32 $0xFFFF9700  }
0x2c2: {  	s0 =	simm.s32 $0x0;
	_ =	swait.ge [sflag:s28], $0x6900  }
0x2c3: {  	s2 =	sand.u32 $0x70, s0;
	s11 =	sand.u32 $0x7000, s0;
	[sflag:s28] =	ssyncset.done $0x0  }
0x2c4: {  	s13 =	sor.u32 s2, s11;
	[sflag:s28] =	ssyncadd.s32 $0xFFFF9700  }
0x2c5: {  	v5 =	vld [tilespmem:s13+$0xE000]  }
0x2c6: {  	v7 =	vld [tilespmem:s13+$0xD80]  }
0x2c7: {  	v10 =	vld [tilespmem:s13+$0xED80]  }
0x2c8: {  	v6 =	vld [tilespmem:s13+$0xE080]  }
0x2c9: {  	v12 =	vld [tilespmem:s13+$0xE100]  }
0x2ca: {  	v3 =	vld [tilespmem:s13+$0xE180]  }
0x2cb: {  	v4 =	vld [tilespmem:s13+$0x0]  }
0x2cc: {  	v8 =	vld [tilespmem:s13+$0x80]  }
0x2cd: {  	v13 =	vld [tilespmem:s13+$0x100]  }
0x2ce: {  	v15 =	vld [tilespmem:s13+$0x180]  }
0x2cf: {  	s16 =	sand.u32 $0xFFFFF000, s0;
	v11 =	vld [tilespmem:s13+$0x280]  }
0x2d0: {  	s17 =	sadd.s32 $0x0, s16;
	v20 =	vld [tilespmem:s13+$0x400];
	v14 =	vmul.f32 v5, v0;
	v16 =	vmul.f32 v6, v0  }
0x2d1: {  	s2 =	sor.u32 $0x380, s17;
	v9 =	vld [tilespmem:s13+$0x300];
	v18 =	vmul.f32 $5.000000000e-01, v12;
	v19 =	vmul.f32 $5.000000000e-01, v3  }
0x2d2: {  	v23 =	vld [tilespmem:s2+$0x0];
	v21 =	vmul.f32 v4, v0;
	v22 =	vmul.f32 v8, v0  }
0x2d3: {  	v17 =	vld [tilespmem:s13+$0xD00];
	v24 =	vmul.f32 $5.000000000e-01, v13;
	v25 =	vmul.f32 $5.000000000e-01, v15  }
0x2d4: {  	v26 =	vld [tilespmem:s13+$0xED00];
	v28 =	vmul.f32 v11, v0;
	v27 =	vsub.f32 v14, v18;
	v29 =	vsub.f32 v16, v19  }
0x2d5: {  	s12 =	sor.u32 $0xB80, s17;
	v30 =	vld [tilespmem:s13+$0xC00];
	v33 =	vmul.f32 $5.000000000e-01, v20;
	v14 =	vadd.f32 v18, v14;
	v16 =	vadd.f32 v19, v16  }
0x2d6: {  	v34 =	vld [tilespmem:s12+$0x0];
	v18 =	vmul.f32 v9, v0;
	v31 =	vsub.f32 v21, v24;
	v32 =	vsub.f32 v22, v25  }
0x2d7: {  	v39 =	vld [tilespmem:s13+$0x900];
	v21 =	vadd.f32 v24, v21;
	v22 =	vadd.f32 v25, v22;
	v24 =	vmul.f32 $5.000000000e-01, v23  }
0x2d8: {  	v43 =	vld [tilespmem:s13+$0xE900];
	v35 =	vsub.f32 v18, v33;
	v18 =	vadd.f32 v33, v18  }
0x2d9: {  	v55 =	vld [tilespmem:s13+$0x600];
	v36 =	vsub.f32 v28, v24;
	v24 =	vadd.f32 v24, v28  }
0x2da: {  	v57 =	vld [tilespmem:s13+$0x500];
	v37 =	vsub.f32 v14, v27;
	v38 =	vsub.f32 v16, v29  }
0x2db: {  	v61 =	vld [tilespmem:s13+$0xE600];
	v40 =	vmin.f32 v21, v14;
	v41 =	vmax.f32 v31, v27;
	v42 =	vmin.f32 v22, v16  }
0x2dc: {  	v62 =	vld [tilespmem:s13+$0xE680];
	v44 =	vmax.f32 v32, v29;
	v21 =	vsub.f32 v21, v31;
	v22 =	vsub.f32 v22, v32  }
0x2dd: {  	s11 =	sor.u32 $0x780, s17;
	v45 =	vld [tilespmem:s13+$0xE700];
	v56 =	vsub.f32 v40, v41;
	v58 =	vsub.f32 v42, v44;
	v16 =	vmin.f32 v18, v16  }
0x2de: {  	v46 =	vld [tilespmem:s11+$0xE000];
	v29 =	vmax.f32 v35, v29;
	v18 =	vsub.f32 v18, v35;
	v14 =	vmin.f32 v24, v14  }
0x2df: {  	v24 =	vsub.f32 v24, v36;
	v27 =	vmax.f32 v36, v27;
	v16 =	vsub.f32 v16, v29;
	v29 =	vld [tilespmem:s13+$0xE500]  }
0x2e0: {  	v59 =	vmul.f32 v38, v37;
	v21 =	vmul.f32 v22, v21;
	v22 =	vsub.f32 v14, v27;
	v27 =	vld [tilespmem:s13+$0x580]  }
0x2e1: {  	v14 =	vmax.f32 v56, $0.0e+00;
	v60 =	vmax.f32 v58, $0.0e+00;
	v18 =	vmul.f32 v18, v24;
	v24 =	vld [tilespmem:s13+$0xE580]  }
0x2e2: {  	v47 =	vld [tilespmem:s13+$0x800];
	v14 =	vmul.f32 v60, v14;
	v22 =	vmax.f32 v22, $0.0e+00;
	v16 =	vmax.f32 v16, $0.0e+00  }
0x2e3: {  	v49 =	vld [tilespmem:s13+$0xE880];
	v21 =	vadd.f32 v21, v59;
	v16 =	vmul.f32 v16, v22;
	v18 =	vadd.f32 v18, v59  }
0x2e4: {  	v7 =	vsub.f32 v7, v10;
	v22 =	vld [tilespmem:s13+$0x680]  }
0x2e5: {  	v10 =	vsub.f32 v21, v14;
	v21 =	vsub.f32 v18, v16;
	v18 =	vld [tilespmem:s2+$0xE000]  }
0x2e6: {  	v19 =	vld [tilespmem:s13+$0xEC00];
	v29 =	vsub.f32 v57, v29;
	v24 =	vsub.f32 v27, v24  }
0x2e7: {  	v32 =	vsub.f32 v55, v61;
	v63 =	vmul.f32 v16, v10;
	v27 =	vld [tilespmem:s13+$0x700];
	v44 =	vmul.f32 v21, v14  }
0x2e8: {  	v17 =	vsub.f32 v17, v26;
	v31 =	vld [tilespmem:s11+$0x0];
	v29 =	vmul.f32 v29, v29;
	v24 =	vmul.f32 v24, v24  }
0x2e9: {  	v51 =	vld [tilespmem:s13+$0xEA80];
	v26 =	vmul.f32 v32, v32;
	v22 =	vsub.f32 v22, v62;
	vm0 =	vgt.f32 v63, v44  }
0x2ea: {  	v23 =	vsel vm0, v23, v13;
	v48 =	vsel vm0, v18, v12;
	v12 =	vadd.f32 v24, v29;
	v13 =	vld [tilespmem:s13+$0xE800]  }
0x2eb: {  	v19 =	vsub.f32 v30, v19;
	v60 =	vmul.f32 v7, v7;
	v18 =	vld [tilespmem:s13+$0xE400];
	v24 =	vmul.f32 v48, v23  }
0x2ec: {  	v53 =	vld [tilespmem:s13+$0xE980];
	v22 =	vmul.f32 v22, v22;
	v12 =	vadd.f32 v26, v12;
	v26 =	vsub.f32 v27, v45  }
0x2ed: {  	v31 =	vsub.f32 v31, v46;
	v27 =	vld [tilespmem:s13+$0x880];
	v29 =	vshra.s32 v24, $0x1;
	v30 =	vmul.f32 $5.000000000e-01, v24  }
0x2ee: {  	v54 =	vld [tilespmem:s13+$0xA00];
	v29 =	vsub.s32 $0x5F3759DF, v29;
	v12 =	vadd.f32 v22, v12;
	v22 =	vmul.f32 v26, v26  }
0x2ef: {  	v25 =	vld [tilespmem:s12+$0xE000];
	v31 =	vmul.f32 v31, v31;
	v15 =	vsel vm0, v20, v15;
	v50 =	vmul.f32 v29, v30  }
0x2f0: {  	v33 =	vld [tilespmem:s13+$0xB00];
	v13 =	vsub.f32 v47, v13;
	v20 =	vsel vm0, v18, v3;
	v3 =	vadd.f32 v22, v12  }
0x2f1: {  	v52 =	vsub.f32 v39, v43;
	v12 =	vld [tilespmem:s13+$0x980];
	v22 =	vmul.f32 v20, v15;
	v18 =	vmul.f32 v29, v50  }
0x2f2: {  	v28 =	vld [tilespmem:s13+$0xEB00];
	v13 =	vmul.f32 v13, v13;
	v27 =	vsub.f32 v27, v49;
	v31 =	vadd.f32 v31, v3  }
0x2f3: {  	v57 =	vld [tilespmem:s13+$0xEA00];
	v55 =	vshra.s32 v22, $0x1;
	v56 =	vmul.f32 $5.000000000e-01, v22;
	v18 =	vsub.f32 $1.500000000e+00, v18  }
0x2f4: {  	v26 =	vld [tilespmem:s13+$0xA80];
	v38 =	vsub.s32 $0x5F3759DF, v55;
	v27 =	vmul.f32 v27, v27;
	v13 =	vadd.f32 v13, v31  }
0x2f5: {  	v25 =	vsub.f32 v34, v25;
	v29 =	vmul.f32 v29, v18;
	v18 =	vmul.f32 v38, v56  }
0x2f6: {  	v12 =	vsub.f32 v12, v53;
	v13 =	vadd.f32 v27, v13;
	v27 =	vmul.f32 v52, v52  }
0x2f7: {  	v28 =	vsub.f32 v33, v28;
	v30 =	vmul.f32 v29, v30;
	v31 =	vmul.f32 v38, v18  }
0x2f8: {  	v61 =	vld [tilespmem:s13+$0xE280];
	v12 =	vmul.f32 v12, v12;
	v13 =	vadd.f32 v27, v13;
	v27 =	vsub.f32 v54, v57  }
0x2f9: {  	v58 =	vld [tilespmem:s13+$0xE200];
	v19 =	vmul.f32 v19, v19;
	v26 =	vsub.f32 v26, v51;
	v30 =	vmul.f32 v30, v29  }
0x2fa: {  	v7 =	vld [tilespmem:s13+$0x200];
	v31 =	vsub.f32 $1.500000000e+00, v31;
	v12 =	vadd.f32 v12, v13;
	v13 =	vmul.f32 v27, v27  }
0x2fb: {  	v25 =	vmul.f32 v25, v25;
	v59 =	vld [tilespmem:s13+$0xC80];
	v28 =	vmul.f32 v28, v28;
	v30 =	vsub.f32 $1.500000000e+00, v30  }
0x2fc: {  	s12 =	simm.s32 $0x10;
	s11 =	simm.s32 $0x200;
	v27 =	vld [tilespmem:s13+$0xEC80];
	v31 =	vmul.f32 v38, v31;
	v12 =	vadd.f32 v13, v12;
	v13 =	vmul.f32 v26, v26  }
0x2fd: {  	s31 =	sand.u32 $0x70, s12;
	s14 =	sand.u32 $0x7000, s11;
	v21 =	vsel vm0, v21, v10;
	v11 =	vsel vm0, v11, v4;
	v26 =	vld [tilespmem:s13+$0xE300];
	v29 =	vmul.f32 v30, v29  }
0x2fe: {  	s2 =	sor.u32 s31, s14;
	v10 =	vld [tilespmem:s13+$0x480];
	v5 =	vsel vm0, v61, v5;
	v30 =	vmul.f32 v31, v56;
	v62 =	vadd.f32 v13, v12  }
0x2ff: {  	s15 =	sand.u32 $0x7, s0;
	v4 =	vld [tilespmem:s2+$0xE080];
	(erf) = vrcp.f32 v21;
	v23 =	vadd.f32 v48, v23;
	v21 =	vmul.f32 v29, v24  }
0x300: {  	s16 =	sshll.u32 s15, $0x4;
	v5 =	vsub.f32 v11, v5;
	v3 =	vld [tilespmem:s2+$0xE000];
	v24 =	vmul.f32 v30, v31;
	v28 =	vadd.f32 v28, v62  }
0x301: {  	v8 =	vsel vm0, v9, v8;
	s13 =	sadd.s32 $0x0, s16;
	v12 =	vld [tilespmem:s2+$0xD80];
	v27 =	vsub.f32 v59, v27;
	v9 =	vadd.f32 v21, v21  }
0x302: {  	s17 =	sor.u32 $0xE00, s13;
	v13 =	vld [tilespmem:s2+$0xED80];
	v21 =	vsub.f32 $1.500000000e+00, v24;
	v6 =	vsel vm0, v26, v6;
	v24 =	vadd.f32 v25, v28  }
0x303: {  	v25 =	vld [tilespmem:s17+$0x0];
	v6 =	vsub.f32 v8, v6;
	v9 =	vsub.f32 v23, v9  }
0x304: {  	s13 =	sor.u32 $0xE80, s13;
	v11 =	vmul.f32 v21, v31;
	v21 =	vld [tilespmem:s17+$0xE000];
	v8 =	vadd.f32 v19, v24;
	v19 =	vmul.f32 v27, v27  }
0x305: {  	v26 =	vld [tilespmem:s13+$0xE000]  }
0x306: {  	v17 =	vmul.f32 v17, v17;
	v23 =	vld [tilespmem:s13+$0x0];
	v9 =	vadd.f32 v9, v15;
	v22 =	vmul.f32 v11, v22  }
0x307: {  	v14 =	vsel vm0, v16, v14;
	v24 =	vmul.f32 v6, v6;
	v6 =	vld [tilespmem:s2+$0x0];
	v8 =	vadd.f32 v19, v8  }
0x308: {  	v5 =	vmul.f32 v5, v5;
	v15 =	vld [tilespmem:s2+$0xE100];
	v9 =	vadd.f32 v9, v20;
	v16 =	vadd.f32 v22, v22;
	v19 =	vpop (erf)  }
0x309: {  	v11 =	vld [tilespmem:s2+$0xE180];
	v20 =	vsub.f32 v25, v21;
	v8 =	vadd.f32 v17, v8;
	v14 =	vmul.f32 v19, v14  }
0x30a: {  	v21 =	vsel vm0, v10, v7;
	v17 =	vld [tilespmem:s2+$0x100];
	v19 =	vadd.f32 v24, v5;
	v9 =	vsub.f32 v9, v16  }
0x30b: {  	v18 =	vmul.f32 v3, v0;
	v5 =	vld [tilespmem:s2+$0x80];
	v16 =	vsub.f32 v21, v14;
	v21 =	vsub.f32 v23, v26  }
0x30c: {  	v22 =	vadd.f32 v60, v8;
	v20 =	vmul.f32 v20, v20;
	v14 =	vld [tilespmem:s2+$0x180];
	v19 =	vadd.f32 v9, v19  }
0x30d: {  	v24 =	vmul.f32 v4, v0;
	v9 =	vld [tilespmem:s2+$0x280];
	v21 =	vmul.f32 v21, v21  }
0x30e: {  	s31 =	sand.u32 $0xFFFFF000, s11;
	v8 =	vld [tilespmem:s2+$0x300];
	v22 =	vadd.f32 v20, v22;
	v23 =	vmul.f32 v16, v16;
	v19 =	vmul.f32 $5.000000000e+00, v19  }
0x30f: {  	s15 =	sadd.s32 $0x10, s31;
	vm0 =	vgt.f32 v58, $0.0e+00;
	v25 =	vmul.f32 v6, v0;
	v26 =	vmul.f32 $5.000000000e-01, v15;
	v20 =	vld [tilespmem:s2+$0xD00]  }
0x310: {  	s14 =	sor.u32 $0x380, s15;
	v29 =	vmul.f32 $5.000000000e-01, v11;
	v16 =	vld [tilespmem:s2+$0x400];
	v63 =	vadd.f32 v21, v22;
	v19 =	vadd.f32 v19, v23  }
0x311: {  	v30 =	vmul.f32 $5.000000000e-01, v17;
	v27 =	vmul.f32 v5, v0;
	v21 =	vld [tilespmem:s14+$0x0];
	v23 =	vsub.f32 v18, v26  }
0x312: {  	s13 =	simm.s32 $0x400;
	v22 =	vld [tilespmem:s2+$0xED00];
	v31 =	vmul.f32 $5.000000000e-01, v14;
	v28 =	vmul.f32 v9, v0;
	v19 =	vadd.f32 v63, v19  }
.LBB2_9:
0x313: {  	p0 =	sne.s32 s13, $0x6E00;
	v32 =	vsub.f32 v24, v29;
	v26 =	vadd.f32 v26, v18;
	v18 =	vmul.f32 v8, v0;
	v33 =	vld [tilespmem:s2+$0xC00]  }
0x314: {  	v24 =	vadd.f32 v29, v24;
	v29 =	vsub.f32 v25, v30;
	s16 =	sor.u32 $0xB80, s15;
	v34 =	vld [tilespmem:s2+$0xEC00];
	v19 =	vnsel vm0, $0x0, v19  }
0x315: {  	v35 =	vsub.f32 v27, v31;
	v36 =	vmul.f32 $5.000000000e-01, v16;
	v37 =	vld [tilespmem:s16+$0x0];
	v1 =	vadd.f32 v19, v1  }
0x316: {  	v19 =	vadd.f32 v30, v25;
	v25 =	vadd.f32 v31, v27;
	v27 =	vmul.f32 $5.000000000e-01, v21;
	v30 =	vld [tilespmem:s16+$0xE000]  }
0x317: {  	v38 =	vmul.f32 v7, v7;
	v31 =	vsub.f32 v18, v36;
	v36 =	vadd.f32 v36, v18;
	v18 =	vld [tilespmem:s2+$0xB00]  }
0x318: {  	v10 =	vmul.f32 v10, v10;
	v39 =	vsub.f32 v28, v27;
	v27 =	vadd.f32 v27, v28;
	v7 =	vld [tilespmem:s2+$0xEB00]  }
0x319: {  	v40 =	vsub.f32 v24, v32;
	v28 =	vsub.f32 v26, v23;
	v41 =	vld [tilespmem:s2+$0x900]  }
0x31a: {  	s15 =	sor.u32 $0x780, s15;
	v43 =	vmax.f32 v29, v23;
	v42 =	vmin.f32 v19, v26;
	v44 =	vmin.f32 v25, v24;
	v45 =	vld [tilespmem:s2+$0xE900]  }
0x31b: {  	v46 =	vmax.f32 v35, v32;
	v19 =	vsub.f32 v19, v29;
	v25 =	vsub.f32 v25, v35;
	v29 =	vld [tilespmem:s15+$0x0]  }
0x31c: {  	v24 =	vmin.f32 v36, v24;
	v32 =	vmax.f32 v31, v32;
	v31 =	vsub.f32 v36, v31;
	v35 =	vld [tilespmem:s2+$0x600]  }
0x31d: {  	v36 =	vsub.f32 v42, v43;
	v26 =	vmin.f32 v27, v26;
	v27 =	vsub.f32 v27, v39;
	v42 =	vld [tilespmem:s2+$0x500]  }
0x31e: {  	v43 =	vsub.f32 v44, v46;
	v23 =	vmax.f32 v39, v23;
	v24 =	vsub.f32 v24, v32;
	v32 =	vld [tilespmem:s2+$0xE500]  }
0x31f: {  	v19 =	vmul.f32 v25, v19;
	v28 =	vmul.f32 v40, v28;
	v25 =	vsub.f32 v26, v23;
	v26 =	vld [tilespmem:s2+$0x580]  }
0x320: {  	v23 =	vmax.f32 v36, $0.0e+00;
	v36 =	vmax.f32 v43, $0.0e+00;
	v27 =	vmul.f32 v31, v27;
	v31 =	vld [tilespmem:s2+$0xE580]  }
0x321: {  	v23 =	vmul.f32 v36, v23;
	v24 =	vmax.f32 v24, $0.0e+00;
	v25 =	vmax.f32 v25, $0.0e+00;
	v36 =	vld [tilespmem:s2+$0xE600]  }
0x322: {  	v19 =	vadd.f32 v19, v28;
	v24 =	vmul.f32 v24, v25;
	v25 =	vadd.f32 v27, v28;
	v27 =	vld [tilespmem:s2+$0x680]  }
0x323: {  	v12 =	vsub.f32 v12, v13;
	v10 =	vadd.f32 v10, v38;
	v28 =	vld [tilespmem:s2+$0xE680]  }
0x324: {  	v13 =	vsub.f32 v19, v23;
	v25 =	vsub.f32 v25, v24;
	v38 =	vld [tilespmem:s14+$0xE000]  }
0x325: {  	v19 =	vsel vm0, $0x0, v10;
	v32 =	vsub.f32 v42, v32;
	v26 =	vsub.f32 v26, v31;
	v31 =	vld [tilespmem:s2+$0x700]  }
0x326: {  	v10 =	vmul.f32 v24, v13;
	v39 =	vmul.f32 v25, v23;
	v35 =	vsub.f32 v35, v36;
	v36 =	vld [tilespmem:s2+$0xE700]  }
0x327: {  	v20 =	vsub.f32 v20, v22;
	v32 =	vmul.f32 v32, v32;
	v26 =	vmul.f32 v26, v26;
	v40 =	vld [tilespmem:s15+$0xE000]  }
0x328: {  	vm0 =	vgt.f32 v10, v39;
	v10 =	vmul.f32 v35, v35;
	v22 =	vsub.f32 v27, v28;
	v27 =	vld [tilespmem:s2+$0x800]  }
0x329: {  	v17 =	vsel vm0, v21, v17;
	v15 =	vsel vm0, v38, v15;
	v21 =	vadd.f32 v26, v32;
	v26 =	vld [tilespmem:s2+$0xE800]  }
0x32a: {  	v33 =	vsub.f32 v33, v34;
	v30 =	vsub.f32 v37, v30;
	v28 =	vld [tilespmem:s2+$0xE400];
	v32 =	vmul.f32 v15, v17  }
0x32b: {  	v10 =	vadd.f32 v10, v21;
	v21 =	vmul.f32 v22, v22;
	v22 =	vsub.f32 v31, v36;
	v31 =	vld [tilespmem:s2+$0x880]  }
0x32c: {  	v34 =	vshra.s32 v32, $0x1;
	v35 =	vmul.f32 $5.000000000e-01, v32;
	v29 =	vsub.f32 v29, v40;
	v36 =	vld [tilespmem:s2+$0xE880]  }
0x32d: {  	v34 =	vsub.s32 $0x5F3759DF, v34;
	v10 =	vadd.f32 v21, v10;
	v21 =	vmul.f32 v22, v22;
	v22 =	vld [tilespmem:s2+$0xA80]  }
0x32e: {  	v37 =	vmul.f32 v34, v35;
	v29 =	vmul.f32 v29, v29;
	v26 =	vsub.f32 v27, v26;
	v27 =	vld [tilespmem:s2+$0xEA80]  }
0x32f: {  	v14 =	vsel vm0, v16, v14;
	v16 =	vsel vm0, v28, v11;
	v10 =	vadd.f32 v21, v10;
	v11 =	vld [tilespmem:s2+$0x980]  }
0x330: {  	s12 =	sadd.s32 $0x10, s12;
	v21 =	vmul.f32 v34, v37;
	v28 =	vmul.f32 v16, v14;
	v37 =	vsub.f32 v41, v45;
	v38 =	vld [tilespmem:s2+$0xE980]  }
0x331: {  	s14 =	sand.u32 $0x70, s12;
	s15 =	sand.u32 $0x7000, s13;
	v26 =	vmul.f32 v26, v26;
	v10 =	vadd.f32 v29, v10;
	v29 =	vsub.f32 v31, v36;
	v31 =	vld [tilespmem:s2+$0xA00]  }
0x332: {  	s14 =	sor.u32 s14, s15;
	v21 =	vsub.f32 $1.500000000e+00, v21;
	v36 =	vshra.s32 v28, $0x1;
	v39 =	vmul.f32 $5.000000000e-01, v28;
	v40 =	vld [tilespmem:s2+$0xEA00]  }
0x333: {  	v41 =	vld [tilespmem:s14+$0xE000];
	v36 =	vsub.s32 $0x5F3759DF, v36;
	v10 =	vadd.f32 v26, v10;
	v26 =	vmul.f32 v29, v29  }
0x334: {  	v21 =	vmul.f32 v34, v21;
	v29 =	vmul.f32 v36, v39;
	v34 =	vsub.f32 v18, v7  }
0x335: {  	v7 =	vadd.f32 v26, v10;
	v10 =	vmul.f32 v37, v37;
	v11 =	vsub.f32 v11, v38  }
0x336: {  	v27 =	vsub.f32 v22, v27;
	v26 =	vmul.f32 v21, v35;
	v29 =	vmul.f32 v36, v29  }
0x337: {  	v22 =	vld [tilespmem:s2+$0xE200];
	v7 =	vadd.f32 v10, v7;
	v10 =	vmul.f32 v11, v11;
	v11 =	vsub.f32 v31, v40  }
0x338: {  	v18 =	vmul.f32 v41, v0;
	v26 =	vmul.f32 v26, v21;
	v29 =	vsub.f32 $1.500000000e+00, v29;
	v31 =	vld [tilespmem:s2+$0xC80]  }
0x339: {  	v37 =	vmul.f32 v12, v12;
	v10 =	vadd.f32 v10, v7;
	v11 =	vmul.f32 v11, v11;
	v35 =	vld [tilespmem:s2+$0xEC80]  }
0x33a: {  	v7 =	vld [tilespmem:s2+$0x200];
	v12 =	vsub.f32 $1.500000000e+00, v26;
	v26 =	vmul.f32 v36, v29;
	v29 =	vmul.f32 v33, v33  }
0x33b: {  	v30 =	vmul.f32 v30, v30;
	v27 =	vmul.f32 v27, v27;
	v33 =	vld [tilespmem:s2+$0xE280];
	v11 =	vadd.f32 v11, v10  }
0x33c: {  	s0 =	sadd.s32 $0x1, s0;
	v13 =	vsel vm0, v25, v13;
	v25 =	vld [tilespmem:s2+$0xE300];
	v21 =	vmul.f32 v12, v21;
	v36 =	vmul.f32 v26, v39  }
0x33d: {  	s15 =	sand.u32 $0x7, s0;
	v10 =	vld [tilespmem:s2+$0x480];
	v11 =	vadd.f32 v27, v11;
	v27 =	vmul.f32 v34, v34;
	(erf) = vrcp.f32 v13;
	s2 =	smov.u32 s14  }
0x33e: {  	s14 =	sshll.u32 s15, $0x4;
	v12 =	vld [tilespmem:s2+$0xD80];
	v21 =	vmul.f32 v21, v32;
	v32 =	vmul.f32 v36, v26;
	v31 =	vsub.f32 v31, v35  }
0x33f: {  	v6 =	vsel vm0, v9, v6;
	v9 =	vadd.f32 v15, v17;
	s14 =	sadd.s32 s14, s11;
	s11 =	smov.u32 s13;
	v13 =	vld [tilespmem:s2+$0xED80];
	v11 =	vadd.f32 v27, v11  }
0x340: {  	v5 =	vsel vm0, v8, v5;
	s15 =	sor.u32 $0xE00, s14;
	v17 =	vld [tilespmem:s2+$0xE080];
	v8 =	vadd.f32 v21, v21;
	v15 =	vsub.f32 $1.500000000e+00, v32  }
0x341: {  	v21 =	vsel vm0, v33, v3;
	v3 =	vmovc v41;
	v4 =	vsel vm0, v25, v4;
	v11 =	vadd.f32 v30, v11;
	v25 =	vld [tilespmem:s15+$0x0]  }
0x342: {  	s14 =	sor.u32 $0xE80, s14;
	v6 =	vsub.f32 v6, v21;
	v8 =	vsub.f32 v9, v8;
	v9 =	vmul.f32 v15, v26;
	v21 =	vld [tilespmem:s15+$0xE000]  }
0x343: {  	v30 =	vsub.f32 v5, v4;
	v5 =	vadd.f32 v29, v11;
	v11 =	vmul.f32 v31, v31;
	v26 =	vld [tilespmem:s14+$0x0]  }
0x344: {  	v8 =	vadd.f32 v8, v14;
	v9 =	vmul.f32 v9, v28;
	v14 =	vmul.f32 v20, v20;
	v20 =	vld [tilespmem:s14+$0xE000]  }
0x345: {  	v27 =	vmul.f32 v6, v6;
	v28 =	vmul.f32 v30, v30;
	v15 =	vld [tilespmem:s2+$0xE100];
	v29 =	vadd.f32 v11, v5;
	v4 =	vmovc v17  }
0x346: {  	v5 =	vsel vm0, v24, v23;
	v11 =	vld [tilespmem:s2+$0xE180];
	v8 =	vadd.f32 v8, v16;
	v9 =	vadd.f32 v9, v9;
	v16 =	vpop (erf)  }
0x347: {  	v23 =	vadd.f32 v28, v27;
	v6 =	vld [tilespmem:s2+$0x0];
	v16 =	vmul.f32 v16, v5;
	v21 =	vsub.f32 v25, v21  }
0x348: {  	v25 =	vsel vm0, v10, v7;
	v5 =	vld [tilespmem:s2+$0x80];
	v8 =	vsub.f32 v8, v9;
	v9 =	vadd.f32 v14, v29  }
0x349: {  	v24 =	vmul.f32 v4, v0;
	v17 =	vld [tilespmem:s2+$0x100];
	v16 =	vsub.f32 v25, v16;
	v20 =	vsub.f32 v26, v20  }
0x34a: {  	v21 =	vmul.f32 v21, v21;
	v14 =	vld [tilespmem:s2+$0x180];
	v25 =	vadd.f32 v37, v9;
	v23 =	vadd.f32 v8, v23  }
0x34b: {  	v2 =	vadd.f32 v19, v2;
	v26 =	vmul.f32 $5.000000000e-01, v15;
	v9 =	vld [tilespmem:s2+$0x280];
	v28 =	vmul.f32 v20, v20  }
.Ltmp4:
0x34c: {  	s14 =	sand.u32 $0xFFFFF000, s13;
	v19 =	vmul.f32 v16, v16;
	v8 =	vld [tilespmem:s2+$0x300];
	v21 =	vadd.f32 v21, v25;
	v23 =	vmul.f32 $5.000000000e+00, v23;
	(pc) =	sbr.rel @p0 .LBB2_9-.Ltmp4, $4  }
0x34d: {  	s15 =	sadd.s32 s14, s12;
	v29 =	vmul.f32 $5.000000000e-01, v11;
	v25 =	vmul.f32 v6, v0;
	v20 =	vld [tilespmem:s2+$0xD00]  }
0x34e: {  	s14 =	sor.u32 $0x380, s15;
	v27 =	vmul.f32 v5, v0;
	v16 =	vld [tilespmem:s2+$0x400];
	v32 =	vadd.f32 v28, v21;
	v19 =	vadd.f32 v23, v19  }
0x34f: {  	vm0 =	vgt.f32 v22, $0.0e+00;
	v30 =	vmul.f32 $5.000000000e-01, v17;
	v21 =	vld [tilespmem:s14+$0x0];
	v31 =	vmul.f32 $5.000000000e-01, v14  }
0x350: {  	s13 =	sadd.s32 $0x200, s13;
	v23 =	vsub.f32 v18, v26;
	v28 =	vmul.f32 v9, v0;
	v22 =	vld [tilespmem:s2+$0xED00];
	v19 =	vadd.f32 v32, v19  }
0x351: {  	v32 =	vsub.f32 v24, v29;
	v33 =	vld [tilespmem:s2+$0xC00]  }
0x352: {  	v18 =	vadd.f32 v26, v18;
	v57 =	vadd.f32 v29, v24;
	v34 =	vld [tilespmem:s2+$0xEC00]  }
0x353: {  	v58 =	vsub.f32 v25, v30;
	v35 =	vsub.f32 v27, v31;
	v41 =	vld [tilespmem:s2+$0x900]  }
0x354: {  	v56 =	vmul.f32 v8, v0;
	v59 =	vadd.f32 v30, v25;
	v60 =	vadd.f32 v31, v27;
	v45 =	vld [tilespmem:s2+$0xE900]  }
0x355: {  	v48 =	vld [tilespmem:s2+$0x500];
	v36 =	vmul.f32 $5.000000000e-01, v16;
	v63 =	vsub.f32 v18, v23;
	v40 =	vsub.f32 v57, v32  }
0x356: {  	v51 =	vld [tilespmem:s2+$0xE500];
	v42 =	vmin.f32 v59, v18;
	v43 =	vmax.f32 v58, v23;
	v44 =	vmin.f32 v60, v57  }
0x357: {  	v52 =	vld [tilespmem:s2+$0x580];
	v46 =	vmax.f32 v35, v32;
	v25 =	vsub.f32 v59, v58;
	v27 =	vsub.f32 v60, v35  }
0x358: {  	s12 =	sor.u32 $0xB80, s15;
	v55 =	vld [tilespmem:s2+$0xE580];
	v61 =	vmul.f32 $5.000000000e-01, v21;
	v47 =	vsub.f32 v42, v43;
	v49 =	vsub.f32 v44, v46  }
0x359: {  	v37 =	vld [tilespmem:s12+$0x0];
	v38 =	vsub.f32 v56, v36;
	v26 =	vadd.f32 v36, v56  }
0x35a: {  	s13 =	sor.u32 $0x780, s15;
	v31 =	vld [tilespmem:s12+$0xE000];
	v30 =	vmul.f32 v40, v63;
	v39 =	vsub.f32 v28, v61;
	v62 =	vadd.f32 v61, v28  }
0x35b: {  	v29 =	vld [tilespmem:s13+$0x0];
	v24 =	vmin.f32 v26, v57;
	v32 =	vmax.f32 v38, v32;
	v26 =	vsub.f32 v26, v38  }
0x35c: {  	v35 =	vld [tilespmem:s2+$0x600];
	v18 =	vmin.f32 v62, v18;
	v28 =	vsub.f32 v62, v39;
	v50 =	vmax.f32 v39, v23  }
0x35d: {  	v58 =	vld [tilespmem:s2+$0x680];
	v25 =	vmul.f32 v27, v25;
	v24 =	vsub.f32 v24, v32;
	v23 =	vsub.f32 v18, v50  }
0x35e: {  	v59 =	vld [tilespmem:s2+$0xE680];
	v53 =	vmax.f32 v47, $0.0e+00;
	v54 =	vmax.f32 v49, $0.0e+00;
	v26 =	vmul.f32 v26, v28  }
0x35f: {  	v56 =	vld [tilespmem:s2+$0xE600];
	v25 =	vadd.f32 v25, v30;
	v24 =	vmax.f32 v24, $0.0e+00;
	v23 =	vmax.f32 v23, $0.0e+00  }
0x360: {  	v60 =	vld [tilespmem:s14+$0xE000];
	v18 =	vmul.f32 v54, v53;
	v23 =	vmul.f32 v24, v23;
	v57 =	vadd.f32 v26, v30  }
0x361: {  	v12 =	vsub.f32 v12, v13;
	v43 =	vld [tilespmem:s2+$0xE700]  }
0x362: {  	v7 =	vmul.f32 v7, v7;
	v46 =	vld [tilespmem:s13+$0xE000];
	v25 =	vsub.f32 v25, v18;
	v24 =	vsub.f32 v57, v23  }
0x363: {  	v12 =	vmul.f32 v12, v12;
	v36 =	vld [tilespmem:s2+$0xB00];
	v27 =	vsub.f32 v52, v55;
	v32 =	vsub.f32 v48, v51  }
0x364: {  	v61 =	vld [tilespmem:s2+$0x700];
	v35 =	vsub.f32 v35, v56;
	v62 =	vmul.f32 v23, v25;
	v63 =	vmul.f32 v24, v18  }
0x365: {  	v20 =	vsub.f32 v20, v22;
	v47 =	vld [tilespmem:s2+$0x800];
	v27 =	vmul.f32 v27, v27;
	v44 =	vmul.f32 v32, v32  }
0x366: {  	v49 =	vld [tilespmem:s2+$0xE400];
	v35 =	vmul.f32 v35, v35;
	v26 =	vsub.f32 v58, v59;
	vm1 =	vgt.f32 v62, v63  }
0x367: {  	v52 =	vld [tilespmem:s2+$0xE880];
	v13 =	vadd.f32 v27, v44;
	v17 =	vsel vm1, v21, v17;
	v15 =	vsel vm1, v60, v15  }
0x368: {  	v31 =	vsub.f32 v37, v31;
	v48 =	vld [tilespmem:s2+$0xE800];
	v29 =	vsub.f32 v29, v46;
	v27 =	vmul.f32 v15, v17  }
0x369: {  	v50 =	vld [tilespmem:s2+$0x880];
	v28 =	vsub.f32 v61, v43;
	v13 =	vadd.f32 v35, v13;
	v26 =	vmul.f32 v26, v26  }
0x36a: {  	v55 =	vld [tilespmem:s2+$0xA80];
	v29 =	vmul.f32 v29, v29;
	v51 =	vshra.s32 v27, $0x1;
	v38 =	vmul.f32 $5.000000000e-01, v27  }
0x36b: {  	v53 =	vld [tilespmem:s2+$0xEB00];
	v54 =	vmul.f32 v28, v28;
	v13 =	vadd.f32 v26, v13;
	v37 =	vsub.s32 $0x5F3759DF, v51  }
0x36c: {  	v46 =	vld [tilespmem:s2+$0xEA00];
	v14 =	vsel vm1, v16, v14;
	v11 =	vsel vm1, v49, v11;
	v56 =	vmul.f32 v37, v38  }
0x36d: {  	v59 =	vsub.f32 v41, v45;
	v57 =	vld [tilespmem:s2+$0x980];
	v13 =	vadd.f32 v54, v13;
	v26 =	vmul.f32 v11, v14  }
0x36e: {  	v61 =	vsub.f32 v50, v52;
	v62 =	vld [tilespmem:s2+$0xA00];
	v21 =	vsub.f32 v47, v48;
	v58 =	vmul.f32 v37, v56  }
0x36f: {  	v60 =	vld [tilespmem:s2+$0xE980];
	v13 =	vadd.f32 v29, v13;
	v63 =	vshra.s32 v26, $0x1;
	v45 =	vmul.f32 $5.000000000e-01, v26  }
0x370: {  	v47 =	vld [tilespmem:s2+$0xEA80];
	v21 =	vmul.f32 v21, v21;
	v35 =	vsub.s32 $0x5F3759DF, v63;
	v22 =	vsub.f32 $1.500000000e+00, v58  }
0x371: {  	v52 =	vsub.f32 v36, v53;
	v48 =	vmul.f32 v61, v61;
	v50 =	vmul.f32 v35, v45  }
0x372: {  	v49 =	vsub.f32 v33, v34;
	v13 =	vadd.f32 v21, v13;
	v22 =	vmul.f32 v37, v22  }
0x373: {  	v51 =	vmul.f32 v59, v59;
	v54 =	vsub.f32 v62, v46;
	v33 =	vmul.f32 v35, v50  }
0x374: {  	v16 =	vsub.f32 v57, v60;
	v13 =	vadd.f32 v48, v13;
	v53 =	vmul.f32 v22, v38  }
0x375: {  	v61 =	vmul.f32 v31, v31;
	v59 =	vld [tilespmem:s2+$0xE280];
	v28 =	vsub.f32 v55, v47;
	v33 =	vsub.f32 $1.500000000e+00, v33  }
0x376: {  	v16 =	vmul.f32 v16, v16;
	v13 =	vadd.f32 v51, v13;
	v55 =	vmul.f32 v53, v22  }
0x377: {  	s0 =	sadd.s32 $0x1, s0;
	v24 =	vsel vm1, v24, v25;
	v6 =	vsel vm1, v9, v6;
	v33 =	vmul.f32 v35, v33  }
0x378: {  	s0 =	sand.u32 $0x7, s0;
	v62 =	vld [tilespmem:s2+$0xE300];
	v57 =	vmul.f32 v54, v54;
	v13 =	vadd.f32 v16, v13;
	v32 =	vsub.f32 $1.500000000e+00, v55  }
0x379: {  	s0 =	sshll.u32 s0, $0x4;
	v5 =	vsel vm1, v8, v5;
	v56 =	vld [tilespmem:s2+$0xC80];
	v60 =	vmul.f32 v28, v28;
	v63 =	vmul.f32 v33, v45  }
0x37a: {  	s0 =	sadd.s32 s0, s11;
	v58 =	vld [tilespmem:s2+$0xEC80];
	v3 =	vsel vm1, v59, v3;
	v13 =	vadd.f32 v57, v13;
	v22 =	vmul.f32 v32, v22  }
0x37b: {  	s11 =	sor.u32 $0xE00, s0;
	(erf) = vrcp.f32 v24;
	v3 =	vsub.f32 v6, v3;
	v36 =	vmul.f32 v63, v33  }
0x37c: {  	v42 =	vld [tilespmem:s11+$0x0];
	v13 =	vadd.f32 v60, v13;
	v32 =	vmul.f32 v52, v52;
	v22 =	vmul.f32 v22, v27  }
0x37d: {  	s0 =	sor.u32 $0xE80, s0;
	v39 =	vld [tilespmem:s2+$0x480];
	v29 =	vmul.f32 v49, v49;
	v38 =	vadd.f32 v15, v17;
	v41 =	vsub.f32 $1.500000000e+00, v36  }
0x37e: {  	v48 =	vld [tilespmem:s0+$0x0];
	v4 =	vsel vm1, v62, v4;
	v13 =	vadd.f32 v32, v13;
	v40 =	vadd.f32 v22, v22  }
0x37f: {  	v50 =	vld [tilespmem:s0+$0xE000];
	v4 =	vsub.f32 v5, v4;
	v21 =	vsub.f32 v56, v58;
	v44 =	vmul.f32 v41, v33  }
0x380: {  	v3 =	vmul.f32 v3, v3;
	v45 =	vld [tilespmem:s11+$0xE000];
	v13 =	vadd.f32 v61, v13;
	v43 =	vsub.f32 v38, v40  }
0x381: {  	v37 =	vld [tilespmem:s2+$0x200];
	v4 =	vmul.f32 v4, v4;
	v8 =	vmul.f32 v44, v26  }
0x382: {  	v47 =	vmul.f32 v21, v21;
	v46 =	vadd.f32 v29, v13;
	v6 =	vadd.f32 v43, v14  }
0x383: {  	v49 =	vmul.f32 v20, v20;
	v3 =	vadd.f32 v4, v3;
	v8 =	vadd.f32 v8, v8  }
0x384: {  	v51 =	vsel vm1, v23, v18;
	v52 =	vpop (erf);
	v5 =	vadd.f32 v47, v46;
	v6 =	vadd.f32 v6, v11  }
0x385: {  	v56 =	vsub.f32 v48, v50;
	v53 =	vsub.f32 v42, v45;
	v11 =	vmul.f32 v52, v51  }
0x386: {  	v54 =	vsel vm1, v39, v37;
	v5 =	vadd.f32 v49, v5;
	v6 =	vsub.f32 v6, v8  }
0x387: {  	v57 =	vmul.f32 v10, v10;
	v9 =	vmul.f32 v56, v56;
	v55 =	vsub.f32 v54, v11  }
0x388: {  	v58 =	vld [tilespmem:s2+$0xE200];
	v4 =	vmul.f32 v53, v53;
	v5 =	vadd.f32 v12, v5;
	v3 =	vadd.f32 v6, v3  }
0x389: {  	v59 =	vadd.f32 v57, v7;
	v60 =	vmul.f32 v37, v37;
	v61 =	vmul.f32 v39, v39  }
0x38a: {  	v8 =	vmul.f32 v55, v55;
	v4 =	vadd.f32 v4, v5;
	v3 =	vmul.f32 $5.000000000e+00, v3  }
0x38b: {  	v6 =	vadd.f32 v61, v60  }
0x38c: {  	v5 =	vsel vm0, $0x0, v59;
	v4 =	vadd.f32 v9, v4;
	v3 =	vadd.f32 v3, v8  }
0x38d: {  	vm15 =	vgt.f32 v58, $0.0e+00;
	v2 =	vadd.f32 v5, v2  }
0x38e: {  	v62 =	vnsel vm0, $0x0, v19;
	v63 =	vsel vm15, $0x0, v6;
	v3 =	vadd.f32 v4, v3  }
0x38f: {  	v1 =	vadd.f32 v62, v1;
	v2 =	vadd.f32 v63, v2  }
0x390: {  	v3 =	vnsel vm15, $0x0, v3  }
0x391: {  	v2 =	vmul.f32 $5.000000000e-01, v2;
	v1 =	vadd.f32 v3, v1;
	_ =	sdelay $0x1  }
0x392: {  	v1 =	vadd.f32 v2, v1;
	_ =	sdelay $0x1  }
0x393: {  	v1 =	vmul.f32 $2.441406250e-04, v1;
	_ =	sdelay $0x1  }
0x394: {  	s15 =	simm.s32 $0x1C000;
	s16 =	simm.s32 $0x5;
	s14 =	rddreg [dreg:$0x8];
	[tilespmem:$0x1C000] =	vst v1  }
0x395: {  	[hbm4b:s14+s4] =	stream.linear.scatter [tilespmem:s15], [sflag:$0x5], $0x10, $0x38;
	[tilespmem:$0x1C080] =	vst v63  }
0x396: {  	_ =	swait.ge [sflag:s16], $0x10  }
0x397: {  	s17 =	sld [smem:$0x7DF];
	_ =	sdelay $0x2  }
0x398: {  	s31 =	rddreg [dreg:$0x9];
	s11 =	sadd.s32 $0x1, s17  }
0x399: {  	p0 =	sne.s32 s11, s31  }
.Ltmp5:
0x39a: {  	_ = 	snop;
	(pc) =	sbr.rel @p0 .LBB2_1-.Ltmp5, $3  }
0x39b: {  	_ =	sdelay $0x1  }
0x39c: {  	[sflag:s16] =	ssyncset.done $0x0  }
0x39d: {  	[sflag:s16] =	ssyncadd.s32 $0xFFFFFFF0  }
0x39e: {  	_ =	sfence.sel $0x180000  }
0x39f: {  	[bflag:$0x0] =	sbarrier.arrive $0xFFFF  }
0x3a0: {  	_ =	strace $0x90000047  }
0x3a1: {  	s0 =	stileid.u32;
	[bflag:$0x2] =	sbarrier.arrive $0xFFFF  }
0x3a2: {  	p0 =	sne.s32 s0, $0x0;
	s0 =	rddreg [dreg:$0x3]  }
0x3a3: {  	s0 =	sadd.s32 @!p0 $0x100000, s0  }
0x3a4: {  	[sflag:s0] =	ssyncadd.tile.s32 @!p0 $0x1;
	_ =	shalt  }
.Lfunc_end2:
_tile_overlayer_lowered:
.L_overlay_start_2:
0x3a5: {  	(tag) =	ssettag $0x2  }
0x3a6: {  	s0 =	rddreg [dreg:$0x0];
	s2 =	stileid.u32  }
0x3a7: {  	s1 =	rddreg [dreg:$0x1];
	p0 =	sne.s32 s2, $0x0  }
0x3a8: {  	s3 =	rddreg [dreg:$0x2];
	[bflag:$0x3] =	sbarrier.arrive $0xFFFF;
	s2 =	simm.s32 @!p0 $0x1C05  }
0x3a9: {  	[timem:s3], [sflag:s2] =	dma.local @!p0 [hbm:s0], s1  }
0x3aa: {  	s0 =	simm.s32 @!p0 $0x5  }
0x3ab: {  	_ =	swait.ge @!p0 [sflag:s0], s1  }
0x3ac: {  	s1 =	ssub.s32 @!p0 $0x0, s1;
	[sflag:s0] =	ssyncset.done @!p0 $0x0  }
0x3ad: {  	[sflag:s0] =	ssyncadd.s32 @!p0 s1  }
0x3ae: {  	[bflag:$0x3] =	sbarrier.arrive $0xFFFF  }
0x3af: {  	_ =	shalt  }

</sc_bundles>
